<compile_context>
chip_gen: v7x
topology: tpu7x:2x2x1
jax: 0.10.2.dev20260603
libtpu: 0.0.44.dev20260713+nightly
codegen_flags: <defaults>
</compile_context>

<pallas_src>
import functools

import jax
import jax.numpy as jnp
from jax import lax
from jax.experimental import pallas as pl
from jax.experimental.pallas import tpu as pltpu
from jax.experimental.pallas import tpu_sc as plsc

K = 20
N = 1024
B = 16
D = B * N
NW = 32
DPW = D // NW
CH = 512
NEG = -3.0e38
EPS = 1e-5


def _knn_body(xt_ref, x_ref, idx_ref):
    b = pl.program_id(0)
    xt = xt_ref[0]
    x = x_ref[0]
    gram = lax.dot_general(xt, x, (((1,), (0,)), ((), ())),
                           preferred_element_type=jnp.float32)
    sqr = jnp.sum(xt * xt, axis=1, keepdims=True)
    sqc = jnp.sum(x * x, axis=0, keepdims=True)
    pdm = 2.0 * gram - sqr - sqc
    li = lax.broadcasted_iota(jnp.int32, (N, N), 1)
    off = b * N
    for t in range(K):
        rmax = jnp.max(pdm, axis=1, keepdims=True)
        cand = jnp.where(pdm == rmax, li, jnp.int32(N))
        amax = jnp.min(cand, axis=1, keepdims=True)
        pdm = jnp.where(li == amax, NEG, pdm)
        idx_ref[0, :, pl.ds(t, 1)] = amax + off
    del x


def _knn(xt, x):
    Cp = xt.shape[2]
    return pl.pallas_call(
        _knn_body,
        grid=(B,),
        in_specs=[
            pl.BlockSpec((1, N, Cp), lambda b: (b, 0, 0)),
            pl.BlockSpec((1, Cp, N), lambda b: (b, 0, 0)),
        ],
        out_specs=pl.BlockSpec((1, N, K), lambda b: (b, 0, 0)),
        out_shape=jax.ShapeDtypeStruct((B, N, K), jnp.int32),
    )(xt, x)


def _sc_gather(xtab, idxk, G):
    Cp = xtab.shape[1]
    ng = DPW // G
    mesh = plsc.VectorSubcoreMesh(core_axis_name="c", subcore_axis_name="s")

    @functools.partial(
        pl.kernel,
        mesh=mesh,
        out_type=jax.ShapeDtypeStruct((K, D, Cp), jnp.float32),
        scratch_types=[
            pltpu.VMEM((DPW,), jnp.int32),
            pltpu.VMEM((G, Cp), jnp.float32),
            pltpu.SemaphoreType.DMA,
        ],
    )
    def k(xtab_hbm, idx_hbm, ft_hbm, idx_v, rows_v, sem):
        wid = lax.axis_index("s") * 2 + lax.axis_index("c")
        base_w = wid * DPW

        @pl.loop(0, K)
        def _k(kk):
            pltpu.sync_copy(idx_hbm.at[kk, pl.ds(base_w, DPW)], idx_v)

            @pl.loop(0, ng)
            def _g(j):
                pltpu.async_copy(
                    xtab_hbm.at[idx_v.at[pl.ds(j * G, G)]], rows_v, sem
                ).wait()
                pltpu.sync_copy(rows_v,
                                ft_hbm.at[kk, pl.ds(base_w + j * G, G)])

    return k(xtab, idxk)


def _edge_h_make(C, Op):
    def body(ft_ref, xt_ref, wt_ref, hmx_ref, s_ref):
        step = pl.program_id(0) * 2 + pl.program_id(1)
        xtc = xt_ref[...][:, :C]
        hm = None
        for kk in range(K):
            feat = ft_ref[kk][:, :C]
            f = jnp.concatenate([feat - xtc, xtc], axis=1)
            h = jnp.dot(f, wt_ref[...],
                        preferred_element_type=jnp.float32)
            if hm is None:
                hm, hs = h, h
            else:
                hm = jnp.maximum(hm, h)
                hs = hs + h
        hmx_ref[...] = hm
        rows = jnp.concatenate(
            [jnp.sum(hs, axis=0, keepdims=True),
             jnp.zeros((7, Op), jnp.float32)], axis=0)

        @pl.when(step == 0)
        def _():
            s_ref[...] = jnp.zeros_like(s_ref)

        s_ref[...] += rows
    return body


def _edge_h(ft, xtab, wt, C):
    Cp = xtab.shape[1]
    Op = wt.shape[1]
    return pl.pallas_call(
        _edge_h_make(C, Op),
        grid=(B, 2),
        in_specs=[
            pl.BlockSpec((K, CH, Cp), lambda b, c: (0, b * 2 + c, 0)),
            pl.BlockSpec((CH, Cp), lambda b, c: (b * 2 + c, 0)),
            pl.BlockSpec((2 * C, Op), lambda b, c: (0, 0)),
        ],
        out_specs=[
            pl.BlockSpec((CH, Op), lambda b, c: (b * 2 + c, 0)),
            pl.BlockSpec((8, Op), lambda b, c: (0, 0)),
        ],
        out_shape=[
            jax.ShapeDtypeStruct((D, Op), jnp.float32),
            jax.ShapeDtypeStruct((8, Op), jnp.float32),
        ],
    )(ft, xtab, wt)


def _edge_v_make(C, Op):
    def body(ft_ref, xt_ref, wt_ref, s1_ref, s2_ref):
        step = pl.program_id(0) * 2 + pl.program_id(1)
        m = s1_ref[0:1, :] / jnp.float32(D * K)
        xtc = xt_ref[...][:, :C]
        hq = None
        for kk in range(K):
            feat = ft_ref[kk][:, :C]
            f = jnp.concatenate([feat - xtc, xtc], axis=1)
            h = jnp.dot(f, wt_ref[...], preferred_element_type=jnp.float32)
            dlt = h - m
            hq = dlt * dlt if hq is None else hq + dlt * dlt
        rows = jnp.concatenate(
            [jnp.sum(hq, axis=0, keepdims=True),
             jnp.zeros((7, Op), jnp.float32)], axis=0)

        @pl.when(step == 0)
        def _():
            s2_ref[...] = jnp.zeros_like(s2_ref)

        s2_ref[...] += rows
    return body


def _edge_v(ft, xtab, wt, s1, C):
    Cp = xtab.shape[1]
    Op = wt.shape[1]
    return pl.pallas_call(
        _edge_v_make(C, Op),
        grid=(B, 2),
        in_specs=[
            pl.BlockSpec((K, CH, Cp), lambda b, c: (0, b * 2 + c, 0)),
            pl.BlockSpec((CH, Cp), lambda b, c: (b * 2 + c, 0)),
            pl.BlockSpec((2 * C, Op), lambda b, c: (0, 0)),
            pl.BlockSpec((8, Op), lambda b, c: (0, 0)),
        ],
        out_specs=pl.BlockSpec((8, Op), lambda b, c: (0, 0)),
        out_shape=jax.ShapeDtypeStruct((8, Op), jnp.float32),
    )(ft, xtab, wt, s1)


def _norm_body(mx_ref, s_ref, s2_ref, g_ref, bb_ref, out_ref):
    s = s_ref[...]
    cnt = jnp.float32(D * K)
    m = s[0:1, :] / cnt
    v = s2_ref[0:1, :] / cnt
    den = jnp.sqrt(v + EPS)
    h = (mx_ref[...] - m) / den * g_ref[...] + bb_ref[...]
    out_ref[...] = jnp.where(h >= 0, h, 0.2 * h)


def _block_norm(mx, s, s2, g, bb):
    Op = mx.shape[1]
    return pl.pallas_call(
        _norm_body,
        grid=(D // CH,),
        in_specs=[
            pl.BlockSpec((CH, Op), lambda c: (c, 0)),
            pl.BlockSpec((8, Op), lambda c: (0, 0)),
            pl.BlockSpec((8, Op), lambda c: (0, 0)),
            pl.BlockSpec((1, Op), lambda c: (0, 0)),
            pl.BlockSpec((1, Op), lambda c: (0, 0)),
        ],
        out_specs=pl.BlockSpec((CH, Op), lambda c: (c, 0)),
        out_shape=jax.ShapeDtypeStruct((D, Op), jnp.float32),
    )(mx, s, s2, g.reshape(1, Op), bb.reshape(1, Op))


def _edge_block(xtab, W, g, bb, G):
    Cp = xtab.shape[1]
    C = W.shape[1] // 2
    O = W.shape[0]
    Op = max(128, O)
    wt = jnp.transpose(W)
    if O < Op:
        wt = jnp.pad(wt, ((0, 0), (0, Op - O)))
        g = jnp.pad(g, (0, Op - O), constant_values=1.0)
        bb = jnp.pad(bb, (0, Op - O))
    xt3 = xtab.reshape(B, N, Cp)
    idx = _knn(xt3, jnp.swapaxes(xt3, 1, 2))
    idxk = jnp.transpose(idx.reshape(D, K))
    ft = _sc_gather(xtab, idxk, G)
    mx, s = _edge_h(ft, xtab, wt, C)
    s2 = _edge_v(ft, xtab, wt, s, C)
    return _block_norm(mx, s, s2, g, bb)


def _conv5_body(o1_ref, o2_ref, o3_ref, o4_ref, w1_ref, w2_ref, w3_ref, w4_ref,
                gmax_ref, s_ref):
    b = pl.program_id(0)
    h = jnp.dot(o1_ref[0], w1_ref[...], preferred_element_type=jnp.float32)
    h += jnp.dot(o2_ref[0], w2_ref[...], preferred_element_type=jnp.float32)
    h += jnp.dot(o3_ref[0], w3_ref[...], preferred_element_type=jnp.float32)
    h += jnp.dot(o4_ref[0], w4_ref[...], preferred_element_type=jnp.float32)
    gmax_ref[0] = jnp.max(h, axis=0, keepdims=True)
    rows = jnp.concatenate(
        [jnp.sum(h, axis=0, keepdims=True),
         jnp.sum(h * h, axis=0, keepdims=True)], axis=0)
    rows = jnp.concatenate([rows, jnp.zeros((6, rows.shape[1]), jnp.float32)],
                           axis=0)

    @pl.when(b == 0)
    def _():
        s_ref[...] = jnp.zeros_like(s_ref)

    s_ref[...] += rows


def _conv5(o1, o2, o3, o4, w5_t):
    w1, w2, w3, w4 = (w5_t[0:64], w5_t[64:128], w5_t[128:256], w5_t[256:512])
    return pl.pallas_call(
        _conv5_body,
        grid=(B,),
        in_specs=[
            pl.BlockSpec((1, N, 64), lambda b: (b, 0, 0)),
            pl.BlockSpec((1, N, 64), lambda b: (b, 0, 0)),
            pl.BlockSpec((1, N, 128), lambda b: (b, 0, 0)),
            pl.BlockSpec((1, N, 256), lambda b: (b, 0, 0)),
            pl.BlockSpec((64, 1024), lambda b: (0, 0)),
            pl.BlockSpec((64, 1024), lambda b: (0, 0)),
            pl.BlockSpec((128, 1024), lambda b: (0, 0)),
            pl.BlockSpec((256, 1024), lambda b: (0, 0)),
        ],
        out_specs=[
            pl.BlockSpec((1, 1, 1024), lambda b: (b, 0, 0)),
            pl.BlockSpec((8, 1024), lambda b: (0, 0)),
        ],
        out_shape=[
            jax.ShapeDtypeStruct((B, 1, 1024), jnp.float32),
            jax.ShapeDtypeStruct((8, 1024), jnp.float32),
        ],
    )(o1, o2, o3, o4, w1, w2, w3, w4)


def _head_body(gm_ref, s_ref, g5_ref, b5_ref, w1_ref, g1_ref, b1_ref,
               w2_ref, c2_ref, g2_ref, b2_ref, w3_ref, c3_ref, out_ref):
    s = s_ref[...]
    cnt = jnp.float32(B * N)
    m = s[0:1, :] / cnt
    v = s[1:2, :] / cnt - m * m
    h = (gm_ref[...] - m) / jnp.sqrt(v + EPS) * g5_ref[...] + b5_ref[...]
    h = jnp.where(h >= 0, h, 0.2 * h)

    def fc_bn(h, w_ref, g_ref, b_ref, c=None):
        y = jnp.dot(h, w_ref[...], preferred_element_type=jnp.float32)
        if c is not None:
            y = y + c[...]
        mm = jnp.sum(y, axis=0, keepdims=True) / B
        d = y - mm
        vv = jnp.sum(d * d, axis=0, keepdims=True) / B
        y = (y - mm) / jnp.sqrt(vv + EPS) * g_ref[...] + b_ref[...]
        return jnp.where(y >= 0, y, 0.2 * y)

    h = fc_bn(h, w1_ref, g1_ref, b1_ref)
    h = fc_bn(h, w2_ref, g2_ref, b2_ref, c2_ref)
    out_ref[...] = jnp.dot(h, w3_ref[...],
                           preferred_element_type=jnp.float32) + c3_ref[...]


def _head(gm, s, g5, b5, wf1_t, gf1, bf1, wf2_t, bfc2, gf2, bf2, wf3_t, bfc3):
    full = lambda shape: pl.BlockSpec(shape, lambda: tuple(0 for _ in shape))
    args = [gm, s, g5.reshape(1, -1), b5.reshape(1, -1),
            wf1_t, gf1.reshape(1, -1), bf1.reshape(1, -1),
            wf2_t, bfc2.reshape(1, -1), gf2.reshape(1, -1), bf2.reshape(1, -1),
            wf3_t, bfc3.reshape(1, -1)]
    return pl.pallas_call(
        _head_body,
        in_specs=[full(a.shape) for a in args],
        out_specs=full((B, 40)),
        out_shape=jax.ShapeDtypeStruct((B, 40), jnp.float32),
    )(*args)


def kernel(points, W1, g1, b1, W2, g2, b2, W3, g3, b3, W4, g4, b4,
           W5, g5, b5, Wf1, gf1, bf1, Wf2, bfc2, gf2, bf2, Wf3, bfc3):
    xt = jnp.swapaxes(points, 1, 2).reshape(D, 3)
    x0 = jnp.pad(xt, ((0, 0), (0, 125)))
    x1 = _edge_block(x0, W1, g1, b1, G=256)
    x2 = _edge_block(x1, W2, g2, b2, G=256)
    x3 = _edge_block(x2, W3, g3, b3, G=256)
    x4 = _edge_block(x3, W4, g4, b4, G=256)
    o1 = x1[:, :64].reshape(B, N, 64)
    o2 = x2[:, :64].reshape(B, N, 64)
    o3 = x3.reshape(B, N, 128)
    o4 = x4.reshape(B, N, 256)
    gm, s = _conv5(o1, o2, o3, o4, jnp.transpose(W5))
    gm = gm.reshape(B, 1024)
    return _head(gm, s, g5, b5, jnp.transpose(Wf1), gf1, bf1,
                 jnp.transpose(Wf2), bfc2, gf2, bf2, jnp.transpose(Wf3), bfc3)

# --- scband reference (transcript-rebuilt; emitter-appended) ---
"""Pipeline reference for scband-cls-model-80350248174190 (READ-ONLY COPY).

The authoritative reference and input builder live on the scoring server;
editing this copy changes nothing except your own understanding.
"""

import jax, jax.numpy as jnp
import numpy as np

K = 20

def lrelu(x):
    return jnp.where(x >= 0, x, 0.2 * x)

def bn(x, g, b, ca=1):
    axes = tuple(i for i in range(x.ndim) if i != ca)
    m = jnp.mean(x, axis=axes, keepdims=True)
    v = jnp.var(x, axis=axes, keepdims=True)
    sh = [1] * x.ndim
    sh[ca] = -1
    return (x - m) / jnp.sqrt(v + 1e-5) * g.reshape(sh) + b.reshape(sh)

def knn_graph(x, k):
    # x: (B, C, N)
    xt = jnp.swapaxes(x, 1, 2)  # (B, N, C)
    inner = -2.0 * jnp.einsum('bnc,bcm->bnm', xt, x)
    xx = jnp.sum(x ** 2, axis=1, keepdims=True)  # (B, 1, N)
    pd = -xx - inner - jnp.swapaxes(xx, 1, 2)
    idx = jax.lax.top_k(pd, k)[1]  # (B, N, k)
    B = x.shape[0]
    feat = xt[jnp.arange(B)[:, None, None], idx]  # (B, N, k, C)
    xr = xt[:, :, None, :]
    out = jnp.concatenate([feat - xr, jnp.broadcast_to(xr, feat.shape)], axis=-1)
    return jnp.transpose(out, (0, 3, 1, 2))  # (B, 2C, N, k)

def edge_block(x, W, g, b):
    f = knn_graph(x, K)
    h = jnp.einsum('oc,bcnk->bonk', W, f)
    return jnp.max(lrelu(bn(h, g, b, 1)), axis=-1)

def _forward(points, W1, g1, b1, W2, g2, b2, W3, g3, b3, W4, g4, b4, W5, g5, b5, Wf1, gf1, bf1, Wf2, bfc2, gf2, bf2, Wf3, bfc3):
    o1 = edge_block(points, W1, g1, b1)
    o2 = edge_block(o1, W2, g2, b2)
    o3 = edge_block(o2, W3, g3, b3)
    o4 = edge_block(o3, W4, g4, b4)
    cat = jnp.concatenate([o1, o2, o3, o4], axis=1)  # (B, 512, N)
    h = jnp.einsum('oc,bcn->bon', W5, cat)
    h = jnp.max(lrelu(bn(h, g5, b5, 1)), axis=-1)  # (B, 1024)
    h = h @ Wf1.T
    h = lrelu(bn(h, gf1, bf1, 1))
    h = h @ Wf2.T + bfc2
    h = lrelu(bn(h, gf2, bf2, 1))
    return h @ Wf3.T + bfc3

def setup_inputs(seed: int = 0):
    key = jax.random.key(seed)
    ks = [jax.random.fold_in(key, i) for i in range(30)]
    def w(i, shape):
        return jax.random.normal(ks[i], shape, dtype=jnp.float32) * 0.1
    d = {}
    d['points'] = jax.random.normal(ks[0], (16, 3, 1024), dtype=jnp.float32)
    d['W1'] = w(1, (64, 6)); d['g1'] = jnp.ones(64); d['b1'] = jnp.zeros(64)
    d['W2'] = w(2, (64, 128)); d['g2'] = jnp.ones(64); d['b2'] = jnp.zeros(64)
    d['W3'] = w(3, (128, 128)); d['g3'] = jnp.ones(128); d['b3'] = jnp.zeros(128)
    d['W4'] = w(4, (256, 256)); d['g4'] = jnp.ones(256); d['b4'] = jnp.zeros(256)
    d['W5'] = w(5, (1024, 512)); d['g5'] = jnp.ones(1024); d['b5'] = jnp.zeros(1024)
    d['Wf1'] = w(6, (512, 1024)); d['gf1'] = jnp.ones(512); d['bf1'] = jnp.zeros(512)
    d['Wf2'] = w(7, (256, 512)); d['bfc2'] = jnp.zeros(256); d['gf2'] = jnp.ones(256); d['bf2'] = jnp.zeros(256)
    d['Wf3'] = w(8, (40, 256)); d['bfc3'] = jnp.zeros(40)
    return d

def reference(points, W1, g1, b1, W2, g2, b2, W3, g3, b3, W4, g4, b4, W5, g5, b5, Wf1, gf1, bf1, Wf2, bfc2, gf2, bf2, Wf3, bfc3):
    return _forward(points, W1, g1, b1, W2, g2, b2, W3, g3, b3, W4, g4, b4, W5, g5, b5, Wf1, gf1, bf1, Wf2, bfc2, gf2, bf2, Wf3, bfc3)

if __name__ == "__main__":
    import jax
    _d = setup_inputs()
    print(jax.jit(kernel)(*tuple(_d.values())))

</pallas_src>

<mosaic_0001>
#map = affine_map<(d0, d1) -> (0, 0)>
#map1 = affine_map<(d0, d1) -> (0, 0, 0)>
module attributes {stable_mosaic.version = 14 : i64} {
  func.func @k(%arg0: i32, %arg1: i32, %arg2: memref<16384x128xf32, #tpu.memory_space<hbm>>, %arg3: memref<20x16384xi32, #tpu.memory_space<hbm>>, %arg4: memref<20x16384x128xf32, #tpu.memory_space<hbm>>, %arg5: memref<512xi32, #tpu.memory_space<vmem>>, %arg6: memref<256x128xf32, #tpu.memory_space<vmem>>, %arg7: memref<!tpu.dma_semaphore, #tpu.memory_space<semaphore_mem>>) attributes {dimension_semantics = [#tpu.dimension_semantics<core_parallel>, #tpu.dimension_semantics<subcore_parallel>], iteration_bounds = array<i64: 2, 16>, scalar_prefetch = 0 : i64, scratch_operands = 3 : i64, tpu.core_type = #tpu.core_type<sc_vector_subcore>, window_params = [{transform_indices = #map}, {transform_indices = #map}, {transform_indices = #map1}]} {
    %mul3A = arith.constant 2 : i32
    %mul3A_0 = arith.muli %arg1, %mul3A : i32
    %add3A = arith.addi %mul3A_0, %arg0 : i32
    %mul3A_1 = arith.constant 512 : i32
    %mul3A_2 = arith.muli %add3A, %mul3A_1 : i32
    %scan3A = arith.constant 0 : i32
    %scan3A_3 = arith.constant 20 : i32
    %scan3A_4 = arith.addi %scan3A, %scan3A_3 : i32
    %scan3A_5 = arith.constant 1 : i32
    scf.for %scan3A_7 = %scan3A to %scan3A_4 step %scan3A_5  : i32 {
      %mul3A_8 = arith.constant 1 : i32
      %mul3A_9 = arith.muli %scan3A_7, %mul3A_8 : i32
      %add3A_10 = arith.constant 0 : i32
      %add3A_11 = arith.addi %add3A_10, %mul3A_9 : i32
      "tpu.region"() ({
        %run_scoped3A = tpu.sem_alloc : memref<!tpu.dma_semaphore, #tpu.memory_space<semaphore_mem>>
        %dma_start3A = tpu.memref_slice %arg3[%add3A_11, %mul3A_2] : memref<20x16384xi32, #tpu.memory_space<hbm>> -> memref<1x512xi32, #tpu.memory_space<hbm>>
        %dma_start3A_17 = tpu.memref_squeeze %dma_start3A : memref<1x512xi32, #tpu.memory_space<hbm>> -> memref<512xi32, #tpu.memory_space<hbm>>
        %dma_start3A_18 = tpu.memref_slice %arg3[%add3A_11, %mul3A_2] : memref<20x16384xi32, #tpu.memory_space<hbm>> -> memref<1x512xi32, #tpu.memory_space<hbm>>
        %dma_start3A_19 = tpu.memref_squeeze %dma_start3A_18 : memref<1x512xi32, #tpu.memory_space<hbm>> -> memref<512xi32, #tpu.memory_space<hbm>>
        tpu.enqueue_dma source(%dma_start3A_19 : memref<512xi32, #tpu.memory_space<hbm>>) target(%arg5 : memref<512xi32, #tpu.memory_space<vmem>>) target_semaphore(%run_scoped3A : memref<!tpu.dma_semaphore, #tpu.memory_space<semaphore_mem>>)
        %dma_wait3A = tpu.memref_slice %arg3[%add3A_11, %mul3A_2] : memref<20x16384xi32, #tpu.memory_space<hbm>> -> memref<1x512xi32, #tpu.memory_space<hbm>>
        %dma_wait3A_20 = tpu.memref_squeeze %dma_wait3A : memref<1x512xi32, #tpu.memory_space<hbm>> -> memref<512xi32, #tpu.memory_space<hbm>>
        %dma_wait3A_21 = tpu.memref_slice %arg3[%add3A_11, %mul3A_2] : memref<20x16384xi32, #tpu.memory_space<hbm>> -> memref<1x512xi32, #tpu.memory_space<hbm>>
        %dma_wait3A_22 = tpu.memref_squeeze %dma_wait3A_21 : memref<1x512xi32, #tpu.memory_space<hbm>> -> memref<512xi32, #tpu.memory_space<hbm>>
        tpu.wait_dma2 semaphore(%run_scoped3A : memref<!tpu.dma_semaphore, #tpu.memory_space<semaphore_mem>>) src(%dma_wait3A_22 : memref<512xi32, #tpu.memory_space<hbm>>) dst(%arg5 : memref<512xi32, #tpu.memory_space<vmem>>)
        tpu.yield
      }) : () -> ()
      %scan3A_12 = arith.constant 0 : i32
      %scan3A_13 = arith.constant 2 : i32
      %scan3A_14 = arith.addi %scan3A_12, %scan3A_13 : i32
      %scan3A_15 = arith.constant 1 : i32
      scf.for %scan3A_17 = %scan3A_12 to %scan3A_14 step %scan3A_15  : i32 {
        %mul3A_18 = arith.constant 1 : i32
        %mul3A_19 = arith.muli %scan3A_17, %mul3A_18 : i32
        %add3A_20 = arith.constant 0 : i32
        %add3A_21 = arith.addi %add3A_20, %mul3A_19 : i32
        %mul3A_22 = arith.constant 256 : i32
        %mul3A_23 = arith.muli %add3A_21, %mul3A_22 : i32
        %dma_start3A = tpu.memref_slice %arg5[%mul3A_23] : memref<512xi32, #tpu.memory_space<vmem>> -> memref<256xi32, #tpu.memory_space<vmem>>
        %dma_start3A_24 = arith.constant 0 : i32
        %dma_start3A_25 = arith.constant 0 : i32
        %dma_start3A_26 = tpu.memref_slice %arg2[%dma_start3A_24, %dma_start3A_25] : memref<16384x128xf32, #tpu.memory_space<hbm>> -> memref<16384x128xf32, #tpu.memory_space<hbm>>
        tpu.enqueue_indirect_dma source(%dma_start3A_26 : memref<16384x128xf32, #tpu.memory_space<hbm>>) target(%arg6 : memref<256x128xf32, #tpu.memory_space<vmem>>) offsets(%dma_start3A : memref<256xi32, #tpu.memory_space<vmem>>) semaphore(%arg7 : memref<!tpu.dma_semaphore, #tpu.memory_space<semaphore_mem>>)
        %dma_wait3A = tpu.memref_slice %arg5[%mul3A_23] : memref<512xi32, #tpu.memory_space<vmem>> -> memref<256xi32, #tpu.memory_space<vmem>>
        %dma_wait3A_27 = arith.constant 0 : i32
        %dma_wait3A_28 = arith.constant 0 : i32
        %dma_wait3A_29 = tpu.memref_slice %arg2[%dma_wait3A_27, %dma_wait3A_28] : memref<16384x128xf32, #tpu.memory_space<hbm>> -> memref<16384x128xf32, #tpu.memory_space<hbm>>
        tpu.wait_indirect_dma semaphore(%arg7 : memref<!tpu.dma_semaphore, #tpu.memory_space<semaphore_mem>>) src(%dma_wait3A_29 : memref<16384x128xf32, #tpu.memory_space<hbm>>) dst(%arg6 : memref<256x128xf32, #tpu.memory_space<vmem>>)
        %mul3A_30 = arith.constant 256 : i32
        %mul3A_31 = arith.muli %add3A_21, %mul3A_30 : i32
        %add3A_32 = arith.addi %mul3A_2, %mul3A_31 : i32
        "tpu.region"() ({
          %run_scoped3A = tpu.sem_alloc : memref<!tpu.dma_semaphore, #tpu.memory_space<semaphore_mem>>
          %dma_start3A_33 = arith.constant 0 : i32
          %dma_start3A_34 = tpu.memref_slice %arg4[%add3A_11, %add3A_32, %dma_start3A_33] : memref<20x16384x128xf32, #tpu.memory_space<hbm>> -> memref<1x256x128xf32, #tpu.memory_space<hbm>>
          %dma_start3A_35 = tpu.memref_squeeze %dma_start3A_34 : memref<1x256x128xf32, #tpu.memory_space<hbm>> -> memref<256x128xf32, #tpu.memory_space<hbm>>
          %dma_start3A_36 = arith.constant 0 : i32
          %dma_start3A_37 = tpu.memref_slice %arg4[%add3A_11, %add3A_32, %dma_start3A_36] : memref<20x16384x128xf32, #tpu.memory_space<hbm>> -> memref<1x256x128xf32, #tpu.memory_space<hbm>>
          %dma_start3A_38 = tpu.memref_squeeze %dma_start3A_37 : memref<1x256x128xf32, #tpu.memory_space<hbm>> -> memref<256x128xf32, #tpu.memory_space<hbm>>
          tpu.enqueue_dma source(%arg6 : memref<256x128xf32, #tpu.memory_space<vmem>>) target(%dma_start3A_38 : memref<256x128xf32, #tpu.memory_space<hbm>>) target_semaphore(%run_scoped3A : memref<!tpu.dma_semaphore, #tpu.memory_space<semaphore_mem>>)
          %dma_wait3A_39 = arith.constant 0 : i32
          %dma_wait3A_40 = tpu.memref_slice %arg4[%add3A_11, %add3A_32, %dma_wait3A_39] : memref<20x16384x128xf32, #tpu.memory_space<hbm>> -> memref<1x256x128xf32, #tpu.memory_space<hbm>>
          %dma_wait3A_41 = tpu.memref_squeeze %dma_wait3A_40 : memref<1x256x128xf32, #tpu.memory_space<hbm>> -> memref<256x128xf32, #tpu.memory_space<hbm>>
          %dma_wait3A_42 = arith.constant 0 : i32
          %dma_wait3A_43 = tpu.memref_slice %arg4[%add3A_11, %add3A_32, %dma_wait3A_42] : memref<20x16384x128xf32, #tpu.memory_space<hbm>> -> memref<1x256x128xf32, #tpu.memory_space<hbm>>
          %dma_wait3A_44 = tpu.memref_squeeze %dma_wait3A_43 : memref<1x256x128xf32, #tpu.memory_space<hbm>> -> memref<256x128xf32, #tpu.memory_space<hbm>>
          tpu.wait_dma2 semaphore(%run_scoped3A : memref<!tpu.dma_semaphore, #tpu.memory_space<semaphore_mem>>) src(%arg6 : memref<256x128xf32, #tpu.memory_space<vmem>>) dst(%dma_wait3A_44 : memref<256x128xf32, #tpu.memory_space<hbm>>)
          tpu.yield
        }) : () -> ()
      }
      %scan3A_16 = arith.constant 2 : i32
    }
    %scan3A_6 = arith.constant 20 : i32
    return
  }
}

#map = affine_map<(d0, d1) -> (0, 0)>
#map1 = affine_map<(d0, d1) -> (0, 0, 0)>
module attributes {stable_mosaic.version = 14 : i64} {
  func.func @k(%arg0: i32, %arg1: i32, %arg2: memref<16384x128xf32, #tpu.memory_space<hbm>>, %arg3: memref<20x16384xi32, #tpu.memory_space<hbm>>, %arg4: memref<20x16384x128xf32, #tpu.memory_space<hbm>>, %arg5: memref<512xi32, #tpu.memory_space<vmem>>, %arg6: memref<256x128xf32, #tpu.memory_space<vmem>>, %arg7: memref<!tpu.dma_semaphore, #tpu.memory_space<semaphore_mem>>) attributes {dimension_semantics = [#tpu.dimension_semantics<core_parallel>, #tpu.dimension_semantics<subcore_parallel>], iteration_bounds = array<i64: 2, 16>, scalar_prefetch = 0 : i64, scratch_operands = 3 : i64, tpu.core_type = #tpu.core_type<sc_vector_subcore>, window_params = [{transform_indices = #map}, {transform_indices = #map}, {transform_indices = #map1}]} {
    %mul3A = arith.constant 2 : i32
    %mul3A_0 = arith.muli %arg1, %mul3A : i32
    %add3A = arith.addi %mul3A_0, %arg0 : i32
    %mul3A_1 = arith.constant 512 : i32
    %mul3A_2 = arith.muli %add3A, %mul3A_1 : i32
    %scan3A = arith.constant 0 : i32
    %scan3A_3 = arith.constant 20 : i32
    %scan3A_4 = arith.addi %scan3A, %scan3A_3 : i32
    %scan3A_5 = arith.constant 1 : i32
    scf.for %scan3A_7 = %scan3A to %scan3A_4 step %scan3A_5  : i32 {
      %mul3A_8 = arith.constant 1 : i32
      %mul3A_9 = arith.muli %scan3A_7, %mul3A_8 : i32
      %add3A_10 = arith.constant 0 : i32
      %add3A_11 = arith.addi %add3A_10, %mul3A_9 : i32
      "tpu.region"() ({
        %run_scoped3A = tpu.sem_alloc : memref<!tpu.dma_semaphore, #tpu.memory_space<semaphore_mem>>
        %dma_start3A = tpu.memref_slice %arg3[%add3A_11, %mul3A_2] : memref<20x16384xi32, #tpu.memory_space<hbm>> -> memref<1x512xi32, #tpu.memory_space<hbm>>
        %dma_start3A_17 = tpu.memref_squeeze %dma_start3A : memref<1x512xi32, #tpu.memory_space<hbm>> -> memref<512xi32, #tpu.memory_space<hbm>>
        %dma_start3A_18 = tpu.memref_slice %arg3[%add3A_11, %mul3A_2] : memref<20x16384xi32, #tpu.memory_space<hbm>> -> memref<1x512xi32, #tpu.memory_space<hbm>>
        %dma_start3A_19 = tpu.memref_squeeze %dma_start3A_18 : memref<1x512xi32, #tpu.memory_space<hbm>> -> memref<512xi32, #tpu.memory_space<hbm>>
        tpu.enqueue_dma source(%dma_start3A_19 : memref<512xi32, #tpu.memory_space<hbm>>) target(%arg5 : memref<512xi32, #tpu.memory_space<vmem>>) target_semaphore(%run_scoped3A : memref<!tpu.dma_semaphore, #tpu.memory_space<semaphore_mem>>)
        %dma_wait3A = tpu.memref_slice %arg3[%add3A_11, %mul3A_2] : memref<20x16384xi32, #tpu.memory_space<hbm>> -> memref<1x512xi32, #tpu.memory_space<hbm>>
        %dma_wait3A_20 = tpu.memref_squeeze %dma_wait3A : memref<1x512xi32, #tpu.memory_space<hbm>> -> memref<512xi32, #tpu.memory_space<hbm>>
        %dma_wait3A_21 = tpu.memref_slice %arg3[%add3A_11, %mul3A_2] : memref<20x16384xi32, #tpu.memory_space<hbm>> -> memref<1x512xi32, #tpu.memory_space<hbm>>
        %dma_wait3A_22 = tpu.memref_squeeze %dma_wait3A_21 : memref<1x512xi32, #tpu.memory_space<hbm>> -> memref<512xi32, #tpu.memory_space<hbm>>
        tpu.wait_dma2 semaphore(%run_scoped3A : memref<!tpu.dma_semaphore, #tpu.memory_space<semaphore_mem>>) src(%dma_wait3A_22 : memref<512xi32, #tpu.memory_space<hbm>>) dst(%arg5 : memref<512xi32, #tpu.memory_space<vmem>>)
        tpu.yield
      }) : () -> ()
      %scan3A_12 = arith.constant 0 : i32
      %scan3A_13 = arith.constant 2 : i32
      %scan3A_14 = arith.addi %scan3A_12, %scan3A_13 : i32
      %scan3A_15 = arith.constant 1 : i32
      scf.for %scan3A_17 = %scan3A_12 to %scan3A_14 step %scan3A_15  : i32 {
        %mul3A_18 = arith.constant 1 : i32
        %mul3A_19 = arith.muli %scan3A_17, %mul3A_18 : i32
        %add3A_20 = arith.constant 0 : i32
        %add3A_21 = arith.addi %add3A_20, %mul3A_19 : i32
        %mul3A_22 = arith.constant 256 : i32
        %mul3A_23 = arith.muli %add3A_21, %mul3A_22 : i32
        %dma_start3A = tpu.memref_slice %arg5[%mul3A_23] : memref<512xi32, #tpu.memory_space<vmem>> -> memref<256xi32, #tpu.memory_space<vmem>>
        %dma_start3A_24 = arith.constant 0 : i32
        %dma_start3A_25 = arith.constant 0 : i32
        %dma_start3A_26 = tpu.memref_slice %arg2[%dma_start3A_24, %dma_start3A_25] : memref<16384x128xf32, #tpu.memory_space<hbm>> -> memref<16384x128xf32, #tpu.memory_space<hbm>>
        tpu.enqueue_indirect_dma source(%dma_start3A_26 : memref<16384x128xf32, #tpu.memory_space<hbm>>) target(%arg6 : memref<256x128xf32, #tpu.memory_space<vmem>>) offsets(%dma_start3A : memref<256xi32, #tpu.memory_space<vmem>>) semaphore(%arg7 : memref<!tpu.dma_semaphore, #tpu.memory_space<semaphore_mem>>)
        %dma_wait3A = tpu.memref_slice %arg5[%mul3A_23] : memref<512xi32, #tpu.memory_space<vmem>> -> memref<256xi32, #tpu.memory_space<vmem>>
        %dma_wait3A_27 = arith.constant 0 : i32
        %dma_wait3A_28 = arith.constant 0 : i32
        %dma_wait3A_29 = tpu.memref_slice %arg2[%dma_wait3A_27, %dma_wait3A_28] : memref<16384x128xf32, #tpu.memory_space<hbm>> -> memref<16384x128xf32, #tpu.memory_space<hbm>>
        tpu.wait_indirect_dma semaphore(%arg7 : memref<!tpu.dma_semaphore, #tpu.memory_space<semaphore_mem>>) src(%dma_wait3A_29 : memref<16384x128xf32, #tpu.memory_space<hbm>>) dst(%arg6 : memref<256x128xf32, #tpu.memory_space<vmem>>)
        %mul3A_30 = arith.constant 256 : i32
        %mul3A_31 = arith.muli %add3A_21, %mul3A_30 : i32
        %add3A_32 = arith.addi %mul3A_2, %mul3A_31 : i32
        "tpu.region"() ({
          %run_scoped3A = tpu.sem_alloc : memref<!tpu.dma_semaphore, #tpu.memory_space<semaphore_mem>>
          %dma_start3A_33 = arith.constant 0 : i32
          %dma_start3A_34 = tpu.memref_slice %arg4[%add3A_11, %add3A_32, %dma_start3A_33] : memref<20x16384x128xf32, #tpu.memory_space<hbm>> -> memref<1x256x128xf32, #tpu.memory_space<hbm>>
          %dma_start3A_35 = tpu.memref_squeeze %dma_start3A_34 : memref<1x256x128xf32, #tpu.memory_space<hbm>> -> memref<256x128xf32, #tpu.memory_space<hbm>>
          %dma_start3A_36 = arith.constant 0 : i32
          %dma_start3A_37 = tpu.memref_slice %arg4[%add3A_11, %add3A_32, %dma_start3A_36] : memref<20x16384x128xf32, #tpu.memory_space<hbm>> -> memref<1x256x128xf32, #tpu.memory_space<hbm>>
          %dma_start3A_38 = tpu.memref_squeeze %dma_start3A_37 : memref<1x256x128xf32, #tpu.memory_space<hbm>> -> memref<256x128xf32, #tpu.memory_space<hbm>>
          tpu.enqueue_dma source(%arg6 : memref<256x128xf32, #tpu.memory_space<vmem>>) target(%dma_start3A_38 : memref<256x128xf32, #tpu.memory_space<hbm>>) target_semaphore(%run_scoped3A : memref<!tpu.dma_semaphore, #tpu.memory_space<semaphore_mem>>)
          %dma_wait3A_39 = arith.constant 0 : i32
          %dma_wait3A_40 = tpu.memref_slice %arg4[%add3A_11, %add3A_32, %dma_wait3A_39] : memref<20x16384x128xf32, #tpu.memory_space<hbm>> -> memref<1x256x128xf32, #tpu.memory_space<hbm>>
          %dma_wait3A_41 = tpu.memref_squeeze %dma_wait3A_40 : memref<1x256x128xf32, #tpu.memory_space<hbm>> -> memref<256x128xf32, #tpu.memory_space<hbm>>
          %dma_wait3A_42 = arith.constant 0 : i32
          %dma_wait3A_43 = tpu.memref_slice %arg4[%add3A_11, %add3A_32, %dma_wait3A_42] : memref<20x16384x128xf32, #tpu.memory_space<hbm>> -> memref<1x256x128xf32, #tpu.memory_space<hbm>>
          %dma_wait3A_44 = tpu.memref_squeeze %dma_wait3A_43 : memref<1x256x128xf32, #tpu.memory_space<hbm>> -> memref<256x128xf32, #tpu.memory_space<hbm>>
          tpu.wait_dma2 semaphore(%run_scoped3A : memref<!tpu.dma_semaphore, #tpu.memory_space<semaphore_mem>>) src(%arg6 : memref<256x128xf32, #tpu.memory_space<vmem>>) dst(%dma_wait3A_44 : memref<256x128xf32, #tpu.memory_space<hbm>>)
          tpu.yield
        }) : () -> ()
      }
      %scan3A_16 = arith.constant 2 : i32
    }
    %scan3A_6 = arith.constant 20 : i32
    return
  }
}

#map = affine_map<(d0, d1) -> (0, 0)>
#map1 = affine_map<(d0, d1) -> (0, 0, 0)>
module attributes {stable_mosaic.version = 14 : i64} {
  func.func @k(%arg0: i32, %arg1: i32, %arg2: memref<16384x128xf32, #tpu.memory_space<hbm>>, %arg3: memref<20x16384xi32, #tpu.memory_space<hbm>>, %arg4: memref<20x16384x128xf32, #tpu.memory_space<hbm>>, %arg5: memref<512xi32, #tpu.memory_space<vmem>>, %arg6: memref<256x128xf32, #tpu.memory_space<vmem>>, %arg7: memref<!tpu.dma_semaphore, #tpu.memory_space<semaphore_mem>>) attributes {dimension_semantics = [#tpu.dimension_semantics<core_parallel>, #tpu.dimension_semantics<subcore_parallel>], iteration_bounds = array<i64: 2, 16>, scalar_prefetch = 0 : i64, scratch_operands = 3 : i64, tpu.core_type = #tpu.core_type<sc_vector_subcore>, window_params = [{transform_indices = #map}, {transform_indices = #map}, {transform_indices = #map1}]} {
    %mul3A = arith.constant 2 : i32
    %mul3A_0 = arith.muli %arg1, %mul3A : i32
    %add3A = arith.addi %mul3A_0, %arg0 : i32
    %mul3A_1 = arith.constant 512 : i32
    %mul3A_2 = arith.muli %add3A, %mul3A_1 : i32
    %scan3A = arith.constant 0 : i32
    %scan3A_3 = arith.constant 20 : i32
    %scan3A_4 = arith.addi %scan3A, %scan3A_3 : i32
    %scan3A_5 = arith.constant 1 : i32
    scf.for %scan3A_7 = %scan3A to %scan3A_4 step %scan3A_5  : i32 {
      %mul3A_8 = arith.constant 1 : i32
      %mul3A_9 = arith.muli %scan3A_7, %mul3A_8 : i32
      %add3A_10 = arith.constant 0 : i32
      %add3A_11 = arith.addi %add3A_10, %mul3A_9 : i32
      "tpu.region"() ({
        %run_scoped3A = tpu.sem_alloc : memref<!tpu.dma_semaphore, #tpu.memory_space<semaphore_mem>>
        %dma_start3A = tpu.memref_slice %arg3[%add3A_11, %mul3A_2] : memref<20x16384xi32, #tpu.memory_space<hbm>> -> memref<1x512xi32, #tpu.memory_space<hbm>>
        %dma_start3A_17 = tpu.memref_squeeze %dma_start3A : memref<1x512xi32, #tpu.memory_space<hbm>> -> memref<512xi32, #tpu.memory_space<hbm>>
        %dma_start3A_18 = tpu.memref_slice %arg3[%add3A_11, %mul3A_2] : memref<20x16384xi32, #tpu.memory_space<hbm>> -> memref<1x512xi32, #tpu.memory_space<hbm>>
        %dma_start3A_19 = tpu.memref_squeeze %dma_start3A_18 : memref<1x512xi32, #tpu.memory_space<hbm>> -> memref<512xi32, #tpu.memory_space<hbm>>
        tpu.enqueue_dma source(%dma_start3A_19 : memref<512xi32, #tpu.memory_space<hbm>>) target(%arg5 : memref<512xi32, #tpu.memory_space<vmem>>) target_semaphore(%run_scoped3A : memref<!tpu.dma_semaphore, #tpu.memory_space<semaphore_mem>>)
        %dma_wait3A = tpu.memref_slice %arg3[%add3A_11, %mul3A_2] : memref<20x16384xi32, #tpu.memory_space<hbm>> -> memref<1x512xi32, #tpu.memory_space<hbm>>
        %dma_wait3A_20 = tpu.memref_squeeze %dma_wait3A : memref<1x512xi32, #tpu.memory_space<hbm>> -> memref<512xi32, #tpu.memory_space<hbm>>
        %dma_wait3A_21 = tpu.memref_slice %arg3[%add3A_11, %mul3A_2] : memref<20x16384xi32, #tpu.memory_space<hbm>> -> memref<1x512xi32, #tpu.memory_space<hbm>>
        %dma_wait3A_22 = tpu.memref_squeeze %dma_wait3A_21 : memref<1x512xi32, #tpu.memory_space<hbm>> -> memref<512xi32, #tpu.memory_space<hbm>>
        tpu.wait_dma2 semaphore(%run_scoped3A : memref<!tpu.dma_semaphore, #tpu.memory_space<semaphore_mem>>) src(%dma_wait3A_22 : memref<512xi32, #tpu.memory_space<hbm>>) dst(%arg5 : memref<512xi32, #tpu.memory_space<vmem>>)
        tpu.yield
      }) : () -> ()
      %scan3A_12 = arith.constant 0 : i32
      %scan3A_13 = arith.constant 2 : i32
      %scan3A_14 = arith.addi %scan3A_12, %scan3A_13 : i32
      %scan3A_15 = arith.constant 1 : i32
      scf.for %scan3A_17 = %scan3A_12 to %scan3A_14 step %scan3A_15  : i32 {
        %mul3A_18 = arith.constant 1 : i32
        %mul3A_19 = arith.muli %scan3A_17, %mul3A_18 : i32
        %add3A_20 = arith.constant 0 : i32
        %add3A_21 = arith.addi %add3A_20, %mul3A_19 : i32
        %mul3A_22 = arith.constant 256 : i32
        %mul3A_23 = arith.muli %add3A_21, %mul3A_22 : i32
        %dma_start3A = tpu.memref_slice %arg5[%mul3A_23] : memref<512xi32, #tpu.memory_space<vmem>> -> memref<256xi32, #tpu.memory_space<vmem>>
        %dma_start3A_24 = arith.constant 0 : i32
        %dma_start3A_25 = arith.constant 0 : i32
        %dma_start3A_26 = tpu.memref_slice %arg2[%dma_start3A_24, %dma_start3A_25] : memref<16384x128xf32, #tpu.memory_space<hbm>> -> memref<16384x128xf32, #tpu.memory_space<hbm>>
        tpu.enqueue_indirect_dma source(%dma_start3A_26 : memref<16384x128xf32, #tpu.memory_space<hbm>>) target(%arg6 : memref<256x128xf32, #tpu.memory_space<vmem>>) offsets(%dma_start3A : memref<256xi32, #tpu.memory_space<vmem>>) semaphore(%arg7 : memref<!tpu.dma_semaphore, #tpu.memory_space<semaphore_mem>>)
        %dma_wait3A = tpu.memref_slice %arg5[%mul3A_23] : memref<512xi32, #tpu.memory_space<vmem>> -> memref<256xi32, #tpu.memory_space<vmem>>
        %dma_wait3A_27 = arith.constant 0 : i32
        %dma_wait3A_28 = arith.constant 0 : i32
        %dma_wait3A_29 = tpu.memref_slice %arg2[%dma_wait3A_27, %dma_wait3A_28] : memref<16384x128xf32, #tpu.memory_space<hbm>> -> memref<16384x128xf32, #tpu.memory_space<hbm>>
        tpu.wait_indirect_dma semaphore(%arg7 : memref<!tpu.dma_semaphore, #tpu.memory_space<semaphore_mem>>) src(%dma_wait3A_29 : memref<16384x128xf32, #tpu.memory_space<hbm>>) dst(%arg6 : memref<256x128xf32, #tpu.memory_space<vmem>>)
        %mul3A_30 = arith.constant 256 : i32
        %mul3A_31 = arith.muli %add3A_21, %mul3A_30 : i32
        %add3A_32 = arith.addi %mul3A_2, %mul3A_31 : i32
        "tpu.region"() ({
          %run_scoped3A = tpu.sem_alloc : memref<!tpu.dma_semaphore, #tpu.memory_space<semaphore_mem>>
          %dma_start3A_33 = arith.constant 0 : i32
          %dma_start3A_34 = tpu.memref_slice %arg4[%add3A_11, %add3A_32, %dma_start3A_33] : memref<20x16384x128xf32, #tpu.memory_space<hbm>> -> memref<1x256x128xf32, #tpu.memory_space<hbm>>
          %dma_start3A_35 = tpu.memref_squeeze %dma_start3A_34 : memref<1x256x128xf32, #tpu.memory_space<hbm>> -> memref<256x128xf32, #tpu.memory_space<hbm>>
          %dma_start3A_36 = arith.constant 0 : i32
          %dma_start3A_37 = tpu.memref_slice %arg4[%add3A_11, %add3A_32, %dma_start3A_36] : memref<20x16384x128xf32, #tpu.memory_space<hbm>> -> memref<1x256x128xf32, #tpu.memory_space<hbm>>
          %dma_start3A_38 = tpu.memref_squeeze %dma_start3A_37 : memref<1x256x128xf32, #tpu.memory_space<hbm>> -> memref<256x128xf32, #tpu.memory_space<hbm>>
          tpu.enqueue_dma source(%arg6 : memref<256x128xf32, #tpu.memory_space<vmem>>) target(%dma_start3A_38 : memref<256x128xf32, #tpu.memory_space<hbm>>) target_semaphore(%run_scoped3A : memref<!tpu.dma_semaphore, #tpu.memory_space<semaphore_mem>>)
          %dma_wait3A_39 = arith.constant 0 : i32
          %dma_wait3A_40 = tpu.memref_slice %arg4[%add3A_11, %add3A_32, %dma_wait3A_39] : memref<20x16384x128xf32, #tpu.memory_space<hbm>> -> memref<1x256x128xf32, #tpu.memory_space<hbm>>
          %dma_wait3A_41 = tpu.memref_squeeze %dma_wait3A_40 : memref<1x256x128xf32, #tpu.memory_space<hbm>> -> memref<256x128xf32, #tpu.memory_space<hbm>>
          %dma_wait3A_42 = arith.constant 0 : i32
          %dma_wait3A_43 = tpu.memref_slice %arg4[%add3A_11, %add3A_32, %dma_wait3A_42] : memref<20x16384x128xf32, #tpu.memory_space<hbm>> -> memref<1x256x128xf32, #tpu.memory_space<hbm>>
          %dma_wait3A_44 = tpu.memref_squeeze %dma_wait3A_43 : memref<1x256x128xf32, #tpu.memory_space<hbm>> -> memref<256x128xf32, #tpu.memory_space<hbm>>
          tpu.wait_dma2 semaphore(%run_scoped3A : memref<!tpu.dma_semaphore, #tpu.memory_space<semaphore_mem>>) src(%arg6 : memref<256x128xf32, #tpu.memory_space<vmem>>) dst(%dma_wait3A_44 : memref<256x128xf32, #tpu.memory_space<hbm>>)
          tpu.yield
        }) : () -> ()
      }
      %scan3A_16 = arith.constant 2 : i32
    }
    %scan3A_6 = arith.constant 20 : i32
    return
  }
}

#map = affine_map<(d0, d1) -> (0, 0)>
#map1 = affine_map<(d0, d1) -> (0, 0, 0)>
module attributes {stable_mosaic.version = 14 : i64} {
  func.func @k(%arg0: i32, %arg1: i32, %arg2: memref<16384x128xf32, #tpu.memory_space<hbm>>, %arg3: memref<20x16384xi32, #tpu.memory_space<hbm>>, %arg4: memref<20x16384x128xf32, #tpu.memory_space<hbm>>, %arg5: memref<512xi32, #tpu.memory_space<vmem>>, %arg6: memref<256x128xf32, #tpu.memory_space<vmem>>, %arg7: memref<!tpu.dma_semaphore, #tpu.memory_space<semaphore_mem>>) attributes {dimension_semantics = [#tpu.dimension_semantics<core_parallel>, #tpu.dimension_semantics<subcore_parallel>], iteration_bounds = array<i64: 2, 16>, scalar_prefetch = 0 : i64, scratch_operands = 3 : i64, tpu.core_type = #tpu.core_type<sc_vector_subcore>, window_params = [{transform_indices = #map}, {transform_indices = #map}, {transform_indices = #map1}]} {
    %mul3A = arith.constant 2 : i32
    %mul3A_0 = arith.muli %arg1, %mul3A : i32
    %add3A = arith.addi %mul3A_0, %arg0 : i32
    %mul3A_1 = arith.constant 512 : i32
    %mul3A_2 = arith.muli %add3A, %mul3A_1 : i32
    %scan3A = arith.constant 0 : i32
    %scan3A_3 = arith.constant 20 : i32
    %scan3A_4 = arith.addi %scan3A, %scan3A_3 : i32
    %scan3A_5 = arith.constant 1 : i32
    scf.for %scan3A_7 = %scan3A to %scan3A_4 step %scan3A_5  : i32 {
      %mul3A_8 = arith.constant 1 : i32
      %mul3A_9 = arith.muli %scan3A_7, %mul3A_8 : i32
      %add3A_10 = arith.constant 0 : i32
      %add3A_11 = arith.addi %add3A_10, %mul3A_9 : i32
      "tpu.region"() ({
        %run_scoped3A = tpu.sem_alloc : memref<!tpu.dma_semaphore, #tpu.memory_space<semaphore_mem>>
        %dma_start3A = tpu.memref_slice %arg3[%add3A_11, %mul3A_2] : memref<20x16384xi32, #tpu.memory_space<hbm>> -> memref<1x512xi32, #tpu.memory_space<hbm>>
        %dma_start3A_17 = tpu.memref_squeeze %dma_start3A : memref<1x512xi32, #tpu.memory_space<hbm>> -> memref<512xi32, #tpu.memory_space<hbm>>
        %dma_start3A_18 = tpu.memref_slice %arg3[%add3A_11, %mul3A_2] : memref<20x16384xi32, #tpu.memory_space<hbm>> -> memref<1x512xi32, #tpu.memory_space<hbm>>
        %dma_start3A_19 = tpu.memref_squeeze %dma_start3A_18 : memref<1x512xi32, #tpu.memory_space<hbm>> -> memref<512xi32, #tpu.memory_space<hbm>>
        tpu.enqueue_dma source(%dma_start3A_19 : memref<512xi32, #tpu.memory_space<hbm>>) target(%arg5 : memref<512xi32, #tpu.memory_space<vmem>>) target_semaphore(%run_scoped3A : memref<!tpu.dma_semaphore, #tpu.memory_space<semaphore_mem>>)
        %dma_wait3A = tpu.memref_slice %arg3[%add3A_11, %mul3A_2] : memref<20x16384xi32, #tpu.memory_space<hbm>> -> memref<1x512xi32, #tpu.memory_space<hbm>>
        %dma_wait3A_20 = tpu.memref_squeeze %dma_wait3A : memref<1x512xi32, #tpu.memory_space<hbm>> -> memref<512xi32, #tpu.memory_space<hbm>>
        %dma_wait3A_21 = tpu.memref_slice %arg3[%add3A_11, %mul3A_2] : memref<20x16384xi32, #tpu.memory_space<hbm>> -> memref<1x512xi32, #tpu.memory_space<hbm>>
        %dma_wait3A_22 = tpu.memref_squeeze %dma_wait3A_21 : memref<1x512xi32, #tpu.memory_space<hbm>> -> memref<512xi32, #tpu.memory_space<hbm>>
        tpu.wait_dma2 semaphore(%run_scoped3A : memref<!tpu.dma_semaphore, #tpu.memory_space<semaphore_mem>>) src(%dma_wait3A_22 : memref<512xi32, #tpu.memory_space<hbm>>) dst(%arg5 : memref<512xi32, #tpu.memory_space<vmem>>)
        tpu.yield
      }) : () -> ()
      %scan3A_12 = arith.constant 0 : i32
      %scan3A_13 = arith.constant 2 : i32
      %scan3A_14 = arith.addi %scan3A_12, %scan3A_13 : i32
      %scan3A_15 = arith.constant 1 : i32
      scf.for %scan3A_17 = %scan3A_12 to %scan3A_14 step %scan3A_15  : i32 {
        %mul3A_18 = arith.constant 1 : i32
        %mul3A_19 = arith.muli %scan3A_17, %mul3A_18 : i32
        %add3A_20 = arith.constant 0 : i32
        %add3A_21 = arith.addi %add3A_20, %mul3A_19 : i32
        %mul3A_22 = arith.constant 256 : i32
        %mul3A_23 = arith.muli %add3A_21, %mul3A_22 : i32
        %dma_start3A = tpu.memref_slice %arg5[%mul3A_23] : memref<512xi32, #tpu.memory_space<vmem>> -> memref<256xi32, #tpu.memory_space<vmem>>
        %dma_start3A_24 = arith.constant 0 : i32
        %dma_start3A_25 = arith.constant 0 : i32
        %dma_start3A_26 = tpu.memref_slice %arg2[%dma_start3A_24, %dma_start3A_25] : memref<16384x128xf32, #tpu.memory_space<hbm>> -> memref<16384x128xf32, #tpu.memory_space<hbm>>
        tpu.enqueue_indirect_dma source(%dma_start3A_26 : memref<16384x128xf32, #tpu.memory_space<hbm>>) target(%arg6 : memref<256x128xf32, #tpu.memory_space<vmem>>) offsets(%dma_start3A : memref<256xi32, #tpu.memory_space<vmem>>) semaphore(%arg7 : memref<!tpu.dma_semaphore, #tpu.memory_space<semaphore_mem>>)
        %dma_wait3A = tpu.memref_slice %arg5[%mul3A_23] : memref<512xi32, #tpu.memory_space<vmem>> -> memref<256xi32, #tpu.memory_space<vmem>>
        %dma_wait3A_27 = arith.constant 0 : i32
        %dma_wait3A_28 = arith.constant 0 : i32
        %dma_wait3A_29 = tpu.memref_slice %arg2[%dma_wait3A_27, %dma_wait3A_28] : memref<16384x128xf32, #tpu.memory_space<hbm>> -> memref<16384x128xf32, #tpu.memory_space<hbm>>
        tpu.wait_indirect_dma semaphore(%arg7 : memref<!tpu.dma_semaphore, #tpu.memory_space<semaphore_mem>>) src(%dma_wait3A_29 : memref<16384x128xf32, #tpu.memory_space<hbm>>) dst(%arg6 : memref<256x128xf32, #tpu.memory_space<vmem>>)
        %mul3A_30 = arith.constant 256 : i32
        %mul3A_31 = arith.muli %add3A_21, %mul3A_30 : i32
        %add3A_32 = arith.addi %mul3A_2, %mul3A_31 : i32
        "tpu.region"() ({
          %run_scoped3A = tpu.sem_alloc : memref<!tpu.dma_semaphore, #tpu.memory_space<semaphore_mem>>
          %dma_start3A_33 = arith.constant 0 : i32
          %dma_start3A_34 = tpu.memref_slice %arg4[%add3A_11, %add3A_32, %dma_start3A_33] : memref<20x16384x128xf32, #tpu.memory_space<hbm>> -> memref<1x256x128xf32, #tpu.memory_space<hbm>>
          %dma_start3A_35 = tpu.memref_squeeze %dma_start3A_34 : memref<1x256x128xf32, #tpu.memory_space<hbm>> -> memref<256x128xf32, #tpu.memory_space<hbm>>
          %dma_start3A_36 = arith.constant 0 : i32
          %dma_start3A_37 = tpu.memref_slice %arg4[%add3A_11, %add3A_32, %dma_start3A_36] : memref<20x16384x128xf32, #tpu.memory_space<hbm>> -> memref<1x256x128xf32, #tpu.memory_space<hbm>>
          %dma_start3A_38 = tpu.memref_squeeze %dma_start3A_37 : memref<1x256x128xf32, #tpu.memory_space<hbm>> -> memref<256x128xf32, #tpu.memory_space<hbm>>
          tpu.enqueue_dma source(%arg6 : memref<256x128xf32, #tpu.memory_space<vmem>>) target(%dma_start3A_38 : memref<256x128xf32, #tpu.memory_space<hbm>>) target_semaphore(%run_scoped3A : memref<!tpu.dma_semaphore, #tpu.memory_space<semaphore_mem>>)
          %dma_wait3A_39 = arith.constant 0 : i32
          %dma_wait3A_40 = tpu.memref_slice %arg4[%add3A_11, %add3A_32, %dma_wait3A_39] : memref<20x16384x128xf32, #tpu.memory_space<hbm>> -> memref<1x256x128xf32, #tpu.memory_space<hbm>>
          %dma_wait3A_41 = tpu.memref_squeeze %dma_wait3A_40 : memref<1x256x128xf32, #tpu.memory_space<hbm>> -> memref<256x128xf32, #tpu.memory_space<hbm>>
          %dma_wait3A_42 = arith.constant 0 : i32
          %dma_wait3A_43 = tpu.memref_slice %arg4[%add3A_11, %add3A_32, %dma_wait3A_42] : memref<20x16384x128xf32, #tpu.memory_space<hbm>> -> memref<1x256x128xf32, #tpu.memory_space<hbm>>
          %dma_wait3A_44 = tpu.memref_squeeze %dma_wait3A_43 : memref<1x256x128xf32, #tpu.memory_space<hbm>> -> memref<256x128xf32, #tpu.memory_space<hbm>>
          tpu.wait_dma2 semaphore(%run_scoped3A : memref<!tpu.dma_semaphore, #tpu.memory_space<semaphore_mem>>) src(%arg6 : memref<256x128xf32, #tpu.memory_space<vmem>>) dst(%dma_wait3A_44 : memref<256x128xf32, #tpu.memory_space<hbm>>)
          tpu.yield
        }) : () -> ()
      }
      %scan3A_16 = arith.constant 2 : i32
    }
    %scan3A_6 = arith.constant 20 : i32
    return
  }
}

module attributes {stable_mosaic.version = 14 : i64} {
  func.func @_knn_body(%arg0: i32, %arg1: memref<1x1024x128xf32, #tpu.memory_space<vmem>>, %arg2: memref<1x128x1024xf32, #tpu.memory_space<vmem>>, %arg3: memref<1x1024x20xi32, #tpu.memory_space<vmem>>) attributes {dimension_semantics = [#tpu.dimension_semantics<arbitrary>], iteration_bounds = array<i64: 16>, scalar_prefetch = 0 : i64, scratch_operands = 0 : i64, tpu.core_type = #tpu.core_type<tc>, window_params = [{transform_indices = @transform_0, window_bounds = array<i64: 1, 1024, 128>}, {transform_indices = @transform_1, window_bounds = array<i64: 1, 128, 1024>}, {transform_indices = @transform_2, window_bounds = array<i64: 1, 1024, 20>}]} {
    %get3A = arith.constant 0 : index
    %get3A_0 = arith.constant 0 : index
    %get3A_1 = arith.constant 0 : index
    %get3A_2 = vector.load %arg1[%get3A, %get3A_0, %get3A_1] : memref<1x1024x128xf32, #tpu.memory_space<vmem>>, vector<1x1024x128xf32>
    %get3A_3 = vector.shape_cast %get3A_2 : vector<1x1024x128xf32> to vector<1024x128xf32>
    %get3A_4 = arith.constant 0 : index
    %get3A_5 = arith.constant 0 : index
    %get3A_6 = arith.constant 0 : index
    %get3A_7 = vector.load %arg2[%get3A_4, %get3A_5, %get3A_6] : memref<1x128x1024xf32, #tpu.memory_space<vmem>>, vector<1x128x1024xf32>
    %get3A_8 = vector.shape_cast %get3A_7 : vector<1x128x1024xf32> to vector<128x1024xf32>
    %dot_general3A = arith.constant dense<0.000000e+00> : vector<1024x1024xf32>
    %dot_general3A_9 = tpu.matmul %get3A_3, %get3A_8, %dot_general3A {dimension_numbers = #tpu.dot_dimension_numbers<[1], [0], [0], [1], [0, 0, 1, 1], [], []>, transpose_lhs_hint = false} : vector<1024x128xf32>, vector<128x1024xf32>, vector<1024x1024xf32> -> vector<1024x1024xf32>
    %mul3A = arith.mulf %get3A_3, %get3A_3 : vector<1024x128xf32>
    %reduce_sum3A = arith.constant dense<0.000000e+00> : vector<1024xf32>
    %reduce_sum3A_10 = vector.multi_reduction <add>, %mul3A, %reduce_sum3A [1] : vector<1024x128xf32> to vector<1024xf32>
    %broadcast_in_dim3A = vector.shape_cast %reduce_sum3A_10 : vector<1024xf32> to vector<1024x1xf32>
    %mul3A_11 = arith.mulf %get3A_8, %get3A_8 : vector<128x1024xf32>
    %reduce_sum3A_12 = arith.constant dense<0.000000e+00> : vector<1024xf32>
    %reduce_sum3A_13 = vector.multi_reduction <add>, %mul3A_11, %reduce_sum3A_12 [0] : vector<128x1024xf32> to vector<1024xf32>
    %broadcast_in_dim3A_14 = vector.shape_cast %reduce_sum3A_13 : vector<1024xf32> to vector<1x1024xf32>
    %mul3A_15 = arith.constant 2.000000e+00 : f32
    %mul3A_16 = vector.broadcast %mul3A_15 : f32 to vector<1024x1024xf32>
    %mul3A_17 = arith.mulf %mul3A_16, %dot_general3A_9 : vector<1024x1024xf32>
    %sub3A = vector.broadcast %broadcast_in_dim3A : vector<1024x1xf32> to vector<1024x1024xf32>
    %sub3A_18 = arith.subf %mul3A_17, %sub3A : vector<1024x1024xf32>
    %sub3A_19 = vector.broadcast %broadcast_in_dim3A_14 : vector<1x1024xf32> to vector<1024x1024xf32>
    %sub3A_20 = arith.subf %sub3A_18, %sub3A_19 : vector<1024x1024xf32>
    %iota3A = tpu.iota {dimensions = array<i32: 1>} : vector<1024x1024xi32>
    %mul3A_21 = arith.constant 1024 : i32
    %mul3A_22 = arith.muli %arg0, %mul3A_21 : i32
    %reduce_max3A = arith.constant dense<0xFF800000> : vector<1024xf32>
    %reduce_max3A_23 = vector.multi_reduction <maximumf>, %sub3A_20, %reduce_max3A [1] : vector<1024x1024xf32> to vector<1024xf32>
    %broadcast_in_dim3A_24 = vector.shape_cast %reduce_max3A_23 : vector<1024xf32> to vector<1024x1xf32>
    %eq3A = vector.broadcast %broadcast_in_dim3A_24 : vector<1024x1xf32> to vector<1024x1024xf32>
    %eq3A_25 = arith.cmpf oeq, %sub3A_20, %eq3A : vector<1024x1024xf32>
    %jit3A = arith.constant 1024 : i32
    %broadcast_in_dim3A_26 = vector.broadcast %jit3A : i32 to vector<1024x1024xi32>
    %select_n3A = arith.select %eq3A_25, %iota3A, %broadcast_in_dim3A_26 : vector<1024x1024xi1>, vector<1024x1024xi32>
    %reduce_min3A = arith.constant dense<2147483647> : vector<1024xi32>
    %reduce_min3A_27 = vector.multi_reduction <minsi>, %select_n3A, %reduce_min3A [1] : vector<1024x1024xi32> to vector<1024xi32>
    %broadcast_in_dim3A_28 = vector.shape_cast %reduce_min3A_27 : vector<1024xi32> to vector<1024x1xi32>
    %eq3A_29 = vector.broadcast %broadcast_in_dim3A_28 : vector<1024x1xi32> to vector<1024x1024xi32>
    %eq3A_30 = arith.cmpi eq, %iota3A, %eq3A_29 : vector<1024x1024xi32>
    %jit3A_31 = arith.constant -3.000000e+38 : f32
    %broadcast_in_dim3A_32 = vector.broadcast %jit3A_31 : f32 to vector<1024x1024xf32>
    %select_n3A_33 = arith.select %eq3A_30, %broadcast_in_dim3A_32, %sub3A_20 : vector<1024x1024xi1>, vector<1024x1024xf32>
    %add3A = vector.broadcast %mul3A_22 : i32 to vector<1024x1xi32>
    %add3A_34 = arith.addi %broadcast_in_dim3A_28, %add3A : vector<1024x1xi32>
    %swap3A = arith.constant 0 : index
    %swap3A_35 = arith.constant 0 : index
    %swap3A_36 = arith.constant 0 : index
    %swap3A_37 = vector.load %arg3[%swap3A, %swap3A_35, %swap3A_36] : memref<1x1024x20xi32, #tpu.memory_space<vmem>>, vector<1x1024x1xi32>
    %swap3A_38 = vector.shape_cast %swap3A_37 : vector<1x1024x1xi32> to vector<1024x1xi32>
    %swap3A_39 = vector.shape_cast %add3A_34 : vector<1024x1xi32> to vector<1x1024x1xi32>
    tpu.vector_store %arg3[%swap3A, %swap3A_35, %swap3A_36], %swap3A_39 {strides = array<i32>} : memref<1x1024x20xi32, #tpu.memory_space<vmem>>, vector<1x1024x1xi32>,
    %reduce_max3A_40 = arith.constant dense<0xFF800000> : vector<1024xf32>
    %reduce_max3A_41 = vector.multi_reduction <maximumf>, %select_n3A_33, %reduce_max3A_40 [1] : vector<1024x1024xf32> to vector<1024xf32>
    %broadcast_in_dim3A_42 = vector.shape_cast %reduce_max3A_41 : vector<1024xf32> to vector<1024x1xf32>
    %eq3A_43 = vector.broadcast %broadcast_in_dim3A_42 : vector<1024x1xf32> to vector<1024x1024xf32>
    %eq3A_44 = arith.cmpf oeq, %select_n3A_33, %eq3A_43 : vector<1024x1024xf32>
    %jit3A_45 = arith.constant 1024 : i32
    %broadcast_in_dim3A_46 = vector.broadcast %jit3A_45 : i32 to vector<1024x1024xi32>
    %select_n3A_47 = arith.select %eq3A_44, %iota3A, %broadcast_in_dim3A_46 : vector<1024x1024xi1>, vector<1024x1024xi32>
    %reduce_min3A_48 = arith.constant dense<2147483647> : vector<1024xi32>
    %reduce_min3A_49 = vector.multi_reduction <minsi>, %select_n3A_47, %reduce_min3A_48 [1] : vector<1024x1024xi32> to vector<1024xi32>
    %broadcast_in_dim3A_50 = vector.shape_cast %reduce_min3A_49 : vector<1024xi32> to vector<1024x1xi32>
    %eq3A_51 = vector.broadcast %broadcast_in_dim3A_50 : vector<1024x1xi32> to vector<1024x1024xi32>
    %eq3A_52 = arith.cmpi eq, %iota3A, %eq3A_51 : vector<1024x1024xi32>
    %jit3A_53 = arith.constant -3.000000e+38 : f32
    %broadcast_in_dim3A_54 = vector.broadcast %jit3A_53 : f32 to vector<1024x1024xf32>
    %select_n3A_55 = arith.select %eq3A_52, %broadcast_in_dim3A_54, %select_n3A_33 : vector<1024x1024xi1>, vector<1024x1024xf32>
    %add3A_56 = vector.broadcast %mul3A_22 : i32 to vector<1024x1xi32>
    %add3A_57 = arith.addi %broadcast_in_dim3A_50, %add3A_56 : vector<1024x1xi32>
    %swap3A_58 = arith.constant 0 : index
    %swap3A_59 = arith.constant 0 : index
    %swap3A_60 = arith.constant 1 : index
    %swap3A_61 = vector.load %arg3[%swap3A_58, %swap3A_59, %swap3A_60] : memref<1x1024x20xi32, #tpu.memory_space<vmem>>, vector<1x1024x1xi32>
    %swap3A_62 = vector.shape_cast %swap3A_61 : vector<1x1024x1xi32> to vector<1024x1xi32>
    %swap3A_63 = vector.shape_cast %add3A_57 : vector<1024x1xi32> to vector<1x1024x1xi32>
    tpu.vector_store %arg3[%swap3A_58, %swap3A_59, %swap3A_60], %swap3A_63 {strides = array<i32>} : memref<1x1024x20xi32, #tpu.memory_space<vmem>>, vector<1x1024x1xi32>,
    %reduce_max3A_64 = arith.constant dense<0xFF800000> : vector<1024xf32>
    %reduce_max3A_65 = vector.multi_reduction <maximumf>, %select_n3A_55, %reduce_max3A_64 [1] : vector<1024x1024xf32> to vector<1024xf32>
    %broadcast_in_dim3A_66 = vector.shape_cast %reduce_max3A_65 : vector<1024xf32> to vector<1024x1xf32>
    %eq3A_67 = vector.broadcast %broadcast_in_dim3A_66 : vector<1024x1xf32> to vector<1024x1024xf32>
    %eq3A_68 = arith.cmpf oeq, %select_n3A_55, %eq3A_67 : vector<1024x1024xf32>
    %jit3A_69 = arith.constant 1024 : i32
    %broadcast_in_dim3A_70 = vector.broadcast %jit3A_69 : i32 to vector<1024x1024xi32>
    %select_n3A_71 = arith.select %eq3A_68, %iota3A, %broadcast_in_dim3A_70 : vector<1024x1024xi1>, vector<1024x1024xi32>
    %reduce_min3A_72 = arith.constant dense<2147483647> : vector<1024xi32>
    %reduce_min3A_73 = vector.multi_reduction <minsi>, %select_n3A_71, %reduce_min3A_72 [1] : vector<1024x1024xi32> to vector<1024xi32>
    %broadcast_in_dim3A_74 = vector.shape_cast %reduce_min3A_73 : vector<1024xi32> to vector<1024x1xi32>
    %eq3A_75 = vector.broadcast %broadcast_in_dim3A_74 : vector<1024x1xi32> to vector<1024x1024xi32>
    %eq3A_76 = arith.cmpi eq, %iota3A, %eq3A_75 : vector<1024x1024xi32>
    %jit3A_77 = arith.constant -3.000000e+38 : f32
    %broadcast_in_dim3A_78 = vector.broadcast %jit3A_77 : f32 to vector<1024x1024xf32>
    %select_n3A_79 = arith.select %eq3A_76, %broadcast_in_dim3A_78, %select_n3A_55 : vector<1024x1024xi1>, vector<1024x1024xf32>
    %add3A_80 = vector.broadcast %mul3A_22 : i32 to vector<1024x1xi32>
    %add3A_81 = arith.addi %broadcast_in_dim3A_74, %add3A_80 : vector<1024x1xi32>
    %swap3A_82 = arith.constant 0 : index
    %swap3A_83 = arith.constant 0 : index
    %swap3A_84 = arith.constant 2 : index
    %swap3A_85 = vector.load %arg3[%swap3A_82, %swap3A_83, %swap3A_84] : memref<1x1024x20xi32, #tpu.memory_space<vmem>>, vector<1x1024x1xi32>
    %swap3A_86 = vector.shape_cast %swap3A_85 : vector<1x1024x1xi32> to vector<1024x1xi32>
    %swap3A_87 = vector.shape_cast %add3A_81 : vector<1024x1xi32> to vector<1x1024x1xi32>
    tpu.vector_store %arg3[%swap3A_82, %swap3A_83, %swap3A_84], %swap3A_87 {strides = array<i32>} : memref<1x1024x20xi32, #tpu.memory_space<vmem>>, vector<1x1024x1xi32>,
    %reduce_max3A_88 = arith.constant dense<0xFF800000> : vector<1024xf32>
    %reduce_max3A_89 = vector.multi_reduction <maximumf>, %select_n3A_79, %reduce_max3A_88 [1] : vector<1024x1024xf32> to vector<1024xf32>
    %broadcast_in_dim3A_90 = vector.shape_cast %reduce_max3A_89 : vector<1024xf32> to vector<1024x1xf32>
    %eq3A_91 = vector.broadcast %broadcast_in_dim3A_90 : vector<1024x1xf32> to vector<1024x1024xf32>
    %eq3A_92 = arith.cmpf oeq, %select_n3A_79, %eq3A_91 : vector<1024x1024xf32>
    %jit3A_93 = arith.constant 1024 : i32
    %broadcast_in_dim3A_94 = vector.broadcast %jit3A_93 : i32 to vector<1024x1024xi32>
    %select_n3A_95 = arith.select %eq3A_92, %iota3A, %broadcast_in_dim3A_94 : vector<1024x1024xi1>, vector<1024x1024xi32>
    %reduce_min3A_96 = arith.constant dense<2147483647> : vector<1024xi32>
    %reduce_min3A_97 = vector.multi_reduction <minsi>, %select_n3A_95, %reduce_min3A_96 [1] : vector<1024x1024xi32> to vector<1024xi32>
    %broadcast_in_dim3A_98 = vector.shape_cast %reduce_min3A_97 : vector<1024xi32> to vector<1024x1xi32>
    %eq3A_99 = vector.broadcast %broadcast_in_dim3A_98 : vector<1024x1xi32> to vector<1024x1024xi32>
    %eq3A_100 = arith.cmpi eq, %iota3A, %eq3A_99 : vector<1024x1024xi32>
    %jit3A_101 = arith.constant -3.000000e+38 : f32
    %broadcast_in_dim3A_102 = vector.broadcast %jit3A_101 : f32 to vector<1024x1024xf32>
    %select_n3A_103 = arith.select %eq3A_100, %broadcast_in_dim3A_102, %select_n3A_79 : vector<1024x1024xi1>, vector<1024x1024xf32>
    %add3A_104 = vector.broadcast %mul3A_22 : i32 to vector<1024x1xi32>
    %add3A_105 = arith.addi %broadcast_in_dim3A_98, %add3A_104 : vector<1024x1xi32>
    %swap3A_106 = arith.constant 0 : index
    %swap3A_107 = arith.constant 0 : index
    %swap3A_108 = arith.constant 3 : index
    %swap3A_109 = vector.load %arg3[%swap3A_106, %swap3A_107, %swap3A_108] : memref<1x1024x20xi32, #tpu.memory_space<vmem>>, vector<1x1024x1xi32>
    %swap3A_110 = vector.shape_cast %swap3A_109 : vector<1x1024x1xi32> to vector<1024x1xi32>
    %swap3A_111 = vector.shape_cast %add3A_105 : vector<1024x1xi32> to vector<1x1024x1xi32>
    tpu.vector_store %arg3[%swap3A_106, %swap3A_107, %swap3A_108], %swap3A_111 {strides = array<i32>} : memref<1x1024x20xi32, #tpu.memory_space<vmem>>, vector<1x1024x1xi32>,
    %reduce_max3A_112 = arith.constant dense<0xFF800000> : vector<1024xf32>
    %reduce_max3A_113 = vector.multi_reduction <maximumf>, %select_n3A_103, %reduce_max3A_112 [1] : vector<1024x1024xf32> to vector<1024xf32>
    %broadcast_in_dim3A_114 = vector.shape_cast %reduce_max3A_113 : vector<1024xf32> to vector<1024x1xf32>
    %eq3A_115 = vector.broadcast %broadcast_in_dim3A_114 : vector<1024x1xf32> to vector<1024x1024xf32>
    %eq3A_116 = arith.cmpf oeq, %select_n3A_103, %eq3A_115 : vector<1024x1024xf32>
    %jit3A_117 = arith.constant 1024 : i32
    %broadcast_in_dim3A_118 = vector.broadcast %jit3A_117 : i32 to vector<1024x1024xi32>
    %select_n3A_119 = arith.select %eq3A_116, %iota3A, %broadcast_in_dim3A_118 : vector<1024x1024xi1>, vector<1024x1024xi32>
    %reduce_min3A_120 = arith.constant dense<2147483647> : vector<1024xi32>
    %reduce_min3A_121 = vector.multi_reduction <minsi>, %select_n3A_119, %reduce_min3A_120 [1] : vector<1024x1024xi32> to vector<1024xi32>
    %broadcast_in_dim3A_122 = vector.shape_cast %reduce_min3A_121 : vector<1024xi32> to vector<1024x1xi32>
    %eq3A_123 = vector.broadcast %broadcast_in_dim3A_122 : vector<1024x1xi32> to vector<1024x1024xi32>
    %eq3A_124 = arith.cmpi eq, %iota3A, %eq3A_123 : vector<1024x1024xi32>
    %jit3A_125 = arith.constant -3.000000e+38 : f32
    %broadcast_in_dim3A_126 = vector.broadcast %jit3A_125 : f32 to vector<1024x1024xf32>
    %select_n3A_127 = arith.select %eq3A_124, %broadcast_in_dim3A_126, %select_n3A_103 : vector<1024x1024xi1>, vector<1024x1024xf32>
    %add3A_128 = vector.broadcast %mul3A_22 : i32 to vector<1024x1xi32>
    %add3A_129 = arith.addi %broadcast_in_dim3A_122, %add3A_128 : vector<1024x1xi32>
    %swap3A_130 = arith.constant 0 : index
    %swap3A_131 = arith.constant 0 : index
    %swap3A_132 = arith.constant 4 : index
    %swap3A_133 = vector.load %arg3[%swap3A_130, %swap3A_131, %swap3A_132] : memref<1x1024x20xi32, #tpu.memory_space<vmem>>, vector<1x1024x1xi32>
    %swap3A_134 = vector.shape_cast %swap3A_133 : vector<1x1024x1xi32> to vector<1024x1xi32>
    %swap3A_135 = vector.shape_cast %add3A_129 : vector<1024x1xi32> to vector<1x1024x1xi32>
    tpu.vector_store %arg3[%swap3A_130, %swap3A_131, %swap3A_132], %swap3A_135 {strides = array<i32>} : memref<1x1024x20xi32, #tpu.memory_space<vmem>>, vector<1x1024x1xi32>,
    %reduce_max3A_136 = arith.constant dense<0xFF800000> : vector<1024xf32>
    %reduce_max3A_137 = vector.multi_reduction <maximumf>, %select_n3A_127, %reduce_max3A_136 [1] : vector<1024x1024xf32> to vector<1024xf32>
    %broadcast_in_dim3A_138 = vector.shape_cast %reduce_max3A_137 : vector<1024xf32> to vector<1024x1xf32>
    %eq3A_139 = vector.broadcast %broadcast_in_dim3A_138 : vector<1024x1xf32> to vector<1024x1024xf32>
    %eq3A_140 = arith.cmpf oeq, %select_n3A_127, %eq3A_139 : vector<1024x1024xf32>
    %jit3A_141 = arith.constant 1024 : i32
    %broadcast_in_dim3A_142 = vector.broadcast %jit3A_141 : i32 to vector<1024x1024xi32>
    %select_n3A_143 = arith.select %eq3A_140, %iota3A, %broadcast_in_dim3A_142 : vector<1024x1024xi1>, vector<1024x1024xi32>
    %reduce_min3A_144 = arith.constant dense<2147483647> : vector<1024xi32>
    %reduce_min3A_145 = vector.multi_reduction <minsi>, %select_n3A_143, %reduce_min3A_144 [1] : vector<1024x1024xi32> to vector<1024xi32>
    %broadcast_in_dim3A_146 = vector.shape_cast %reduce_min3A_145 : vector<1024xi32> to vector<1024x1xi32>
    %eq3A_147 = vector.broadcast %broadcast_in_dim3A_146 : vector<1024x1xi32> to vector<1024x1024xi32>
    %eq3A_148 = arith.cmpi eq, %iota3A, %eq3A_147 : vector<1024x1024xi32>
    %jit3A_149 = arith.constant -3.000000e+38 : f32
    %broadcast_in_dim3A_150 = vector.broadcast %jit3A_149 : f32 to vector<1024x1024xf32>
    %select_n3A_151 = arith.select %eq3A_148, %broadcast_in_dim3A_150, %select_n3A_127 : vector<1024x1024xi1>, vector<1024x1024xf32>
    %add3A_152 = vector.broadcast %mul3A_22 : i32 to vector<1024x1xi32>
    %add3A_153 = arith.addi %broadcast_in_dim3A_146, %add3A_152 : vector<1024x1xi32>
    %swap3A_154 = arith.constant 0 : index
    %swap3A_155 = arith.constant 0 : index
    %swap3A_156 = arith.constant 5 : index
    %swap3A_157 = vector.load %arg3[%swap3A_154, %swap3A_155, %swap3A_156] : memref<1x1024x20xi32, #tpu.memory_space<vmem>>, vector<1x1024x1xi32>
    %swap3A_158 = vector.shape_cast %swap3A_157 : vector<1x1024x1xi32> to vector<1024x1xi32>
    %swap3A_159 = vector.shape_cast %add3A_153 : vector<1024x1xi32> to vector<1x1024x1xi32>
    tpu.vector_store %arg3[%swap3A_154, %swap3A_155, %swap3A_156], %swap3A_159 {strides = array<i32>} : memref<1x1024x20xi32, #tpu.memory_space<vmem>>, vector<1x1024x1xi32>,
    %reduce_max3A_160 = arith.constant dense<0xFF800000> : vector<1024xf32>
    %reduce_max3A_161 = vector.multi_reduction <maximumf>, %select_n3A_151, %reduce_max3A_160 [1] : vector<1024x1024xf32> to vector<1024xf32>
    %broadcast_in_dim3A_162 = vector.shape_cast %reduce_max3A_161 : vector<1024xf32> to vector<1024x1xf32>
    %eq3A_163 = vector.broadcast %broadcast_in_dim3A_162 : vector<1024x1xf32> to vector<1024x1024xf32>
    %eq3A_164 = arith.cmpf oeq, %select_n3A_151, %eq3A_163 : vector<1024x1024xf32>
    %jit3A_165 = arith.constant 1024 : i32
    %broadcast_in_dim3A_166 = vector.broadcast %jit3A_165 : i32 to vector<1024x1024xi32>
    %select_n3A_167 = arith.select %eq3A_164, %iota3A, %broadcast_in_dim3A_166 : vector<1024x1024xi1>, vector<1024x1024xi32>
    %reduce_min3A_168 = arith.constant dense<2147483647> : vector<1024xi32>
    %reduce_min3A_169 = vector.multi_reduction <minsi>, %select_n3A_167, %reduce_min3A_168 [1] : vector<1024x1024xi32> to vector<1024xi32>
    %broadcast_in_dim3A_170 = vector.shape_cast %reduce_min3A_169 : vector<1024xi32> to vector<1024x1xi32>
    %eq3A_171 = vector.broadcast %broadcast_in_dim3A_170 : vector<1024x1xi32> to vector<1024x1024xi32>
    %eq3A_172 = arith.cmpi eq, %iota3A, %eq3A_171 : vector<1024x1024xi32>
    %jit3A_173 = arith.constant -3.000000e+38 : f32
    %broadcast_in_dim3A_174 = vector.broadcast %jit3A_173 : f32 to vector<1024x1024xf32>
    %select_n3A_175 = arith.select %eq3A_172, %broadcast_in_dim3A_174, %select_n3A_151 : vector<1024x1024xi1>, vector<1024x1024xf32>
    %add3A_176 = vector.broadcast %mul3A_22 : i32 to vector<1024x1xi32>
    %add3A_177 = arith.addi %broadcast_in_dim3A_170, %add3A_176 : vector<1024x1xi32>
    %swap3A_178 = arith.constant 0 : index
    %swap3A_179 = arith.constant 0 : index
    %swap3A_180 = arith.constant 6 : index
    %swap3A_181 = vector.load %arg3[%swap3A_178, %swap3A_179, %swap3A_180] : memref<1x1024x20xi32, #tpu.memory_space<vmem>>, vector<1x1024x1xi32>
    %swap3A_182 = vector.shape_cast %swap3A_181 : vector<1x1024x1xi32> to vector<1024x1xi32>
    %swap3A_183 = vector.shape_cast %add3A_177 : vector<1024x1xi32> to vector<1x1024x1xi32>
    tpu.vector_store %arg3[%swap3A_178, %swap3A_179, %swap3A_180], %swap3A_183 {strides = array<i32>} : memref<1x1024x20xi32, #tpu.memory_space<vmem>>, vector<1x1024x1xi32>,
    %reduce_max3A_184 = arith.constant dense<0xFF800000> : vector<1024xf32>
    %reduce_max3A_185 = vector.multi_reduction <maximumf>, %select_n3A_175, %reduce_max3A_184 [1] : vector<1024x1024xf32> to vector<1024xf32>
    %broadcast_in_dim3A_186 = vector.shape_cast %reduce_max3A_185 : vector<1024xf32> to vector<1024x1xf32>
    %eq3A_187 = vector.broadcast %broadcast_in_dim3A_186 : vector<1024x1xf32> to vector<1024x1024xf32>
    %eq3A_188 = arith.cmpf oeq, %select_n3A_175, %eq3A_187 : vector<1024x1024xf32>
    %jit3A_189 = arith.constant 1024 : i32
    %broadcast_in_dim3A_190 = vector.broadcast %jit3A_189 : i32 to vector<1024x1024xi32>
    %select_n3A_191 = arith.select %eq3A_188, %iota3A, %broadcast_in_dim3A_190 : vector<1024x1024xi1>, vector<1024x1024xi32>
    %reduce_min3A_192 = arith.constant dense<2147483647> : vector<1024xi32>
    %reduce_min3A_193 = vector.multi_reduction <minsi>, %select_n3A_191, %reduce_min3A_192 [1] : vector<1024x1024xi32> to vector<1024xi32>
    %broadcast_in_dim3A_194 = vector.shape_cast %reduce_min3A_193 : vector<1024xi32> to vector<1024x1xi32>
    %eq3A_195 = vector.broadcast %broadcast_in_dim3A_194 : vector<1024x1xi32> to vector<1024x1024xi32>
    %eq3A_196 = arith.cmpi eq, %iota3A, %eq3A_195 : vector<1024x1024xi32>
    %jit3A_197 = arith.constant -3.000000e+38 : f32
    %broadcast_in_dim3A_198 = vector.broadcast %jit3A_197 : f32 to vector<1024x1024xf32>
    %select_n3A_199 = arith.select %eq3A_196, %broadcast_in_dim3A_198, %select_n3A_175 : vector<1024x1024xi1>, vector<1024x1024xf32>
    %add3A_200 = vector.broadcast %mul3A_22 : i32 to vector<1024x1xi32>
    %add3A_201 = arith.addi %broadcast_in_dim3A_194, %add3A_200 : vector<1024x1xi32>
    %swap3A_202 = arith.constant 0 : index
    %swap3A_203 = arith.constant 0 : index
    %swap3A_204 = arith.constant 7 : index
    %swap3A_205 = vector.load %arg3[%swap3A_202, %swap3A_203, %swap3A_204] : memref<1x1024x20xi32, #tpu.memory_space<vmem>>, vector<1x1024x1xi32>
    %swap3A_206 = vector.shape_cast %swap3A_205 : vector<1x1024x1xi32> to vector<1024x1xi32>
    %swap3A_207 = vector.shape_cast %add3A_201 : vector<1024x1xi32> to vector<1x1024x1xi32>
    tpu.vector_store %arg3[%swap3A_202, %swap3A_203, %swap3A_204], %swap3A_207 {strides = array<i32>} : memref<1x1024x20xi32, #tpu.memory_space<vmem>>, vector<1x1024x1xi32>,
    %reduce_max3A_208 = arith.constant dense<0xFF800000> : vector<1024xf32>
    %reduce_max3A_209 = vector.multi_reduction <maximumf>, %select_n3A_199, %reduce_max3A_208 [1] : vector<1024x1024xf32> to vector<1024xf32>
    %broadcast_in_dim3A_210 = vector.shape_cast %reduce_max3A_209 : vector<1024xf32> to vector<1024x1xf32>
    %eq3A_211 = vector.broadcast %broadcast_in_dim3A_210 : vector<1024x1xf32> to vector<1024x1024xf32>
    %eq3A_212 = arith.cmpf oeq, %select_n3A_199, %eq3A_211 : vector<1024x1024xf32>
    %jit3A_213 = arith.constant 1024 : i32
    %broadcast_in_dim3A_214 = vector.broadcast %jit3A_213 : i32 to vector<1024x1024xi32>
    %select_n3A_215 = arith.select %eq3A_212, %iota3A, %broadcast_in_dim3A_214 : vector<1024x1024xi1>, vector<1024x1024xi32>
    %reduce_min3A_216 = arith.constant dense<2147483647> : vector<1024xi32>
    %reduce_min3A_217 = vector.multi_reduction <minsi>, %select_n3A_215, %reduce_min3A_216 [1] : vector<1024x1024xi32> to vector<1024xi32>
    %broadcast_in_dim3A_218 = vector.shape_cast %reduce_min3A_217 : vector<1024xi32> to vector<1024x1xi32>
    %eq3A_219 = vector.broadcast %broadcast_in_dim3A_218 : vector<1024x1xi32> to vector<1024x1024xi32>
    %eq3A_220 = arith.cmpi eq, %iota3A, %eq3A_219 : vector<1024x1024xi32>
    %jit3A_221 = arith.constant -3.000000e+38 : f32
    %broadcast_in_dim3A_222 = vector.broadcast %jit3A_221 : f32 to vector<1024x1024xf32>
    %select_n3A_223 = arith.select %eq3A_220, %broadcast_in_dim3A_222, %select_n3A_199 : vector<1024x1024xi1>, vector<1024x1024xf32>
    %add3A_224 = vector.broadcast %mul3A_22 : i32 to vector<1024x1xi32>
    %add3A_225 = arith.addi %broadcast_in_dim3A_218, %add3A_224 : vector<1024x1xi32>
    %swap3A_226 = arith.constant 0 : index
    %swap3A_227 = arith.constant 0 : index
    %swap3A_228 = arith.constant 8 : index
    %swap3A_229 = vector.load %arg3[%swap3A_226, %swap3A_227, %swap3A_228] : memref<1x1024x20xi32, #tpu.memory_space<vmem>>, vector<1x1024x1xi32>
    %swap3A_230 = vector.shape_cast %swap3A_229 : vector<1x1024x1xi32> to vector<1024x1xi32>
    %swap3A_231 = vector.shape_cast %add3A_225 : vector<1024x1xi32> to vector<1x1024x1xi32>
    tpu.vector_store %arg3[%swap3A_226, %swap3A_227, %swap3A_228], %swap3A_231 {strides = array<i32>} : memref<1x1024x20xi32, #tpu.memory_space<vmem>>, vector<1x1024x1xi32>,
    %reduce_max3A_232 = arith.constant dense<0xFF800000> : vector<1024xf32>
    %reduce_max3A_233 = vector.multi_reduction <maximumf>, %select_n3A_223, %reduce_max3A_232 [1] : vector<1024x1024xf32> to vector<1024xf32>
    %broadcast_in_dim3A_234 = vector.shape_cast %reduce_max3A_233 : vector<1024xf32> to vector<1024x1xf32>
    %eq3A_235 = vector.broadcast %broadcast_in_dim3A_234 : vector<1024x1xf32> to vector<1024x1024xf32>
    %eq3A_236 = arith.cmpf oeq, %select_n3A_223, %eq3A_235 : vector<1024x1024xf32>
    %jit3A_237 = arith.constant 1024 : i32
    %broadcast_in_dim3A_238 = vector.broadcast %jit3A_237 : i32 to vector<1024x1024xi32>
    %select_n3A_239 = arith.select %eq3A_236, %iota3A, %broadcast_in_dim3A_238 : vector<1024x1024xi1>, vector<1024x1024xi32>
    %reduce_min3A_240 = arith.constant dense<2147483647> : vector<1024xi32>
    %reduce_min3A_241 = vector.multi_reduction <minsi>, %select_n3A_239, %reduce_min3A_240 [1] : vector<1024x1024xi32> to vector<1024xi32>
    %broadcast_in_dim3A_242 = vector.shape_cast %reduce_min3A_241 : vector<1024xi32> to vector<1024x1xi32>
    %eq3A_243 = vector.broadcast %broadcast_in_dim3A_242 : vector<1024x1xi32> to vector<1024x1024xi32>
    %eq3A_244 = arith.cmpi eq, %iota3A, %eq3A_243 : vector<1024x1024xi32>
    %jit3A_245 = arith.constant -3.000000e+38 : f32
    %broadcast_in_dim3A_246 = vector.broadcast %jit3A_245 : f32 to vector<1024x1024xf32>
    %select_n3A_247 = arith.select %eq3A_244, %broadcast_in_dim3A_246, %select_n3A_223 : vector<1024x1024xi1>, vector<1024x1024xf32>
    %add3A_248 = vector.broadcast %mul3A_22 : i32 to vector<1024x1xi32>
    %add3A_249 = arith.addi %broadcast_in_dim3A_242, %add3A_248 : vector<1024x1xi32>
    %swap3A_250 = arith.constant 0 : index
    %swap3A_251 = arith.constant 0 : index
    %swap3A_252 = arith.constant 9 : index
    %swap3A_253 = vector.load %arg3[%swap3A_250, %swap3A_251, %swap3A_252] : memref<1x1024x20xi32, #tpu.memory_space<vmem>>, vector<1x1024x1xi32>
    %swap3A_254 = vector.shape_cast %swap3A_253 : vector<1x1024x1xi32> to vector<1024x1xi32>
    %swap3A_255 = vector.shape_cast %add3A_249 : vector<1024x1xi32> to vector<1x1024x1xi32>
    tpu.vector_store %arg3[%swap3A_250, %swap3A_251, %swap3A_252], %swap3A_255 {strides = array<i32>} : memref<1x1024x20xi32, #tpu.memory_space<vmem>>, vector<1x1024x1xi32>,
    %reduce_max3A_256 = arith.constant dense<0xFF800000> : vector<1024xf32>
    %reduce_max3A_257 = vector.multi_reduction <maximumf>, %select_n3A_247, %reduce_max3A_256 [1] : vector<1024x1024xf32> to vector<1024xf32>
    %broadcast_in_dim3A_258 = vector.shape_cast %reduce_max3A_257 : vector<1024xf32> to vector<1024x1xf32>
    %eq3A_259 = vector.broadcast %broadcast_in_dim3A_258 : vector<1024x1xf32> to vector<1024x1024xf32>
    %eq3A_260 = arith.cmpf oeq, %select_n3A_247, %eq3A_259 : vector<1024x1024xf32>
    %jit3A_261 = arith.constant 1024 : i32
    %broadcast_in_dim3A_262 = vector.broadcast %jit3A_261 : i32 to vector<1024x1024xi32>
    %select_n3A_263 = arith.select %eq3A_260, %iota3A, %broadcast_in_dim3A_262 : vector<1024x1024xi1>, vector<1024x1024xi32>
    %reduce_min3A_264 = arith.constant dense<2147483647> : vector<1024xi32>
    %reduce_min3A_265 = vector.multi_reduction <minsi>, %select_n3A_263, %reduce_min3A_264 [1] : vector<1024x1024xi32> to vector<1024xi32>
    %broadcast_in_dim3A_266 = vector.shape_cast %reduce_min3A_265 : vector<1024xi32> to vector<1024x1xi32>
    %eq3A_267 = vector.broadcast %broadcast_in_dim3A_266 : vector<1024x1xi32> to vector<1024x1024xi32>
    %eq3A_268 = arith.cmpi eq, %iota3A, %eq3A_267 : vector<1024x1024xi32>
    %jit3A_269 = arith.constant -3.000000e+38 : f32
    %broadcast_in_dim3A_270 = vector.broadcast %jit3A_269 : f32 to vector<1024x1024xf32>
    %select_n3A_271 = arith.select %eq3A_268, %broadcast_in_dim3A_270, %select_n3A_247 : vector<1024x1024xi1>, vector<1024x1024xf32>
    %add3A_272 = vector.broadcast %mul3A_22 : i32 to vector<1024x1xi32>
    %add3A_273 = arith.addi %broadcast_in_dim3A_266, %add3A_272 : vector<1024x1xi32>
    %swap3A_274 = arith.constant 0 : index
    %swap3A_275 = arith.constant 0 : index
    %swap3A_276 = arith.constant 10 : index
    %swap3A_277 = vector.load %arg3[%swap3A_274, %swap3A_275, %swap3A_276] : memref<1x1024x20xi32, #tpu.memory_space<vmem>>, vector<1x1024x1xi32>
    %swap3A_278 = vector.shape_cast %swap3A_277 : vector<1x1024x1xi32> to vector<1024x1xi32>
    %swap3A_279 = vector.shape_cast %add3A_273 : vector<1024x1xi32> to vector<1x1024x1xi32>
    tpu.vector_store %arg3[%swap3A_274, %swap3A_275, %swap3A_276], %swap3A_279 {strides = array<i32>} : memref<1x1024x20xi32, #tpu.memory_space<vmem>>, vector<1x1024x1xi32>,
    %reduce_max3A_280 = arith.constant dense<0xFF800000> : vector<1024xf32>
    %reduce_max3A_281 = vector.multi_reduction <maximumf>, %select_n3A_271, %reduce_max3A_280 [1] : vector<1024x1024xf32> to vector<1024xf32>
    %broadcast_in_dim3A_282 = vector.shape_cast %reduce_max3A_281 : vector<1024xf32> to vector<1024x1xf32>
    %eq3A_283 = vector.broadcast %broadcast_in_dim3A_282 : vector<1024x1xf32> to vector<1024x1024xf32>
    %eq3A_284 = arith.cmpf oeq, %select_n3A_271, %eq3A_283 : vector<1024x1024xf32>
    %jit3A_285 = arith.constant 1024 : i32
    %broadcast_in_dim3A_286 = vector.broadcast %jit3A_285 : i32 to vector<1024x1024xi32>
    %select_n3A_287 = arith.select %eq3A_284, %iota3A, %broadcast_in_dim3A_286 : vector<1024x1024xi1>, vector<1024x1024xi32>
    %reduce_min3A_288 = arith.constant dense<2147483647> : vector<1024xi32>
    %reduce_min3A_289 = vector.multi_reduction <minsi>, %select_n3A_287, %reduce_min3A_288 [1] : vector<1024x1024xi32> to vector<1024xi32>
    %broadcast_in_dim3A_290 = vector.shape_cast %reduce_min3A_289 : vector<1024xi32> to vector<1024x1xi32>
    %eq3A_291 = vector.broadcast %broadcast_in_dim3A_290 : vector<1024x1xi32> to vector<1024x1024xi32>
    %eq3A_292 = arith.cmpi eq, %iota3A, %eq3A_291 : vector<1024x1024xi32>
    %jit3A_293 = arith.constant -3.000000e+38 : f32
    %broadcast_in_dim3A_294 = vector.broadcast %jit3A_293 : f32 to vector<1024x1024xf32>
    %select_n3A_295 = arith.select %eq3A_292, %broadcast_in_dim3A_294, %select_n3A_271 : vector<1024x1024xi1>, vector<1024x1024xf32>
    %add3A_296 = vector.broadcast %mul3A_22 : i32 to vector<1024x1xi32>
    %add3A_297 = arith.addi %broadcast_in_dim3A_290, %add3A_296 : vector<1024x1xi32>
    %swap3A_298 = arith.constant 0 : index
    %swap3A_299 = arith.constant 0 : index
    %swap3A_300 = arith.constant 11 : index
    %swap3A_301 = vector.load %arg3[%swap3A_298, %swap3A_299, %swap3A_300] : memref<1x1024x20xi32, #tpu.memory_space<vmem>>, vector<1x1024x1xi32>
    %swap3A_302 = vector.shape_cast %swap3A_301 : vector<1x1024x1xi32> to vector<1024x1xi32>
    %swap3A_303 = vector.shape_cast %add3A_297 : vector<1024x1xi32> to vector<1x1024x1xi32>
    tpu.vector_store %arg3[%swap3A_298, %swap3A_299, %swap3A_300], %swap3A_303 {strides = array<i32>} : memref<1x1024x20xi32, #tpu.memory_space<vmem>>, vector<1x1024x1xi32>,
    %reduce_max3A_304 = arith.constant dense<0xFF800000> : vector<1024xf32>
    %reduce_max3A_305 = vector.multi_reduction <maximumf>, %select_n3A_295, %reduce_max3A_304 [1] : vector<1024x1024xf32> to vector<1024xf32>
    %broadcast_in_dim3A_306 = vector.shape_cast %reduce_max3A_305 : vector<1024xf32> to vector<1024x1xf32>
    %eq3A_307 = vector.broadcast %broadcast_in_dim3A_306 : vector<1024x1xf32> to vector<1024x1024xf32>
    %eq3A_308 = arith.cmpf oeq, %select_n3A_295, %eq3A_307 : vector<1024x1024xf32>
    %jit3A_309 = arith.constant 1024 : i32
    %broadcast_in_dim3A_310 = vector.broadcast %jit3A_309 : i32 to vector<1024x1024xi32>
    %select_n3A_311 = arith.select %eq3A_308, %iota3A, %broadcast_in_dim3A_310 : vector<1024x1024xi1>, vector<1024x1024xi32>
    %reduce_min3A_312 = arith.constant dense<2147483647> : vector<1024xi32>
    %reduce_min3A_313 = vector.multi_reduction <minsi>, %select_n3A_311, %reduce_min3A_312 [1] : vector<1024x1024xi32> to vector<1024xi32>
    %broadcast_in_dim3A_314 = vector.shape_cast %reduce_min3A_313 : vector<1024xi32> to vector<1024x1xi32>
    %eq3A_315 = vector.broadcast %broadcast_in_dim3A_314 : vector<1024x1xi32> to vector<1024x1024xi32>
    %eq3A_316 = arith.cmpi eq, %iota3A, %eq3A_315 : vector<1024x1024xi32>
    %jit3A_317 = arith.constant -3.000000e+38 : f32
    %broadcast_in_dim3A_318 = vector.broadcast %jit3A_317 : f32 to vector<1024x1024xf32>
    %select_n3A_319 = arith.select %eq3A_316, %broadcast_in_dim3A_318, %select_n3A_295 : vector<1024x1024xi1>, vector<1024x1024xf32>
    %add3A_320 = vector.broadcast %mul3A_22 : i32 to vector<1024x1xi32>
    %add3A_321 = arith.addi %broadcast_in_dim3A_314, %add3A_320 : vector<1024x1xi32>
    %swap3A_322 = arith.constant 0 : index
    %swap3A_323 = arith.constant 0 : index
    %swap3A_324 = arith.constant 12 : index
    %swap3A_325 = vector.load %arg3[%swap3A_322, %swap3A_323, %swap3A_324] : memref<1x1024x20xi32, #tpu.memory_space<vmem>>, vector<1x1024x1xi32>
    %swap3A_326 = vector.shape_cast %swap3A_325 : vector<1x1024x1xi32> to vector<1024x1xi32>
    %swap3A_327 = vector.shape_cast %add3A_321 : vector<1024x1xi32> to vector<1x1024x1xi32>
    tpu.vector_store %arg3[%swap3A_322, %swap3A_323, %swap3A_324], %swap3A_327 {strides = array<i32>} : memref<1x1024x20xi32, #tpu.memory_space<vmem>>, vector<1x1024x1xi32>,
    %reduce_max3A_328 = arith.constant dense<0xFF800000> : vector<1024xf32>
    %reduce_max3A_329 = vector.multi_reduction <maximumf>, %select_n3A_319, %reduce_max3A_328 [1] : vector<1024x1024xf32> to vector<1024xf32>
    %broadcast_in_dim3A_330 = vector.shape_cast %reduce_max3A_329 : vector<1024xf32> to vector<1024x1xf32>
    %eq3A_331 = vector.broadcast %broadcast_in_dim3A_330 : vector<1024x1xf32> to vector<1024x1024xf32>
    %eq3A_332 = arith.cmpf oeq, %select_n3A_319, %eq3A_331 : vector<1024x1024xf32>
    %jit3A_333 = arith.constant 1024 : i32
    %broadcast_in_dim3A_334 = vector.broadcast %jit3A_333 : i32 to vector<1024x1024xi32>
    %select_n3A_335 = arith.select %eq3A_332, %iota3A, %broadcast_in_dim3A_334 : vector<1024x1024xi1>, vector<1024x1024xi32>
    %reduce_min3A_336 = arith.constant dense<2147483647> : vector<1024xi32>
    %reduce_min3A_337 = vector.multi_reduction <minsi>, %select_n3A_335, %reduce_min3A_336 [1] : vector<1024x1024xi32> to vector<1024xi32>
    %broadcast_in_dim3A_338 = vector.shape_cast %reduce_min3A_337 : vector<1024xi32> to vector<1024x1xi32>
    %eq3A_339 = vector.broadcast %broadcast_in_dim3A_338 : vector<1024x1xi32> to vector<1024x1024xi32>
    %eq3A_340 = arith.cmpi eq, %iota3A, %eq3A_339 : vector<1024x1024xi32>
    %jit3A_341 = arith.constant -3.000000e+38 : f32
    %broadcast_in_dim3A_342 = vector.broadcast %jit3A_341 : f32 to vector<1024x1024xf32>
    %select_n3A_343 = arith.select %eq3A_340, %broadcast_in_dim3A_342, %select_n3A_319 : vector<1024x1024xi1>, vector<1024x1024xf32>
    %add3A_344 = vector.broadcast %mul3A_22 : i32 to vector<1024x1xi32>
    %add3A_345 = arith.addi %broadcast_in_dim3A_338, %add3A_344 : vector<1024x1xi32>
    %swap3A_346 = arith.constant 0 : index
    %swap3A_347 = arith.constant 0 : index
    %swap3A_348 = arith.constant 13 : index
    %swap3A_349 = vector.load %arg3[%swap3A_346, %swap3A_347, %swap3A_348] : memref<1x1024x20xi32, #tpu.memory_space<vmem>>, vector<1x1024x1xi32>
    %swap3A_350 = vector.shape_cast %swap3A_349 : vector<1x1024x1xi32> to vector<1024x1xi32>
    %swap3A_351 = vector.shape_cast %add3A_345 : vector<1024x1xi32> to vector<1x1024x1xi32>
    tpu.vector_store %arg3[%swap3A_346, %swap3A_347, %swap3A_348], %swap3A_351 {strides = array<i32>} : memref<1x1024x20xi32, #tpu.memory_space<vmem>>, vector<1x1024x1xi32>,
    %reduce_max3A_352 = arith.constant dense<0xFF800000> : vector<1024xf32>
    %reduce_max3A_353 = vector.multi_reduction <maximumf>, %select_n3A_343, %reduce_max3A_352 [1] : vector<1024x1024xf32> to vector<1024xf32>
    %broadcast_in_dim3A_354 = vector.shape_cast %reduce_max3A_353 : vector<1024xf32> to vector<1024x1xf32>
    %eq3A_355 = vector.broadcast %broadcast_in_dim3A_354 : vector<1024x1xf32> to vector<1024x1024xf32>
    %eq3A_356 = arith.cmpf oeq, %select_n3A_343, %eq3A_355 : vector<1024x1024xf32>
    %jit3A_357 = arith.constant 1024 : i32
    %broadcast_in_dim3A_358 = vector.broadcast %jit3A_357 : i32 to vector<1024x1024xi32>
    %select_n3A_359 = arith.select %eq3A_356, %iota3A, %broadcast_in_dim3A_358 : vector<1024x1024xi1>, vector<1024x1024xi32>
    %reduce_min3A_360 = arith.constant dense<2147483647> : vector<1024xi32>
    %reduce_min3A_361 = vector.multi_reduction <minsi>, %select_n3A_359, %reduce_min3A_360 [1] : vector<1024x1024xi32> to vector<1024xi32>
    %broadcast_in_dim3A_362 = vector.shape_cast %reduce_min3A_361 : vector<1024xi32> to vector<1024x1xi32>
    %eq3A_363 = vector.broadcast %broadcast_in_dim3A_362 : vector<1024x1xi32> to vector<1024x1024xi32>
    %eq3A_364 = arith.cmpi eq, %iota3A, %eq3A_363 : vector<1024x1024xi32>
    %jit3A_365 = arith.constant -3.000000e+38 : f32
    %broadcast_in_dim3A_366 = vector.broadcast %jit3A_365 : f32 to vector<1024x1024xf32>
    %select_n3A_367 = arith.select %eq3A_364, %broadcast_in_dim3A_366, %select_n3A_343 : vector<1024x1024xi1>, vector<1024x1024xf32>
    %add3A_368 = vector.broadcast %mul3A_22 : i32 to vector<1024x1xi32>
    %add3A_369 = arith.addi %broadcast_in_dim3A_362, %add3A_368 : vector<1024x1xi32>
    %swap3A_370 = arith.constant 0 : index
    %swap3A_371 = arith.constant 0 : index
    %swap3A_372 = arith.constant 14 : index
    %swap3A_373 = vector.load %arg3[%swap3A_370, %swap3A_371, %swap3A_372] : memref<1x1024x20xi32, #tpu.memory_space<vmem>>, vector<1x1024x1xi32>
    %swap3A_374 = vector.shape_cast %swap3A_373 : vector<1x1024x1xi32> to vector<1024x1xi32>
    %swap3A_375 = vector.shape_cast %add3A_369 : vector<1024x1xi32> to vector<1x1024x1xi32>
    tpu.vector_store %arg3[%swap3A_370, %swap3A_371, %swap3A_372], %swap3A_375 {strides = array<i32>} : memref<1x1024x20xi32, #tpu.memory_space<vmem>>, vector<1x1024x1xi32>,
    %reduce_max3A_376 = arith.constant dense<0xFF800000> : vector<1024xf32>
    %reduce_max3A_377 = vector.multi_reduction <maximumf>, %select_n3A_367, %reduce_max3A_376 [1] : vector<1024x1024xf32> to vector<1024xf32>
    %broadcast_in_dim3A_378 = vector.shape_cast %reduce_max3A_377 : vector<1024xf32> to vector<1024x1xf32>
    %eq3A_379 = vector.broadcast %broadcast_in_dim3A_378 : vector<1024x1xf32> to vector<1024x1024xf32>
    %eq3A_380 = arith.cmpf oeq, %select_n3A_367, %eq3A_379 : vector<1024x1024xf32>
    %jit3A_381 = arith.constant 1024 : i32
    %broadcast_in_dim3A_382 = vector.broadcast %jit3A_381 : i32 to vector<1024x1024xi32>
    %select_n3A_383 = arith.select %eq3A_380, %iota3A, %broadcast_in_dim3A_382 : vector<1024x1024xi1>, vector<1024x1024xi32>
    %reduce_min3A_384 = arith.constant dense<2147483647> : vector<1024xi32>
    %reduce_min3A_385 = vector.multi_reduction <minsi>, %select_n3A_383, %reduce_min3A_384 [1] : vector<1024x1024xi32> to vector<1024xi32>
    %broadcast_in_dim3A_386 = vector.shape_cast %reduce_min3A_385 : vector<1024xi32> to vector<1024x1xi32>
    %eq3A_387 = vector.broadcast %broadcast_in_dim3A_386 : vector<1024x1xi32> to vector<1024x1024xi32>
    %eq3A_388 = arith.cmpi eq, %iota3A, %eq3A_387 : vector<1024x1024xi32>
    %jit3A_389 = arith.constant -3.000000e+38 : f32
    %broadcast_in_dim3A_390 = vector.broadcast %jit3A_389 : f32 to vector<1024x1024xf32>
    %select_n3A_391 = arith.select %eq3A_388, %broadcast_in_dim3A_390, %select_n3A_367 : vector<1024x1024xi1>, vector<1024x1024xf32>
    %add3A_392 = vector.broadcast %mul3A_22 : i32 to vector<1024x1xi32>
    %add3A_393 = arith.addi %broadcast_in_dim3A_386, %add3A_392 : vector<1024x1xi32>
    %swap3A_394 = arith.constant 0 : index
    %swap3A_395 = arith.constant 0 : index
    %swap3A_396 = arith.constant 15 : index
    %swap3A_397 = vector.load %arg3[%swap3A_394, %swap3A_395, %swap3A_396] : memref<1x1024x20xi32, #tpu.memory_space<vmem>>, vector<1x1024x1xi32>
    %swap3A_398 = vector.shape_cast %swap3A_397 : vector<1x1024x1xi32> to vector<1024x1xi32>
    %swap3A_399 = vector.shape_cast %add3A_393 : vector<1024x1xi32> to vector<1x1024x1xi32>
    tpu.vector_store %arg3[%swap3A_394, %swap3A_395, %swap3A_396], %swap3A_399 {strides = array<i32>} : memref<1x1024x20xi32, #tpu.memory_space<vmem>>, vector<1x1024x1xi32>,
    %reduce_max3A_400 = arith.constant dense<0xFF800000> : vector<1024xf32>
    %reduce_max3A_401 = vector.multi_reduction <maximumf>, %select_n3A_391, %reduce_max3A_400 [1] : vector<1024x1024xf32> to vector<1024xf32>
    %broadcast_in_dim3A_402 = vector.shape_cast %reduce_max3A_401 : vector<1024xf32> to vector<1024x1xf32>
    %eq3A_403 = vector.broadcast %broadcast_in_dim3A_402 : vector<1024x1xf32> to vector<1024x1024xf32>
    %eq3A_404 = arith.cmpf oeq, %select_n3A_391, %eq3A_403 : vector<1024x1024xf32>
    %jit3A_405 = arith.constant 1024 : i32
    %broadcast_in_dim3A_406 = vector.broadcast %jit3A_405 : i32 to vector<1024x1024xi32>
    %select_n3A_407 = arith.select %eq3A_404, %iota3A, %broadcast_in_dim3A_406 : vector<1024x1024xi1>, vector<1024x1024xi32>
    %reduce_min3A_408 = arith.constant dense<2147483647> : vector<1024xi32>
    %reduce_min3A_409 = vector.multi_reduction <minsi>, %select_n3A_407, %reduce_min3A_408 [1] : vector<1024x1024xi32> to vector<1024xi32>
    %broadcast_in_dim3A_410 = vector.shape_cast %reduce_min3A_409 : vector<1024xi32> to vector<1024x1xi32>
    %eq3A_411 = vector.broadcast %broadcast_in_dim3A_410 : vector<1024x1xi32> to vector<1024x1024xi32>
    %eq3A_412 = arith.cmpi eq, %iota3A, %eq3A_411 : vector<1024x1024xi32>
    %jit3A_413 = arith.constant -3.000000e+38 : f32
    %broadcast_in_dim3A_414 = vector.broadcast %jit3A_413 : f32 to vector<1024x1024xf32>
    %select_n3A_415 = arith.select %eq3A_412, %broadcast_in_dim3A_414, %select_n3A_391 : vector<1024x1024xi1>, vector<1024x1024xf32>
    %add3A_416 = vector.broadcast %mul3A_22 : i32 to vector<1024x1xi32>
    %add3A_417 = arith.addi %broadcast_in_dim3A_410, %add3A_416 : vector<1024x1xi32>
    %swap3A_418 = arith.constant 0 : index
    %swap3A_419 = arith.constant 0 : index
    %swap3A_420 = arith.constant 16 : index
    %swap3A_421 = vector.load %arg3[%swap3A_418, %swap3A_419, %swap3A_420] : memref<1x1024x20xi32, #tpu.memory_space<vmem>>, vector<1x1024x1xi32>
    %swap3A_422 = vector.shape_cast %swap3A_421 : vector<1x1024x1xi32> to vector<1024x1xi32>
    %swap3A_423 = vector.shape_cast %add3A_417 : vector<1024x1xi32> to vector<1x1024x1xi32>
    tpu.vector_store %arg3[%swap3A_418, %swap3A_419, %swap3A_420], %swap3A_423 {strides = array<i32>} : memref<1x1024x20xi32, #tpu.memory_space<vmem>>, vector<1x1024x1xi32>,
    %reduce_max3A_424 = arith.constant dense<0xFF800000> : vector<1024xf32>
    %reduce_max3A_425 = vector.multi_reduction <maximumf>, %select_n3A_415, %reduce_max3A_424 [1] : vector<1024x1024xf32> to vector<1024xf32>
    %broadcast_in_dim3A_426 = vector.shape_cast %reduce_max3A_425 : vector<1024xf32> to vector<1024x1xf32>
    %eq3A_427 = vector.broadcast %broadcast_in_dim3A_426 : vector<1024x1xf32> to vector<1024x1024xf32>
    %eq3A_428 = arith.cmpf oeq, %select_n3A_415, %eq3A_427 : vector<1024x1024xf32>
    %jit3A_429 = arith.constant 1024 : i32
    %broadcast_in_dim3A_430 = vector.broadcast %jit3A_429 : i32 to vector<1024x1024xi32>
    %select_n3A_431 = arith.select %eq3A_428, %iota3A, %broadcast_in_dim3A_430 : vector<1024x1024xi1>, vector<1024x1024xi32>
    %reduce_min3A_432 = arith.constant dense<2147483647> : vector<1024xi32>
    %reduce_min3A_433 = vector.multi_reduction <minsi>, %select_n3A_431, %reduce_min3A_432 [1] : vector<1024x1024xi32> to vector<1024xi32>
    %broadcast_in_dim3A_434 = vector.shape_cast %reduce_min3A_433 : vector<1024xi32> to vector<1024x1xi32>
    %eq3A_435 = vector.broadcast %broadcast_in_dim3A_434 : vector<1024x1xi32> to vector<1024x1024xi32>
    %eq3A_436 = arith.cmpi eq, %iota3A, %eq3A_435 : vector<1024x1024xi32>
    %jit3A_437 = arith.constant -3.000000e+38 : f32
    %broadcast_in_dim3A_438 = vector.broadcast %jit3A_437 : f32 to vector<1024x1024xf32>
    %select_n3A_439 = arith.select %eq3A_436, %broadcast_in_dim3A_438, %select_n3A_415 : vector<1024x1024xi1>, vector<1024x1024xf32>
    %add3A_440 = vector.broadcast %mul3A_22 : i32 to vector<1024x1xi32>
    %add3A_441 = arith.addi %broadcast_in_dim3A_434, %add3A_440 : vector<1024x1xi32>
    %swap3A_442 = arith.constant 0 : index
    %swap3A_443 = arith.constant 0 : index
    %swap3A_444 = arith.constant 17 : index
    %swap3A_445 = vector.load %arg3[%swap3A_442, %swap3A_443, %swap3A_444] : memref<1x1024x20xi32, #tpu.memory_space<vmem>>, vector<1x1024x1xi32>
    %swap3A_446 = vector.shape_cast %swap3A_445 : vector<1x1024x1xi32> to vector<1024x1xi32>
    %swap3A_447 = vector.shape_cast %add3A_441 : vector<1024x1xi32> to vector<1x1024x1xi32>
    tpu.vector_store %arg3[%swap3A_442, %swap3A_443, %swap3A_444], %swap3A_447 {strides = array<i32>} : memref<1x1024x20xi32, #tpu.memory_space<vmem>>, vector<1x1024x1xi32>,
    %reduce_max3A_448 = arith.constant dense<0xFF800000> : vector<1024xf32>
    %reduce_max3A_449 = vector.multi_reduction <maximumf>, %select_n3A_439, %reduce_max3A_448 [1] : vector<1024x1024xf32> to vector<1024xf32>
    %broadcast_in_dim3A_450 = vector.shape_cast %reduce_max3A_449 : vector<1024xf32> to vector<1024x1xf32>
    %eq3A_451 = vector.broadcast %broadcast_in_dim3A_450 : vector<1024x1xf32> to vector<1024x1024xf32>
    %eq3A_452 = arith.cmpf oeq, %select_n3A_439, %eq3A_451 : vector<1024x1024xf32>
    %jit3A_453 = arith.constant 1024 : i32
    %broadcast_in_dim3A_454 = vector.broadcast %jit3A_453 : i32 to vector<1024x1024xi32>
    %select_n3A_455 = arith.select %eq3A_452, %iota3A, %broadcast_in_dim3A_454 : vector<1024x1024xi1>, vector<1024x1024xi32>
    %reduce_min3A_456 = arith.constant dense<2147483647> : vector<1024xi32>
    %reduce_min3A_457 = vector.multi_reduction <minsi>, %select_n3A_455, %reduce_min3A_456 [1] : vector<1024x1024xi32> to vector<1024xi32>
    %broadcast_in_dim3A_458 = vector.shape_cast %reduce_min3A_457 : vector<1024xi32> to vector<1024x1xi32>
    %eq3A_459 = vector.broadcast %broadcast_in_dim3A_458 : vector<1024x1xi32> to vector<1024x1024xi32>
    %eq3A_460 = arith.cmpi eq, %iota3A, %eq3A_459 : vector<1024x1024xi32>
    %jit3A_461 = arith.constant -3.000000e+38 : f32
    %broadcast_in_dim3A_462 = vector.broadcast %jit3A_461 : f32 to vector<1024x1024xf32>
    %select_n3A_463 = arith.select %eq3A_460, %broadcast_in_dim3A_462, %select_n3A_439 : vector<1024x1024xi1>, vector<1024x1024xf32>
    %add3A_464 = vector.broadcast %mul3A_22 : i32 to vector<1024x1xi32>
    %add3A_465 = arith.addi %broadcast_in_dim3A_458, %add3A_464 : vector<1024x1xi32>
    %swap3A_466 = arith.constant 0 : index
    %swap3A_467 = arith.constant 0 : index
    %swap3A_468 = arith.constant 18 : index
    %swap3A_469 = vector.load %arg3[%swap3A_466, %swap3A_467, %swap3A_468] : memref<1x1024x20xi32, #tpu.memory_space<vmem>>, vector<1x1024x1xi32>
    %swap3A_470 = vector.shape_cast %swap3A_469 : vector<1x1024x1xi32> to vector<1024x1xi32>
    %swap3A_471 = vector.shape_cast %add3A_465 : vector<1024x1xi32> to vector<1x1024x1xi32>
    tpu.vector_store %arg3[%swap3A_466, %swap3A_467, %swap3A_468], %swap3A_471 {strides = array<i32>} : memref<1x1024x20xi32, #tpu.memory_space<vmem>>, vector<1x1024x1xi32>,
    %reduce_max3A_472 = arith.constant dense<0xFF800000> : vector<1024xf32>
    %reduce_max3A_473 = vector.multi_reduction <maximumf>, %select_n3A_463, %reduce_max3A_472 [1] : vector<1024x1024xf32> to vector<1024xf32>
    %broadcast_in_dim3A_474 = vector.shape_cast %reduce_max3A_473 : vector<1024xf32> to vector<1024x1xf32>
    %eq3A_475 = vector.broadcast %broadcast_in_dim3A_474 : vector<1024x1xf32> to vector<1024x1024xf32>
    %eq3A_476 = arith.cmpf oeq, %select_n3A_463, %eq3A_475 : vector<1024x1024xf32>
    %jit3A_477 = arith.constant 1024 : i32
    %broadcast_in_dim3A_478 = vector.broadcast %jit3A_477 : i32 to vector<1024x1024xi32>
    %select_n3A_479 = arith.select %eq3A_476, %iota3A, %broadcast_in_dim3A_478 : vector<1024x1024xi1>, vector<1024x1024xi32>
    %reduce_min3A_480 = arith.constant dense<2147483647> : vector<1024xi32>
    %reduce_min3A_481 = vector.multi_reduction <minsi>, %select_n3A_479, %reduce_min3A_480 [1] : vector<1024x1024xi32> to vector<1024xi32>
    %broadcast_in_dim3A_482 = vector.shape_cast %reduce_min3A_481 : vector<1024xi32> to vector<1024x1xi32>
    %add3A_483 = vector.broadcast %mul3A_22 : i32 to vector<1024x1xi32>
    %add3A_484 = arith.addi %broadcast_in_dim3A_482, %add3A_483 : vector<1024x1xi32>
    %swap3A_485 = arith.constant 0 : index
    %swap3A_486 = arith.constant 0 : index
    %swap3A_487 = arith.constant 19 : index
    %swap3A_488 = vector.load %arg3[%swap3A_485, %swap3A_486, %swap3A_487] : memref<1x1024x20xi32, #tpu.memory_space<vmem>>, vector<1x1024x1xi32>
    %swap3A_489 = vector.shape_cast %swap3A_488 : vector<1x1024x1xi32> to vector<1024x1xi32>
    %swap3A_490 = vector.shape_cast %add3A_484 : vector<1024x1xi32> to vector<1x1024x1xi32>
    tpu.vector_store %arg3[%swap3A_485, %swap3A_486, %swap3A_487], %swap3A_490 {strides = array<i32>} : memref<1x1024x20xi32, #tpu.memory_space<vmem>>, vector<1x1024x1xi32>,
    return
  }
  func.func @transform_0(%arg0: i32) -> (i32, i32, i32) {
    %c0_i32 = arith.constant 0 : i32
    %c0_i32_0 = arith.constant 0 : i32
    %c0_i32_1 = arith.constant 0 : i32
    return %arg0, %c0_i32, %c0_i32_0 : i32, i32, i32
  }
  func.func @transform_1(%arg0: i32) -> (i32, i32, i32) {
    %c0_i32 = arith.constant 0 : i32
    %c0_i32_0 = arith.constant 0 : i32
    %c0_i32_1 = arith.constant 0 : i32
    return %arg0, %c0_i32, %c0_i32_0 : i32, i32, i32
  }
  func.func @transform_2(%arg0: i32) -> (i32, i32, i32) {
    %c0_i32 = arith.constant 0 : i32
    %c0_i32_0 = arith.constant 0 : i32
    %c0_i32_1 = arith.constant 0 : i32
    return %arg0, %c0_i32, %c0_i32_0 : i32, i32, i32
  }
}

module attributes {stable_mosaic.version = 14 : i64} {
  func.func @body(%arg0: i32, %arg1: i32, %arg2: memref<20x512x128xf32, #tpu.memory_space<vmem>>, %arg3: memref<512x128xf32, #tpu.memory_space<vmem>>, %arg4: memref<6x128xf32, #tpu.memory_space<vmem>>, %arg5: memref<512x128xf32, #tpu.memory_space<vmem>>, %arg6: memref<8x128xf32, #tpu.memory_space<vmem>>) attributes {dimension_semantics = [#tpu.dimension_semantics<arbitrary>, #tpu.dimension_semantics<arbitrary>], iteration_bounds = array<i64: 16, 2>, scalar_prefetch = 0 : i64, scratch_operands = 0 : i64, tpu.core_type = #tpu.core_type<tc>, window_params = [{transform_indices = @transform_0, window_bounds = array<i64: 20, 512, 128>}, {transform_indices = @transform_1, window_bounds = array<i64: 512, 128>}, {pipeline_mode = #tpu.pipeline_mode<synchronous>, transform_indices = @transform_2, window_bounds = array<i64: 6, 128>}, {transform_indices = @transform_3, window_bounds = array<i64: 512, 128>}, {pipeline_mode = #tpu.pipeline_mode<synchronous>, transform_indices = @transform_4, window_bounds = array<i64: 8, 128>}]} {
    %mul3A = arith.constant 2 : i32
    %mul3A_0 = arith.muli %arg0, %mul3A : i32
    %add3A = arith.addi %mul3A_0, %arg1 : i32
    %get3A = arith.constant 0 : index
    %get3A_1 = arith.constant 0 : index
    %get3A_2 = vector.load %arg3[%get3A, %get3A_1] : memref<512x128xf32, #tpu.memory_space<vmem>>, vector<512x128xf32>
    %slice3A = vector.extract_strided_slice %get3A_2 {offsets = [0, 0], sizes = [512, 3], strides = [1, 1]} : vector<512x128xf32> to vector<512x3xf32>
    %get3A_3 = arith.constant 0 : index
    %get3A_4 = arith.constant 0 : index
    %get3A_5 = arith.constant 0 : index
    %get3A_6 = vector.load %arg2[%get3A_3, %get3A_4, %get3A_5] : memref<20x512x128xf32, #tpu.memory_space<vmem>>, vector<1x512x128xf32>
    %get3A_7 = vector.shape_cast %get3A_6 : vector<1x512x128xf32> to vector<512x128xf32>
    %slice3A_8 = vector.extract_strided_slice %get3A_7 {offsets = [0, 0], sizes = [512, 3], strides = [1, 1]} : vector<512x128xf32> to vector<512x3xf32>
    %sub3A = arith.subf %slice3A_8, %slice3A : vector<512x3xf32>
    %concatenate3A = tpu.concatenate %sub3A, %slice3A in 1 : vector<512x3xf32>, vector<512x3xf32> -> vector<512x6xf32>
    %get3A_9 = arith.constant 0 : index
    %get3A_10 = arith.constant 0 : index
    %get3A_11 = vector.load %arg4[%get3A_9, %get3A_10] : memref<6x128xf32, #tpu.memory_space<vmem>>, vector<6x128xf32>
    %dot_general3A = arith.constant dense<0.000000e+00> : vector<512x128xf32>
    %dot_general3A_12 = tpu.matmul %concatenate3A, %get3A_11, %dot_general3A {dimension_numbers = #tpu.dot_dimension_numbers<[1], [0], [0], [1], [0, 0, 1, 1], [], []>, transpose_lhs_hint = false} : vector<512x6xf32>, vector<6x128xf32>, vector<512x128xf32> -> vector<512x128xf32>
    %get3A_13 = arith.constant 1 : index
    %get3A_14 = arith.constant 0 : index
    %get3A_15 = arith.constant 0 : index
    %get3A_16 = vector.load %arg2[%get3A_13, %get3A_14, %get3A_15] : memref<20x512x128xf32, #tpu.memory_space<vmem>>, vector<1x512x128xf32>
    %get3A_17 = vector.shape_cast %get3A_16 : vector<1x512x128xf32> to vector<512x128xf32>
    %slice3A_18 = vector.extract_strided_slice %get3A_17 {offsets = [0, 0], sizes = [512, 3], strides = [1, 1]} : vector<512x128xf32> to vector<512x3xf32>
    %sub3A_19 = arith.subf %slice3A_18, %slice3A : vector<512x3xf32>
    %concatenate3A_20 = tpu.concatenate %sub3A_19, %slice3A in 1 : vector<512x3xf32>, vector<512x3xf32> -> vector<512x6xf32>
    %get3A_21 = arith.constant 0 : index
    %get3A_22 = arith.constant 0 : index
    %get3A_23 = vector.load %arg4[%get3A_21, %get3A_22] : memref<6x128xf32, #tpu.memory_space<vmem>>, vector<6x128xf32>
    %dot_general3A_24 = arith.constant dense<0.000000e+00> : vector<512x128xf32>
    %dot_general3A_25 = tpu.matmul %concatenate3A_20, %get3A_23, %dot_general3A_24 {dimension_numbers = #tpu.dot_dimension_numbers<[1], [0], [0], [1], [0, 0, 1, 1], [], []>, transpose_lhs_hint = false} : vector<512x6xf32>, vector<6x128xf32>, vector<512x128xf32> -> vector<512x128xf32>
    %max3A = arith.maximumf %dot_general3A_12, %dot_general3A_25 : vector<512x128xf32>
    %add3A_26 = arith.addf %dot_general3A_12, %dot_general3A_25 : vector<512x128xf32>
    %get3A_27 = arith.constant 2 : index
    %get3A_28 = arith.constant 0 : index
    %get3A_29 = arith.constant 0 : index
    %get3A_30 = vector.load %arg2[%get3A_27, %get3A_28, %get3A_29] : memref<20x512x128xf32, #tpu.memory_space<vmem>>, vector<1x512x128xf32>
    %get3A_31 = vector.shape_cast %get3A_30 : vector<1x512x128xf32> to vector<512x128xf32>
    %slice3A_32 = vector.extract_strided_slice %get3A_31 {offsets = [0, 0], sizes = [512, 3], strides = [1, 1]} : vector<512x128xf32> to vector<512x3xf32>
    %sub3A_33 = arith.subf %slice3A_32, %slice3A : vector<512x3xf32>
    %concatenate3A_34 = tpu.concatenate %sub3A_33, %slice3A in 1 : vector<512x3xf32>, vector<512x3xf32> -> vector<512x6xf32>
    %get3A_35 = arith.constant 0 : index
    %get3A_36 = arith.constant 0 : index
    %get3A_37 = vector.load %arg4[%get3A_35, %get3A_36] : memref<6x128xf32, #tpu.memory_space<vmem>>, vector<6x128xf32>
    %dot_general3A_38 = arith.constant dense<0.000000e+00> : vector<512x128xf32>
    %dot_general3A_39 = tpu.matmul %concatenate3A_34, %get3A_37, %dot_general3A_38 {dimension_numbers = #tpu.dot_dimension_numbers<[1], [0], [0], [1], [0, 0, 1, 1], [], []>, transpose_lhs_hint = false} : vector<512x6xf32>, vector<6x128xf32>, vector<512x128xf32> -> vector<512x128xf32>
    %max3A_40 = arith.maximumf %max3A, %dot_general3A_39 : vector<512x128xf32>
    %add3A_41 = arith.addf %add3A_26, %dot_general3A_39 : vector<512x128xf32>
    %get3A_42 = arith.constant 3 : index
    %get3A_43 = arith.constant 0 : index
    %get3A_44 = arith.constant 0 : index
    %get3A_45 = vector.load %arg2[%get3A_42, %get3A_43, %get3A_44] : memref<20x512x128xf32, #tpu.memory_space<vmem>>, vector<1x512x128xf32>
    %get3A_46 = vector.shape_cast %get3A_45 : vector<1x512x128xf32> to vector<512x128xf32>
    %slice3A_47 = vector.extract_strided_slice %get3A_46 {offsets = [0, 0], sizes = [512, 3], strides = [1, 1]} : vector<512x128xf32> to vector<512x3xf32>
    %sub3A_48 = arith.subf %slice3A_47, %slice3A : vector<512x3xf32>
    %concatenate3A_49 = tpu.concatenate %sub3A_48, %slice3A in 1 : vector<512x3xf32>, vector<512x3xf32> -> vector<512x6xf32>
    %get3A_50 = arith.constant 0 : index
    %get3A_51 = arith.constant 0 : index
    %get3A_52 = vector.load %arg4[%get3A_50, %get3A_51] : memref<6x128xf32, #tpu.memory_space<vmem>>, vector<6x128xf32>
    %dot_general3A_53 = arith.constant dense<0.000000e+00> : vector<512x128xf32>
    %dot_general3A_54 = tpu.matmul %concatenate3A_49, %get3A_52, %dot_general3A_53 {dimension_numbers = #tpu.dot_dimension_numbers<[1], [0], [0], [1], [0, 0, 1, 1], [], []>, transpose_lhs_hint = false} : vector<512x6xf32>, vector<6x128xf32>, vector<512x128xf32> -> vector<512x128xf32>
    %max3A_55 = arith.maximumf %max3A_40, %dot_general3A_54 : vector<512x128xf32>
    %add3A_56 = arith.addf %add3A_41, %dot_general3A_54 : vector<512x128xf32>
    %get3A_57 = arith.constant 4 : index
    %get3A_58 = arith.constant 0 : index
    %get3A_59 = arith.constant 0 : index
    %get3A_60 = vector.load %arg2[%get3A_57, %get3A_58, %get3A_59] : memref<20x512x128xf32, #tpu.memory_space<vmem>>, vector<1x512x128xf32>
    %get3A_61 = vector.shape_cast %get3A_60 : vector<1x512x128xf32> to vector<512x128xf32>
    %slice3A_62 = vector.extract_strided_slice %get3A_61 {offsets = [0, 0], sizes = [512, 3], strides = [1, 1]} : vector<512x128xf32> to vector<512x3xf32>
    %sub3A_63 = arith.subf %slice3A_62, %slice3A : vector<512x3xf32>
    %concatenate3A_64 = tpu.concatenate %sub3A_63, %slice3A in 1 : vector<512x3xf32>, vector<512x3xf32> -> vector<512x6xf32>
    %get3A_65 = arith.constant 0 : index
    %get3A_66 = arith.constant 0 : index
    %get3A_67 = vector.load %arg4[%get3A_65, %get3A_66] : memref<6x128xf32, #tpu.memory_space<vmem>>, vector<6x128xf32>
    %dot_general3A_68 = arith.constant dense<0.000000e+00> : vector<512x128xf32>
    %dot_general3A_69 = tpu.matmul %concatenate3A_64, %get3A_67, %dot_general3A_68 {dimension_numbers = #tpu.dot_dimension_numbers<[1], [0], [0], [1], [0, 0, 1, 1], [], []>, transpose_lhs_hint = false} : vector<512x6xf32>, vector<6x128xf32>, vector<512x128xf32> -> vector<512x128xf32>
    %max3A_70 = arith.maximumf %max3A_55, %dot_general3A_69 : vector<512x128xf32>
    %add3A_71 = arith.addf %add3A_56, %dot_general3A_69 : vector<512x128xf32>
    %get3A_72 = arith.constant 5 : index
    %get3A_73 = arith.constant 0 : index
    %get3A_74 = arith.constant 0 : index
    %get3A_75 = vector.load %arg2[%get3A_72, %get3A_73, %get3A_74] : memref<20x512x128xf32, #tpu.memory_space<vmem>>, vector<1x512x128xf32>
    %get3A_76 = vector.shape_cast %get3A_75 : vector<1x512x128xf32> to vector<512x128xf32>
    %slice3A_77 = vector.extract_strided_slice %get3A_76 {offsets = [0, 0], sizes = [512, 3], strides = [1, 1]} : vector<512x128xf32> to vector<512x3xf32>
    %sub3A_78 = arith.subf %slice3A_77, %slice3A : vector<512x3xf32>
    %concatenate3A_79 = tpu.concatenate %sub3A_78, %slice3A in 1 : vector<512x3xf32>, vector<512x3xf32> -> vector<512x6xf32>
    %get3A_80 = arith.constant 0 : index
    %get3A_81 = arith.constant 0 : index
    %get3A_82 = vector.load %arg4[%get3A_80, %get3A_81] : memref<6x128xf32, #tpu.memory_space<vmem>>, vector<6x128xf32>
    %dot_general3A_83 = arith.constant dense<0.000000e+00> : vector<512x128xf32>
    %dot_general3A_84 = tpu.matmul %concatenate3A_79, %get3A_82, %dot_general3A_83 {dimension_numbers = #tpu.dot_dimension_numbers<[1], [0], [0], [1], [0, 0, 1, 1], [], []>, transpose_lhs_hint = false} : vector<512x6xf32>, vector<6x128xf32>, vector<512x128xf32> -> vector<512x128xf32>
    %max3A_85 = arith.maximumf %max3A_70, %dot_general3A_84 : vector<512x128xf32>
    %add3A_86 = arith.addf %add3A_71, %dot_general3A_84 : vector<512x128xf32>
    %get3A_87 = arith.constant 6 : index
    %get3A_88 = arith.constant 0 : index
    %get3A_89 = arith.constant 0 : index
    %get3A_90 = vector.load %arg2[%get3A_87, %get3A_88, %get3A_89] : memref<20x512x128xf32, #tpu.memory_space<vmem>>, vector<1x512x128xf32>
    %get3A_91 = vector.shape_cast %get3A_90 : vector<1x512x128xf32> to vector<512x128xf32>
    %slice3A_92 = vector.extract_strided_slice %get3A_91 {offsets = [0, 0], sizes = [512, 3], strides = [1, 1]} : vector<512x128xf32> to vector<512x3xf32>
    %sub3A_93 = arith.subf %slice3A_92, %slice3A : vector<512x3xf32>
    %concatenate3A_94 = tpu.concatenate %sub3A_93, %slice3A in 1 : vector<512x3xf32>, vector<512x3xf32> -> vector<512x6xf32>
    %get3A_95 = arith.constant 0 : index
    %get3A_96 = arith.constant 0 : index
    %get3A_97 = vector.load %arg4[%get3A_95, %get3A_96] : memref<6x128xf32, #tpu.memory_space<vmem>>, vector<6x128xf32>
    %dot_general3A_98 = arith.constant dense<0.000000e+00> : vector<512x128xf32>
    %dot_general3A_99 = tpu.matmul %concatenate3A_94, %get3A_97, %dot_general3A_98 {dimension_numbers = #tpu.dot_dimension_numbers<[1], [0], [0], [1], [0, 0, 1, 1], [], []>, transpose_lhs_hint = false} : vector<512x6xf32>, vector<6x128xf32>, vector<512x128xf32> -> vector<512x128xf32>
    %max3A_100 = arith.maximumf %max3A_85, %dot_general3A_99 : vector<512x128xf32>
    %add3A_101 = arith.addf %add3A_86, %dot_general3A_99 : vector<512x128xf32>
    %get3A_102 = arith.constant 7 : index
    %get3A_103 = arith.constant 0 : index
    %get3A_104 = arith.constant 0 : index
    %get3A_105 = vector.load %arg2[%get3A_102, %get3A_103, %get3A_104] : memref<20x512x128xf32, #tpu.memory_space<vmem>>, vector<1x512x128xf32>
    %get3A_106 = vector.shape_cast %get3A_105 : vector<1x512x128xf32> to vector<512x128xf32>
    %slice3A_107 = vector.extract_strided_slice %get3A_106 {offsets = [0, 0], sizes = [512, 3], strides = [1, 1]} : vector<512x128xf32> to vector<512x3xf32>
    %sub3A_108 = arith.subf %slice3A_107, %slice3A : vector<512x3xf32>
    %concatenate3A_109 = tpu.concatenate %sub3A_108, %slice3A in 1 : vector<512x3xf32>, vector<512x3xf32> -> vector<512x6xf32>
    %get3A_110 = arith.constant 0 : index
    %get3A_111 = arith.constant 0 : index
    %get3A_112 = vector.load %arg4[%get3A_110, %get3A_111] : memref<6x128xf32, #tpu.memory_space<vmem>>, vector<6x128xf32>
    %dot_general3A_113 = arith.constant dense<0.000000e+00> : vector<512x128xf32>
    %dot_general3A_114 = tpu.matmul %concatenate3A_109, %get3A_112, %dot_general3A_113 {dimension_numbers = #tpu.dot_dimension_numbers<[1], [0], [0], [1], [0, 0, 1, 1], [], []>, transpose_lhs_hint = false} : vector<512x6xf32>, vector<6x128xf32>, vector<512x128xf32> -> vector<512x128xf32>
    %max3A_115 = arith.maximumf %max3A_100, %dot_general3A_114 : vector<512x128xf32>
    %add3A_116 = arith.addf %add3A_101, %dot_general3A_114 : vector<512x128xf32>
    %get3A_117 = arith.constant 8 : index
    %get3A_118 = arith.constant 0 : index
    %get3A_119 = arith.constant 0 : index
    %get3A_120 = vector.load %arg2[%get3A_117, %get3A_118, %get3A_119] : memref<20x512x128xf32, #tpu.memory_space<vmem>>, vector<1x512x128xf32>
    %get3A_121 = vector.shape_cast %get3A_120 : vector<1x512x128xf32> to vector<512x128xf32>
    %slice3A_122 = vector.extract_strided_slice %get3A_121 {offsets = [0, 0], sizes = [512, 3], strides = [1, 1]} : vector<512x128xf32> to vector<512x3xf32>
    %sub3A_123 = arith.subf %slice3A_122, %slice3A : vector<512x3xf32>
    %concatenate3A_124 = tpu.concatenate %sub3A_123, %slice3A in 1 : vector<512x3xf32>, vector<512x3xf32> -> vector<512x6xf32>
    %get3A_125 = arith.constant 0 : index
    %get3A_126 = arith.constant 0 : index
    %get3A_127 = vector.load %arg4[%get3A_125, %get3A_126] : memref<6x128xf32, #tpu.memory_space<vmem>>, vector<6x128xf32>
    %dot_general3A_128 = arith.constant dense<0.000000e+00> : vector<512x128xf32>
    %dot_general3A_129 = tpu.matmul %concatenate3A_124, %get3A_127, %dot_general3A_128 {dimension_numbers = #tpu.dot_dimension_numbers<[1], [0], [0], [1], [0, 0, 1, 1], [], []>, transpose_lhs_hint = false} : vector<512x6xf32>, vector<6x128xf32>, vector<512x128xf32> -> vector<512x128xf32>
    %max3A_130 = arith.maximumf %max3A_115, %dot_general3A_129 : vector<512x128xf32>
    %add3A_131 = arith.addf %add3A_116, %dot_general3A_129 : vector<512x128xf32>
    %get3A_132 = arith.constant 9 : index
    %get3A_133 = arith.constant 0 : index
    %get3A_134 = arith.constant 0 : index
    %get3A_135 = vector.load %arg2[%get3A_132, %get3A_133, %get3A_134] : memref<20x512x128xf32, #tpu.memory_space<vmem>>, vector<1x512x128xf32>
    %get3A_136 = vector.shape_cast %get3A_135 : vector<1x512x128xf32> to vector<512x128xf32>
    %slice3A_137 = vector.extract_strided_slice %get3A_136 {offsets = [0, 0], sizes = [512, 3], strides = [1, 1]} : vector<512x128xf32> to vector<512x3xf32>
    %sub3A_138 = arith.subf %slice3A_137, %slice3A : vector<512x3xf32>
    %concatenate3A_139 = tpu.concatenate %sub3A_138, %slice3A in 1 : vector<512x3xf32>, vector<512x3xf32> -> vector<512x6xf32>
    %get3A_140 = arith.constant 0 : index
    %get3A_141 = arith.constant 0 : index
    %get3A_142 = vector.load %arg4[%get3A_140, %get3A_141] : memref<6x128xf32, #tpu.memory_space<vmem>>, vector<6x128xf32>
    %dot_general3A_143 = arith.constant dense<0.000000e+00> : vector<512x128xf32>
    %dot_general3A_144 = tpu.matmul %concatenate3A_139, %get3A_142, %dot_general3A_143 {dimension_numbers = #tpu.dot_dimension_numbers<[1], [0], [0], [1], [0, 0, 1, 1], [], []>, transpose_lhs_hint = false} : vector<512x6xf32>, vector<6x128xf32>, vector<512x128xf32> -> vector<512x128xf32>
    %max3A_145 = arith.maximumf %max3A_130, %dot_general3A_144 : vector<512x128xf32>
    %add3A_146 = arith.addf %add3A_131, %dot_general3A_144 : vector<512x128xf32>
    %get3A_147 = arith.constant 10 : index
    %get3A_148 = arith.constant 0 : index
    %get3A_149 = arith.constant 0 : index
    %get3A_150 = vector.load %arg2[%get3A_147, %get3A_148, %get3A_149] : memref<20x512x128xf32, #tpu.memory_space<vmem>>, vector<1x512x128xf32>
    %get3A_151 = vector.shape_cast %get3A_150 : vector<1x512x128xf32> to vector<512x128xf32>
    %slice3A_152 = vector.extract_strided_slice %get3A_151 {offsets = [0, 0], sizes = [512, 3], strides = [1, 1]} : vector<512x128xf32> to vector<512x3xf32>
    %sub3A_153 = arith.subf %slice3A_152, %slice3A : vector<512x3xf32>
    %concatenate3A_154 = tpu.concatenate %sub3A_153, %slice3A in 1 : vector<512x3xf32>, vector<512x3xf32> -> vector<512x6xf32>
    %get3A_155 = arith.constant 0 : index
    %get3A_156 = arith.constant 0 : index
    %get3A_157 = vector.load %arg4[%get3A_155, %get3A_156] : memref<6x128xf32, #tpu.memory_space<vmem>>, vector<6x128xf32>
    %dot_general3A_158 = arith.constant dense<0.000000e+00> : vector<512x128xf32>
    %dot_general3A_159 = tpu.matmul %concatenate3A_154, %get3A_157, %dot_general3A_158 {dimension_numbers = #tpu.dot_dimension_numbers<[1], [0], [0], [1], [0, 0, 1, 1], [], []>, transpose_lhs_hint = false} : vector<512x6xf32>, vector<6x128xf32>, vector<512x128xf32> -> vector<512x128xf32>
    %max3A_160 = arith.maximumf %max3A_145, %dot_general3A_159 : vector<512x128xf32>
    %add3A_161 = arith.addf %add3A_146, %dot_general3A_159 : vector<512x128xf32>
    %get3A_162 = arith.constant 11 : index
    %get3A_163 = arith.constant 0 : index
    %get3A_164 = arith.constant 0 : index
    %get3A_165 = vector.load %arg2[%get3A_162, %get3A_163, %get3A_164] : memref<20x512x128xf32, #tpu.memory_space<vmem>>, vector<1x512x128xf32>
    %get3A_166 = vector.shape_cast %get3A_165 : vector<1x512x128xf32> to vector<512x128xf32>
    %slice3A_167 = vector.extract_strided_slice %get3A_166 {offsets = [0, 0], sizes = [512, 3], strides = [1, 1]} : vector<512x128xf32> to vector<512x3xf32>
    %sub3A_168 = arith.subf %slice3A_167, %slice3A : vector<512x3xf32>
    %concatenate3A_169 = tpu.concatenate %sub3A_168, %slice3A in 1 : vector<512x3xf32>, vector<512x3xf32> -> vector<512x6xf32>
    %get3A_170 = arith.constant 0 : index
    %get3A_171 = arith.constant 0 : index
    %get3A_172 = vector.load %arg4[%get3A_170, %get3A_171] : memref<6x128xf32, #tpu.memory_space<vmem>>, vector<6x128xf32>
    %dot_general3A_173 = arith.constant dense<0.000000e+00> : vector<512x128xf32>
    %dot_general3A_174 = tpu.matmul %concatenate3A_169, %get3A_172, %dot_general3A_173 {dimension_numbers = #tpu.dot_dimension_numbers<[1], [0], [0], [1], [0, 0, 1, 1], [], []>, transpose_lhs_hint = false} : vector<512x6xf32>, vector<6x128xf32>, vector<512x128xf32> -> vector<512x128xf32>
    %max3A_175 = arith.maximumf %max3A_160, %dot_general3A_174 : vector<512x128xf32>
    %add3A_176 = arith.addf %add3A_161, %dot_general3A_174 : vector<512x128xf32>
    %get3A_177 = arith.constant 12 : index
    %get3A_178 = arith.constant 0 : index
    %get3A_179 = arith.constant 0 : index
    %get3A_180 = vector.load %arg2[%get3A_177, %get3A_178, %get3A_179] : memref<20x512x128xf32, #tpu.memory_space<vmem>>, vector<1x512x128xf32>
    %get3A_181 = vector.shape_cast %get3A_180 : vector<1x512x128xf32> to vector<512x128xf32>
    %slice3A_182 = vector.extract_strided_slice %get3A_181 {offsets = [0, 0], sizes = [512, 3], strides = [1, 1]} : vector<512x128xf32> to vector<512x3xf32>
    %sub3A_183 = arith.subf %slice3A_182, %slice3A : vector<512x3xf32>
    %concatenate3A_184 = tpu.concatenate %sub3A_183, %slice3A in 1 : vector<512x3xf32>, vector<512x3xf32> -> vector<512x6xf32>
    %get3A_185 = arith.constant 0 : index
    %get3A_186 = arith.constant 0 : index
    %get3A_187 = vector.load %arg4[%get3A_185, %get3A_186] : memref<6x128xf32, #tpu.memory_space<vmem>>, vector<6x128xf32>
    %dot_general3A_188 = arith.constant dense<0.000000e+00> : vector<512x128xf32>
    %dot_general3A_189 = tpu.matmul %concatenate3A_184, %get3A_187, %dot_general3A_188 {dimension_numbers = #tpu.dot_dimension_numbers<[1], [0], [0], [1], [0, 0, 1, 1], [], []>, transpose_lhs_hint = false} : vector<512x6xf32>, vector<6x128xf32>, vector<512x128xf32> -> vector<512x128xf32>
    %max3A_190 = arith.maximumf %max3A_175, %dot_general3A_189 : vector<512x128xf32>
    %add3A_191 = arith.addf %add3A_176, %dot_general3A_189 : vector<512x128xf32>
    %get3A_192 = arith.constant 13 : index
    %get3A_193 = arith.constant 0 : index
    %get3A_194 = arith.constant 0 : index
    %get3A_195 = vector.load %arg2[%get3A_192, %get3A_193, %get3A_194] : memref<20x512x128xf32, #tpu.memory_space<vmem>>, vector<1x512x128xf32>
    %get3A_196 = vector.shape_cast %get3A_195 : vector<1x512x128xf32> to vector<512x128xf32>
    %slice3A_197 = vector.extract_strided_slice %get3A_196 {offsets = [0, 0], sizes = [512, 3], strides = [1, 1]} : vector<512x128xf32> to vector<512x3xf32>
    %sub3A_198 = arith.subf %slice3A_197, %slice3A : vector<512x3xf32>
    %concatenate3A_199 = tpu.concatenate %sub3A_198, %slice3A in 1 : vector<512x3xf32>, vector<512x3xf32> -> vector<512x6xf32>
    %get3A_200 = arith.constant 0 : index
    %get3A_201 = arith.constant 0 : index
    %get3A_202 = vector.load %arg4[%get3A_200, %get3A_201] : memref<6x128xf32, #tpu.memory_space<vmem>>, vector<6x128xf32>
    %dot_general3A_203 = arith.constant dense<0.000000e+00> : vector<512x128xf32>
    %dot_general3A_204 = tpu.matmul %concatenate3A_199, %get3A_202, %dot_general3A_203 {dimension_numbers = #tpu.dot_dimension_numbers<[1], [0], [0], [1], [0, 0, 1, 1], [], []>, transpose_lhs_hint = false} : vector<512x6xf32>, vector<6x128xf32>, vector<512x128xf32> -> vector<512x128xf32>
    %max3A_205 = arith.maximumf %max3A_190, %dot_general3A_204 : vector<512x128xf32>
    %add3A_206 = arith.addf %add3A_191, %dot_general3A_204 : vector<512x128xf32>
    %get3A_207 = arith.constant 14 : index
    %get3A_208 = arith.constant 0 : index
    %get3A_209 = arith.constant 0 : index
    %get3A_210 = vector.load %arg2[%get3A_207, %get3A_208, %get3A_209] : memref<20x512x128xf32, #tpu.memory_space<vmem>>, vector<1x512x128xf32>
    %get3A_211 = vector.shape_cast %get3A_210 : vector<1x512x128xf32> to vector<512x128xf32>
    %slice3A_212 = vector.extract_strided_slice %get3A_211 {offsets = [0, 0], sizes = [512, 3], strides = [1, 1]} : vector<512x128xf32> to vector<512x3xf32>
    %sub3A_213 = arith.subf %slice3A_212, %slice3A : vector<512x3xf32>
    %concatenate3A_214 = tpu.concatenate %sub3A_213, %slice3A in 1 : vector<512x3xf32>, vector<512x3xf32> -> vector<512x6xf32>
    %get3A_215 = arith.constant 0 : index
    %get3A_216 = arith.constant 0 : index
    %get3A_217 = vector.load %arg4[%get3A_215, %get3A_216] : memref<6x128xf32, #tpu.memory_space<vmem>>, vector<6x128xf32>
    %dot_general3A_218 = arith.constant dense<0.000000e+00> : vector<512x128xf32>
    %dot_general3A_219 = tpu.matmul %concatenate3A_214, %get3A_217, %dot_general3A_218 {dimension_numbers = #tpu.dot_dimension_numbers<[1], [0], [0], [1], [0, 0, 1, 1], [], []>, transpose_lhs_hint = false} : vector<512x6xf32>, vector<6x128xf32>, vector<512x128xf32> -> vector<512x128xf32>
    %max3A_220 = arith.maximumf %max3A_205, %dot_general3A_219 : vector<512x128xf32>
    %add3A_221 = arith.addf %add3A_206, %dot_general3A_219 : vector<512x128xf32>
    %get3A_222 = arith.constant 15 : index
    %get3A_223 = arith.constant 0 : index
    %get3A_224 = arith.constant 0 : index
    %get3A_225 = vector.load %arg2[%get3A_222, %get3A_223, %get3A_224] : memref<20x512x128xf32, #tpu.memory_space<vmem>>, vector<1x512x128xf32>
    %get3A_226 = vector.shape_cast %get3A_225 : vector<1x512x128xf32> to vector<512x128xf32>
    %slice3A_227 = vector.extract_strided_slice %get3A_226 {offsets = [0, 0], sizes = [512, 3], strides = [1, 1]} : vector<512x128xf32> to vector<512x3xf32>
    %sub3A_228 = arith.subf %slice3A_227, %slice3A : vector<512x3xf32>
    %concatenate3A_229 = tpu.concatenate %sub3A_228, %slice3A in 1 : vector<512x3xf32>, vector<512x3xf32> -> vector<512x6xf32>
    %get3A_230 = arith.constant 0 : index
    %get3A_231 = arith.constant 0 : index
    %get3A_232 = vector.load %arg4[%get3A_230, %get3A_231] : memref<6x128xf32, #tpu.memory_space<vmem>>, vector<6x128xf32>
    %dot_general3A_233 = arith.constant dense<0.000000e+00> : vector<512x128xf32>
    %dot_general3A_234 = tpu.matmul %concatenate3A_229, %get3A_232, %dot_general3A_233 {dimension_numbers = #tpu.dot_dimension_numbers<[1], [0], [0], [1], [0, 0, 1, 1], [], []>, transpose_lhs_hint = false} : vector<512x6xf32>, vector<6x128xf32>, vector<512x128xf32> -> vector<512x128xf32>
    %max3A_235 = arith.maximumf %max3A_220, %dot_general3A_234 : vector<512x128xf32>
    %add3A_236 = arith.addf %add3A_221, %dot_general3A_234 : vector<512x128xf32>
    %get3A_237 = arith.constant 16 : index
    %get3A_238 = arith.constant 0 : index
    %get3A_239 = arith.constant 0 : index
    %get3A_240 = vector.load %arg2[%get3A_237, %get3A_238, %get3A_239] : memref<20x512x128xf32, #tpu.memory_space<vmem>>, vector<1x512x128xf32>
    %get3A_241 = vector.shape_cast %get3A_240 : vector<1x512x128xf32> to vector<512x128xf32>
    %slice3A_242 = vector.extract_strided_slice %get3A_241 {offsets = [0, 0], sizes = [512, 3], strides = [1, 1]} : vector<512x128xf32> to vector<512x3xf32>
    %sub3A_243 = arith.subf %slice3A_242, %slice3A : vector<512x3xf32>
    %concatenate3A_244 = tpu.concatenate %sub3A_243, %slice3A in 1 : vector<512x3xf32>, vector<512x3xf32> -> vector<512x6xf32>
    %get3A_245 = arith.constant 0 : index
    %get3A_246 = arith.constant 0 : index
    %get3A_247 = vector.load %arg4[%get3A_245, %get3A_246] : memref<6x128xf32, #tpu.memory_space<vmem>>, vector<6x128xf32>
    %dot_general3A_248 = arith.constant dense<0.000000e+00> : vector<512x128xf32>
    %dot_general3A_249 = tpu.matmul %concatenate3A_244, %get3A_247, %dot_general3A_248 {dimension_numbers = #tpu.dot_dimension_numbers<[1], [0], [0], [1], [0, 0, 1, 1], [], []>, transpose_lhs_hint = false} : vector<512x6xf32>, vector<6x128xf32>, vector<512x128xf32> -> vector<512x128xf32>
    %max3A_250 = arith.maximumf %max3A_235, %dot_general3A_249 : vector<512x128xf32>
    %add3A_251 = arith.addf %add3A_236, %dot_general3A_249 : vector<512x128xf32>
    %get3A_252 = arith.constant 17 : index
    %get3A_253 = arith.constant 0 : index
    %get3A_254 = arith.constant 0 : index
    %get3A_255 = vector.load %arg2[%get3A_252, %get3A_253, %get3A_254] : memref<20x512x128xf32, #tpu.memory_space<vmem>>, vector<1x512x128xf32>
    %get3A_256 = vector.shape_cast %get3A_255 : vector<1x512x128xf32> to vector<512x128xf32>
    %slice3A_257 = vector.extract_strided_slice %get3A_256 {offsets = [0, 0], sizes = [512, 3], strides = [1, 1]} : vector<512x128xf32> to vector<512x3xf32>
    %sub3A_258 = arith.subf %slice3A_257, %slice3A : vector<512x3xf32>
    %concatenate3A_259 = tpu.concatenate %sub3A_258, %slice3A in 1 : vector<512x3xf32>, vector<512x3xf32> -> vector<512x6xf32>
    %get3A_260 = arith.constant 0 : index
    %get3A_261 = arith.constant 0 : index
    %get3A_262 = vector.load %arg4[%get3A_260, %get3A_261] : memref<6x128xf32, #tpu.memory_space<vmem>>, vector<6x128xf32>
    %dot_general3A_263 = arith.constant dense<0.000000e+00> : vector<512x128xf32>
    %dot_general3A_264 = tpu.matmul %concatenate3A_259, %get3A_262, %dot_general3A_263 {dimension_numbers = #tpu.dot_dimension_numbers<[1], [0], [0], [1], [0, 0, 1, 1], [], []>, transpose_lhs_hint = false} : vector<512x6xf32>, vector<6x128xf32>, vector<512x128xf32> -> vector<512x128xf32>
    %max3A_265 = arith.maximumf %max3A_250, %dot_general3A_264 : vector<512x128xf32>
    %add3A_266 = arith.addf %add3A_251, %dot_general3A_264 : vector<512x128xf32>
    %get3A_267 = arith.constant 18 : index
    %get3A_268 = arith.constant 0 : index
    %get3A_269 = arith.constant 0 : index
    %get3A_270 = vector.load %arg2[%get3A_267, %get3A_268, %get3A_269] : memref<20x512x128xf32, #tpu.memory_space<vmem>>, vector<1x512x128xf32>
    %get3A_271 = vector.shape_cast %get3A_270 : vector<1x512x128xf32> to vector<512x128xf32>
    %slice3A_272 = vector.extract_strided_slice %get3A_271 {offsets = [0, 0], sizes = [512, 3], strides = [1, 1]} : vector<512x128xf32> to vector<512x3xf32>
    %sub3A_273 = arith.subf %slice3A_272, %slice3A : vector<512x3xf32>
    %concatenate3A_274 = tpu.concatenate %sub3A_273, %slice3A in 1 : vector<512x3xf32>, vector<512x3xf32> -> vector<512x6xf32>
    %get3A_275 = arith.constant 0 : index
    %get3A_276 = arith.constant 0 : index
    %get3A_277 = vector.load %arg4[%get3A_275, %get3A_276] : memref<6x128xf32, #tpu.memory_space<vmem>>, vector<6x128xf32>
    %dot_general3A_278 = arith.constant dense<0.000000e+00> : vector<512x128xf32>
    %dot_general3A_279 = tpu.matmul %concatenate3A_274, %get3A_277, %dot_general3A_278 {dimension_numbers = #tpu.dot_dimension_numbers<[1], [0], [0], [1], [0, 0, 1, 1], [], []>, transpose_lhs_hint = false} : vector<512x6xf32>, vector<6x128xf32>, vector<512x128xf32> -> vector<512x128xf32>
    %max3A_280 = arith.maximumf %max3A_265, %dot_general3A_279 : vector<512x128xf32>
    %add3A_281 = arith.addf %add3A_266, %dot_general3A_279 : vector<512x128xf32>
    %get3A_282 = arith.constant 19 : index
    %get3A_283 = arith.constant 0 : index
    %get3A_284 = arith.constant 0 : index
    %get3A_285 = vector.load %arg2[%get3A_282, %get3A_283, %get3A_284] : memref<20x512x128xf32, #tpu.memory_space<vmem>>, vector<1x512x128xf32>
    %get3A_286 = vector.shape_cast %get3A_285 : vector<1x512x128xf32> to vector<512x128xf32>
    %slice3A_287 = vector.extract_strided_slice %get3A_286 {offsets = [0, 0], sizes = [512, 3], strides = [1, 1]} : vector<512x128xf32> to vector<512x3xf32>
    %sub3A_288 = arith.subf %slice3A_287, %slice3A : vector<512x3xf32>
    %concatenate3A_289 = tpu.concatenate %sub3A_288, %slice3A in 1 : vector<512x3xf32>, vector<512x3xf32> -> vector<512x6xf32>
    %get3A_290 = arith.constant 0 : index
    %get3A_291 = arith.constant 0 : index
    %get3A_292 = vector.load %arg4[%get3A_290, %get3A_291] : memref<6x128xf32, #tpu.memory_space<vmem>>, vector<6x128xf32>
    %dot_general3A_293 = arith.constant dense<0.000000e+00> : vector<512x128xf32>
    %dot_general3A_294 = tpu.matmul %concatenate3A_289, %get3A_292, %dot_general3A_293 {dimension_numbers = #tpu.dot_dimension_numbers<[1], [0], [0], [1], [0, 0, 1, 1], [], []>, transpose_lhs_hint = false} : vector<512x6xf32>, vector<6x128xf32>, vector<512x128xf32> -> vector<512x128xf32>
    %max3A_295 = arith.maximumf %max3A_280, %dot_general3A_294 : vector<512x128xf32>
    %add3A_296 = arith.addf %add3A_281, %dot_general3A_294 : vector<512x128xf32>
    %swap3A = arith.constant 0 : index
    %swap3A_297 = arith.constant 0 : index
    %swap3A_298 = vector.load %arg5[%swap3A, %swap3A_297] : memref<512x128xf32, #tpu.memory_space<vmem>>, vector<512x128xf32>
    tpu.vector_store %arg5[%swap3A, %swap3A_297], %max3A_295 {strides = array<i32>} : memref<512x128xf32, #tpu.memory_space<vmem>>, vector<512x128xf32>,
    %reduce_sum3A = arith.constant dense<0.000000e+00> : vector<128xf32>
    %reduce_sum3A_299 = vector.multi_reduction <add>, %add3A_296, %reduce_sum3A [0] : vector<512x128xf32> to vector<128xf32>
    %broadcast_in_dim3A = vector.shape_cast %reduce_sum3A_299 : vector<128xf32> to vector<1x128xf32>
    %broadcast_in_dim3A_300 = arith.constant 0.000000e+00 : f32
    %broadcast_in_dim3A_301 = vector.broadcast %broadcast_in_dim3A_300 : f32 to vector<7x128xf32>
    %concatenate3A_302 = tpu.concatenate %broadcast_in_dim3A, %broadcast_in_dim3A_301 in 0 : vector<1x128xf32>, vector<7x128xf32> -> vector<8x128xf32>
    %eq3A = arith.constant 0 : i32
    %eq3A_303 = arith.cmpi eq, %add3A, %eq3A : i32
    %convert_element_type3A = arith.extui %eq3A_303 : i1 to i32
    %cond3A = arith.constant 0 : i32
    %cond3A_304 = arith.cmpi ne, %convert_element_type3A, %cond3A : i32
    scf.if %cond3A_304 {
      %broadcast_in_dim3A_312 = arith.constant 0.000000e+00 : f32
      %broadcast_in_dim3A_313 = vector.broadcast %broadcast_in_dim3A_312 : f32 to vector<8x128xf32>
      %swap3A_314 = arith.constant 0 : index
      %swap3A_315 = arith.constant 0 : index
      %swap3A_316 = vector.load %arg6[%swap3A_314, %swap3A_315] : memref<8x128xf32, #tpu.memory_space<vmem>>, vector<8x128xf32>
      tpu.vector_store %arg6[%swap3A_314, %swap3A_315], %broadcast_in_dim3A_313 {strides = array<i32>} : memref<8x128xf32, #tpu.memory_space<vmem>>, vector<8x128xf32>,
    } else {
    }
    %get3A_305 = arith.constant 0 : index
    %get3A_306 = arith.constant 0 : index
    %get3A_307 = vector.load %arg6[%get3A_305, %get3A_306] : memref<8x128xf32, #tpu.memory_space<vmem>>, vector<8x128xf32>
    %add3A_308 = arith.addf %get3A_307, %concatenate3A_302 : vector<8x128xf32>
    %swap3A_309 = arith.constant 0 : index
    %swap3A_310 = arith.constant 0 : index
    %swap3A_311 = vector.load %arg6[%swap3A_309, %swap3A_310] : memref<8x128xf32, #tpu.memory_space<vmem>>, vector<8x128xf32>
    tpu.vector_store %arg6[%swap3A_309, %swap3A_310], %add3A_308 {strides = array<i32>} : memref<8x128xf32, #tpu.memory_space<vmem>>, vector<8x128xf32>,
    return
  }
  func.func @transform_0(%arg0: i32, %arg1: i32) -> (i32, i32, i32) {
    %mul3A = arith.constant 2 : i32
    %mul3A_0 = arith.muli %arg0, %mul3A : i32
    %add3A = arith.addi %mul3A_0, %arg1 : i32
    %c0_i32 = arith.constant 0 : i32
    %c0_i32_1 = arith.constant 0 : i32
    %c0_i32_2 = arith.constant 0 : i32
    return %c0_i32, %add3A, %c0_i32_1 : i32, i32, i32
  }
  func.func @transform_1(%arg0: i32, %arg1: i32) -> (i32, i32) {
    %mul3A = arith.constant 2 : i32
    %mul3A_0 = arith.muli %arg0, %mul3A : i32
    %add3A = arith.addi %mul3A_0, %arg1 : i32
    %c0_i32 = arith.constant 0 : i32
    %c0_i32_1 = arith.constant 0 : i32
    return %add3A, %c0_i32 : i32, i32
  }
  func.func @transform_2(%arg0: i32, %arg1: i32) -> (i32, i32) {
    %c0_i32 = arith.constant 0 : i32
    %c0_i32_0 = arith.constant 0 : i32
    %c0_i32_1 = arith.constant 0 : i32
    return %c0_i32, %c0_i32_0 : i32, i32
  }
  func.func @transform_3(%arg0: i32, %arg1: i32) -> (i32, i32) {
    %mul3A = arith.constant 2 : i32
    %mul3A_0 = arith.muli %arg0, %mul3A : i32
    %add3A = arith.addi %mul3A_0, %arg1 : i32
    %c0_i32 = arith.constant 0 : i32
    %c0_i32_1 = arith.constant 0 : i32
    return %add3A, %c0_i32 : i32, i32
  }
  func.func @transform_4(%arg0: i32, %arg1: i32) -> (i32, i32) {
    %c0_i32 = arith.constant 0 : i32
    %c0_i32_0 = arith.constant 0 : i32
    %c0_i32_1 = arith.constant 0 : i32
    return %c0_i32, %c0_i32_0 : i32, i32
  }
}

module attributes {stable_mosaic.version = 14 : i64} {
  func.func @body(%arg0: i32, %arg1: i32, %arg2: memref<20x512x128xf32, #tpu.memory_space<vmem>>, %arg3: memref<512x128xf32, #tpu.memory_space<vmem>>, %arg4: memref<6x128xf32, #tpu.memory_space<vmem>>, %arg5: memref<8x128xf32, #tpu.memory_space<vmem>>, %arg6: memref<8x128xf32, #tpu.memory_space<vmem>>) attributes {dimension_semantics = [#tpu.dimension_semantics<arbitrary>, #tpu.dimension_semantics<arbitrary>], iteration_bounds = array<i64: 16, 2>, scalar_prefetch = 0 : i64, scratch_operands = 0 : i64, tpu.core_type = #tpu.core_type<tc>, window_params = [{transform_indices = @transform_0, window_bounds = array<i64: 20, 512, 128>}, {transform_indices = @transform_1, window_bounds = array<i64: 512, 128>}, {pipeline_mode = #tpu.pipeline_mode<synchronous>, transform_indices = @transform_2, window_bounds = array<i64: 6, 128>}, {pipeline_mode = #tpu.pipeline_mode<synchronous>, transform_indices = @transform_3, window_bounds = array<i64: 8, 128>}, {pipeline_mode = #tpu.pipeline_mode<synchronous>, transform_indices = @transform_4, window_bounds = array<i64: 8, 128>}]} {
    %mul3A = arith.constant 2 : i32
    %mul3A_0 = arith.muli %arg0, %mul3A : i32
    %add3A = arith.addi %mul3A_0, %arg1 : i32
    %get3A = arith.constant 0 : index
    %get3A_1 = arith.constant 0 : index
    %get3A_2 = vector.load %arg5[%get3A, %get3A_1] : memref<8x128xf32, #tpu.memory_space<vmem>>, vector<1x128xf32>
    %div3A = arith.constant 3.276800e+05 : f32
    %div3A_3 = vector.broadcast %div3A : f32 to vector<1x128xf32>
    %div3A_4 = arith.divf %get3A_2, %div3A_3 : vector<1x128xf32>
    %get3A_5 = arith.constant 0 : index
    %get3A_6 = arith.constant 0 : index
    %get3A_7 = vector.load %arg3[%get3A_5, %get3A_6] : memref<512x128xf32, #tpu.memory_space<vmem>>, vector<512x128xf32>
    %slice3A = vector.extract_strided_slice %get3A_7 {offsets = [0, 0], sizes = [512, 3], strides = [1, 1]} : vector<512x128xf32> to vector<512x3xf32>
    %get3A_8 = arith.constant 0 : index
    %get3A_9 = arith.constant 0 : index
    %get3A_10 = arith.constant 0 : index
    %get3A_11 = vector.load %arg2[%get3A_8, %get3A_9, %get3A_10] : memref<20x512x128xf32, #tpu.memory_space<vmem>>, vector<1x512x128xf32>
    %get3A_12 = vector.shape_cast %get3A_11 : vector<1x512x128xf32> to vector<512x128xf32>
    %slice3A_13 = vector.extract_strided_slice %get3A_12 {offsets = [0, 0], sizes = [512, 3], strides = [1, 1]} : vector<512x128xf32> to vector<512x3xf32>
    %sub3A = arith.subf %slice3A_13, %slice3A : vector<512x3xf32>
    %concatenate3A = tpu.concatenate %sub3A, %slice3A in 1 : vector<512x3xf32>, vector<512x3xf32> -> vector<512x6xf32>
    %get3A_14 = arith.constant 0 : index
    %get3A_15 = arith.constant 0 : index
    %get3A_16 = vector.load %arg4[%get3A_14, %get3A_15] : memref<6x128xf32, #tpu.memory_space<vmem>>, vector<6x128xf32>
    %dot_general3A = arith.constant dense<0.000000e+00> : vector<512x128xf32>
    %dot_general3A_17 = tpu.matmul %concatenate3A, %get3A_16, %dot_general3A {dimension_numbers = #tpu.dot_dimension_numbers<[1], [0], [0], [1], [0, 0, 1, 1], [], []>, transpose_lhs_hint = false} : vector<512x6xf32>, vector<6x128xf32>, vector<512x128xf32> -> vector<512x128xf32>
    %sub3A_18 = vector.broadcast %div3A_4 : vector<1x128xf32> to vector<512x128xf32>
    %sub3A_19 = arith.subf %dot_general3A_17, %sub3A_18 : vector<512x128xf32>
    %mul3A_20 = arith.mulf %sub3A_19, %sub3A_19 : vector<512x128xf32>
    %get3A_21 = arith.constant 1 : index
    %get3A_22 = arith.constant 0 : index
    %get3A_23 = arith.constant 0 : index
    %get3A_24 = vector.load %arg2[%get3A_21, %get3A_22, %get3A_23] : memref<20x512x128xf32, #tpu.memory_space<vmem>>, vector<1x512x128xf32>
    %get3A_25 = vector.shape_cast %get3A_24 : vector<1x512x128xf32> to vector<512x128xf32>
    %slice3A_26 = vector.extract_strided_slice %get3A_25 {offsets = [0, 0], sizes = [512, 3], strides = [1, 1]} : vector<512x128xf32> to vector<512x3xf32>
    %sub3A_27 = arith.subf %slice3A_26, %slice3A : vector<512x3xf32>
    %concatenate3A_28 = tpu.concatenate %sub3A_27, %slice3A in 1 : vector<512x3xf32>, vector<512x3xf32> -> vector<512x6xf32>
    %get3A_29 = arith.constant 0 : index
    %get3A_30 = arith.constant 0 : index
    %get3A_31 = vector.load %arg4[%get3A_29, %get3A_30] : memref<6x128xf32, #tpu.memory_space<vmem>>, vector<6x128xf32>
    %dot_general3A_32 = arith.constant dense<0.000000e+00> : vector<512x128xf32>
    %dot_general3A_33 = tpu.matmul %concatenate3A_28, %get3A_31, %dot_general3A_32 {dimension_numbers = #tpu.dot_dimension_numbers<[1], [0], [0], [1], [0, 0, 1, 1], [], []>, transpose_lhs_hint = false} : vector<512x6xf32>, vector<6x128xf32>, vector<512x128xf32> -> vector<512x128xf32>
    %sub3A_34 = vector.broadcast %div3A_4 : vector<1x128xf32> to vector<512x128xf32>
    %sub3A_35 = arith.subf %dot_general3A_33, %sub3A_34 : vector<512x128xf32>
    %mul3A_36 = arith.mulf %sub3A_35, %sub3A_35 : vector<512x128xf32>
    %add3A_37 = arith.addf %mul3A_20, %mul3A_36 : vector<512x128xf32>
    %get3A_38 = arith.constant 2 : index
    %get3A_39 = arith.constant 0 : index
    %get3A_40 = arith.constant 0 : index
    %get3A_41 = vector.load %arg2[%get3A_38, %get3A_39, %get3A_40] : memref<20x512x128xf32, #tpu.memory_space<vmem>>, vector<1x512x128xf32>
    %get3A_42 = vector.shape_cast %get3A_41 : vector<1x512x128xf32> to vector<512x128xf32>
    %slice3A_43 = vector.extract_strided_slice %get3A_42 {offsets = [0, 0], sizes = [512, 3], strides = [1, 1]} : vector<512x128xf32> to vector<512x3xf32>
    %sub3A_44 = arith.subf %slice3A_43, %slice3A : vector<512x3xf32>
    %concatenate3A_45 = tpu.concatenate %sub3A_44, %slice3A in 1 : vector<512x3xf32>, vector<512x3xf32> -> vector<512x6xf32>
    %get3A_46 = arith.constant 0 : index
    %get3A_47 = arith.constant 0 : index
    %get3A_48 = vector.load %arg4[%get3A_46, %get3A_47] : memref<6x128xf32, #tpu.memory_space<vmem>>, vector<6x128xf32>
    %dot_general3A_49 = arith.constant dense<0.000000e+00> : vector<512x128xf32>
    %dot_general3A_50 = tpu.matmul %concatenate3A_45, %get3A_48, %dot_general3A_49 {dimension_numbers = #tpu.dot_dimension_numbers<[1], [0], [0], [1], [0, 0, 1, 1], [], []>, transpose_lhs_hint = false} : vector<512x6xf32>, vector<6x128xf32>, vector<512x128xf32> -> vector<512x128xf32>
    %sub3A_51 = vector.broadcast %div3A_4 : vector<1x128xf32> to vector<512x128xf32>
    %sub3A_52 = arith.subf %dot_general3A_50, %sub3A_51 : vector<512x128xf32>
    %mul3A_53 = arith.mulf %sub3A_52, %sub3A_52 : vector<512x128xf32>
    %add3A_54 = arith.addf %add3A_37, %mul3A_53 : vector<512x128xf32>
    %get3A_55 = arith.constant 3 : index
    %get3A_56 = arith.constant 0 : index
    %get3A_57 = arith.constant 0 : index
    %get3A_58 = vector.load %arg2[%get3A_55, %get3A_56, %get3A_57] : memref<20x512x128xf32, #tpu.memory_space<vmem>>, vector<1x512x128xf32>
    %get3A_59 = vector.shape_cast %get3A_58 : vector<1x512x128xf32> to vector<512x128xf32>
    %slice3A_60 = vector.extract_strided_slice %get3A_59 {offsets = [0, 0], sizes = [512, 3], strides = [1, 1]} : vector<512x128xf32> to vector<512x3xf32>
    %sub3A_61 = arith.subf %slice3A_60, %slice3A : vector<512x3xf32>
    %concatenate3A_62 = tpu.concatenate %sub3A_61, %slice3A in 1 : vector<512x3xf32>, vector<512x3xf32> -> vector<512x6xf32>
    %get3A_63 = arith.constant 0 : index
    %get3A_64 = arith.constant 0 : index
    %get3A_65 = vector.load %arg4[%get3A_63, %get3A_64] : memref<6x128xf32, #tpu.memory_space<vmem>>, vector<6x128xf32>
    %dot_general3A_66 = arith.constant dense<0.000000e+00> : vector<512x128xf32>
    %dot_general3A_67 = tpu.matmul %concatenate3A_62, %get3A_65, %dot_general3A_66 {dimension_numbers = #tpu.dot_dimension_numbers<[1], [0], [0], [1], [0, 0, 1, 1], [], []>, transpose_lhs_hint = false} : vector<512x6xf32>, vector<6x128xf32>, vector<512x128xf32> -> vector<512x128xf32>
    %sub3A_68 = vector.broadcast %div3A_4 : vector<1x128xf32> to vector<512x128xf32>
    %sub3A_69 = arith.subf %dot_general3A_67, %sub3A_68 : vector<512x128xf32>
    %mul3A_70 = arith.mulf %sub3A_69, %sub3A_69 : vector<512x128xf32>
    %add3A_71 = arith.addf %add3A_54, %mul3A_70 : vector<512x128xf32>
    %get3A_72 = arith.constant 4 : index
    %get3A_73 = arith.constant 0 : index
    %get3A_74 = arith.constant 0 : index
    %get3A_75 = vector.load %arg2[%get3A_72, %get3A_73, %get3A_74] : memref<20x512x128xf32, #tpu.memory_space<vmem>>, vector<1x512x128xf32>
    %get3A_76 = vector.shape_cast %get3A_75 : vector<1x512x128xf32> to vector<512x128xf32>
    %slice3A_77 = vector.extract_strided_slice %get3A_76 {offsets = [0, 0], sizes = [512, 3], strides = [1, 1]} : vector<512x128xf32> to vector<512x3xf32>
    %sub3A_78 = arith.subf %slice3A_77, %slice3A : vector<512x3xf32>
    %concatenate3A_79 = tpu.concatenate %sub3A_78, %slice3A in 1 : vector<512x3xf32>, vector<512x3xf32> -> vector<512x6xf32>
    %get3A_80 = arith.constant 0 : index
    %get3A_81 = arith.constant 0 : index
    %get3A_82 = vector.load %arg4[%get3A_80, %get3A_81] : memref<6x128xf32, #tpu.memory_space<vmem>>, vector<6x128xf32>
    %dot_general3A_83 = arith.constant dense<0.000000e+00> : vector<512x128xf32>
    %dot_general3A_84 = tpu.matmul %concatenate3A_79, %get3A_82, %dot_general3A_83 {dimension_numbers = #tpu.dot_dimension_numbers<[1], [0], [0], [1], [0, 0, 1, 1], [], []>, transpose_lhs_hint = false} : vector<512x6xf32>, vector<6x128xf32>, vector<512x128xf32> -> vector<512x128xf32>
    %sub3A_85 = vector.broadcast %div3A_4 : vector<1x128xf32> to vector<512x128xf32>
    %sub3A_86 = arith.subf %dot_general3A_84, %sub3A_85 : vector<512x128xf32>
    %mul3A_87 = arith.mulf %sub3A_86, %sub3A_86 : vector<512x128xf32>
    %add3A_88 = arith.addf %add3A_71, %mul3A_87 : vector<512x128xf32>
    %get3A_89 = arith.constant 5 : index
    %get3A_90 = arith.constant 0 : index
    %get3A_91 = arith.constant 0 : index
    %get3A_92 = vector.load %arg2[%get3A_89, %get3A_90, %get3A_91] : memref<20x512x128xf32, #tpu.memory_space<vmem>>, vector<1x512x128xf32>
    %get3A_93 = vector.shape_cast %get3A_92 : vector<1x512x128xf32> to vector<512x128xf32>
    %slice3A_94 = vector.extract_strided_slice %get3A_93 {offsets = [0, 0], sizes = [512, 3], strides = [1, 1]} : vector<512x128xf32> to vector<512x3xf32>
    %sub3A_95 = arith.subf %slice3A_94, %slice3A : vector<512x3xf32>
    %concatenate3A_96 = tpu.concatenate %sub3A_95, %slice3A in 1 : vector<512x3xf32>, vector<512x3xf32> -> vector<512x6xf32>
    %get3A_97 = arith.constant 0 : index
    %get3A_98 = arith.constant 0 : index
    %get3A_99 = vector.load %arg4[%get3A_97, %get3A_98] : memref<6x128xf32, #tpu.memory_space<vmem>>, vector<6x128xf32>
    %dot_general3A_100 = arith.constant dense<0.000000e+00> : vector<512x128xf32>
    %dot_general3A_101 = tpu.matmul %concatenate3A_96, %get3A_99, %dot_general3A_100 {dimension_numbers = #tpu.dot_dimension_numbers<[1], [0], [0], [1], [0, 0, 1, 1], [], []>, transpose_lhs_hint = false} : vector<512x6xf32>, vector<6x128xf32>, vector<512x128xf32> -> vector<512x128xf32>
    %sub3A_102 = vector.broadcast %div3A_4 : vector<1x128xf32> to vector<512x128xf32>
    %sub3A_103 = arith.subf %dot_general3A_101, %sub3A_102 : vector<512x128xf32>
    %mul3A_104 = arith.mulf %sub3A_103, %sub3A_103 : vector<512x128xf32>
    %add3A_105 = arith.addf %add3A_88, %mul3A_104 : vector<512x128xf32>
    %get3A_106 = arith.constant 6 : index
    %get3A_107 = arith.constant 0 : index
    %get3A_108 = arith.constant 0 : index
    %get3A_109 = vector.load %arg2[%get3A_106, %get3A_107, %get3A_108] : memref<20x512x128xf32, #tpu.memory_space<vmem>>, vector<1x512x128xf32>
    %get3A_110 = vector.shape_cast %get3A_109 : vector<1x512x128xf32> to vector<512x128xf32>
    %slice3A_111 = vector.extract_strided_slice %get3A_110 {offsets = [0, 0], sizes = [512, 3], strides = [1, 1]} : vector<512x128xf32> to vector<512x3xf32>
    %sub3A_112 = arith.subf %slice3A_111, %slice3A : vector<512x3xf32>
    %concatenate3A_113 = tpu.concatenate %sub3A_112, %slice3A in 1 : vector<512x3xf32>, vector<512x3xf32> -> vector<512x6xf32>
    %get3A_114 = arith.constant 0 : index
    %get3A_115 = arith.constant 0 : index
    %get3A_116 = vector.load %arg4[%get3A_114, %get3A_115] : memref<6x128xf32, #tpu.memory_space<vmem>>, vector<6x128xf32>
    %dot_general3A_117 = arith.constant dense<0.000000e+00> : vector<512x128xf32>
    %dot_general3A_118 = tpu.matmul %concatenate3A_113, %get3A_116, %dot_general3A_117 {dimension_numbers = #tpu.dot_dimension_numbers<[1], [0], [0], [1], [0, 0, 1, 1], [], []>, transpose_lhs_hint = false} : vector<512x6xf32>, vector<6x128xf32>, vector<512x128xf32> -> vector<512x128xf32>
    %sub3A_119 = vector.broadcast %div3A_4 : vector<1x128xf32> to vector<512x128xf32>
    %sub3A_120 = arith.subf %dot_general3A_118, %sub3A_119 : vector<512x128xf32>
    %mul3A_121 = arith.mulf %sub3A_120, %sub3A_120 : vector<512x128xf32>
    %add3A_122 = arith.addf %add3A_105, %mul3A_121 : vector<512x128xf32>
    %get3A_123 = arith.constant 7 : index
    %get3A_124 = arith.constant 0 : index
    %get3A_125 = arith.constant 0 : index
    %get3A_126 = vector.load %arg2[%get3A_123, %get3A_124, %get3A_125] : memref<20x512x128xf32, #tpu.memory_space<vmem>>, vector<1x512x128xf32>
    %get3A_127 = vector.shape_cast %get3A_126 : vector<1x512x128xf32> to vector<512x128xf32>
    %slice3A_128 = vector.extract_strided_slice %get3A_127 {offsets = [0, 0], sizes = [512, 3], strides = [1, 1]} : vector<512x128xf32> to vector<512x3xf32>
    %sub3A_129 = arith.subf %slice3A_128, %slice3A : vector<512x3xf32>
    %concatenate3A_130 = tpu.concatenate %sub3A_129, %slice3A in 1 : vector<512x3xf32>, vector<512x3xf32> -> vector<512x6xf32>
    %get3A_131 = arith.constant 0 : index
    %get3A_132 = arith.constant 0 : index
    %get3A_133 = vector.load %arg4[%get3A_131, %get3A_132] : memref<6x128xf32, #tpu.memory_space<vmem>>, vector<6x128xf32>
    %dot_general3A_134 = arith.constant dense<0.000000e+00> : vector<512x128xf32>
    %dot_general3A_135 = tpu.matmul %concatenate3A_130, %get3A_133, %dot_general3A_134 {dimension_numbers = #tpu.dot_dimension_numbers<[1], [0], [0], [1], [0, 0, 1, 1], [], []>, transpose_lhs_hint = false} : vector<512x6xf32>, vector<6x128xf32>, vector<512x128xf32> -> vector<512x128xf32>
    %sub3A_136 = vector.broadcast %div3A_4 : vector<1x128xf32> to vector<512x128xf32>
    %sub3A_137 = arith.subf %dot_general3A_135, %sub3A_136 : vector<512x128xf32>
    %mul3A_138 = arith.mulf %sub3A_137, %sub3A_137 : vector<512x128xf32>
    %add3A_139 = arith.addf %add3A_122, %mul3A_138 : vector<512x128xf32>
    %get3A_140 = arith.constant 8 : index
    %get3A_141 = arith.constant 0 : index
    %get3A_142 = arith.constant 0 : index
    %get3A_143 = vector.load %arg2[%get3A_140, %get3A_141, %get3A_142] : memref<20x512x128xf32, #tpu.memory_space<vmem>>, vector<1x512x128xf32>
    %get3A_144 = vector.shape_cast %get3A_143 : vector<1x512x128xf32> to vector<512x128xf32>
    %slice3A_145 = vector.extract_strided_slice %get3A_144 {offsets = [0, 0], sizes = [512, 3], strides = [1, 1]} : vector<512x128xf32> to vector<512x3xf32>
    %sub3A_146 = arith.subf %slice3A_145, %slice3A : vector<512x3xf32>
    %concatenate3A_147 = tpu.concatenate %sub3A_146, %slice3A in 1 : vector<512x3xf32>, vector<512x3xf32> -> vector<512x6xf32>
    %get3A_148 = arith.constant 0 : index
    %get3A_149 = arith.constant 0 : index
    %get3A_150 = vector.load %arg4[%get3A_148, %get3A_149] : memref<6x128xf32, #tpu.memory_space<vmem>>, vector<6x128xf32>
    %dot_general3A_151 = arith.constant dense<0.000000e+00> : vector<512x128xf32>
    %dot_general3A_152 = tpu.matmul %concatenate3A_147, %get3A_150, %dot_general3A_151 {dimension_numbers = #tpu.dot_dimension_numbers<[1], [0], [0], [1], [0, 0, 1, 1], [], []>, transpose_lhs_hint = false} : vector<512x6xf32>, vector<6x128xf32>, vector<512x128xf32> -> vector<512x128xf32>
    %sub3A_153 = vector.broadcast %div3A_4 : vector<1x128xf32> to vector<512x128xf32>
    %sub3A_154 = arith.subf %dot_general3A_152, %sub3A_153 : vector<512x128xf32>
    %mul3A_155 = arith.mulf %sub3A_154, %sub3A_154 : vector<512x128xf32>
    %add3A_156 = arith.addf %add3A_139, %mul3A_155 : vector<512x128xf32>
    %get3A_157 = arith.constant 9 : index
    %get3A_158 = arith.constant 0 : index
    %get3A_159 = arith.constant 0 : index
    %get3A_160 = vector.load %arg2[%get3A_157, %get3A_158, %get3A_159] : memref<20x512x128xf32, #tpu.memory_space<vmem>>, vector<1x512x128xf32>
    %get3A_161 = vector.shape_cast %get3A_160 : vector<1x512x128xf32> to vector<512x128xf32>
    %slice3A_162 = vector.extract_strided_slice %get3A_161 {offsets = [0, 0], sizes = [512, 3], strides = [1, 1]} : vector<512x128xf32> to vector<512x3xf32>
    %sub3A_163 = arith.subf %slice3A_162, %slice3A : vector<512x3xf32>
    %concatenate3A_164 = tpu.concatenate %sub3A_163, %slice3A in 1 : vector<512x3xf32>, vector<512x3xf32> -> vector<512x6xf32>
    %get3A_165 = arith.constant 0 : index
    %get3A_166 = arith.constant 0 : index
    %get3A_167 = vector.load %arg4[%get3A_165, %get3A_166] : memref<6x128xf32, #tpu.memory_space<vmem>>, vector<6x128xf32>
    %dot_general3A_168 = arith.constant dense<0.000000e+00> : vector<512x128xf32>
    %dot_general3A_169 = tpu.matmul %concatenate3A_164, %get3A_167, %dot_general3A_168 {dimension_numbers = #tpu.dot_dimension_numbers<[1], [0], [0], [1], [0, 0, 1, 1], [], []>, transpose_lhs_hint = false} : vector<512x6xf32>, vector<6x128xf32>, vector<512x128xf32> -> vector<512x128xf32>
    %sub3A_170 = vector.broadcast %div3A_4 : vector<1x128xf32> to vector<512x128xf32>
    %sub3A_171 = arith.subf %dot_general3A_169, %sub3A_170 : vector<512x128xf32>
    %mul3A_172 = arith.mulf %sub3A_171, %sub3A_171 : vector<512x128xf32>
    %add3A_173 = arith.addf %add3A_156, %mul3A_172 : vector<512x128xf32>
    %get3A_174 = arith.constant 10 : index
    %get3A_175 = arith.constant 0 : index
    %get3A_176 = arith.constant 0 : index
    %get3A_177 = vector.load %arg2[%get3A_174, %get3A_175, %get3A_176] : memref<20x512x128xf32, #tpu.memory_space<vmem>>, vector<1x512x128xf32>
    %get3A_178 = vector.shape_cast %get3A_177 : vector<1x512x128xf32> to vector<512x128xf32>
    %slice3A_179 = vector.extract_strided_slice %get3A_178 {offsets = [0, 0], sizes = [512, 3], strides = [1, 1]} : vector<512x128xf32> to vector<512x3xf32>
    %sub3A_180 = arith.subf %slice3A_179, %slice3A : vector<512x3xf32>
    %concatenate3A_181 = tpu.concatenate %sub3A_180, %slice3A in 1 : vector<512x3xf32>, vector<512x3xf32> -> vector<512x6xf32>
    %get3A_182 = arith.constant 0 : index
    %get3A_183 = arith.constant 0 : index
    %get3A_184 = vector.load %arg4[%get3A_182, %get3A_183] : memref<6x128xf32, #tpu.memory_space<vmem>>, vector<6x128xf32>
    %dot_general3A_185 = arith.constant dense<0.000000e+00> : vector<512x128xf32>
    %dot_general3A_186 = tpu.matmul %concatenate3A_181, %get3A_184, %dot_general3A_185 {dimension_numbers = #tpu.dot_dimension_numbers<[1], [0], [0], [1], [0, 0, 1, 1], [], []>, transpose_lhs_hint = false} : vector<512x6xf32>, vector<6x128xf32>, vector<512x128xf32> -> vector<512x128xf32>
    %sub3A_187 = vector.broadcast %div3A_4 : vector<1x128xf32> to vector<512x128xf32>
    %sub3A_188 = arith.subf %dot_general3A_186, %sub3A_187 : vector<512x128xf32>
    %mul3A_189 = arith.mulf %sub3A_188, %sub3A_188 : vector<512x128xf32>
    %add3A_190 = arith.addf %add3A_173, %mul3A_189 : vector<512x128xf32>
    %get3A_191 = arith.constant 11 : index
    %get3A_192 = arith.constant 0 : index
    %get3A_193 = arith.constant 0 : index
    %get3A_194 = vector.load %arg2[%get3A_191, %get3A_192, %get3A_193] : memref<20x512x128xf32, #tpu.memory_space<vmem>>, vector<1x512x128xf32>
    %get3A_195 = vector.shape_cast %get3A_194 : vector<1x512x128xf32> to vector<512x128xf32>
    %slice3A_196 = vector.extract_strided_slice %get3A_195 {offsets = [0, 0], sizes = [512, 3], strides = [1, 1]} : vector<512x128xf32> to vector<512x3xf32>
    %sub3A_197 = arith.subf %slice3A_196, %slice3A : vector<512x3xf32>
    %concatenate3A_198 = tpu.concatenate %sub3A_197, %slice3A in 1 : vector<512x3xf32>, vector<512x3xf32> -> vector<512x6xf32>
    %get3A_199 = arith.constant 0 : index
    %get3A_200 = arith.constant 0 : index
    %get3A_201 = vector.load %arg4[%get3A_199, %get3A_200] : memref<6x128xf32, #tpu.memory_space<vmem>>, vector<6x128xf32>
    %dot_general3A_202 = arith.constant dense<0.000000e+00> : vector<512x128xf32>
    %dot_general3A_203 = tpu.matmul %concatenate3A_198, %get3A_201, %dot_general3A_202 {dimension_numbers = #tpu.dot_dimension_numbers<[1], [0], [0], [1], [0, 0, 1, 1], [], []>, transpose_lhs_hint = false} : vector<512x6xf32>, vector<6x128xf32>, vector<512x128xf32> -> vector<512x128xf32>
    %sub3A_204 = vector.broadcast %div3A_4 : vector<1x128xf32> to vector<512x128xf32>
    %sub3A_205 = arith.subf %dot_general3A_203, %sub3A_204 : vector<512x128xf32>
    %mul3A_206 = arith.mulf %sub3A_205, %sub3A_205 : vector<512x128xf32>
    %add3A_207 = arith.addf %add3A_190, %mul3A_206 : vector<512x128xf32>
    %get3A_208 = arith.constant 12 : index
    %get3A_209 = arith.constant 0 : index
    %get3A_210 = arith.constant 0 : index
    %get3A_211 = vector.load %arg2[%get3A_208, %get3A_209, %get3A_210] : memref<20x512x128xf32, #tpu.memory_space<vmem>>, vector<1x512x128xf32>
    %get3A_212 = vector.shape_cast %get3A_211 : vector<1x512x128xf32> to vector<512x128xf32>
    %slice3A_213 = vector.extract_strided_slice %get3A_212 {offsets = [0, 0], sizes = [512, 3], strides = [1, 1]} : vector<512x128xf32> to vector<512x3xf32>
    %sub3A_214 = arith.subf %slice3A_213, %slice3A : vector<512x3xf32>
    %concatenate3A_215 = tpu.concatenate %sub3A_214, %slice3A in 1 : vector<512x3xf32>, vector<512x3xf32> -> vector<512x6xf32>
    %get3A_216 = arith.constant 0 : index
    %get3A_217 = arith.constant 0 : index
    %get3A_218 = vector.load %arg4[%get3A_216, %get3A_217] : memref<6x128xf32, #tpu.memory_space<vmem>>, vector<6x128xf32>
    %dot_general3A_219 = arith.constant dense<0.000000e+00> : vector<512x128xf32>
    %dot_general3A_220 = tpu.matmul %concatenate3A_215, %get3A_218, %dot_general3A_219 {dimension_numbers = #tpu.dot_dimension_numbers<[1], [0], [0], [1], [0, 0, 1, 1], [], []>, transpose_lhs_hint = false} : vector<512x6xf32>, vector<6x128xf32>, vector<512x128xf32> -> vector<512x128xf32>
    %sub3A_221 = vector.broadcast %div3A_4 : vector<1x128xf32> to vector<512x128xf32>
    %sub3A_222 = arith.subf %dot_general3A_220, %sub3A_221 : vector<512x128xf32>
    %mul3A_223 = arith.mulf %sub3A_222, %sub3A_222 : vector<512x128xf32>
    %add3A_224 = arith.addf %add3A_207, %mul3A_223 : vector<512x128xf32>
    %get3A_225 = arith.constant 13 : index
    %get3A_226 = arith.constant 0 : index
    %get3A_227 = arith.constant 0 : index
    %get3A_228 = vector.load %arg2[%get3A_225, %get3A_226, %get3A_227] : memref<20x512x128xf32, #tpu.memory_space<vmem>>, vector<1x512x128xf32>
    %get3A_229 = vector.shape_cast %get3A_228 : vector<1x512x128xf32> to vector<512x128xf32>
    %slice3A_230 = vector.extract_strided_slice %get3A_229 {offsets = [0, 0], sizes = [512, 3], strides = [1, 1]} : vector<512x128xf32> to vector<512x3xf32>
    %sub3A_231 = arith.subf %slice3A_230, %slice3A : vector<512x3xf32>
    %concatenate3A_232 = tpu.concatenate %sub3A_231, %slice3A in 1 : vector<512x3xf32>, vector<512x3xf32> -> vector<512x6xf32>
    %get3A_233 = arith.constant 0 : index
    %get3A_234 = arith.constant 0 : index
    %get3A_235 = vector.load %arg4[%get3A_233, %get3A_234] : memref<6x128xf32, #tpu.memory_space<vmem>>, vector<6x128xf32>
    %dot_general3A_236 = arith.constant dense<0.000000e+00> : vector<512x128xf32>
    %dot_general3A_237 = tpu.matmul %concatenate3A_232, %get3A_235, %dot_general3A_236 {dimension_numbers = #tpu.dot_dimension_numbers<[1], [0], [0], [1], [0, 0, 1, 1], [], []>, transpose_lhs_hint = false} : vector<512x6xf32>, vector<6x128xf32>, vector<512x128xf32> -> vector<512x128xf32>
    %sub3A_238 = vector.broadcast %div3A_4 : vector<1x128xf32> to vector<512x128xf32>
    %sub3A_239 = arith.subf %dot_general3A_237, %sub3A_238 : vector<512x128xf32>
    %mul3A_240 = arith.mulf %sub3A_239, %sub3A_239 : vector<512x128xf32>
    %add3A_241 = arith.addf %add3A_224, %mul3A_240 : vector<512x128xf32>
    %get3A_242 = arith.constant 14 : index
    %get3A_243 = arith.constant 0 : index
    %get3A_244 = arith.constant 0 : index
    %get3A_245 = vector.load %arg2[%get3A_242, %get3A_243, %get3A_244] : memref<20x512x128xf32, #tpu.memory_space<vmem>>, vector<1x512x128xf32>
    %get3A_246 = vector.shape_cast %get3A_245 : vector<1x512x128xf32> to vector<512x128xf32>
    %slice3A_247 = vector.extract_strided_slice %get3A_246 {offsets = [0, 0], sizes = [512, 3], strides = [1, 1]} : vector<512x128xf32> to vector<512x3xf32>
    %sub3A_248 = arith.subf %slice3A_247, %slice3A : vector<512x3xf32>
    %concatenate3A_249 = tpu.concatenate %sub3A_248, %slice3A in 1 : vector<512x3xf32>, vector<512x3xf32> -> vector<512x6xf32>
    %get3A_250 = arith.constant 0 : index
    %get3A_251 = arith.constant 0 : index
    %get3A_252 = vector.load %arg4[%get3A_250, %get3A_251] : memref<6x128xf32, #tpu.memory_space<vmem>>, vector<6x128xf32>
    %dot_general3A_253 = arith.constant dense<0.000000e+00> : vector<512x128xf32>
    %dot_general3A_254 = tpu.matmul %concatenate3A_249, %get3A_252, %dot_general3A_253 {dimension_numbers = #tpu.dot_dimension_numbers<[1], [0], [0], [1], [0, 0, 1, 1], [], []>, transpose_lhs_hint = false} : vector<512x6xf32>, vector<6x128xf32>, vector<512x128xf32> -> vector<512x128xf32>
    %sub3A_255 = vector.broadcast %div3A_4 : vector<1x128xf32> to vector<512x128xf32>
    %sub3A_256 = arith.subf %dot_general3A_254, %sub3A_255 : vector<512x128xf32>
    %mul3A_257 = arith.mulf %sub3A_256, %sub3A_256 : vector<512x128xf32>
    %add3A_258 = arith.addf %add3A_241, %mul3A_257 : vector<512x128xf32>
    %get3A_259 = arith.constant 15 : index
    %get3A_260 = arith.constant 0 : index
    %get3A_261 = arith.constant 0 : index
    %get3A_262 = vector.load %arg2[%get3A_259, %get3A_260, %get3A_261] : memref<20x512x128xf32, #tpu.memory_space<vmem>>, vector<1x512x128xf32>
    %get3A_263 = vector.shape_cast %get3A_262 : vector<1x512x128xf32> to vector<512x128xf32>
    %slice3A_264 = vector.extract_strided_slice %get3A_263 {offsets = [0, 0], sizes = [512, 3], strides = [1, 1]} : vector<512x128xf32> to vector<512x3xf32>
    %sub3A_265 = arith.subf %slice3A_264, %slice3A : vector<512x3xf32>
    %concatenate3A_266 = tpu.concatenate %sub3A_265, %slice3A in 1 : vector<512x3xf32>, vector<512x3xf32> -> vector<512x6xf32>
    %get3A_267 = arith.constant 0 : index
    %get3A_268 = arith.constant 0 : index
    %get3A_269 = vector.load %arg4[%get3A_267, %get3A_268] : memref<6x128xf32, #tpu.memory_space<vmem>>, vector<6x128xf32>
    %dot_general3A_270 = arith.constant dense<0.000000e+00> : vector<512x128xf32>
    %dot_general3A_271 = tpu.matmul %concatenate3A_266, %get3A_269, %dot_general3A_270 {dimension_numbers = #tpu.dot_dimension_numbers<[1], [0], [0], [1], [0, 0, 1, 1], [], []>, transpose_lhs_hint = false} : vector<512x6xf32>, vector<6x128xf32>, vector<512x128xf32> -> vector<512x128xf32>
    %sub3A_272 = vector.broadcast %div3A_4 : vector<1x128xf32> to vector<512x128xf32>
    %sub3A_273 = arith.subf %dot_general3A_271, %sub3A_272 : vector<512x128xf32>
    %mul3A_274 = arith.mulf %sub3A_273, %sub3A_273 : vector<512x128xf32>
    %add3A_275 = arith.addf %add3A_258, %mul3A_274 : vector<512x128xf32>
    %get3A_276 = arith.constant 16 : index
    %get3A_277 = arith.constant 0 : index
    %get3A_278 = arith.constant 0 : index
    %get3A_279 = vector.load %arg2[%get3A_276, %get3A_277, %get3A_278] : memref<20x512x128xf32, #tpu.memory_space<vmem>>, vector<1x512x128xf32>
    %get3A_280 = vector.shape_cast %get3A_279 : vector<1x512x128xf32> to vector<512x128xf32>
    %slice3A_281 = vector.extract_strided_slice %get3A_280 {offsets = [0, 0], sizes = [512, 3], strides = [1, 1]} : vector<512x128xf32> to vector<512x3xf32>
    %sub3A_282 = arith.subf %slice3A_281, %slice3A : vector<512x3xf32>
    %concatenate3A_283 = tpu.concatenate %sub3A_282, %slice3A in 1 : vector<512x3xf32>, vector<512x3xf32> -> vector<512x6xf32>
    %get3A_284 = arith.constant 0 : index
    %get3A_285 = arith.constant 0 : index
    %get3A_286 = vector.load %arg4[%get3A_284, %get3A_285] : memref<6x128xf32, #tpu.memory_space<vmem>>, vector<6x128xf32>
    %dot_general3A_287 = arith.constant dense<0.000000e+00> : vector<512x128xf32>
    %dot_general3A_288 = tpu.matmul %concatenate3A_283, %get3A_286, %dot_general3A_287 {dimension_numbers = #tpu.dot_dimension_numbers<[1], [0], [0], [1], [0, 0, 1, 1], [], []>, transpose_lhs_hint = false} : vector<512x6xf32>, vector<6x128xf32>, vector<512x128xf32> -> vector<512x128xf32>
    %sub3A_289 = vector.broadcast %div3A_4 : vector<1x128xf32> to vector<512x128xf32>
    %sub3A_290 = arith.subf %dot_general3A_288, %sub3A_289 : vector<512x128xf32>
    %mul3A_291 = arith.mulf %sub3A_290, %sub3A_290 : vector<512x128xf32>
    %add3A_292 = arith.addf %add3A_275, %mul3A_291 : vector<512x128xf32>
    %get3A_293 = arith.constant 17 : index
    %get3A_294 = arith.constant 0 : index
    %get3A_295 = arith.constant 0 : index
    %get3A_296 = vector.load %arg2[%get3A_293, %get3A_294, %get3A_295] : memref<20x512x128xf32, #tpu.memory_space<vmem>>, vector<1x512x128xf32>
    %get3A_297 = vector.shape_cast %get3A_296 : vector<1x512x128xf32> to vector<512x128xf32>
    %slice3A_298 = vector.extract_strided_slice %get3A_297 {offsets = [0, 0], sizes = [512, 3], strides = [1, 1]} : vector<512x128xf32> to vector<512x3xf32>
    %sub3A_299 = arith.subf %slice3A_298, %slice3A : vector<512x3xf32>
    %concatenate3A_300 = tpu.concatenate %sub3A_299, %slice3A in 1 : vector<512x3xf32>, vector<512x3xf32> -> vector<512x6xf32>
    %get3A_301 = arith.constant 0 : index
    %get3A_302 = arith.constant 0 : index
    %get3A_303 = vector.load %arg4[%get3A_301, %get3A_302] : memref<6x128xf32, #tpu.memory_space<vmem>>, vector<6x128xf32>
    %dot_general3A_304 = arith.constant dense<0.000000e+00> : vector<512x128xf32>
    %dot_general3A_305 = tpu.matmul %concatenate3A_300, %get3A_303, %dot_general3A_304 {dimension_numbers = #tpu.dot_dimension_numbers<[1], [0], [0], [1], [0, 0, 1, 1], [], []>, transpose_lhs_hint = false} : vector<512x6xf32>, vector<6x128xf32>, vector<512x128xf32> -> vector<512x128xf32>
    %sub3A_306 = vector.broadcast %div3A_4 : vector<1x128xf32> to vector<512x128xf32>
    %sub3A_307 = arith.subf %dot_general3A_305, %sub3A_306 : vector<512x128xf32>
    %mul3A_308 = arith.mulf %sub3A_307, %sub3A_307 : vector<512x128xf32>
    %add3A_309 = arith.addf %add3A_292, %mul3A_308 : vector<512x128xf32>
    %get3A_310 = arith.constant 18 : index
    %get3A_311 = arith.constant 0 : index
    %get3A_312 = arith.constant 0 : index
    %get3A_313 = vector.load %arg2[%get3A_310, %get3A_311, %get3A_312] : memref<20x512x128xf32, #tpu.memory_space<vmem>>, vector<1x512x128xf32>
    %get3A_314 = vector.shape_cast %get3A_313 : vector<1x512x128xf32> to vector<512x128xf32>
    %slice3A_315 = vector.extract_strided_slice %get3A_314 {offsets = [0, 0], sizes = [512, 3], strides = [1, 1]} : vector<512x128xf32> to vector<512x3xf32>
    %sub3A_316 = arith.subf %slice3A_315, %slice3A : vector<512x3xf32>
    %concatenate3A_317 = tpu.concatenate %sub3A_316, %slice3A in 1 : vector<512x3xf32>, vector<512x3xf32> -> vector<512x6xf32>
    %get3A_318 = arith.constant 0 : index
    %get3A_319 = arith.constant 0 : index
    %get3A_320 = vector.load %arg4[%get3A_318, %get3A_319] : memref<6x128xf32, #tpu.memory_space<vmem>>, vector<6x128xf32>
    %dot_general3A_321 = arith.constant dense<0.000000e+00> : vector<512x128xf32>
    %dot_general3A_322 = tpu.matmul %concatenate3A_317, %get3A_320, %dot_general3A_321 {dimension_numbers = #tpu.dot_dimension_numbers<[1], [0], [0], [1], [0, 0, 1, 1], [], []>, transpose_lhs_hint = false} : vector<512x6xf32>, vector<6x128xf32>, vector<512x128xf32> -> vector<512x128xf32>
    %sub3A_323 = vector.broadcast %div3A_4 : vector<1x128xf32> to vector<512x128xf32>
    %sub3A_324 = arith.subf %dot_general3A_322, %sub3A_323 : vector<512x128xf32>
    %mul3A_325 = arith.mulf %sub3A_324, %sub3A_324 : vector<512x128xf32>
    %add3A_326 = arith.addf %add3A_309, %mul3A_325 : vector<512x128xf32>
    %get3A_327 = arith.constant 19 : index
    %get3A_328 = arith.constant 0 : index
    %get3A_329 = arith.constant 0 : index
    %get3A_330 = vector.load %arg2[%get3A_327, %get3A_328, %get3A_329] : memref<20x512x128xf32, #tpu.memory_space<vmem>>, vector<1x512x128xf32>
    %get3A_331 = vector.shape_cast %get3A_330 : vector<1x512x128xf32> to vector<512x128xf32>
    %slice3A_332 = vector.extract_strided_slice %get3A_331 {offsets = [0, 0], sizes = [512, 3], strides = [1, 1]} : vector<512x128xf32> to vector<512x3xf32>
    %sub3A_333 = arith.subf %slice3A_332, %slice3A : vector<512x3xf32>
    %concatenate3A_334 = tpu.concatenate %sub3A_333, %slice3A in 1 : vector<512x3xf32>, vector<512x3xf32> -> vector<512x6xf32>
    %get3A_335 = arith.constant 0 : index
    %get3A_336 = arith.constant 0 : index
    %get3A_337 = vector.load %arg4[%get3A_335, %get3A_336] : memref<6x128xf32, #tpu.memory_space<vmem>>, vector<6x128xf32>
    %dot_general3A_338 = arith.constant dense<0.000000e+00> : vector<512x128xf32>
    %dot_general3A_339 = tpu.matmul %concatenate3A_334, %get3A_337, %dot_general3A_338 {dimension_numbers = #tpu.dot_dimension_numbers<[1], [0], [0], [1], [0, 0, 1, 1], [], []>, transpose_lhs_hint = false} : vector<512x6xf32>, vector<6x128xf32>, vector<512x128xf32> -> vector<512x128xf32>
    %sub3A_340 = vector.broadcast %div3A_4 : vector<1x128xf32> to vector<512x128xf32>
    %sub3A_341 = arith.subf %dot_general3A_339, %sub3A_340 : vector<512x128xf32>
    %mul3A_342 = arith.mulf %sub3A_341, %sub3A_341 : vector<512x128xf32>
    %add3A_343 = arith.addf %add3A_326, %mul3A_342 : vector<512x128xf32>
    %reduce_sum3A = arith.constant dense<0.000000e+00> : vector<128xf32>
    %reduce_sum3A_344 = vector.multi_reduction <add>, %add3A_343, %reduce_sum3A [0] : vector<512x128xf32> to vector<128xf32>
    %broadcast_in_dim3A = vector.shape_cast %reduce_sum3A_344 : vector<128xf32> to vector<1x128xf32>
    %broadcast_in_dim3A_345 = arith.constant 0.000000e+00 : f32
    %broadcast_in_dim3A_346 = vector.broadcast %broadcast_in_dim3A_345 : f32 to vector<7x128xf32>
    %concatenate3A_347 = tpu.concatenate %broadcast_in_dim3A, %broadcast_in_dim3A_346 in 0 : vector<1x128xf32>, vector<7x128xf32> -> vector<8x128xf32>
    %eq3A = arith.constant 0 : i32
    %eq3A_348 = arith.cmpi eq, %add3A, %eq3A : i32
    %convert_element_type3A = arith.extui %eq3A_348 : i1 to i32
    %cond3A = arith.constant 0 : i32
    %cond3A_349 = arith.cmpi ne, %convert_element_type3A, %cond3A : i32
    scf.if %cond3A_349 {
      %broadcast_in_dim3A_356 = arith.constant 0.000000e+00 : f32
      %broadcast_in_dim3A_357 = vector.broadcast %broadcast_in_dim3A_356 : f32 to vector<8x128xf32>
      %swap3A_358 = arith.constant 0 : index
      %swap3A_359 = arith.constant 0 : index
      %swap3A_360 = vector.load %arg6[%swap3A_358, %swap3A_359] : memref<8x128xf32, #tpu.memory_space<vmem>>, vector<8x128xf32>
      tpu.vector_store %arg6[%swap3A_358, %swap3A_359], %broadcast_in_dim3A_357 {strides = array<i32>} : memref<8x128xf32, #tpu.memory_space<vmem>>, vector<8x128xf32>,
    } else {
    }
    %get3A_350 = arith.constant 0 : index
    %get3A_351 = arith.constant 0 : index
    %get3A_352 = vector.load %arg6[%get3A_350, %get3A_351] : memref<8x128xf32, #tpu.memory_space<vmem>>, vector<8x128xf32>
    %add3A_353 = arith.addf %get3A_352, %concatenate3A_347 : vector<8x128xf32>
    %swap3A = arith.constant 0 : index
    %swap3A_354 = arith.constant 0 : index
    %swap3A_355 = vector.load %arg6[%swap3A, %swap3A_354] : memref<8x128xf32, #tpu.memory_space<vmem>>, vector<8x128xf32>
    tpu.vector_store %arg6[%swap3A, %swap3A_354], %add3A_353 {strides = array<i32>} : memref<8x128xf32, #tpu.memory_space<vmem>>, vector<8x128xf32>,
    return
  }
  func.func @transform_0(%arg0: i32, %arg1: i32) -> (i32, i32, i32) {
    %mul3A = arith.constant 2 : i32
    %mul3A_0 = arith.muli %arg0, %mul3A : i32
    %add3A = arith.addi %mul3A_0, %arg1 : i32
    %c0_i32 = arith.constant 0 : i32
    %c0_i32_1 = arith.constant 0 : i32
    %c0_i32_2 = arith.constant 0 : i32
    return %c0_i32, %add3A, %c0_i32_1 : i32, i32, i32
  }
  func.func @transform_1(%arg0: i32, %arg1: i32) -> (i32, i32) {
    %mul3A = arith.constant 2 : i32
    %mul3A_0 = arith.muli %arg0, %mul3A : i32
    %add3A = arith.addi %mul3A_0, %arg1 : i32
    %c0_i32 = arith.constant 0 : i32
    %c0_i32_1 = arith.constant 0 : i32
    return %add3A, %c0_i32 : i32, i32
  }
  func.func @transform_2(%arg0: i32, %arg1: i32) -> (i32, i32) {
    %c0_i32 = arith.constant 0 : i32
    %c0_i32_0 = arith.constant 0 : i32
    %c0_i32_1 = arith.constant 0 : i32
    return %c0_i32, %c0_i32_0 : i32, i32
  }
  func.func @transform_3(%arg0: i32, %arg1: i32) -> (i32, i32) {
    %c0_i32 = arith.constant 0 : i32
    %c0_i32_0 = arith.constant 0 : i32
    %c0_i32_1 = arith.constant 0 : i32
    return %c0_i32, %c0_i32_0 : i32, i32
  }
  func.func @transform_4(%arg0: i32, %arg1: i32) -> (i32, i32) {
    %c0_i32 = arith.constant 0 : i32
    %c0_i32_0 = arith.constant 0 : i32
    %c0_i32_1 = arith.constant 0 : i32
    return %c0_i32, %c0_i32_0 : i32, i32
  }
}

module attributes {stable_mosaic.version = 14 : i64} {
  func.func @_norm_body(%arg0: i32, %arg1: memref<512x128xf32, #tpu.memory_space<vmem>>, %arg2: memref<8x128xf32, #tpu.memory_space<vmem>>, %arg3: memref<8x128xf32, #tpu.memory_space<vmem>>, %arg4: memref<1x128xf32, #tpu.memory_space<vmem>>, %arg5: memref<1x128xf32, #tpu.memory_space<vmem>>, %arg6: memref<512x128xf32, #tpu.memory_space<vmem>>) attributes {dimension_semantics = [#tpu.dimension_semantics<arbitrary>], iteration_bounds = array<i64: 32>, scalar_prefetch = 0 : i64, scratch_operands = 0 : i64, tpu.core_type = #tpu.core_type<tc>, window_params = [{transform_indices = @transform_0, window_bounds = array<i64: 512, 128>}, {pipeline_mode = #tpu.pipeline_mode<synchronous>, transform_indices = @transform_1, window_bounds = array<i64: 8, 128>}, {pipeline_mode = #tpu.pipeline_mode<synchronous>, transform_indices = @transform_2, window_bounds = array<i64: 8, 128>}, {pipeline_mode = #tpu.pipeline_mode<synchronous>, transform_indices = @transform_3, window_bounds = array<i64: 1, 128>}, {pipeline_mode = #tpu.pipeline_mode<synchronous>, transform_indices = @transform_4, window_bounds = array<i64: 1, 128>}, {transform_indices = @transform_5, window_bounds = array<i64: 512, 128>}]} {
    %get3A = arith.constant 0 : index
    %get3A_0 = arith.constant 0 : index
    %get3A_1 = vector.load %arg2[%get3A, %get3A_0] : memref<8x128xf32, #tpu.memory_space<vmem>>, vector<8x128xf32>
    %slice3A = vector.extract_strided_slice %get3A_1 {offsets = [0, 0], sizes = [1, 128], strides = [1, 1]} : vector<8x128xf32> to vector<1x128xf32>
    %div3A = arith.constant 3.276800e+05 : f32
    %div3A_2 = vector.broadcast %div3A : f32 to vector<1x128xf32>
    %div3A_3 = arith.divf %slice3A, %div3A_2 : vector<1x128xf32>
    %get3A_4 = arith.constant 0 : index
    %get3A_5 = arith.constant 0 : index
    %get3A_6 = vector.load %arg3[%get3A_4, %get3A_5] : memref<8x128xf32, #tpu.memory_space<vmem>>, vector<1x128xf32>
    %div3A_7 = arith.constant 3.276800e+05 : f32
    %div3A_8 = vector.broadcast %div3A_7 : f32 to vector<1x128xf32>
    %div3A_9 = arith.divf %get3A_6, %div3A_8 : vector<1x128xf32>
    %add3A = arith.constant 9.99999974E-6 : f32
    %add3A_10 = vector.broadcast %add3A : f32 to vector<1x128xf32>
    %add3A_11 = arith.addf %div3A_9, %add3A_10 : vector<1x128xf32>
    %sqrt3A = math.sqrt %add3A_11 : vector<1x128xf32>
    %get3A_12 = arith.constant 0 : index
    %get3A_13 = arith.constant 0 : index
    %get3A_14 = vector.load %arg1[%get3A_12, %get3A_13] : memref<512x128xf32, #tpu.memory_space<vmem>>, vector<512x128xf32>
    %sub3A = vector.broadcast %div3A_3 : vector<1x128xf32> to vector<512x128xf32>
    %sub3A_15 = arith.subf %get3A_14, %sub3A : vector<512x128xf32>
    %div3A_16 = vector.broadcast %sqrt3A : vector<1x128xf32> to vector<512x128xf32>
    %div3A_17 = arith.divf %sub3A_15, %div3A_16 : vector<512x128xf32>
    %get3A_18 = arith.constant 0 : index
    %get3A_19 = arith.constant 0 : index
    %get3A_20 = vector.load %arg4[%get3A_18, %get3A_19] : memref<1x128xf32, #tpu.memory_space<vmem>>, vector<1x128xf32>
    %mul3A = vector.broadcast %get3A_20 : vector<1x128xf32> to vector<512x128xf32>
    %mul3A_21 = arith.mulf %div3A_17, %mul3A : vector<512x128xf32>
    %get3A_22 = arith.constant 0 : index
    %get3A_23 = arith.constant 0 : index
    %get3A_24 = vector.load %arg5[%get3A_22, %get3A_23] : memref<1x128xf32, #tpu.memory_space<vmem>>, vector<1x128xf32>
    %add3A_25 = vector.broadcast %get3A_24 : vector<1x128xf32> to vector<512x128xf32>
    %add3A_26 = arith.addf %mul3A_21, %add3A_25 : vector<512x128xf32>
    %ge3A = arith.constant 0.000000e+00 : f32
    %ge3A_27 = vector.broadcast %ge3A : f32 to vector<512x128xf32>
    %ge3A_28 = arith.cmpf oge, %add3A_26, %ge3A_27 : vector<512x128xf32>
    %mul3A_29 = arith.constant 2.000000e-01 : f32
    %mul3A_30 = vector.broadcast %mul3A_29 : f32 to vector<512x128xf32>
    %mul3A_31 = arith.mulf %mul3A_30, %add3A_26 : vector<512x128xf32>
    %select_n3A = arith.select %ge3A_28, %add3A_26, %mul3A_31 : vector<512x128xi1>, vector<512x128xf32>
    %swap3A = arith.constant 0 : index
    %swap3A_32 = arith.constant 0 : index
    %swap3A_33 = vector.load %arg6[%swap3A, %swap3A_32] : memref<512x128xf32, #tpu.memory_space<vmem>>, vector<512x128xf32>
    tpu.vector_store %arg6[%swap3A, %swap3A_32], %select_n3A {strides = array<i32>} : memref<512x128xf32, #tpu.memory_space<vmem>>, vector<512x128xf32>,
    return
  }
  func.func @transform_0(%arg0: i32) -> (i32, i32) {
    %c0_i32 = arith.constant 0 : i32
    %c0_i32_0 = arith.constant 0 : i32
    return %arg0, %c0_i32 : i32, i32
  }
  func.func @transform_1(%arg0: i32) -> (i32, i32) {
    %c0_i32 = arith.constant 0 : i32
    %c0_i32_0 = arith.constant 0 : i32
    %c0_i32_1 = arith.constant 0 : i32
    return %c0_i32, %c0_i32_0 : i32, i32
  }
  func.func @transform_2(%arg0: i32) -> (i32, i32) {
    %c0_i32 = arith.constant 0 : i32
    %c0_i32_0 = arith.constant 0 : i32
    %c0_i32_1 = arith.constant 0 : i32
    return %c0_i32, %c0_i32_0 : i32, i32
  }
  func.func @transform_3(%arg0: i32) -> (i32, i32) {
    %c0_i32 = arith.constant 0 : i32
    %c0_i32_0 = arith.constant 0 : i32
    %c0_i32_1 = arith.constant 0 : i32
    return %c0_i32, %c0_i32_0 : i32, i32
  }
  func.func @transform_4(%arg0: i32) -> (i32, i32) {
    %c0_i32 = arith.constant 0 : i32
    %c0_i32_0 = arith.constant 0 : i32
    %c0_i32_1 = arith.constant 0 : i32
    return %c0_i32, %c0_i32_0 : i32, i32
  }
  func.func @transform_5(%arg0: i32) -> (i32, i32) {
    %c0_i32 = arith.constant 0 : i32
    %c0_i32_0 = arith.constant 0 : i32
    return %arg0, %c0_i32 : i32, i32
  }
}

module attributes {stable_mosaic.version = 14 : i64} {
  func.func @body(%arg0: i32, %arg1: i32, %arg2: memref<20x512x128xf32, #tpu.memory_space<vmem>>, %arg3: memref<512x128xf32, #tpu.memory_space<vmem>>, %arg4: memref<128x128xf32, #tpu.memory_space<vmem>>, %arg5: memref<512x128xf32, #tpu.memory_space<vmem>>, %arg6: memref<8x128xf32, #tpu.memory_space<vmem>>) attributes {dimension_semantics = [#tpu.dimension_semantics<arbitrary>, #tpu.dimension_semantics<arbitrary>], iteration_bounds = array<i64: 16, 2>, scalar_prefetch = 0 : i64, scratch_operands = 0 : i64, tpu.core_type = #tpu.core_type<tc>, window_params = [{transform_indices = @transform_0, window_bounds = array<i64: 20, 512, 128>}, {transform_indices = @transform_1, window_bounds = array<i64: 512, 128>}, {pipeline_mode = #tpu.pipeline_mode<synchronous>, transform_indices = @transform_2, window_bounds = array<i64: 128, 128>}, {transform_indices = @transform_3, window_bounds = array<i64: 512, 128>}, {pipeline_mode = #tpu.pipeline_mode<synchronous>, transform_indices = @transform_4, window_bounds = array<i64: 8, 128>}]} {
    %mul3A = arith.constant 2 : i32
    %mul3A_0 = arith.muli %arg0, %mul3A : i32
    %add3A = arith.addi %mul3A_0, %arg1 : i32
    %get3A = arith.constant 0 : index
    %get3A_1 = arith.constant 0 : index
    %get3A_2 = vector.load %arg3[%get3A, %get3A_1] : memref<512x128xf32, #tpu.memory_space<vmem>>, vector<512x128xf32>
    %slice3A = vector.extract_strided_slice %get3A_2 {offsets = [0, 0], sizes = [512, 64], strides = [1, 1]} : vector<512x128xf32> to vector<512x64xf32>
    %get3A_3 = arith.constant 0 : index
    %get3A_4 = arith.constant 0 : index
    %get3A_5 = arith.constant 0 : index
    %get3A_6 = vector.load %arg2[%get3A_3, %get3A_4, %get3A_5] : memref<20x512x128xf32, #tpu.memory_space<vmem>>, vector<1x512x128xf32>
    %get3A_7 = vector.shape_cast %get3A_6 : vector<1x512x128xf32> to vector<512x128xf32>
    %slice3A_8 = vector.extract_strided_slice %get3A_7 {offsets = [0, 0], sizes = [512, 64], strides = [1, 1]} : vector<512x128xf32> to vector<512x64xf32>
    %sub3A = arith.subf %slice3A_8, %slice3A : vector<512x64xf32>
    %concatenate3A = tpu.concatenate %sub3A, %slice3A in 1 : vector<512x64xf32>, vector<512x64xf32> -> vector<512x128xf32>
    %get3A_9 = arith.constant 0 : index
    %get3A_10 = arith.constant 0 : index
    %get3A_11 = vector.load %arg4[%get3A_9, %get3A_10] : memref<128x128xf32, #tpu.memory_space<vmem>>, vector<128x128xf32>
    %dot_general3A = arith.constant dense<0.000000e+00> : vector<512x128xf32>
    %dot_general3A_12 = tpu.matmul %concatenate3A, %get3A_11, %dot_general3A {dimension_numbers = #tpu.dot_dimension_numbers<[1], [0], [0], [1], [0, 0, 1, 1], [], []>, transpose_lhs_hint = false} : vector<512x128xf32>, vector<128x128xf32>, vector<512x128xf32> -> vector<512x128xf32>
    %get3A_13 = arith.constant 1 : index
    %get3A_14 = arith.constant 0 : index
    %get3A_15 = arith.constant 0 : index
    %get3A_16 = vector.load %arg2[%get3A_13, %get3A_14, %get3A_15] : memref<20x512x128xf32, #tpu.memory_space<vmem>>, vector<1x512x128xf32>
    %get3A_17 = vector.shape_cast %get3A_16 : vector<1x512x128xf32> to vector<512x128xf32>
    %slice3A_18 = vector.extract_strided_slice %get3A_17 {offsets = [0, 0], sizes = [512, 64], strides = [1, 1]} : vector<512x128xf32> to vector<512x64xf32>
    %sub3A_19 = arith.subf %slice3A_18, %slice3A : vector<512x64xf32>
    %concatenate3A_20 = tpu.concatenate %sub3A_19, %slice3A in 1 : vector<512x64xf32>, vector<512x64xf32> -> vector<512x128xf32>
    %get3A_21 = arith.constant 0 : index
    %get3A_22 = arith.constant 0 : index
    %get3A_23 = vector.load %arg4[%get3A_21, %get3A_22] : memref<128x128xf32, #tpu.memory_space<vmem>>, vector<128x128xf32>
    %dot_general3A_24 = arith.constant dense<0.000000e+00> : vector<512x128xf32>
    %dot_general3A_25 = tpu.matmul %concatenate3A_20, %get3A_23, %dot_general3A_24 {dimension_numbers = #tpu.dot_dimension_numbers<[1], [0], [0], [1], [0, 0, 1, 1], [], []>, transpose_lhs_hint = false} : vector<512x128xf32>, vector<128x128xf32>, vector<512x128xf32> -> vector<512x128xf32>
    %max3A = arith.maximumf %dot_general3A_12, %dot_general3A_25 : vector<512x128xf32>
    %add3A_26 = arith.addf %dot_general3A_12, %dot_general3A_25 : vector<512x128xf32>
    %get3A_27 = arith.constant 2 : index
    %get3A_28 = arith.constant 0 : index
    %get3A_29 = arith.constant 0 : index
    %get3A_30 = vector.load %arg2[%get3A_27, %get3A_28, %get3A_29] : memref<20x512x128xf32, #tpu.memory_space<vmem>>, vector<1x512x128xf32>
    %get3A_31 = vector.shape_cast %get3A_30 : vector<1x512x128xf32> to vector<512x128xf32>
    %slice3A_32 = vector.extract_strided_slice %get3A_31 {offsets = [0, 0], sizes = [512, 64], strides = [1, 1]} : vector<512x128xf32> to vector<512x64xf32>
    %sub3A_33 = arith.subf %slice3A_32, %slice3A : vector<512x64xf32>
    %concatenate3A_34 = tpu.concatenate %sub3A_33, %slice3A in 1 : vector<512x64xf32>, vector<512x64xf32> -> vector<512x128xf32>
    %get3A_35 = arith.constant 0 : index
    %get3A_36 = arith.constant 0 : index
    %get3A_37 = vector.load %arg4[%get3A_35, %get3A_36] : memref<128x128xf32, #tpu.memory_space<vmem>>, vector<128x128xf32>
    %dot_general3A_38 = arith.constant dense<0.000000e+00> : vector<512x128xf32>
    %dot_general3A_39 = tpu.matmul %concatenate3A_34, %get3A_37, %dot_general3A_38 {dimension_numbers = #tpu.dot_dimension_numbers<[1], [0], [0], [1], [0, 0, 1, 1], [], []>, transpose_lhs_hint = false} : vector<512x128xf32>, vector<128x128xf32>, vector<512x128xf32> -> vector<512x128xf32>
    %max3A_40 = arith.maximumf %max3A, %dot_general3A_39 : vector<512x128xf32>
    %add3A_41 = arith.addf %add3A_26, %dot_general3A_39 : vector<512x128xf32>
    %get3A_42 = arith.constant 3 : index
    %get3A_43 = arith.constant 0 : index
    %get3A_44 = arith.constant 0 : index
    %get3A_45 = vector.load %arg2[%get3A_42, %get3A_43, %get3A_44] : memref<20x512x128xf32, #tpu.memory_space<vmem>>, vector<1x512x128xf32>
    %get3A_46 = vector.shape_cast %get3A_45 : vector<1x512x128xf32> to vector<512x128xf32>
    %slice3A_47 = vector.extract_strided_slice %get3A_46 {offsets = [0, 0], sizes = [512, 64], strides = [1, 1]} : vector<512x128xf32> to vector<512x64xf32>
    %sub3A_48 = arith.subf %slice3A_47, %slice3A : vector<512x64xf32>
    %concatenate3A_49 = tpu.concatenate %sub3A_48, %slice3A in 1 : vector<512x64xf32>, vector<512x64xf32> -> vector<512x128xf32>
    %get3A_50 = arith.constant 0 : index
    %get3A_51 = arith.constant 0 : index
    %get3A_52 = vector.load %arg4[%get3A_50, %get3A_51] : memref<128x128xf32, #tpu.memory_space<vmem>>, vector<128x128xf32>
    %dot_general3A_53 = arith.constant dense<0.000000e+00> : vector<512x128xf32>
    %dot_general3A_54 = tpu.matmul %concatenate3A_49, %get3A_52, %dot_general3A_53 {dimension_numbers = #tpu.dot_dimension_numbers<[1], [0], [0], [1], [0, 0, 1, 1], [], []>, transpose_lhs_hint = false} : vector<512x128xf32>, vector<128x128xf32>, vector<512x128xf32> -> vector<512x128xf32>
    %max3A_55 = arith.maximumf %max3A_40, %dot_general3A_54 : vector<512x128xf32>
    %add3A_56 = arith.addf %add3A_41, %dot_general3A_54 : vector<512x128xf32>
    %get3A_57 = arith.constant 4 : index
    %get3A_58 = arith.constant 0 : index
    %get3A_59 = arith.constant 0 : index
    %get3A_60 = vector.load %arg2[%get3A_57, %get3A_58, %get3A_59] : memref<20x512x128xf32, #tpu.memory_space<vmem>>, vector<1x512x128xf32>
    %get3A_61 = vector.shape_cast %get3A_60 : vector<1x512x128xf32> to vector<512x128xf32>
    %slice3A_62 = vector.extract_strided_slice %get3A_61 {offsets = [0, 0], sizes = [512, 64], strides = [1, 1]} : vector<512x128xf32> to vector<512x64xf32>
    %sub3A_63 = arith.subf %slice3A_62, %slice3A : vector<512x64xf32>
    %concatenate3A_64 = tpu.concatenate %sub3A_63, %slice3A in 1 : vector<512x64xf32>, vector<512x64xf32> -> vector<512x128xf32>
    %get3A_65 = arith.constant 0 : index
    %get3A_66 = arith.constant 0 : index
    %get3A_67 = vector.load %arg4[%get3A_65, %get3A_66] : memref<128x128xf32, #tpu.memory_space<vmem>>, vector<128x128xf32>
    %dot_general3A_68 = arith.constant dense<0.000000e+00> : vector<512x128xf32>
    %dot_general3A_69 = tpu.matmul %concatenate3A_64, %get3A_67, %dot_general3A_68 {dimension_numbers = #tpu.dot_dimension_numbers<[1], [0], [0], [1], [0, 0, 1, 1], [], []>, transpose_lhs_hint = false} : vector<512x128xf32>, vector<128x128xf32>, vector<512x128xf32> -> vector<512x128xf32>
    %max3A_70 = arith.maximumf %max3A_55, %dot_general3A_69 : vector<512x128xf32>
    %add3A_71 = arith.addf %add3A_56, %dot_general3A_69 : vector<512x128xf32>
    %get3A_72 = arith.constant 5 : index
    %get3A_73 = arith.constant 0 : index
    %get3A_74 = arith.constant 0 : index
    %get3A_75 = vector.load %arg2[%get3A_72, %get3A_73, %get3A_74] : memref<20x512x128xf32, #tpu.memory_space<vmem>>, vector<1x512x128xf32>
    %get3A_76 = vector.shape_cast %get3A_75 : vector<1x512x128xf32> to vector<512x128xf32>
    %slice3A_77 = vector.extract_strided_slice %get3A_76 {offsets = [0, 0], sizes = [512, 64], strides = [1, 1]} : vector<512x128xf32> to vector<512x64xf32>
    %sub3A_78 = arith.subf %slice3A_77, %slice3A : vector<512x64xf32>
    %concatenate3A_79 = tpu.concatenate %sub3A_78, %slice3A in 1 : vector<512x64xf32>, vector<512x64xf32> -> vector<512x128xf32>
    %get3A_80 = arith.constant 0 : index
    %get3A_81 = arith.constant 0 : index
    %get3A_82 = vector.load %arg4[%get3A_80, %get3A_81] : memref<128x128xf32, #tpu.memory_space<vmem>>, vector<128x128xf32>
    %dot_general3A_83 = arith.constant dense<0.000000e+00> : vector<512x128xf32>
    %dot_general3A_84 = tpu.matmul %concatenate3A_79, %get3A_82, %dot_general3A_83 {dimension_numbers = #tpu.dot_dimension_numbers<[1], [0], [0], [1], [0, 0, 1, 1], [], []>, transpose_lhs_hint = false} : vector<512x128xf32>, vector<128x128xf32>, vector<512x128xf32> -> vector<512x128xf32>
    %max3A_85 = arith.maximumf %max3A_70, %dot_general3A_84 : vector<512x128xf32>
    %add3A_86 = arith.addf %add3A_71, %dot_general3A_84 : vector<512x128xf32>
    %get3A_87 = arith.constant 6 : index
    %get3A_88 = arith.constant 0 : index
    %get3A_89 = arith.constant 0 : index
    %get3A_90 = vector.load %arg2[%get3A_87, %get3A_88, %get3A_89] : memref<20x512x128xf32, #tpu.memory_space<vmem>>, vector<1x512x128xf32>
    %get3A_91 = vector.shape_cast %get3A_90 : vector<1x512x128xf32> to vector<512x128xf32>
    %slice3A_92 = vector.extract_strided_slice %get3A_91 {offsets = [0, 0], sizes = [512, 64], strides = [1, 1]} : vector<512x128xf32> to vector<512x64xf32>
    %sub3A_93 = arith.subf %slice3A_92, %slice3A : vector<512x64xf32>
    %concatenate3A_94 = tpu.concatenate %sub3A_93, %slice3A in 1 : vector<512x64xf32>, vector<512x64xf32> -> vector<512x128xf32>
    %get3A_95 = arith.constant 0 : index
    %get3A_96 = arith.constant 0 : index
    %get3A_97 = vector.load %arg4[%get3A_95, %get3A_96] : memref<128x128xf32, #tpu.memory_space<vmem>>, vector<128x128xf32>
    %dot_general3A_98 = arith.constant dense<0.000000e+00> : vector<512x128xf32>
    %dot_general3A_99 = tpu.matmul %concatenate3A_94, %get3A_97, %dot_general3A_98 {dimension_numbers = #tpu.dot_dimension_numbers<[1], [0], [0], [1], [0, 0, 1, 1], [], []>, transpose_lhs_hint = false} : vector<512x128xf32>, vector<128x128xf32>, vector<512x128xf32> -> vector<512x128xf32>
    %max3A_100 = arith.maximumf %max3A_85, %dot_general3A_99 : vector<512x128xf32>
    %add3A_101 = arith.addf %add3A_86, %dot_general3A_99 : vector<512x128xf32>
    %get3A_102 = arith.constant 7 : index
    %get3A_103 = arith.constant 0 : index
    %get3A_104 = arith.constant 0 : index
    %get3A_105 = vector.load %arg2[%get3A_102, %get3A_103, %get3A_104] : memref<20x512x128xf32, #tpu.memory_space<vmem>>, vector<1x512x128xf32>
    %get3A_106 = vector.shape_cast %get3A_105 : vector<1x512x128xf32> to vector<512x128xf32>
    %slice3A_107 = vector.extract_strided_slice %get3A_106 {offsets = [0, 0], sizes = [512, 64], strides = [1, 1]} : vector<512x128xf32> to vector<512x64xf32>
    %sub3A_108 = arith.subf %slice3A_107, %slice3A : vector<512x64xf32>
    %concatenate3A_109 = tpu.concatenate %sub3A_108, %slice3A in 1 : vector<512x64xf32>, vector<512x64xf32> -> vector<512x128xf32>
    %get3A_110 = arith.constant 0 : index
    %get3A_111 = arith.constant 0 : index
    %get3A_112 = vector.load %arg4[%get3A_110, %get3A_111] : memref<128x128xf32, #tpu.memory_space<vmem>>, vector<128x128xf32>
    %dot_general3A_113 = arith.constant dense<0.000000e+00> : vector<512x128xf32>
    %dot_general3A_114 = tpu.matmul %concatenate3A_109, %get3A_112, %dot_general3A_113 {dimension_numbers = #tpu.dot_dimension_numbers<[1], [0], [0], [1], [0, 0, 1, 1], [], []>, transpose_lhs_hint = false} : vector<512x128xf32>, vector<128x128xf32>, vector<512x128xf32> -> vector<512x128xf32>
    %max3A_115 = arith.maximumf %max3A_100, %dot_general3A_114 : vector<512x128xf32>
    %add3A_116 = arith.addf %add3A_101, %dot_general3A_114 : vector<512x128xf32>
    %get3A_117 = arith.constant 8 : index
    %get3A_118 = arith.constant 0 : index
    %get3A_119 = arith.constant 0 : index
    %get3A_120 = vector.load %arg2[%get3A_117, %get3A_118, %get3A_119] : memref<20x512x128xf32, #tpu.memory_space<vmem>>, vector<1x512x128xf32>
    %get3A_121 = vector.shape_cast %get3A_120 : vector<1x512x128xf32> to vector<512x128xf32>
    %slice3A_122 = vector.extract_strided_slice %get3A_121 {offsets = [0, 0], sizes = [512, 64], strides = [1, 1]} : vector<512x128xf32> to vector<512x64xf32>
    %sub3A_123 = arith.subf %slice3A_122, %slice3A : vector<512x64xf32>
    %concatenate3A_124 = tpu.concatenate %sub3A_123, %slice3A in 1 : vector<512x64xf32>, vector<512x64xf32> -> vector<512x128xf32>
    %get3A_125 = arith.constant 0 : index
    %get3A_126 = arith.constant 0 : index
    %get3A_127 = vector.load %arg4[%get3A_125, %get3A_126] : memref<128x128xf32, #tpu.memory_space<vmem>>, vector<128x128xf32>
    %dot_general3A_128 = arith.constant dense<0.000000e+00> : vector<512x128xf32>
    %dot_general3A_129 = tpu.matmul %concatenate3A_124, %get3A_127, %dot_general3A_128 {dimension_numbers = #tpu.dot_dimension_numbers<[1], [0], [0], [1], [0, 0, 1, 1], [], []>, transpose_lhs_hint = false} : vector<512x128xf32>, vector<128x128xf32>, vector<512x128xf32> -> vector<512x128xf32>
    %max3A_130 = arith.maximumf %max3A_115, %dot_general3A_129 : vector<512x128xf32>
    %add3A_131 = arith.addf %add3A_116, %dot_general3A_129 : vector<512x128xf32>
    %get3A_132 = arith.constant 9 : index
    %get3A_133 = arith.constant 0 : index
    %get3A_134 = arith.constant 0 : index
    %get3A_135 = vector.load %arg2[%get3A_132, %get3A_133, %get3A_134] : memref<20x512x128xf32, #tpu.memory_space<vmem>>, vector<1x512x128xf32>
    %get3A_136 = vector.shape_cast %get3A_135 : vector<1x512x128xf32> to vector<512x128xf32>
    %slice3A_137 = vector.extract_strided_slice %get3A_136 {offsets = [0, 0], sizes = [512, 64], strides = [1, 1]} : vector<512x128xf32> to vector<512x64xf32>
    %sub3A_138 = arith.subf %slice3A_137, %slice3A : vector<512x64xf32>
    %concatenate3A_139 = tpu.concatenate %sub3A_138, %slice3A in 1 : vector<512x64xf32>, vector<512x64xf32> -> vector<512x128xf32>
    %get3A_140 = arith.constant 0 : index
    %get3A_141 = arith.constant 0 : index
    %get3A_142 = vector.load %arg4[%get3A_140, %get3A_141] : memref<128x128xf32, #tpu.memory_space<vmem>>, vector<128x128xf32>
    %dot_general3A_143 = arith.constant dense<0.000000e+00> : vector<512x128xf32>
    %dot_general3A_144 = tpu.matmul %concatenate3A_139, %get3A_142, %dot_general3A_143 {dimension_numbers = #tpu.dot_dimension_numbers<[1], [0], [0], [1], [0, 0, 1, 1], [], []>, transpose_lhs_hint = false} : vector<512x128xf32>, vector<128x128xf32>, vector<512x128xf32> -> vector<512x128xf32>
    %max3A_145 = arith.maximumf %max3A_130, %dot_general3A_144 : vector<512x128xf32>
    %add3A_146 = arith.addf %add3A_131, %dot_general3A_144 : vector<512x128xf32>
    %get3A_147 = arith.constant 10 : index
    %get3A_148 = arith.constant 0 : index
    %get3A_149 = arith.constant 0 : index
    %get3A_150 = vector.load %arg2[%get3A_147, %get3A_148, %get3A_149] : memref<20x512x128xf32, #tpu.memory_space<vmem>>, vector<1x512x128xf32>
    %get3A_151 = vector.shape_cast %get3A_150 : vector<1x512x128xf32> to vector<512x128xf32>
    %slice3A_152 = vector.extract_strided_slice %get3A_151 {offsets = [0, 0], sizes = [512, 64], strides = [1, 1]} : vector<512x128xf32> to vector<512x64xf32>
    %sub3A_153 = arith.subf %slice3A_152, %slice3A : vector<512x64xf32>
    %concatenate3A_154 = tpu.concatenate %sub3A_153, %slice3A in 1 : vector<512x64xf32>, vector<512x64xf32> -> vector<512x128xf32>
    %get3A_155 = arith.constant 0 : index
    %get3A_156 = arith.constant 0 : index
    %get3A_157 = vector.load %arg4[%get3A_155, %get3A_156] : memref<128x128xf32, #tpu.memory_space<vmem>>, vector<128x128xf32>
    %dot_general3A_158 = arith.constant dense<0.000000e+00> : vector<512x128xf32>
    %dot_general3A_159 = tpu.matmul %concatenate3A_154, %get3A_157, %dot_general3A_158 {dimension_numbers = #tpu.dot_dimension_numbers<[1], [0], [0], [1], [0, 0, 1, 1], [], []>, transpose_lhs_hint = false} : vector<512x128xf32>, vector<128x128xf32>, vector<512x128xf32> -> vector<512x128xf32>
    %max3A_160 = arith.maximumf %max3A_145, %dot_general3A_159 : vector<512x128xf32>
    %add3A_161 = arith.addf %add3A_146, %dot_general3A_159 : vector<512x128xf32>
    %get3A_162 = arith.constant 11 : index
    %get3A_163 = arith.constant 0 : index
    %get3A_164 = arith.constant 0 : index
    %get3A_165 = vector.load %arg2[%get3A_162, %get3A_163, %get3A_164] : memref<20x512x128xf32, #tpu.memory_space<vmem>>, vector<1x512x128xf32>
    %get3A_166 = vector.shape_cast %get3A_165 : vector<1x512x128xf32> to vector<512x128xf32>
    %slice3A_167 = vector.extract_strided_slice %get3A_166 {offsets = [0, 0], sizes = [512, 64], strides = [1, 1]} : vector<512x128xf32> to vector<512x64xf32>
    %sub3A_168 = arith.subf %slice3A_167, %slice3A : vector<512x64xf32>
    %concatenate3A_169 = tpu.concatenate %sub3A_168, %slice3A in 1 : vector<512x64xf32>, vector<512x64xf32> -> vector<512x128xf32>
    %get3A_170 = arith.constant 0 : index
    %get3A_171 = arith.constant 0 : index
    %get3A_172 = vector.load %arg4[%get3A_170, %get3A_171] : memref<128x128xf32, #tpu.memory_space<vmem>>, vector<128x128xf32>
    %dot_general3A_173 = arith.constant dense<0.000000e+00> : vector<512x128xf32>
    %dot_general3A_174 = tpu.matmul %concatenate3A_169, %get3A_172, %dot_general3A_173 {dimension_numbers = #tpu.dot_dimension_numbers<[1], [0], [0], [1], [0, 0, 1, 1], [], []>, transpose_lhs_hint = false} : vector<512x128xf32>, vector<128x128xf32>, vector<512x128xf32> -> vector<512x128xf32>
    %max3A_175 = arith.maximumf %max3A_160, %dot_general3A_174 : vector<512x128xf32>
    %add3A_176 = arith.addf %add3A_161, %dot_general3A_174 : vector<512x128xf32>
    %get3A_177 = arith.constant 12 : index
    %get3A_178 = arith.constant 0 : index
    %get3A_179 = arith.constant 0 : index
    %get3A_180 = vector.load %arg2[%get3A_177, %get3A_178, %get3A_179] : memref<20x512x128xf32, #tpu.memory_space<vmem>>, vector<1x512x128xf32>
    %get3A_181 = vector.shape_cast %get3A_180 : vector<1x512x128xf32> to vector<512x128xf32>
    %slice3A_182 = vector.extract_strided_slice %get3A_181 {offsets = [0, 0], sizes = [512, 64], strides = [1, 1]} : vector<512x128xf32> to vector<512x64xf32>
    %sub3A_183 = arith.subf %slice3A_182, %slice3A : vector<512x64xf32>
    %concatenate3A_184 = tpu.concatenate %sub3A_183, %slice3A in 1 : vector<512x64xf32>, vector<512x64xf32> -> vector<512x128xf32>
    %get3A_185 = arith.constant 0 : index
    %get3A_186 = arith.constant 0 : index
    %get3A_187 = vector.load %arg4[%get3A_185, %get3A_186] : memref<128x128xf32, #tpu.memory_space<vmem>>, vector<128x128xf32>
    %dot_general3A_188 = arith.constant dense<0.000000e+00> : vector<512x128xf32>
    %dot_general3A_189 = tpu.matmul %concatenate3A_184, %get3A_187, %dot_general3A_188 {dimension_numbers = #tpu.dot_dimension_numbers<[1], [0], [0], [1], [0, 0, 1, 1], [], []>, transpose_lhs_hint = false} : vector<512x128xf32>, vector<128x128xf32>, vector<512x128xf32> -> vector<512x128xf32>
    %max3A_190 = arith.maximumf %max3A_175, %dot_general3A_189 : vector<512x128xf32>
    %add3A_191 = arith.addf %add3A_176, %dot_general3A_189 : vector<512x128xf32>
    %get3A_192 = arith.constant 13 : index
    %get3A_193 = arith.constant 0 : index
    %get3A_194 = arith.constant 0 : index
    %get3A_195 = vector.load %arg2[%get3A_192, %get3A_193, %get3A_194] : memref<20x512x128xf32, #tpu.memory_space<vmem>>, vector<1x512x128xf32>
    %get3A_196 = vector.shape_cast %get3A_195 : vector<1x512x128xf32> to vector<512x128xf32>
    %slice3A_197 = vector.extract_strided_slice %get3A_196 {offsets = [0, 0], sizes = [512, 64], strides = [1, 1]} : vector<512x128xf32> to vector<512x64xf32>
    %sub3A_198 = arith.subf %slice3A_197, %slice3A : vector<512x64xf32>
    %concatenate3A_199 = tpu.concatenate %sub3A_198, %slice3A in 1 : vector<512x64xf32>, vector<512x64xf32> -> vector<512x128xf32>
    %get3A_200 = arith.constant 0 : index
    %get3A_201 = arith.constant 0 : index
    %get3A_202 = vector.load %arg4[%get3A_200, %get3A_201] : memref<128x128xf32, #tpu.memory_space<vmem>>, vector<128x128xf32>
    %dot_general3A_203 = arith.constant dense<0.000000e+00> : vector<512x128xf32>
    %dot_general3A_204 = tpu.matmul %concatenate3A_199, %get3A_202, %dot_general3A_203 {dimension_numbers = #tpu.dot_dimension_numbers<[1], [0], [0], [1], [0, 0, 1, 1], [], []>, transpose_lhs_hint = false} : vector<512x128xf32>, vector<128x128xf32>, vector<512x128xf32> -> vector<512x128xf32>
    %max3A_205 = arith.maximumf %max3A_190, %dot_general3A_204 : vector<512x128xf32>
    %add3A_206 = arith.addf %add3A_191, %dot_general3A_204 : vector<512x128xf32>
    %get3A_207 = arith.constant 14 : index
    %get3A_208 = arith.constant 0 : index
    %get3A_209 = arith.constant 0 : index
    %get3A_210 = vector.load %arg2[%get3A_207, %get3A_208, %get3A_209] : memref<20x512x128xf32, #tpu.memory_space<vmem>>, vector<1x512x128xf32>
    %get3A_211 = vector.shape_cast %get3A_210 : vector<1x512x128xf32> to vector<512x128xf32>
    %slice3A_212 = vector.extract_strided_slice %get3A_211 {offsets = [0, 0], sizes = [512, 64], strides = [1, 1]} : vector<512x128xf32> to vector<512x64xf32>
    %sub3A_213 = arith.subf %slice3A_212, %slice3A : vector<512x64xf32>
    %concatenate3A_214 = tpu.concatenate %sub3A_213, %slice3A in 1 : vector<512x64xf32>, vector<512x64xf32> -> vector<512x128xf32>
    %get3A_215 = arith.constant 0 : index
    %get3A_216 = arith.constant 0 : index
    %get3A_217 = vector.load %arg4[%get3A_215, %get3A_216] : memref<128x128xf32, #tpu.memory_space<vmem>>, vector<128x128xf32>
    %dot_general3A_218 = arith.constant dense<0.000000e+00> : vector<512x128xf32>
    %dot_general3A_219 = tpu.matmul %concatenate3A_214, %get3A_217, %dot_general3A_218 {dimension_numbers = #tpu.dot_dimension_numbers<[1], [0], [0], [1], [0, 0, 1, 1], [], []>, transpose_lhs_hint = false} : vector<512x128xf32>, vector<128x128xf32>, vector<512x128xf32> -> vector<512x128xf32>
    %max3A_220 = arith.maximumf %max3A_205, %dot_general3A_219 : vector<512x128xf32>
    %add3A_221 = arith.addf %add3A_206, %dot_general3A_219 : vector<512x128xf32>
    %get3A_222 = arith.constant 15 : index
    %get3A_223 = arith.constant 0 : index
    %get3A_224 = arith.constant 0 : index
    %get3A_225 = vector.load %arg2[%get3A_222, %get3A_223, %get3A_224] : memref<20x512x128xf32, #tpu.memory_space<vmem>>, vector<1x512x128xf32>
    %get3A_226 = vector.shape_cast %get3A_225 : vector<1x512x128xf32> to vector<512x128xf32>
    %slice3A_227 = vector.extract_strided_slice %get3A_226 {offsets = [0, 0], sizes = [512, 64], strides = [1, 1]} : vector<512x128xf32> to vector<512x64xf32>
    %sub3A_228 = arith.subf %slice3A_227, %slice3A : vector<512x64xf32>
    %concatenate3A_229 = tpu.concatenate %sub3A_228, %slice3A in 1 : vector<512x64xf32>, vector<512x64xf32> -> vector<512x128xf32>
    %get3A_230 = arith.constant 0 : index
    %get3A_231 = arith.constant 0 : index
    %get3A_232 = vector.load %arg4[%get3A_230, %get3A_231] : memref<128x128xf32, #tpu.memory_space<vmem>>, vector<128x128xf32>
    %dot_general3A_233 = arith.constant dense<0.000000e+00> : vector<512x128xf32>
    %dot_general3A_234 = tpu.matmul %concatenate3A_229, %get3A_232, %dot_general3A_233 {dimension_numbers = #tpu.dot_dimension_numbers<[1], [0], [0], [1], [0, 0, 1, 1], [], []>, transpose_lhs_hint = false} : vector<512x128xf32>, vector<128x128xf32>, vector<512x128xf32> -> vector<512x128xf32>
    %max3A_235 = arith.maximumf %max3A_220, %dot_general3A_234 : vector<512x128xf32>
    %add3A_236 = arith.addf %add3A_221, %dot_general3A_234 : vector<512x128xf32>
    %get3A_237 = arith.constant 16 : index
    %get3A_238 = arith.constant 0 : index
    %get3A_239 = arith.constant 0 : index
    %get3A_240 = vector.load %arg2[%get3A_237, %get3A_238, %get3A_239] : memref<20x512x128xf32, #tpu.memory_space<vmem>>, vector<1x512x128xf32>
    %get3A_241 = vector.shape_cast %get3A_240 : vector<1x512x128xf32> to vector<512x128xf32>
    %slice3A_242 = vector.extract_strided_slice %get3A_241 {offsets = [0, 0], sizes = [512, 64], strides = [1, 1]} : vector<512x128xf32> to vector<512x64xf32>
    %sub3A_243 = arith.subf %slice3A_242, %slice3A : vector<512x64xf32>
    %concatenate3A_244 = tpu.concatenate %sub3A_243, %slice3A in 1 : vector<512x64xf32>, vector<512x64xf32> -> vector<512x128xf32>
    %get3A_245 = arith.constant 0 : index
    %get3A_246 = arith.constant 0 : index
    %get3A_247 = vector.load %arg4[%get3A_245, %get3A_246] : memref<128x128xf32, #tpu.memory_space<vmem>>, vector<128x128xf32>
    %dot_general3A_248 = arith.constant dense<0.000000e+00> : vector<512x128xf32>
    %dot_general3A_249 = tpu.matmul %concatenate3A_244, %get3A_247, %dot_general3A_248 {dimension_numbers = #tpu.dot_dimension_numbers<[1], [0], [0], [1], [0, 0, 1, 1], [], []>, transpose_lhs_hint = false} : vector<512x128xf32>, vector<128x128xf32>, vector<512x128xf32> -> vector<512x128xf32>
    %max3A_250 = arith.maximumf %max3A_235, %dot_general3A_249 : vector<512x128xf32>
    %add3A_251 = arith.addf %add3A_236, %dot_general3A_249 : vector<512x128xf32>
    %get3A_252 = arith.constant 17 : index
    %get3A_253 = arith.constant 0 : index
    %get3A_254 = arith.constant 0 : index
    %get3A_255 = vector.load %arg2[%get3A_252, %get3A_253, %get3A_254] : memref<20x512x128xf32, #tpu.memory_space<vmem>>, vector<1x512x128xf32>
    %get3A_256 = vector.shape_cast %get3A_255 : vector<1x512x128xf32> to vector<512x128xf32>
    %slice3A_257 = vector.extract_strided_slice %get3A_256 {offsets = [0, 0], sizes = [512, 64], strides = [1, 1]} : vector<512x128xf32> to vector<512x64xf32>
    %sub3A_258 = arith.subf %slice3A_257, %slice3A : vector<512x64xf32>
    %concatenate3A_259 = tpu.concatenate %sub3A_258, %slice3A in 1 : vector<512x64xf32>, vector<512x64xf32> -> vector<512x128xf32>
    %get3A_260 = arith.constant 0 : index
    %get3A_261 = arith.constant 0 : index
    %get3A_262 = vector.load %arg4[%get3A_260, %get3A_261] : memref<128x128xf32, #tpu.memory_space<vmem>>, vector<128x128xf32>
    %dot_general3A_263 = arith.constant dense<0.000000e+00> : vector<512x128xf32>
    %dot_general3A_264 = tpu.matmul %concatenate3A_259, %get3A_262, %dot_general3A_263 {dimension_numbers = #tpu.dot_dimension_numbers<[1], [0], [0], [1], [0, 0, 1, 1], [], []>, transpose_lhs_hint = false} : vector<512x128xf32>, vector<128x128xf32>, vector<512x128xf32> -> vector<512x128xf32>
    %max3A_265 = arith.maximumf %max3A_250, %dot_general3A_264 : vector<512x128xf32>
    %add3A_266 = arith.addf %add3A_251, %dot_general3A_264 : vector<512x128xf32>
    %get3A_267 = arith.constant 18 : index
    %get3A_268 = arith.constant 0 : index
    %get3A_269 = arith.constant 0 : index
    %get3A_270 = vector.load %arg2[%get3A_267, %get3A_268, %get3A_269] : memref<20x512x128xf32, #tpu.memory_space<vmem>>, vector<1x512x128xf32>
    %get3A_271 = vector.shape_cast %get3A_270 : vector<1x512x128xf32> to vector<512x128xf32>
    %slice3A_272 = vector.extract_strided_slice %get3A_271 {offsets = [0, 0], sizes = [512, 64], strides = [1, 1]} : vector<512x128xf32> to vector<512x64xf32>
    %sub3A_273 = arith.subf %slice3A_272, %slice3A : vector<512x64xf32>
    %concatenate3A_274 = tpu.concatenate %sub3A_273, %slice3A in 1 : vector<512x64xf32>, vector<512x64xf32> -> vector<512x128xf32>
    %get3A_275 = arith.constant 0 : index
    %get3A_276 = arith.constant 0 : index
    %get3A_277 = vector.load %arg4[%get3A_275, %get3A_276] : memref<128x128xf32, #tpu.memory_space<vmem>>, vector<128x128xf32>
    %dot_general3A_278 = arith.constant dense<0.000000e+00> : vector<512x128xf32>
    %dot_general3A_279 = tpu.matmul %concatenate3A_274, %get3A_277, %dot_general3A_278 {dimension_numbers = #tpu.dot_dimension_numbers<[1], [0], [0], [1], [0, 0, 1, 1], [], []>, transpose_lhs_hint = false} : vector<512x128xf32>, vector<128x128xf32>, vector<512x128xf32> -> vector<512x128xf32>
    %max3A_280 = arith.maximumf %max3A_265, %dot_general3A_279 : vector<512x128xf32>
    %add3A_281 = arith.addf %add3A_266, %dot_general3A_279 : vector<512x128xf32>
    %get3A_282 = arith.constant 19 : index
    %get3A_283 = arith.constant 0 : index
    %get3A_284 = arith.constant 0 : index
    %get3A_285 = vector.load %arg2[%get3A_282, %get3A_283, %get3A_284] : memref<20x512x128xf32, #tpu.memory_space<vmem>>, vector<1x512x128xf32>
    %get3A_286 = vector.shape_cast %get3A_285 : vector<1x512x128xf32> to vector<512x128xf32>
    %slice3A_287 = vector.extract_strided_slice %get3A_286 {offsets = [0, 0], sizes = [512, 64], strides = [1, 1]} : vector<512x128xf32> to vector<512x64xf32>
    %sub3A_288 = arith.subf %slice3A_287, %slice3A : vector<512x64xf32>
    %concatenate3A_289 = tpu.concatenate %sub3A_288, %slice3A in 1 : vector<512x64xf32>, vector<512x64xf32> -> vector<512x128xf32>
    %get3A_290 = arith.constant 0 : index
    %get3A_291 = arith.constant 0 : index
    %get3A_292 = vector.load %arg4[%get3A_290, %get3A_291] : memref<128x128xf32, #tpu.memory_space<vmem>>, vector<128x128xf32>
    %dot_general3A_293 = arith.constant dense<0.000000e+00> : vector<512x128xf32>
    %dot_general3A_294 = tpu.matmul %concatenate3A_289, %get3A_292, %dot_general3A_293 {dimension_numbers = #tpu.dot_dimension_numbers<[1], [0], [0], [1], [0, 0, 1, 1], [], []>, transpose_lhs_hint = false} : vector<512x128xf32>, vector<128x128xf32>, vector<512x128xf32> -> vector<512x128xf32>
    %max3A_295 = arith.maximumf %max3A_280, %dot_general3A_294 : vector<512x128xf32>
    %add3A_296 = arith.addf %add3A_281, %dot_general3A_294 : vector<512x128xf32>
    %swap3A = arith.constant 0 : index
    %swap3A_297 = arith.constant 0 : index
    %swap3A_298 = vector.load %arg5[%swap3A, %swap3A_297] : memref<512x128xf32, #tpu.memory_space<vmem>>, vector<512x128xf32>
    tpu.vector_store %arg5[%swap3A, %swap3A_297], %max3A_295 {strides = array<i32>} : memref<512x128xf32, #tpu.memory_space<vmem>>, vector<512x128xf32>,
    %reduce_sum3A = arith.constant dense<0.000000e+00> : vector<128xf32>
    %reduce_sum3A_299 = vector.multi_reduction <add>, %add3A_296, %reduce_sum3A [0] : vector<512x128xf32> to vector<128xf32>
    %broadcast_in_dim3A = vector.shape_cast %reduce_sum3A_299 : vector<128xf32> to vector<1x128xf32>
    %broadcast_in_dim3A_300 = arith.constant 0.000000e+00 : f32
    %broadcast_in_dim3A_301 = vector.broadcast %broadcast_in_dim3A_300 : f32 to vector<7x128xf32>
    %concatenate3A_302 = tpu.concatenate %broadcast_in_dim3A, %broadcast_in_dim3A_301 in 0 : vector<1x128xf32>, vector<7x128xf32> -> vector<8x128xf32>
    %eq3A = arith.constant 0 : i32
    %eq3A_303 = arith.cmpi eq, %add3A, %eq3A : i32
    %convert_element_type3A = arith.extui %eq3A_303 : i1 to i32
    %cond3A = arith.constant 0 : i32
    %cond3A_304 = arith.cmpi ne, %convert_element_type3A, %cond3A : i32
    scf.if %cond3A_304 {
      %broadcast_in_dim3A_312 = arith.constant 0.000000e+00 : f32
      %broadcast_in_dim3A_313 = vector.broadcast %broadcast_in_dim3A_312 : f32 to vector<8x128xf32>
      %swap3A_314 = arith.constant 0 : index
      %swap3A_315 = arith.constant 0 : index
      %swap3A_316 = vector.load %arg6[%swap3A_314, %swap3A_315] : memref<8x128xf32, #tpu.memory_space<vmem>>, vector<8x128xf32>
      tpu.vector_store %arg6[%swap3A_314, %swap3A_315], %broadcast_in_dim3A_313 {strides = array<i32>} : memref<8x128xf32, #tpu.memory_space<vmem>>, vector<8x128xf32>,
    } else {
    }
    %get3A_305 = arith.constant 0 : index
    %get3A_306 = arith.constant 0 : index
    %get3A_307 = vector.load %arg6[%get3A_305, %get3A_306] : memref<8x128xf32, #tpu.memory_space<vmem>>, vector<8x128xf32>
    %add3A_308 = arith.addf %get3A_307, %concatenate3A_302 : vector<8x128xf32>
    %swap3A_309 = arith.constant 0 : index
    %swap3A_310 = arith.constant 0 : index
    %swap3A_311 = vector.load %arg6[%swap3A_309, %swap3A_310] : memref<8x128xf32, #tpu.memory_space<vmem>>, vector<8x128xf32>
    tpu.vector_store %arg6[%swap3A_309, %swap3A_310], %add3A_308 {strides = array<i32>} : memref<8x128xf32, #tpu.memory_space<vmem>>, vector<8x128xf32>,
    return
  }
  func.func @transform_0(%arg0: i32, %arg1: i32) -> (i32, i32, i32) {
    %mul3A = arith.constant 2 : i32
    %mul3A_0 = arith.muli %arg0, %mul3A : i32
    %add3A = arith.addi %mul3A_0, %arg1 : i32
    %c0_i32 = arith.constant 0 : i32
    %c0_i32_1 = arith.constant 0 : i32
    %c0_i32_2 = arith.constant 0 : i32
    return %c0_i32, %add3A, %c0_i32_1 : i32, i32, i32
  }
  func.func @transform_1(%arg0: i32, %arg1: i32) -> (i32, i32) {
    %mul3A = arith.constant 2 : i32
    %mul3A_0 = arith.muli %arg0, %mul3A : i32
    %add3A = arith.addi %mul3A_0, %arg1 : i32
    %c0_i32 = arith.constant 0 : i32
    %c0_i32_1 = arith.constant 0 : i32
    return %add3A, %c0_i32 : i32, i32
  }
  func.func @transform_2(%arg0: i32, %arg1: i32) -> (i32, i32) {
    %c0_i32 = arith.constant 0 : i32
    %c0_i32_0 = arith.constant 0 : i32
    %c0_i32_1 = arith.constant 0 : i32
    return %c0_i32, %c0_i32_0 : i32, i32
  }
  func.func @transform_3(%arg0: i32, %arg1: i32) -> (i32, i32) {
    %mul3A = arith.constant 2 : i32
    %mul3A_0 = arith.muli %arg0, %mul3A : i32
    %add3A = arith.addi %mul3A_0, %arg1 : i32
    %c0_i32 = arith.constant 0 : i32
    %c0_i32_1 = arith.constant 0 : i32
    return %add3A, %c0_i32 : i32, i32
  }
  func.func @transform_4(%arg0: i32, %arg1: i32) -> (i32, i32) {
    %c0_i32 = arith.constant 0 : i32
    %c0_i32_0 = arith.constant 0 : i32
    %c0_i32_1 = arith.constant 0 : i32
    return %c0_i32, %c0_i32_0 : i32, i32
  }
}

module attributes {stable_mosaic.version = 14 : i64} {
  func.func @body(%arg0: i32, %arg1: i32, %arg2: memref<20x512x128xf32, #tpu.memory_space<vmem>>, %arg3: memref<512x128xf32, #tpu.memory_space<vmem>>, %arg4: memref<128x128xf32, #tpu.memory_space<vmem>>, %arg5: memref<8x128xf32, #tpu.memory_space<vmem>>, %arg6: memref<8x128xf32, #tpu.memory_space<vmem>>) attributes {dimension_semantics = [#tpu.dimension_semantics<arbitrary>, #tpu.dimension_semantics<arbitrary>], iteration_bounds = array<i64: 16, 2>, scalar_prefetch = 0 : i64, scratch_operands = 0 : i64, tpu.core_type = #tpu.core_type<tc>, window_params = [{transform_indices = @transform_0, window_bounds = array<i64: 20, 512, 128>}, {transform_indices = @transform_1, window_bounds = array<i64: 512, 128>}, {pipeline_mode = #tpu.pipeline_mode<synchronous>, transform_indices = @transform_2, window_bounds = array<i64: 128, 128>}, {pipeline_mode = #tpu.pipeline_mode<synchronous>, transform_indices = @transform_3, window_bounds = array<i64: 8, 128>}, {pipeline_mode = #tpu.pipeline_mode<synchronous>, transform_indices = @transform_4, window_bounds = array<i64: 8, 128>}]} {
    %mul3A = arith.constant 2 : i32
    %mul3A_0 = arith.muli %arg0, %mul3A : i32
    %add3A = arith.addi %mul3A_0, %arg1 : i32
    %get3A = arith.constant 0 : index
    %get3A_1 = arith.constant 0 : index
    %get3A_2 = vector.load %arg5[%get3A, %get3A_1] : memref<8x128xf32, #tpu.memory_space<vmem>>, vector<1x128xf32>
    %div3A = arith.constant 3.276800e+05 : f32
    %div3A_3 = vector.broadcast %div3A : f32 to vector<1x128xf32>
    %div3A_4 = arith.divf %get3A_2, %div3A_3 : vector<1x128xf32>
    %get3A_5 = arith.constant 0 : index
    %get3A_6 = arith.constant 0 : index
    %get3A_7 = vector.load %arg3[%get3A_5, %get3A_6] : memref<512x128xf32, #tpu.memory_space<vmem>>, vector<512x128xf32>
    %slice3A = vector.extract_strided_slice %get3A_7 {offsets = [0, 0], sizes = [512, 64], strides = [1, 1]} : vector<512x128xf32> to vector<512x64xf32>
    %get3A_8 = arith.constant 0 : index
    %get3A_9 = arith.constant 0 : index
    %get3A_10 = arith.constant 0 : index
    %get3A_11 = vector.load %arg2[%get3A_8, %get3A_9, %get3A_10] : memref<20x512x128xf32, #tpu.memory_space<vmem>>, vector<1x512x128xf32>
    %get3A_12 = vector.shape_cast %get3A_11 : vector<1x512x128xf32> to vector<512x128xf32>
    %slice3A_13 = vector.extract_strided_slice %get3A_12 {offsets = [0, 0], sizes = [512, 64], strides = [1, 1]} : vector<512x128xf32> to vector<512x64xf32>
    %sub3A = arith.subf %slice3A_13, %slice3A : vector<512x64xf32>
    %concatenate3A = tpu.concatenate %sub3A, %slice3A in 1 : vector<512x64xf32>, vector<512x64xf32> -> vector<512x128xf32>
    %get3A_14 = arith.constant 0 : index
    %get3A_15 = arith.constant 0 : index
    %get3A_16 = vector.load %arg4[%get3A_14, %get3A_15] : memref<128x128xf32, #tpu.memory_space<vmem>>, vector<128x128xf32>
    %dot_general3A = arith.constant dense<0.000000e+00> : vector<512x128xf32>
    %dot_general3A_17 = tpu.matmul %concatenate3A, %get3A_16, %dot_general3A {dimension_numbers = #tpu.dot_dimension_numbers<[1], [0], [0], [1], [0, 0, 1, 1], [], []>, transpose_lhs_hint = false} : vector<512x128xf32>, vector<128x128xf32>, vector<512x128xf32> -> vector<512x128xf32>
    %sub3A_18 = vector.broadcast %div3A_4 : vector<1x128xf32> to vector<512x128xf32>
    %sub3A_19 = arith.subf %dot_general3A_17, %sub3A_18 : vector<512x128xf32>
    %mul3A_20 = arith.mulf %sub3A_19, %sub3A_19 : vector<512x128xf32>
    %get3A_21 = arith.constant 1 : index
    %get3A_22 = arith.constant 0 : index
    %get3A_23 = arith.constant 0 : index
    %get3A_24 = vector.load %arg2[%get3A_21, %get3A_22, %get3A_23] : memref<20x512x128xf32, #tpu.memory_space<vmem>>, vector<1x512x128xf32>
    %get3A_25 = vector.shape_cast %get3A_24 : vector<1x512x128xf32> to vector<512x128xf32>
    %slice3A_26 = vector.extract_strided_slice %get3A_25 {offsets = [0, 0], sizes = [512, 64], strides = [1, 1]} : vector<512x128xf32> to vector<512x64xf32>
    %sub3A_27 = arith.subf %slice3A_26, %slice3A : vector<512x64xf32>
    %concatenate3A_28 = tpu.concatenate %sub3A_27, %slice3A in 1 : vector<512x64xf32>, vector<512x64xf32> -> vector<512x128xf32>
    %get3A_29 = arith.constant 0 : index
    %get3A_30 = arith.constant 0 : index
    %get3A_31 = vector.load %arg4[%get3A_29, %get3A_30] : memref<128x128xf32, #tpu.memory_space<vmem>>, vector<128x128xf32>
    %dot_general3A_32 = arith.constant dense<0.000000e+00> : vector<512x128xf32>
    %dot_general3A_33 = tpu.matmul %concatenate3A_28, %get3A_31, %dot_general3A_32 {dimension_numbers = #tpu.dot_dimension_numbers<[1], [0], [0], [1], [0, 0, 1, 1], [], []>, transpose_lhs_hint = false} : vector<512x128xf32>, vector<128x128xf32>, vector<512x128xf32> -> vector<512x128xf32>
    %sub3A_34 = vector.broadcast %div3A_4 : vector<1x128xf32> to vector<512x128xf32>
    %sub3A_35 = arith.subf %dot_general3A_33, %sub3A_34 : vector<512x128xf32>
    %mul3A_36 = arith.mulf %sub3A_35, %sub3A_35 : vector<512x128xf32>
    %add3A_37 = arith.addf %mul3A_20, %mul3A_36 : vector<512x128xf32>
    %get3A_38 = arith.constant 2 : index
    %get3A_39 = arith.constant 0 : index
    %get3A_40 = arith.constant 0 : index
    %get3A_41 = vector.load %arg2[%get3A_38, %get3A_39, %get3A_40] : memref<20x512x128xf32, #tpu.memory_space<vmem>>, vector<1x512x128xf32>
    %get3A_42 = vector.shape_cast %get3A_41 : vector<1x512x128xf32> to vector<512x128xf32>
    %slice3A_43 = vector.extract_strided_slice %get3A_42 {offsets = [0, 0], sizes = [512, 64], strides = [1, 1]} : vector<512x128xf32> to vector<512x64xf32>
    %sub3A_44 = arith.subf %slice3A_43, %slice3A : vector<512x64xf32>
    %concatenate3A_45 = tpu.concatenate %sub3A_44, %slice3A in 1 : vector<512x64xf32>, vector<512x64xf32> -> vector<512x128xf32>
    %get3A_46 = arith.constant 0 : index
    %get3A_47 = arith.constant 0 : index
    %get3A_48 = vector.load %arg4[%get3A_46, %get3A_47] : memref<128x128xf32, #tpu.memory_space<vmem>>, vector<128x128xf32>
    %dot_general3A_49 = arith.constant dense<0.000000e+00> : vector<512x128xf32>
    %dot_general3A_50 = tpu.matmul %concatenate3A_45, %get3A_48, %dot_general3A_49 {dimension_numbers = #tpu.dot_dimension_numbers<[1], [0], [0], [1], [0, 0, 1, 1], [], []>, transpose_lhs_hint = false} : vector<512x128xf32>, vector<128x128xf32>, vector<512x128xf32> -> vector<512x128xf32>
    %sub3A_51 = vector.broadcast %div3A_4 : vector<1x128xf32> to vector<512x128xf32>
    %sub3A_52 = arith.subf %dot_general3A_50, %sub3A_51 : vector<512x128xf32>
    %mul3A_53 = arith.mulf %sub3A_52, %sub3A_52 : vector<512x128xf32>
    %add3A_54 = arith.addf %add3A_37, %mul3A_53 : vector<512x128xf32>
    %get3A_55 = arith.constant 3 : index
    %get3A_56 = arith.constant 0 : index
    %get3A_57 = arith.constant 0 : index
    %get3A_58 = vector.load %arg2[%get3A_55, %get3A_56, %get3A_57] : memref<20x512x128xf32, #tpu.memory_space<vmem>>, vector<1x512x128xf32>
    %get3A_59 = vector.shape_cast %get3A_58 : vector<1x512x128xf32> to vector<512x128xf32>
    %slice3A_60 = vector.extract_strided_slice %get3A_59 {offsets = [0, 0], sizes = [512, 64], strides = [1, 1]} : vector<512x128xf32> to vector<512x64xf32>
    %sub3A_61 = arith.subf %slice3A_60, %slice3A : vector<512x64xf32>
    %concatenate3A_62 = tpu.concatenate %sub3A_61, %slice3A in 1 : vector<512x64xf32>, vector<512x64xf32> -> vector<512x128xf32>
    %get3A_63 = arith.constant 0 : index
    %get3A_64 = arith.constant 0 : index
    %get3A_65 = vector.load %arg4[%get3A_63, %get3A_64] : memref<128x128xf32, #tpu.memory_space<vmem>>, vector<128x128xf32>
    %dot_general3A_66 = arith.constant dense<0.000000e+00> : vector<512x128xf32>
    %dot_general3A_67 = tpu.matmul %concatenate3A_62, %get3A_65, %dot_general3A_66 {dimension_numbers = #tpu.dot_dimension_numbers<[1], [0], [0], [1], [0, 0, 1, 1], [], []>, transpose_lhs_hint = false} : vector<512x128xf32>, vector<128x128xf32>, vector<512x128xf32> -> vector<512x128xf32>
    %sub3A_68 = vector.broadcast %div3A_4 : vector<1x128xf32> to vector<512x128xf32>
    %sub3A_69 = arith.subf %dot_general3A_67, %sub3A_68 : vector<512x128xf32>
    %mul3A_70 = arith.mulf %sub3A_69, %sub3A_69 : vector<512x128xf32>
    %add3A_71 = arith.addf %add3A_54, %mul3A_70 : vector<512x128xf32>
    %get3A_72 = arith.constant 4 : index
    %get3A_73 = arith.constant 0 : index
    %get3A_74 = arith.constant 0 : index
    %get3A_75 = vector.load %arg2[%get3A_72, %get3A_73, %get3A_74] : memref<20x512x128xf32, #tpu.memory_space<vmem>>, vector<1x512x128xf32>
    %get3A_76 = vector.shape_cast %get3A_75 : vector<1x512x128xf32> to vector<512x128xf32>
    %slice3A_77 = vector.extract_strided_slice %get3A_76 {offsets = [0, 0], sizes = [512, 64], strides = [1, 1]} : vector<512x128xf32> to vector<512x64xf32>
    %sub3A_78 = arith.subf %slice3A_77, %slice3A : vector<512x64xf32>
    %concatenate3A_79 = tpu.concatenate %sub3A_78, %slice3A in 1 : vector<512x64xf32>, vector<512x64xf32> -> vector<512x128xf32>
    %get3A_80 = arith.constant 0 : index
    %get3A_81 = arith.constant 0 : index
    %get3A_82 = vector.load %arg4[%get3A_80, %get3A_81] : memref<128x128xf32, #tpu.memory_space<vmem>>, vector<128x128xf32>
    %dot_general3A_83 = arith.constant dense<0.000000e+00> : vector<512x128xf32>
    %dot_general3A_84 = tpu.matmul %concatenate3A_79, %get3A_82, %dot_general3A_83 {dimension_numbers = #tpu.dot_dimension_numbers<[1], [0], [0], [1], [0, 0, 1, 1], [], []>, transpose_lhs_hint = false} : vector<512x128xf32>, vector<128x128xf32>, vector<512x128xf32> -> vector<512x128xf32>
    %sub3A_85 = vector.broadcast %div3A_4 : vector<1x128xf32> to vector<512x128xf32>
    %sub3A_86 = arith.subf %dot_general3A_84, %sub3A_85 : vector<512x128xf32>
    %mul3A_87 = arith.mulf %sub3A_86, %sub3A_86 : vector<512x128xf32>
    %add3A_88 = arith.addf %add3A_71, %mul3A_87 : vector<512x128xf32>
    %get3A_89 = arith.constant 5 : index
    %get3A_90 = arith.constant 0 : index
    %get3A_91 = arith.constant 0 : index
    %get3A_92 = vector.load %arg2[%get3A_89, %get3A_90, %get3A_91] : memref<20x512x128xf32, #tpu.memory_space<vmem>>, vector<1x512x128xf32>
    %get3A_93 = vector.shape_cast %get3A_92 : vector<1x512x128xf32> to vector<512x128xf32>
    %slice3A_94 = vector.extract_strided_slice %get3A_93 {offsets = [0, 0], sizes = [512, 64], strides = [1, 1]} : vector<512x128xf32> to vector<512x64xf32>
    %sub3A_95 = arith.subf %slice3A_94, %slice3A : vector<512x64xf32>
    %concatenate3A_96 = tpu.concatenate %sub3A_95, %slice3A in 1 : vector<512x64xf32>, vector<512x64xf32> -> vector<512x128xf32>
    %get3A_97 = arith.constant 0 : index
    %get3A_98 = arith.constant 0 : index
    %get3A_99 = vector.load %arg4[%get3A_97, %get3A_98] : memref<128x128xf32, #tpu.memory_space<vmem>>, vector<128x128xf32>
    %dot_general3A_100 = arith.constant dense<0.000000e+00> : vector<512x128xf32>
    %dot_general3A_101 = tpu.matmul %concatenate3A_96, %get3A_99, %dot_general3A_100 {dimension_numbers = #tpu.dot_dimension_numbers<[1], [0], [0], [1], [0, 0, 1, 1], [], []>, transpose_lhs_hint = false} : vector<512x128xf32>, vector<128x128xf32>, vector<512x128xf32> -> vector<512x128xf32>
    %sub3A_102 = vector.broadcast %div3A_4 : vector<1x128xf32> to vector<512x128xf32>
    %sub3A_103 = arith.subf %dot_general3A_101, %sub3A_102 : vector<512x128xf32>
    %mul3A_104 = arith.mulf %sub3A_103, %sub3A_103 : vector<512x128xf32>
    %add3A_105 = arith.addf %add3A_88, %mul3A_104 : vector<512x128xf32>
    %get3A_106 = arith.constant 6 : index
    %get3A_107 = arith.constant 0 : index
    %get3A_108 = arith.constant 0 : index
    %get3A_109 = vector.load %arg2[%get3A_106, %get3A_107, %get3A_108] : memref<20x512x128xf32, #tpu.memory_space<vmem>>, vector<1x512x128xf32>
    %get3A_110 = vector.shape_cast %get3A_109 : vector<1x512x128xf32> to vector<512x128xf32>
    %slice3A_111 = vector.extract_strided_slice %get3A_110 {offsets = [0, 0], sizes = [512, 64], strides = [1, 1]} : vector<512x128xf32> to vector<512x64xf32>
    %sub3A_112 = arith.subf %slice3A_111, %slice3A : vector<512x64xf32>
    %concatenate3A_113 = tpu.concatenate %sub3A_112, %slice3A in 1 : vector<512x64xf32>, vector<512x64xf32> -> vector<512x128xf32>
    %get3A_114 = arith.constant 0 : index
    %get3A_115 = arith.constant 0 : index
    %get3A_116 = vector.load %arg4[%get3A_114, %get3A_115] : memref<128x128xf32, #tpu.memory_space<vmem>>, vector<128x128xf32>
    %dot_general3A_117 = arith.constant dense<0.000000e+00> : vector<512x128xf32>
    %dot_general3A_118 = tpu.matmul %concatenate3A_113, %get3A_116, %dot_general3A_117 {dimension_numbers = #tpu.dot_dimension_numbers<[1], [0], [0], [1], [0, 0, 1, 1], [], []>, transpose_lhs_hint = false} : vector<512x128xf32>, vector<128x128xf32>, vector<512x128xf32> -> vector<512x128xf32>
    %sub3A_119 = vector.broadcast %div3A_4 : vector<1x128xf32> to vector<512x128xf32>
    %sub3A_120 = arith.subf %dot_general3A_118, %sub3A_119 : vector<512x128xf32>
    %mul3A_121 = arith.mulf %sub3A_120, %sub3A_120 : vector<512x128xf32>
    %add3A_122 = arith.addf %add3A_105, %mul3A_121 : vector<512x128xf32>
    %get3A_123 = arith.constant 7 : index
    %get3A_124 = arith.constant 0 : index
    %get3A_125 = arith.constant 0 : index
    %get3A_126 = vector.load %arg2[%get3A_123, %get3A_124, %get3A_125] : memref<20x512x128xf32, #tpu.memory_space<vmem>>, vector<1x512x128xf32>
    %get3A_127 = vector.shape_cast %get3A_126 : vector<1x512x128xf32> to vector<512x128xf32>
    %slice3A_128 = vector.extract_strided_slice %get3A_127 {offsets = [0, 0], sizes = [512, 64], strides = [1, 1]} : vector<512x128xf32> to vector<512x64xf32>
    %sub3A_129 = arith.subf %slice3A_128, %slice3A : vector<512x64xf32>
    %concatenate3A_130 = tpu.concatenate %sub3A_129, %slice3A in 1 : vector<512x64xf32>, vector<512x64xf32> -> vector<512x128xf32>
    %get3A_131 = arith.constant 0 : index
    %get3A_132 = arith.constant 0 : index
    %get3A_133 = vector.load %arg4[%get3A_131, %get3A_132] : memref<128x128xf32, #tpu.memory_space<vmem>>, vector<128x128xf32>
    %dot_general3A_134 = arith.constant dense<0.000000e+00> : vector<512x128xf32>
    %dot_general3A_135 = tpu.matmul %concatenate3A_130, %get3A_133, %dot_general3A_134 {dimension_numbers = #tpu.dot_dimension_numbers<[1], [0], [0], [1], [0, 0, 1, 1], [], []>, transpose_lhs_hint = false} : vector<512x128xf32>, vector<128x128xf32>, vector<512x128xf32> -> vector<512x128xf32>
    %sub3A_136 = vector.broadcast %div3A_4 : vector<1x128xf32> to vector<512x128xf32>
    %sub3A_137 = arith.subf %dot_general3A_135, %sub3A_136 : vector<512x128xf32>
    %mul3A_138 = arith.mulf %sub3A_137, %sub3A_137 : vector<512x128xf32>
    %add3A_139 = arith.addf %add3A_122, %mul3A_138 : vector<512x128xf32>
    %get3A_140 = arith.constant 8 : index
    %get3A_141 = arith.constant 0 : index
    %get3A_142 = arith.constant 0 : index
    %get3A_143 = vector.load %arg2[%get3A_140, %get3A_141, %get3A_142] : memref<20x512x128xf32, #tpu.memory_space<vmem>>, vector<1x512x128xf32>
    %get3A_144 = vector.shape_cast %get3A_143 : vector<1x512x128xf32> to vector<512x128xf32>
    %slice3A_145 = vector.extract_strided_slice %get3A_144 {offsets = [0, 0], sizes = [512, 64], strides = [1, 1]} : vector<512x128xf32> to vector<512x64xf32>
    %sub3A_146 = arith.subf %slice3A_145, %slice3A : vector<512x64xf32>
    %concatenate3A_147 = tpu.concatenate %sub3A_146, %slice3A in 1 : vector<512x64xf32>, vector<512x64xf32> -> vector<512x128xf32>
    %get3A_148 = arith.constant 0 : index
    %get3A_149 = arith.constant 0 : index
    %get3A_150 = vector.load %arg4[%get3A_148, %get3A_149] : memref<128x128xf32, #tpu.memory_space<vmem>>, vector<128x128xf32>
    %dot_general3A_151 = arith.constant dense<0.000000e+00> : vector<512x128xf32>
    %dot_general3A_152 = tpu.matmul %concatenate3A_147, %get3A_150, %dot_general3A_151 {dimension_numbers = #tpu.dot_dimension_numbers<[1], [0], [0], [1], [0, 0, 1, 1], [], []>, transpose_lhs_hint = false} : vector<512x128xf32>, vector<128x128xf32>, vector<512x128xf32> -> vector<512x128xf32>
    %sub3A_153 = vector.broadcast %div3A_4 : vector<1x128xf32> to vector<512x128xf32>
    %sub3A_154 = arith.subf %dot_general3A_152, %sub3A_153 : vector<512x128xf32>
    %mul3A_155 = arith.mulf %sub3A_154, %sub3A_154 : vector<512x128xf32>
    %add3A_156 = arith.addf %add3A_139, %mul3A_155 : vector<512x128xf32>
    %get3A_157 = arith.constant 9 : index
    %get3A_158 = arith.constant 0 : index
    %get3A_159 = arith.constant 0 : index
    %get3A_160 = vector.load %arg2[%get3A_157, %get3A_158, %get3A_159] : memref<20x512x128xf32, #tpu.memory_space<vmem>>, vector<1x512x128xf32>
    %get3A_161 = vector.shape_cast %get3A_160 : vector<1x512x128xf32> to vector<512x128xf32>
    %slice3A_162 = vector.extract_strided_slice %get3A_161 {offsets = [0, 0], sizes = [512, 64], strides = [1, 1]} : vector<512x128xf32> to vector<512x64xf32>
    %sub3A_163 = arith.subf %slice3A_162, %slice3A : vector<512x64xf32>
    %concatenate3A_164 = tpu.concatenate %sub3A_163, %slice3A in 1 : vector<512x64xf32>, vector<512x64xf32> -> vector<512x128xf32>
    %get3A_165 = arith.constant 0 : index
    %get3A_166 = arith.constant 0 : index
    %get3A_167 = vector.load %arg4[%get3A_165, %get3A_166] : memref<128x128xf32, #tpu.memory_space<vmem>>, vector<128x128xf32>
    %dot_general3A_168 = arith.constant dense<0.000000e+00> : vector<512x128xf32>
    %dot_general3A_169 = tpu.matmul %concatenate3A_164, %get3A_167, %dot_general3A_168 {dimension_numbers = #tpu.dot_dimension_numbers<[1], [0], [0], [1], [0, 0, 1, 1], [], []>, transpose_lhs_hint = false} : vector<512x128xf32>, vector<128x128xf32>, vector<512x128xf32> -> vector<512x128xf32>
    %sub3A_170 = vector.broadcast %div3A_4 : vector<1x128xf32> to vector<512x128xf32>
    %sub3A_171 = arith.subf %dot_general3A_169, %sub3A_170 : vector<512x128xf32>
    %mul3A_172 = arith.mulf %sub3A_171, %sub3A_171 : vector<512x128xf32>
    %add3A_173 = arith.addf %add3A_156, %mul3A_172 : vector<512x128xf32>
    %get3A_174 = arith.constant 10 : index
    %get3A_175 = arith.constant 0 : index
    %get3A_176 = arith.constant 0 : index
    %get3A_177 = vector.load %arg2[%get3A_174, %get3A_175, %get3A_176] : memref<20x512x128xf32, #tpu.memory_space<vmem>>, vector<1x512x128xf32>
    %get3A_178 = vector.shape_cast %get3A_177 : vector<1x512x128xf32> to vector<512x128xf32>
    %slice3A_179 = vector.extract_strided_slice %get3A_178 {offsets = [0, 0], sizes = [512, 64], strides = [1, 1]} : vector<512x128xf32> to vector<512x64xf32>
    %sub3A_180 = arith.subf %slice3A_179, %slice3A : vector<512x64xf32>
    %concatenate3A_181 = tpu.concatenate %sub3A_180, %slice3A in 1 : vector<512x64xf32>, vector<512x64xf32> -> vector<512x128xf32>
    %get3A_182 = arith.constant 0 : index
    %get3A_183 = arith.constant 0 : index
    %get3A_184 = vector.load %arg4[%get3A_182, %get3A_183] : memref<128x128xf32, #tpu.memory_space<vmem>>, vector<128x128xf32>
    %dot_general3A_185 = arith.constant dense<0.000000e+00> : vector<512x128xf32>
    %dot_general3A_186 = tpu.matmul %concatenate3A_181, %get3A_184, %dot_general3A_185 {dimension_numbers = #tpu.dot_dimension_numbers<[1], [0], [0], [1], [0, 0, 1, 1], [], []>, transpose_lhs_hint = false} : vector<512x128xf32>, vector<128x128xf32>, vector<512x128xf32> -> vector<512x128xf32>
    %sub3A_187 = vector.broadcast %div3A_4 : vector<1x128xf32> to vector<512x128xf32>
    %sub3A_188 = arith.subf %dot_general3A_186, %sub3A_187 : vector<512x128xf32>
    %mul3A_189 = arith.mulf %sub3A_188, %sub3A_188 : vector<512x128xf32>
    %add3A_190 = arith.addf %add3A_173, %mul3A_189 : vector<512x128xf32>
    %get3A_191 = arith.constant 11 : index
    %get3A_192 = arith.constant 0 : index
    %get3A_193 = arith.constant 0 : index
    %get3A_194 = vector.load %arg2[%get3A_191, %get3A_192, %get3A_193] : memref<20x512x128xf32, #tpu.memory_space<vmem>>, vector<1x512x128xf32>
    %get3A_195 = vector.shape_cast %get3A_194 : vector<1x512x128xf32> to vector<512x128xf32>
    %slice3A_196 = vector.extract_strided_slice %get3A_195 {offsets = [0, 0], sizes = [512, 64], strides = [1, 1]} : vector<512x128xf32> to vector<512x64xf32>
    %sub3A_197 = arith.subf %slice3A_196, %slice3A : vector<512x64xf32>
    %concatenate3A_198 = tpu.concatenate %sub3A_197, %slice3A in 1 : vector<512x64xf32>, vector<512x64xf32> -> vector<512x128xf32>
    %get3A_199 = arith.constant 0 : index
    %get3A_200 = arith.constant 0 : index
    %get3A_201 = vector.load %arg4[%get3A_199, %get3A_200] : memref<128x128xf32, #tpu.memory_space<vmem>>, vector<128x128xf32>
    %dot_general3A_202 = arith.constant dense<0.000000e+00> : vector<512x128xf32>
    %dot_general3A_203 = tpu.matmul %concatenate3A_198, %get3A_201, %dot_general3A_202 {dimension_numbers = #tpu.dot_dimension_numbers<[1], [0], [0], [1], [0, 0, 1, 1], [], []>, transpose_lhs_hint = false} : vector<512x128xf32>, vector<128x128xf32>, vector<512x128xf32> -> vector<512x128xf32>
    %sub3A_204 = vector.broadcast %div3A_4 : vector<1x128xf32> to vector<512x128xf32>
    %sub3A_205 = arith.subf %dot_general3A_203, %sub3A_204 : vector<512x128xf32>
    %mul3A_206 = arith.mulf %sub3A_205, %sub3A_205 : vector<512x128xf32>
    %add3A_207 = arith.addf %add3A_190, %mul3A_206 : vector<512x128xf32>
    %get3A_208 = arith.constant 12 : index
    %get3A_209 = arith.constant 0 : index
    %get3A_210 = arith.constant 0 : index
    %get3A_211 = vector.load %arg2[%get3A_208, %get3A_209, %get3A_210] : memref<20x512x128xf32, #tpu.memory_space<vmem>>, vector<1x512x128xf32>
    %get3A_212 = vector.shape_cast %get3A_211 : vector<1x512x128xf32> to vector<512x128xf32>
    %slice3A_213 = vector.extract_strided_slice %get3A_212 {offsets = [0, 0], sizes = [512, 64], strides = [1, 1]} : vector<512x128xf32> to vector<512x64xf32>
    %sub3A_214 = arith.subf %slice3A_213, %slice3A : vector<512x64xf32>
    %concatenate3A_215 = tpu.concatenate %sub3A_214, %slice3A in 1 : vector<512x64xf32>, vector<512x64xf32> -> vector<512x128xf32>
    %get3A_216 = arith.constant 0 : index
    %get3A_217 = arith.constant 0 : index
    %get3A_218 = vector.load %arg4[%get3A_216, %get3A_217] : memref<128x128xf32, #tpu.memory_space<vmem>>, vector<128x128xf32>
    %dot_general3A_219 = arith.constant dense<0.000000e+00> : vector<512x128xf32>
    %dot_general3A_220 = tpu.matmul %concatenate3A_215, %get3A_218, %dot_general3A_219 {dimension_numbers = #tpu.dot_dimension_numbers<[1], [0], [0], [1], [0, 0, 1, 1], [], []>, transpose_lhs_hint = false} : vector<512x128xf32>, vector<128x128xf32>, vector<512x128xf32> -> vector<512x128xf32>
    %sub3A_221 = vector.broadcast %div3A_4 : vector<1x128xf32> to vector<512x128xf32>
    %sub3A_222 = arith.subf %dot_general3A_220, %sub3A_221 : vector<512x128xf32>
    %mul3A_223 = arith.mulf %sub3A_222, %sub3A_222 : vector<512x128xf32>
    %add3A_224 = arith.addf %add3A_207, %mul3A_223 : vector<512x128xf32>
    %get3A_225 = arith.constant 13 : index
    %get3A_226 = arith.constant 0 : index
    %get3A_227 = arith.constant 0 : index
    %get3A_228 = vector.load %arg2[%get3A_225, %get3A_226, %get3A_227] : memref<20x512x128xf32, #tpu.memory_space<vmem>>, vector<1x512x128xf32>
    %get3A_229 = vector.shape_cast %get3A_228 : vector<1x512x128xf32> to vector<512x128xf32>
    %slice3A_230 = vector.extract_strided_slice %get3A_229 {offsets = [0, 0], sizes = [512, 64], strides = [1, 1]} : vector<512x128xf32> to vector<512x64xf32>
    %sub3A_231 = arith.subf %slice3A_230, %slice3A : vector<512x64xf32>
    %concatenate3A_232 = tpu.concatenate %sub3A_231, %slice3A in 1 : vector<512x64xf32>, vector<512x64xf32> -> vector<512x128xf32>
    %get3A_233 = arith.constant 0 : index
    %get3A_234 = arith.constant 0 : index
    %get3A_235 = vector.load %arg4[%get3A_233, %get3A_234] : memref<128x128xf32, #tpu.memory_space<vmem>>, vector<128x128xf32>
    %dot_general3A_236 = arith.constant dense<0.000000e+00> : vector<512x128xf32>
    %dot_general3A_237 = tpu.matmul %concatenate3A_232, %get3A_235, %dot_general3A_236 {dimension_numbers = #tpu.dot_dimension_numbers<[1], [0], [0], [1], [0, 0, 1, 1], [], []>, transpose_lhs_hint = false} : vector<512x128xf32>, vector<128x128xf32>, vector<512x128xf32> -> vector<512x128xf32>
    %sub3A_238 = vector.broadcast %div3A_4 : vector<1x128xf32> to vector<512x128xf32>
    %sub3A_239 = arith.subf %dot_general3A_237, %sub3A_238 : vector<512x128xf32>
    %mul3A_240 = arith.mulf %sub3A_239, %sub3A_239 : vector<512x128xf32>
    %add3A_241 = arith.addf %add3A_224, %mul3A_240 : vector<512x128xf32>
    %get3A_242 = arith.constant 14 : index
    %get3A_243 = arith.constant 0 : index
    %get3A_244 = arith.constant 0 : index
    %get3A_245 = vector.load %arg2[%get3A_242, %get3A_243, %get3A_244] : memref<20x512x128xf32, #tpu.memory_space<vmem>>, vector<1x512x128xf32>
    %get3A_246 = vector.shape_cast %get3A_245 : vector<1x512x128xf32> to vector<512x128xf32>
    %slice3A_247 = vector.extract_strided_slice %get3A_246 {offsets = [0, 0], sizes = [512, 64], strides = [1, 1]} : vector<512x128xf32> to vector<512x64xf32>
    %sub3A_248 = arith.subf %slice3A_247, %slice3A : vector<512x64xf32>
    %concatenate3A_249 = tpu.concatenate %sub3A_248, %slice3A in 1 : vector<512x64xf32>, vector<512x64xf32> -> vector<512x128xf32>
    %get3A_250 = arith.constant 0 : index
    %get3A_251 = arith.constant 0 : index
    %get3A_252 = vector.load %arg4[%get3A_250, %get3A_251] : memref<128x128xf32, #tpu.memory_space<vmem>>, vector<128x128xf32>
    %dot_general3A_253 = arith.constant dense<0.000000e+00> : vector<512x128xf32>
    %dot_general3A_254 = tpu.matmul %concatenate3A_249, %get3A_252, %dot_general3A_253 {dimension_numbers = #tpu.dot_dimension_numbers<[1], [0], [0], [1], [0, 0, 1, 1], [], []>, transpose_lhs_hint = false} : vector<512x128xf32>, vector<128x128xf32>, vector<512x128xf32> -> vector<512x128xf32>
    %sub3A_255 = vector.broadcast %div3A_4 : vector<1x128xf32> to vector<512x128xf32>
    %sub3A_256 = arith.subf %dot_general3A_254, %sub3A_255 : vector<512x128xf32>
    %mul3A_257 = arith.mulf %sub3A_256, %sub3A_256 : vector<512x128xf32>
    %add3A_258 = arith.addf %add3A_241, %mul3A_257 : vector<512x128xf32>
    %get3A_259 = arith.constant 15 : index
    %get3A_260 = arith.constant 0 : index
    %get3A_261 = arith.constant 0 : index
    %get3A_262 = vector.load %arg2[%get3A_259, %get3A_260, %get3A_261] : memref<20x512x128xf32, #tpu.memory_space<vmem>>, vector<1x512x128xf32>
    %get3A_263 = vector.shape_cast %get3A_262 : vector<1x512x128xf32> to vector<512x128xf32>
    %slice3A_264 = vector.extract_strided_slice %get3A_263 {offsets = [0, 0], sizes = [512, 64], strides = [1, 1]} : vector<512x128xf32> to vector<512x64xf32>
    %sub3A_265 = arith.subf %slice3A_264, %slice3A : vector<512x64xf32>
    %concatenate3A_266 = tpu.concatenate %sub3A_265, %slice3A in 1 : vector<512x64xf32>, vector<512x64xf32> -> vector<512x128xf32>
    %get3A_267 = arith.constant 0 : index
    %get3A_268 = arith.constant 0 : index
    %get3A_269 = vector.load %arg4[%get3A_267, %get3A_268] : memref<128x128xf32, #tpu.memory_space<vmem>>, vector<128x128xf32>
    %dot_general3A_270 = arith.constant dense<0.000000e+00> : vector<512x128xf32>
    %dot_general3A_271 = tpu.matmul %concatenate3A_266, %get3A_269, %dot_general3A_270 {dimension_numbers = #tpu.dot_dimension_numbers<[1], [0], [0], [1], [0, 0, 1, 1], [], []>, transpose_lhs_hint = false} : vector<512x128xf32>, vector<128x128xf32>, vector<512x128xf32> -> vector<512x128xf32>
    %sub3A_272 = vector.broadcast %div3A_4 : vector<1x128xf32> to vector<512x128xf32>
    %sub3A_273 = arith.subf %dot_general3A_271, %sub3A_272 : vector<512x128xf32>
    %mul3A_274 = arith.mulf %sub3A_273, %sub3A_273 : vector<512x128xf32>
    %add3A_275 = arith.addf %add3A_258, %mul3A_274 : vector<512x128xf32>
    %get3A_276 = arith.constant 16 : index
    %get3A_277 = arith.constant 0 : index
    %get3A_278 = arith.constant 0 : index
    %get3A_279 = vector.load %arg2[%get3A_276, %get3A_277, %get3A_278] : memref<20x512x128xf32, #tpu.memory_space<vmem>>, vector<1x512x128xf32>
    %get3A_280 = vector.shape_cast %get3A_279 : vector<1x512x128xf32> to vector<512x128xf32>
    %slice3A_281 = vector.extract_strided_slice %get3A_280 {offsets = [0, 0], sizes = [512, 64], strides = [1, 1]} : vector<512x128xf32> to vector<512x64xf32>
    %sub3A_282 = arith.subf %slice3A_281, %slice3A : vector<512x64xf32>
    %concatenate3A_283 = tpu.concatenate %sub3A_282, %slice3A in 1 : vector<512x64xf32>, vector<512x64xf32> -> vector<512x128xf32>
    %get3A_284 = arith.constant 0 : index
    %get3A_285 = arith.constant 0 : index
    %get3A_286 = vector.load %arg4[%get3A_284, %get3A_285] : memref<128x128xf32, #tpu.memory_space<vmem>>, vector<128x128xf32>
    %dot_general3A_287 = arith.constant dense<0.000000e+00> : vector<512x128xf32>
    %dot_general3A_288 = tpu.matmul %concatenate3A_283, %get3A_286, %dot_general3A_287 {dimension_numbers = #tpu.dot_dimension_numbers<[1], [0], [0], [1], [0, 0, 1, 1], [], []>, transpose_lhs_hint = false} : vector<512x128xf32>, vector<128x128xf32>, vector<512x128xf32> -> vector<512x128xf32>
    %sub3A_289 = vector.broadcast %div3A_4 : vector<1x128xf32> to vector<512x128xf32>
    %sub3A_290 = arith.subf %dot_general3A_288, %sub3A_289 : vector<512x128xf32>
    %mul3A_291 = arith.mulf %sub3A_290, %sub3A_290 : vector<512x128xf32>
    %add3A_292 = arith.addf %add3A_275, %mul3A_291 : vector<512x128xf32>
    %get3A_293 = arith.constant 17 : index
    %get3A_294 = arith.constant 0 : index
    %get3A_295 = arith.constant 0 : index
    %get3A_296 = vector.load %arg2[%get3A_293, %get3A_294, %get3A_295] : memref<20x512x128xf32, #tpu.memory_space<vmem>>, vector<1x512x128xf32>
    %get3A_297 = vector.shape_cast %get3A_296 : vector<1x512x128xf32> to vector<512x128xf32>
    %slice3A_298 = vector.extract_strided_slice %get3A_297 {offsets = [0, 0], sizes = [512, 64], strides = [1, 1]} : vector<512x128xf32> to vector<512x64xf32>
    %sub3A_299 = arith.subf %slice3A_298, %slice3A : vector<512x64xf32>
    %concatenate3A_300 = tpu.concatenate %sub3A_299, %slice3A in 1 : vector<512x64xf32>, vector<512x64xf32> -> vector<512x128xf32>
    %get3A_301 = arith.constant 0 : index
    %get3A_302 = arith.constant 0 : index
    %get3A_303 = vector.load %arg4[%get3A_301, %get3A_302] : memref<128x128xf32, #tpu.memory_space<vmem>>, vector<128x128xf32>
    %dot_general3A_304 = arith.constant dense<0.000000e+00> : vector<512x128xf32>
    %dot_general3A_305 = tpu.matmul %concatenate3A_300, %get3A_303, %dot_general3A_304 {dimension_numbers = #tpu.dot_dimension_numbers<[1], [0], [0], [1], [0, 0, 1, 1], [], []>, transpose_lhs_hint = false} : vector<512x128xf32>, vector<128x128xf32>, vector<512x128xf32> -> vector<512x128xf32>
    %sub3A_306 = vector.broadcast %div3A_4 : vector<1x128xf32> to vector<512x128xf32>
    %sub3A_307 = arith.subf %dot_general3A_305, %sub3A_306 : vector<512x128xf32>
    %mul3A_308 = arith.mulf %sub3A_307, %sub3A_307 : vector<512x128xf32>
    %add3A_309 = arith.addf %add3A_292, %mul3A_308 : vector<512x128xf32>
    %get3A_310 = arith.constant 18 : index
    %get3A_311 = arith.constant 0 : index
    %get3A_312 = arith.constant 0 : index
    %get3A_313 = vector.load %arg2[%get3A_310, %get3A_311, %get3A_312] : memref<20x512x128xf32, #tpu.memory_space<vmem>>, vector<1x512x128xf32>
    %get3A_314 = vector.shape_cast %get3A_313 : vector<1x512x128xf32> to vector<512x128xf32>
    %slice3A_315 = vector.extract_strided_slice %get3A_314 {offsets = [0, 0], sizes = [512, 64], strides = [1, 1]} : vector<512x128xf32> to vector<512x64xf32>
    %sub3A_316 = arith.subf %slice3A_315, %slice3A : vector<512x64xf32>
    %concatenate3A_317 = tpu.concatenate %sub3A_316, %slice3A in 1 : vector<512x64xf32>, vector<512x64xf32> -> vector<512x128xf32>
    %get3A_318 = arith.constant 0 : index
    %get3A_319 = arith.constant 0 : index
    %get3A_320 = vector.load %arg4[%get3A_318, %get3A_319] : memref<128x128xf32, #tpu.memory_space<vmem>>, vector<128x128xf32>
    %dot_general3A_321 = arith.constant dense<0.000000e+00> : vector<512x128xf32>
    %dot_general3A_322 = tpu.matmul %concatenate3A_317, %get3A_320, %dot_general3A_321 {dimension_numbers = #tpu.dot_dimension_numbers<[1], [0], [0], [1], [0, 0, 1, 1], [], []>, transpose_lhs_hint = false} : vector<512x128xf32>, vector<128x128xf32>, vector<512x128xf32> -> vector<512x128xf32>
    %sub3A_323 = vector.broadcast %div3A_4 : vector<1x128xf32> to vector<512x128xf32>
    %sub3A_324 = arith.subf %dot_general3A_322, %sub3A_323 : vector<512x128xf32>
    %mul3A_325 = arith.mulf %sub3A_324, %sub3A_324 : vector<512x128xf32>
    %add3A_326 = arith.addf %add3A_309, %mul3A_325 : vector<512x128xf32>
    %get3A_327 = arith.constant 19 : index
    %get3A_328 = arith.constant 0 : index
    %get3A_329 = arith.constant 0 : index
    %get3A_330 = vector.load %arg2[%get3A_327, %get3A_328, %get3A_329] : memref<20x512x128xf32, #tpu.memory_space<vmem>>, vector<1x512x128xf32>
    %get3A_331 = vector.shape_cast %get3A_330 : vector<1x512x128xf32> to vector<512x128xf32>
    %slice3A_332 = vector.extract_strided_slice %get3A_331 {offsets = [0, 0], sizes = [512, 64], strides = [1, 1]} : vector<512x128xf32> to vector<512x64xf32>
    %sub3A_333 = arith.subf %slice3A_332, %slice3A : vector<512x64xf32>
    %concatenate3A_334 = tpu.concatenate %sub3A_333, %slice3A in 1 : vector<512x64xf32>, vector<512x64xf32> -> vector<512x128xf32>
    %get3A_335 = arith.constant 0 : index
    %get3A_336 = arith.constant 0 : index
    %get3A_337 = vector.load %arg4[%get3A_335, %get3A_336] : memref<128x128xf32, #tpu.memory_space<vmem>>, vector<128x128xf32>
    %dot_general3A_338 = arith.constant dense<0.000000e+00> : vector<512x128xf32>
    %dot_general3A_339 = tpu.matmul %concatenate3A_334, %get3A_337, %dot_general3A_338 {dimension_numbers = #tpu.dot_dimension_numbers<[1], [0], [0], [1], [0, 0, 1, 1], [], []>, transpose_lhs_hint = false} : vector<512x128xf32>, vector<128x128xf32>, vector<512x128xf32> -> vector<512x128xf32>
    %sub3A_340 = vector.broadcast %div3A_4 : vector<1x128xf32> to vector<512x128xf32>
    %sub3A_341 = arith.subf %dot_general3A_339, %sub3A_340 : vector<512x128xf32>
    %mul3A_342 = arith.mulf %sub3A_341, %sub3A_341 : vector<512x128xf32>
    %add3A_343 = arith.addf %add3A_326, %mul3A_342 : vector<512x128xf32>
    %reduce_sum3A = arith.constant dense<0.000000e+00> : vector<128xf32>
    %reduce_sum3A_344 = vector.multi_reduction <add>, %add3A_343, %reduce_sum3A [0] : vector<512x128xf32> to vector<128xf32>
    %broadcast_in_dim3A = vector.shape_cast %reduce_sum3A_344 : vector<128xf32> to vector<1x128xf32>
    %broadcast_in_dim3A_345 = arith.constant 0.000000e+00 : f32
    %broadcast_in_dim3A_346 = vector.broadcast %broadcast_in_dim3A_345 : f32 to vector<7x128xf32>
    %concatenate3A_347 = tpu.concatenate %broadcast_in_dim3A, %broadcast_in_dim3A_346 in 0 : vector<1x128xf32>, vector<7x128xf32> -> vector<8x128xf32>
    %eq3A = arith.constant 0 : i32
    %eq3A_348 = arith.cmpi eq, %add3A, %eq3A : i32
    %convert_element_type3A = arith.extui %eq3A_348 : i1 to i32
    %cond3A = arith.constant 0 : i32
    %cond3A_349 = arith.cmpi ne, %convert_element_type3A, %cond3A : i32
    scf.if %cond3A_349 {
      %broadcast_in_dim3A_356 = arith.constant 0.000000e+00 : f32
      %broadcast_in_dim3A_357 = vector.broadcast %broadcast_in_dim3A_356 : f32 to vector<8x128xf32>
      %swap3A_358 = arith.constant 0 : index
      %swap3A_359 = arith.constant 0 : index
      %swap3A_360 = vector.load %arg6[%swap3A_358, %swap3A_359] : memref<8x128xf32, #tpu.memory_space<vmem>>, vector<8x128xf32>
      tpu.vector_store %arg6[%swap3A_358, %swap3A_359], %broadcast_in_dim3A_357 {strides = array<i32>} : memref<8x128xf32, #tpu.memory_space<vmem>>, vector<8x128xf32>,
    } else {
    }
    %get3A_350 = arith.constant 0 : index
    %get3A_351 = arith.constant 0 : index
    %get3A_352 = vector.load %arg6[%get3A_350, %get3A_351] : memref<8x128xf32, #tpu.memory_space<vmem>>, vector<8x128xf32>
    %add3A_353 = arith.addf %get3A_352, %concatenate3A_347 : vector<8x128xf32>
    %swap3A = arith.constant 0 : index
    %swap3A_354 = arith.constant 0 : index
    %swap3A_355 = vector.load %arg6[%swap3A, %swap3A_354] : memref<8x128xf32, #tpu.memory_space<vmem>>, vector<8x128xf32>
    tpu.vector_store %arg6[%swap3A, %swap3A_354], %add3A_353 {strides = array<i32>} : memref<8x128xf32, #tpu.memory_space<vmem>>, vector<8x128xf32>,
    return
  }
  func.func @transform_0(%arg0: i32, %arg1: i32) -> (i32, i32, i32) {
    %mul3A = arith.constant 2 : i32
    %mul3A_0 = arith.muli %arg0, %mul3A : i32
    %add3A = arith.addi %mul3A_0, %arg1 : i32
    %c0_i32 = arith.constant 0 : i32
    %c0_i32_1 = arith.constant 0 : i32
    %c0_i32_2 = arith.constant 0 : i32
    return %c0_i32, %add3A, %c0_i32_1 : i32, i32, i32
  }
  func.func @transform_1(%arg0: i32, %arg1: i32) -> (i32, i32) {
    %mul3A = arith.constant 2 : i32
    %mul3A_0 = arith.muli %arg0, %mul3A : i32
    %add3A = arith.addi %mul3A_0, %arg1 : i32
    %c0_i32 = arith.constant 0 : i32
    %c0_i32_1 = arith.constant 0 : i32
    return %add3A, %c0_i32 : i32, i32
  }
  func.func @transform_2(%arg0: i32, %arg1: i32) -> (i32, i32) {
    %c0_i32 = arith.constant 0 : i32
    %c0_i32_0 = arith.constant 0 : i32
    %c0_i32_1 = arith.constant 0 : i32
    return %c0_i32, %c0_i32_0 : i32, i32
  }
  func.func @transform_3(%arg0: i32, %arg1: i32) -> (i32, i32) {
    %c0_i32 = arith.constant 0 : i32
    %c0_i32_0 = arith.constant 0 : i32
    %c0_i32_1 = arith.constant 0 : i32
    return %c0_i32, %c0_i32_0 : i32, i32
  }
  func.func @transform_4(%arg0: i32, %arg1: i32) -> (i32, i32) {
    %c0_i32 = arith.constant 0 : i32
    %c0_i32_0 = arith.constant 0 : i32
    %c0_i32_1 = arith.constant 0 : i32
    return %c0_i32, %c0_i32_0 : i32, i32
  }
}

module attributes {stable_mosaic.version = 14 : i64} {
  func.func @body(%arg0: i32, %arg1: i32, %arg2: memref<20x512x128xf32, #tpu.memory_space<vmem>>, %arg3: memref<512x128xf32, #tpu.memory_space<vmem>>, %arg4: memref<256x256xf32, #tpu.memory_space<vmem>>, %arg5: memref<512x256xf32, #tpu.memory_space<vmem>>, %arg6: memref<8x256xf32, #tpu.memory_space<vmem>>) attributes {dimension_semantics = [#tpu.dimension_semantics<arbitrary>, #tpu.dimension_semantics<arbitrary>], iteration_bounds = array<i64: 16, 2>, scalar_prefetch = 0 : i64, scratch_operands = 0 : i64, tpu.core_type = #tpu.core_type<tc>, window_params = [{transform_indices = @transform_0, window_bounds = array<i64: 20, 512, 128>}, {transform_indices = @transform_1, window_bounds = array<i64: 512, 128>}, {pipeline_mode = #tpu.pipeline_mode<synchronous>, transform_indices = @transform_2, window_bounds = array<i64: 256, 256>}, {transform_indices = @transform_3, window_bounds = array<i64: 512, 256>}, {pipeline_mode = #tpu.pipeline_mode<synchronous>, transform_indices = @transform_4, window_bounds = array<i64: 8, 256>}]} {
    %mul3A = arith.constant 2 : i32
    %mul3A_0 = arith.muli %arg0, %mul3A : i32
    %add3A = arith.addi %mul3A_0, %arg1 : i32
    %get3A = arith.constant 0 : index
    %get3A_1 = arith.constant 0 : index
    %get3A_2 = vector.load %arg3[%get3A, %get3A_1] : memref<512x128xf32, #tpu.memory_space<vmem>>, vector<512x128xf32>
    %get3A_3 = arith.constant 0 : index
    %get3A_4 = arith.constant 0 : index
    %get3A_5 = arith.constant 0 : index
    %get3A_6 = vector.load %arg2[%get3A_3, %get3A_4, %get3A_5] : memref<20x512x128xf32, #tpu.memory_space<vmem>>, vector<1x512x128xf32>
    %get3A_7 = vector.shape_cast %get3A_6 : vector<1x512x128xf32> to vector<512x128xf32>
    %sub3A = arith.subf %get3A_7, %get3A_2 : vector<512x128xf32>
    %concatenate3A = tpu.concatenate %sub3A, %get3A_2 in 1 : vector<512x128xf32>, vector<512x128xf32> -> vector<512x256xf32>
    %get3A_8 = arith.constant 0 : index
    %get3A_9 = arith.constant 0 : index
    %get3A_10 = vector.load %arg4[%get3A_8, %get3A_9] : memref<256x256xf32, #tpu.memory_space<vmem>>, vector<256x256xf32>
    %dot_general3A = arith.constant dense<0.000000e+00> : vector<512x256xf32>
    %dot_general3A_11 = tpu.matmul %concatenate3A, %get3A_10, %dot_general3A {dimension_numbers = #tpu.dot_dimension_numbers<[1], [0], [0], [1], [0, 0, 1, 1], [], []>, transpose_lhs_hint = false} : vector<512x256xf32>, vector<256x256xf32>, vector<512x256xf32> -> vector<512x256xf32>
    %get3A_12 = arith.constant 1 : index
    %get3A_13 = arith.constant 0 : index
    %get3A_14 = arith.constant 0 : index
    %get3A_15 = vector.load %arg2[%get3A_12, %get3A_13, %get3A_14] : memref<20x512x128xf32, #tpu.memory_space<vmem>>, vector<1x512x128xf32>
    %get3A_16 = vector.shape_cast %get3A_15 : vector<1x512x128xf32> to vector<512x128xf32>
    %sub3A_17 = arith.subf %get3A_16, %get3A_2 : vector<512x128xf32>
    %concatenate3A_18 = tpu.concatenate %sub3A_17, %get3A_2 in 1 : vector<512x128xf32>, vector<512x128xf32> -> vector<512x256xf32>
    %get3A_19 = arith.constant 0 : index
    %get3A_20 = arith.constant 0 : index
    %get3A_21 = vector.load %arg4[%get3A_19, %get3A_20] : memref<256x256xf32, #tpu.memory_space<vmem>>, vector<256x256xf32>
    %dot_general3A_22 = arith.constant dense<0.000000e+00> : vector<512x256xf32>
    %dot_general3A_23 = tpu.matmul %concatenate3A_18, %get3A_21, %dot_general3A_22 {dimension_numbers = #tpu.dot_dimension_numbers<[1], [0], [0], [1], [0, 0, 1, 1], [], []>, transpose_lhs_hint = false} : vector<512x256xf32>, vector<256x256xf32>, vector<512x256xf32> -> vector<512x256xf32>
    %max3A = arith.maximumf %dot_general3A_11, %dot_general3A_23 : vector<512x256xf32>
    %add3A_24 = arith.addf %dot_general3A_11, %dot_general3A_23 : vector<512x256xf32>
    %get3A_25 = arith.constant 2 : index
    %get3A_26 = arith.constant 0 : index
    %get3A_27 = arith.constant 0 : index
    %get3A_28 = vector.load %arg2[%get3A_25, %get3A_26, %get3A_27] : memref<20x512x128xf32, #tpu.memory_space<vmem>>, vector<1x512x128xf32>
    %get3A_29 = vector.shape_cast %get3A_28 : vector<1x512x128xf32> to vector<512x128xf32>
    %sub3A_30 = arith.subf %get3A_29, %get3A_2 : vector<512x128xf32>
    %concatenate3A_31 = tpu.concatenate %sub3A_30, %get3A_2 in 1 : vector<512x128xf32>, vector<512x128xf32> -> vector<512x256xf32>
    %get3A_32 = arith.constant 0 : index
    %get3A_33 = arith.constant 0 : index
    %get3A_34 = vector.load %arg4[%get3A_32, %get3A_33] : memref<256x256xf32, #tpu.memory_space<vmem>>, vector<256x256xf32>
    %dot_general3A_35 = arith.constant dense<0.000000e+00> : vector<512x256xf32>
    %dot_general3A_36 = tpu.matmul %concatenate3A_31, %get3A_34, %dot_general3A_35 {dimension_numbers = #tpu.dot_dimension_numbers<[1], [0], [0], [1], [0, 0, 1, 1], [], []>, transpose_lhs_hint = false} : vector<512x256xf32>, vector<256x256xf32>, vector<512x256xf32> -> vector<512x256xf32>
    %max3A_37 = arith.maximumf %max3A, %dot_general3A_36 : vector<512x256xf32>
    %add3A_38 = arith.addf %add3A_24, %dot_general3A_36 : vector<512x256xf32>
    %get3A_39 = arith.constant 3 : index
    %get3A_40 = arith.constant 0 : index
    %get3A_41 = arith.constant 0 : index
    %get3A_42 = vector.load %arg2[%get3A_39, %get3A_40, %get3A_41] : memref<20x512x128xf32, #tpu.memory_space<vmem>>, vector<1x512x128xf32>
    %get3A_43 = vector.shape_cast %get3A_42 : vector<1x512x128xf32> to vector<512x128xf32>
    %sub3A_44 = arith.subf %get3A_43, %get3A_2 : vector<512x128xf32>
    %concatenate3A_45 = tpu.concatenate %sub3A_44, %get3A_2 in 1 : vector<512x128xf32>, vector<512x128xf32> -> vector<512x256xf32>
    %get3A_46 = arith.constant 0 : index
    %get3A_47 = arith.constant 0 : index
    %get3A_48 = vector.load %arg4[%get3A_46, %get3A_47] : memref<256x256xf32, #tpu.memory_space<vmem>>, vector<256x256xf32>
    %dot_general3A_49 = arith.constant dense<0.000000e+00> : vector<512x256xf32>
    %dot_general3A_50 = tpu.matmul %concatenate3A_45, %get3A_48, %dot_general3A_49 {dimension_numbers = #tpu.dot_dimension_numbers<[1], [0], [0], [1], [0, 0, 1, 1], [], []>, transpose_lhs_hint = false} : vector<512x256xf32>, vector<256x256xf32>, vector<512x256xf32> -> vector<512x256xf32>
    %max3A_51 = arith.maximumf %max3A_37, %dot_general3A_50 : vector<512x256xf32>
    %add3A_52 = arith.addf %add3A_38, %dot_general3A_50 : vector<512x256xf32>
    %get3A_53 = arith.constant 4 : index
    %get3A_54 = arith.constant 0 : index
    %get3A_55 = arith.constant 0 : index
    %get3A_56 = vector.load %arg2[%get3A_53, %get3A_54, %get3A_55] : memref<20x512x128xf32, #tpu.memory_space<vmem>>, vector<1x512x128xf32>
    %get3A_57 = vector.shape_cast %get3A_56 : vector<1x512x128xf32> to vector<512x128xf32>
    %sub3A_58 = arith.subf %get3A_57, %get3A_2 : vector<512x128xf32>
    %concatenate3A_59 = tpu.concatenate %sub3A_58, %get3A_2 in 1 : vector<512x128xf32>, vector<512x128xf32> -> vector<512x256xf32>
    %get3A_60 = arith.constant 0 : index
    %get3A_61 = arith.constant 0 : index
    %get3A_62 = vector.load %arg4[%get3A_60, %get3A_61] : memref<256x256xf32, #tpu.memory_space<vmem>>, vector<256x256xf32>
    %dot_general3A_63 = arith.constant dense<0.000000e+00> : vector<512x256xf32>
    %dot_general3A_64 = tpu.matmul %concatenate3A_59, %get3A_62, %dot_general3A_63 {dimension_numbers = #tpu.dot_dimension_numbers<[1], [0], [0], [1], [0, 0, 1, 1], [], []>, transpose_lhs_hint = false} : vector<512x256xf32>, vector<256x256xf32>, vector<512x256xf32> -> vector<512x256xf32>
    %max3A_65 = arith.maximumf %max3A_51, %dot_general3A_64 : vector<512x256xf32>
    %add3A_66 = arith.addf %add3A_52, %dot_general3A_64 : vector<512x256xf32>
    %get3A_67 = arith.constant 5 : index
    %get3A_68 = arith.constant 0 : index
    %get3A_69 = arith.constant 0 : index
    %get3A_70 = vector.load %arg2[%get3A_67, %get3A_68, %get3A_69] : memref<20x512x128xf32, #tpu.memory_space<vmem>>, vector<1x512x128xf32>
    %get3A_71 = vector.shape_cast %get3A_70 : vector<1x512x128xf32> to vector<512x128xf32>
    %sub3A_72 = arith.subf %get3A_71, %get3A_2 : vector<512x128xf32>
    %concatenate3A_73 = tpu.concatenate %sub3A_72, %get3A_2 in 1 : vector<512x128xf32>, vector<512x128xf32> -> vector<512x256xf32>
    %get3A_74 = arith.constant 0 : index
    %get3A_75 = arith.constant 0 : index
    %get3A_76 = vector.load %arg4[%get3A_74, %get3A_75] : memref<256x256xf32, #tpu.memory_space<vmem>>, vector<256x256xf32>
    %dot_general3A_77 = arith.constant dense<0.000000e+00> : vector<512x256xf32>
    %dot_general3A_78 = tpu.matmul %concatenate3A_73, %get3A_76, %dot_general3A_77 {dimension_numbers = #tpu.dot_dimension_numbers<[1], [0], [0], [1], [0, 0, 1, 1], [], []>, transpose_lhs_hint = false} : vector<512x256xf32>, vector<256x256xf32>, vector<512x256xf32> -> vector<512x256xf32>
    %max3A_79 = arith.maximumf %max3A_65, %dot_general3A_78 : vector<512x256xf32>
    %add3A_80 = arith.addf %add3A_66, %dot_general3A_78 : vector<512x256xf32>
    %get3A_81 = arith.constant 6 : index
    %get3A_82 = arith.constant 0 : index
    %get3A_83 = arith.constant 0 : index
    %get3A_84 = vector.load %arg2[%get3A_81, %get3A_82, %get3A_83] : memref<20x512x128xf32, #tpu.memory_space<vmem>>, vector<1x512x128xf32>
    %get3A_85 = vector.shape_cast %get3A_84 : vector<1x512x128xf32> to vector<512x128xf32>
    %sub3A_86 = arith.subf %get3A_85, %get3A_2 : vector<512x128xf32>
    %concatenate3A_87 = tpu.concatenate %sub3A_86, %get3A_2 in 1 : vector<512x128xf32>, vector<512x128xf32> -> vector<512x256xf32>
    %get3A_88 = arith.constant 0 : index
    %get3A_89 = arith.constant 0 : index
    %get3A_90 = vector.load %arg4[%get3A_88, %get3A_89] : memref<256x256xf32, #tpu.memory_space<vmem>>, vector<256x256xf32>
    %dot_general3A_91 = arith.constant dense<0.000000e+00> : vector<512x256xf32>
    %dot_general3A_92 = tpu.matmul %concatenate3A_87, %get3A_90, %dot_general3A_91 {dimension_numbers = #tpu.dot_dimension_numbers<[1], [0], [0], [1], [0, 0, 1, 1], [], []>, transpose_lhs_hint = false} : vector<512x256xf32>, vector<256x256xf32>, vector<512x256xf32> -> vector<512x256xf32>
    %max3A_93 = arith.maximumf %max3A_79, %dot_general3A_92 : vector<512x256xf32>
    %add3A_94 = arith.addf %add3A_80, %dot_general3A_92 : vector<512x256xf32>
    %get3A_95 = arith.constant 7 : index
    %get3A_96 = arith.constant 0 : index
    %get3A_97 = arith.constant 0 : index
    %get3A_98 = vector.load %arg2[%get3A_95, %get3A_96, %get3A_97] : memref<20x512x128xf32, #tpu.memory_space<vmem>>, vector<1x512x128xf32>
    %get3A_99 = vector.shape_cast %get3A_98 : vector<1x512x128xf32> to vector<512x128xf32>
    %sub3A_100 = arith.subf %get3A_99, %get3A_2 : vector<512x128xf32>
    %concatenate3A_101 = tpu.concatenate %sub3A_100, %get3A_2 in 1 : vector<512x128xf32>, vector<512x128xf32> -> vector<512x256xf32>
    %get3A_102 = arith.constant 0 : index
    %get3A_103 = arith.constant 0 : index
    %get3A_104 = vector.load %arg4[%get3A_102, %get3A_103] : memref<256x256xf32, #tpu.memory_space<vmem>>, vector<256x256xf32>
    %dot_general3A_105 = arith.constant dense<0.000000e+00> : vector<512x256xf32>
    %dot_general3A_106 = tpu.matmul %concatenate3A_101, %get3A_104, %dot_general3A_105 {dimension_numbers = #tpu.dot_dimension_numbers<[1], [0], [0], [1], [0, 0, 1, 1], [], []>, transpose_lhs_hint = false} : vector<512x256xf32>, vector<256x256xf32>, vector<512x256xf32> -> vector<512x256xf32>
    %max3A_107 = arith.maximumf %max3A_93, %dot_general3A_106 : vector<512x256xf32>
    %add3A_108 = arith.addf %add3A_94, %dot_general3A_106 : vector<512x256xf32>
    %get3A_109 = arith.constant 8 : index
    %get3A_110 = arith.constant 0 : index
    %get3A_111 = arith.constant 0 : index
    %get3A_112 = vector.load %arg2[%get3A_109, %get3A_110, %get3A_111] : memref<20x512x128xf32, #tpu.memory_space<vmem>>, vector<1x512x128xf32>
    %get3A_113 = vector.shape_cast %get3A_112 : vector<1x512x128xf32> to vector<512x128xf32>
    %sub3A_114 = arith.subf %get3A_113, %get3A_2 : vector<512x128xf32>
    %concatenate3A_115 = tpu.concatenate %sub3A_114, %get3A_2 in 1 : vector<512x128xf32>, vector<512x128xf32> -> vector<512x256xf32>
    %get3A_116 = arith.constant 0 : index
    %get3A_117 = arith.constant 0 : index
    %get3A_118 = vector.load %arg4[%get3A_116, %get3A_117] : memref<256x256xf32, #tpu.memory_space<vmem>>, vector<256x256xf32>
    %dot_general3A_119 = arith.constant dense<0.000000e+00> : vector<512x256xf32>
    %dot_general3A_120 = tpu.matmul %concatenate3A_115, %get3A_118, %dot_general3A_119 {dimension_numbers = #tpu.dot_dimension_numbers<[1], [0], [0], [1], [0, 0, 1, 1], [], []>, transpose_lhs_hint = false} : vector<512x256xf32>, vector<256x256xf32>, vector<512x256xf32> -> vector<512x256xf32>
    %max3A_121 = arith.maximumf %max3A_107, %dot_general3A_120 : vector<512x256xf32>
    %add3A_122 = arith.addf %add3A_108, %dot_general3A_120 : vector<512x256xf32>
    %get3A_123 = arith.constant 9 : index
    %get3A_124 = arith.constant 0 : index
    %get3A_125 = arith.constant 0 : index
    %get3A_126 = vector.load %arg2[%get3A_123, %get3A_124, %get3A_125] : memref<20x512x128xf32, #tpu.memory_space<vmem>>, vector<1x512x128xf32>
    %get3A_127 = vector.shape_cast %get3A_126 : vector<1x512x128xf32> to vector<512x128xf32>
    %sub3A_128 = arith.subf %get3A_127, %get3A_2 : vector<512x128xf32>
    %concatenate3A_129 = tpu.concatenate %sub3A_128, %get3A_2 in 1 : vector<512x128xf32>, vector<512x128xf32> -> vector<512x256xf32>
    %get3A_130 = arith.constant 0 : index
    %get3A_131 = arith.constant 0 : index
    %get3A_132 = vector.load %arg4[%get3A_130, %get3A_131] : memref<256x256xf32, #tpu.memory_space<vmem>>, vector<256x256xf32>
    %dot_general3A_133 = arith.constant dense<0.000000e+00> : vector<512x256xf32>
    %dot_general3A_134 = tpu.matmul %concatenate3A_129, %get3A_132, %dot_general3A_133 {dimension_numbers = #tpu.dot_dimension_numbers<[1], [0], [0], [1], [0, 0, 1, 1], [], []>, transpose_lhs_hint = false} : vector<512x256xf32>, vector<256x256xf32>, vector<512x256xf32> -> vector<512x256xf32>
    %max3A_135 = arith.maximumf %max3A_121, %dot_general3A_134 : vector<512x256xf32>
    %add3A_136 = arith.addf %add3A_122, %dot_general3A_134 : vector<512x256xf32>
    %get3A_137 = arith.constant 10 : index
    %get3A_138 = arith.constant 0 : index
    %get3A_139 = arith.constant 0 : index
    %get3A_140 = vector.load %arg2[%get3A_137, %get3A_138, %get3A_139] : memref<20x512x128xf32, #tpu.memory_space<vmem>>, vector<1x512x128xf32>
    %get3A_141 = vector.shape_cast %get3A_140 : vector<1x512x128xf32> to vector<512x128xf32>
    %sub3A_142 = arith.subf %get3A_141, %get3A_2 : vector<512x128xf32>
    %concatenate3A_143 = tpu.concatenate %sub3A_142, %get3A_2 in 1 : vector<512x128xf32>, vector<512x128xf32> -> vector<512x256xf32>
    %get3A_144 = arith.constant 0 : index
    %get3A_145 = arith.constant 0 : index
    %get3A_146 = vector.load %arg4[%get3A_144, %get3A_145] : memref<256x256xf32, #tpu.memory_space<vmem>>, vector<256x256xf32>
    %dot_general3A_147 = arith.constant dense<0.000000e+00> : vector<512x256xf32>
    %dot_general3A_148 = tpu.matmul %concatenate3A_143, %get3A_146, %dot_general3A_147 {dimension_numbers = #tpu.dot_dimension_numbers<[1], [0], [0], [1], [0, 0, 1, 1], [], []>, transpose_lhs_hint = false} : vector<512x256xf32>, vector<256x256xf32>, vector<512x256xf32> -> vector<512x256xf32>
    %max3A_149 = arith.maximumf %max3A_135, %dot_general3A_148 : vector<512x256xf32>
    %add3A_150 = arith.addf %add3A_136, %dot_general3A_148 : vector<512x256xf32>
    %get3A_151 = arith.constant 11 : index
    %get3A_152 = arith.constant 0 : index
    %get3A_153 = arith.constant 0 : index
    %get3A_154 = vector.load %arg2[%get3A_151, %get3A_152, %get3A_153] : memref<20x512x128xf32, #tpu.memory_space<vmem>>, vector<1x512x128xf32>
    %get3A_155 = vector.shape_cast %get3A_154 : vector<1x512x128xf32> to vector<512x128xf32>
    %sub3A_156 = arith.subf %get3A_155, %get3A_2 : vector<512x128xf32>
    %concatenate3A_157 = tpu.concatenate %sub3A_156, %get3A_2 in 1 : vector<512x128xf32>, vector<512x128xf32> -> vector<512x256xf32>
    %get3A_158 = arith.constant 0 : index
    %get3A_159 = arith.constant 0 : index
    %get3A_160 = vector.load %arg4[%get3A_158, %get3A_159] : memref<256x256xf32, #tpu.memory_space<vmem>>, vector<256x256xf32>
    %dot_general3A_161 = arith.constant dense<0.000000e+00> : vector<512x256xf32>
    %dot_general3A_162 = tpu.matmul %concatenate3A_157, %get3A_160, %dot_general3A_161 {dimension_numbers = #tpu.dot_dimension_numbers<[1], [0], [0], [1], [0, 0, 1, 1], [], []>, transpose_lhs_hint = false} : vector<512x256xf32>, vector<256x256xf32>, vector<512x256xf32> -> vector<512x256xf32>
    %max3A_163 = arith.maximumf %max3A_149, %dot_general3A_162 : vector<512x256xf32>
    %add3A_164 = arith.addf %add3A_150, %dot_general3A_162 : vector<512x256xf32>
    %get3A_165 = arith.constant 12 : index
    %get3A_166 = arith.constant 0 : index
    %get3A_167 = arith.constant 0 : index
    %get3A_168 = vector.load %arg2[%get3A_165, %get3A_166, %get3A_167] : memref<20x512x128xf32, #tpu.memory_space<vmem>>, vector<1x512x128xf32>
    %get3A_169 = vector.shape_cast %get3A_168 : vector<1x512x128xf32> to vector<512x128xf32>
    %sub3A_170 = arith.subf %get3A_169, %get3A_2 : vector<512x128xf32>
    %concatenate3A_171 = tpu.concatenate %sub3A_170, %get3A_2 in 1 : vector<512x128xf32>, vector<512x128xf32> -> vector<512x256xf32>
    %get3A_172 = arith.constant 0 : index
    %get3A_173 = arith.constant 0 : index
    %get3A_174 = vector.load %arg4[%get3A_172, %get3A_173] : memref<256x256xf32, #tpu.memory_space<vmem>>, vector<256x256xf32>
    %dot_general3A_175 = arith.constant dense<0.000000e+00> : vector<512x256xf32>
    %dot_general3A_176 = tpu.matmul %concatenate3A_171, %get3A_174, %dot_general3A_175 {dimension_numbers = #tpu.dot_dimension_numbers<[1], [0], [0], [1], [0, 0, 1, 1], [], []>, transpose_lhs_hint = false} : vector<512x256xf32>, vector<256x256xf32>, vector<512x256xf32> -> vector<512x256xf32>
    %max3A_177 = arith.maximumf %max3A_163, %dot_general3A_176 : vector<512x256xf32>
    %add3A_178 = arith.addf %add3A_164, %dot_general3A_176 : vector<512x256xf32>
    %get3A_179 = arith.constant 13 : index
    %get3A_180 = arith.constant 0 : index
    %get3A_181 = arith.constant 0 : index
    %get3A_182 = vector.load %arg2[%get3A_179, %get3A_180, %get3A_181] : memref<20x512x128xf32, #tpu.memory_space<vmem>>, vector<1x512x128xf32>
    %get3A_183 = vector.shape_cast %get3A_182 : vector<1x512x128xf32> to vector<512x128xf32>
    %sub3A_184 = arith.subf %get3A_183, %get3A_2 : vector<512x128xf32>
    %concatenate3A_185 = tpu.concatenate %sub3A_184, %get3A_2 in 1 : vector<512x128xf32>, vector<512x128xf32> -> vector<512x256xf32>
    %get3A_186 = arith.constant 0 : index
    %get3A_187 = arith.constant 0 : index
    %get3A_188 = vector.load %arg4[%get3A_186, %get3A_187] : memref<256x256xf32, #tpu.memory_space<vmem>>, vector<256x256xf32>
    %dot_general3A_189 = arith.constant dense<0.000000e+00> : vector<512x256xf32>
    %dot_general3A_190 = tpu.matmul %concatenate3A_185, %get3A_188, %dot_general3A_189 {dimension_numbers = #tpu.dot_dimension_numbers<[1], [0], [0], [1], [0, 0, 1, 1], [], []>, transpose_lhs_hint = false} : vector<512x256xf32>, vector<256x256xf32>, vector<512x256xf32> -> vector<512x256xf32>
    %max3A_191 = arith.maximumf %max3A_177, %dot_general3A_190 : vector<512x256xf32>
    %add3A_192 = arith.addf %add3A_178, %dot_general3A_190 : vector<512x256xf32>
    %get3A_193 = arith.constant 14 : index
    %get3A_194 = arith.constant 0 : index
    %get3A_195 = arith.constant 0 : index
    %get3A_196 = vector.load %arg2[%get3A_193, %get3A_194, %get3A_195] : memref<20x512x128xf32, #tpu.memory_space<vmem>>, vector<1x512x128xf32>
    %get3A_197 = vector.shape_cast %get3A_196 : vector<1x512x128xf32> to vector<512x128xf32>
    %sub3A_198 = arith.subf %get3A_197, %get3A_2 : vector<512x128xf32>
    %concatenate3A_199 = tpu.concatenate %sub3A_198, %get3A_2 in 1 : vector<512x128xf32>, vector<512x128xf32> -> vector<512x256xf32>
    %get3A_200 = arith.constant 0 : index
    %get3A_201 = arith.constant 0 : index
    %get3A_202 = vector.load %arg4[%get3A_200, %get3A_201] : memref<256x256xf32, #tpu.memory_space<vmem>>, vector<256x256xf32>
    %dot_general3A_203 = arith.constant dense<0.000000e+00> : vector<512x256xf32>
    %dot_general3A_204 = tpu.matmul %concatenate3A_199, %get3A_202, %dot_general3A_203 {dimension_numbers = #tpu.dot_dimension_numbers<[1], [0], [0], [1], [0, 0, 1, 1], [], []>, transpose_lhs_hint = false} : vector<512x256xf32>, vector<256x256xf32>, vector<512x256xf32> -> vector<512x256xf32>
    %max3A_205 = arith.maximumf %max3A_191, %dot_general3A_204 : vector<512x256xf32>
    %add3A_206 = arith.addf %add3A_192, %dot_general3A_204 : vector<512x256xf32>
    %get3A_207 = arith.constant 15 : index
    %get3A_208 = arith.constant 0 : index
    %get3A_209 = arith.constant 0 : index
    %get3A_210 = vector.load %arg2[%get3A_207, %get3A_208, %get3A_209] : memref<20x512x128xf32, #tpu.memory_space<vmem>>, vector<1x512x128xf32>
    %get3A_211 = vector.shape_cast %get3A_210 : vector<1x512x128xf32> to vector<512x128xf32>
    %sub3A_212 = arith.subf %get3A_211, %get3A_2 : vector<512x128xf32>
    %concatenate3A_213 = tpu.concatenate %sub3A_212, %get3A_2 in 1 : vector<512x128xf32>, vector<512x128xf32> -> vector<512x256xf32>
    %get3A_214 = arith.constant 0 : index
    %get3A_215 = arith.constant 0 : index
    %get3A_216 = vector.load %arg4[%get3A_214, %get3A_215] : memref<256x256xf32, #tpu.memory_space<vmem>>, vector<256x256xf32>
    %dot_general3A_217 = arith.constant dense<0.000000e+00> : vector<512x256xf32>
    %dot_general3A_218 = tpu.matmul %concatenate3A_213, %get3A_216, %dot_general3A_217 {dimension_numbers = #tpu.dot_dimension_numbers<[1], [0], [0], [1], [0, 0, 1, 1], [], []>, transpose_lhs_hint = false} : vector<512x256xf32>, vector<256x256xf32>, vector<512x256xf32> -> vector<512x256xf32>
    %max3A_219 = arith.maximumf %max3A_205, %dot_general3A_218 : vector<512x256xf32>
    %add3A_220 = arith.addf %add3A_206, %dot_general3A_218 : vector<512x256xf32>
    %get3A_221 = arith.constant 16 : index
    %get3A_222 = arith.constant 0 : index
    %get3A_223 = arith.constant 0 : index
    %get3A_224 = vector.load %arg2[%get3A_221, %get3A_222, %get3A_223] : memref<20x512x128xf32, #tpu.memory_space<vmem>>, vector<1x512x128xf32>
    %get3A_225 = vector.shape_cast %get3A_224 : vector<1x512x128xf32> to vector<512x128xf32>
    %sub3A_226 = arith.subf %get3A_225, %get3A_2 : vector<512x128xf32>
    %concatenate3A_227 = tpu.concatenate %sub3A_226, %get3A_2 in 1 : vector<512x128xf32>, vector<512x128xf32> -> vector<512x256xf32>
    %get3A_228 = arith.constant 0 : index
    %get3A_229 = arith.constant 0 : index
    %get3A_230 = vector.load %arg4[%get3A_228, %get3A_229] : memref<256x256xf32, #tpu.memory_space<vmem>>, vector<256x256xf32>
    %dot_general3A_231 = arith.constant dense<0.000000e+00> : vector<512x256xf32>
    %dot_general3A_232 = tpu.matmul %concatenate3A_227, %get3A_230, %dot_general3A_231 {dimension_numbers = #tpu.dot_dimension_numbers<[1], [0], [0], [1], [0, 0, 1, 1], [], []>, transpose_lhs_hint = false} : vector<512x256xf32>, vector<256x256xf32>, vector<512x256xf32> -> vector<512x256xf32>
    %max3A_233 = arith.maximumf %max3A_219, %dot_general3A_232 : vector<512x256xf32>
    %add3A_234 = arith.addf %add3A_220, %dot_general3A_232 : vector<512x256xf32>
    %get3A_235 = arith.constant 17 : index
    %get3A_236 = arith.constant 0 : index
    %get3A_237 = arith.constant 0 : index
    %get3A_238 = vector.load %arg2[%get3A_235, %get3A_236, %get3A_237] : memref<20x512x128xf32, #tpu.memory_space<vmem>>, vector<1x512x128xf32>
    %get3A_239 = vector.shape_cast %get3A_238 : vector<1x512x128xf32> to vector<512x128xf32>
    %sub3A_240 = arith.subf %get3A_239, %get3A_2 : vector<512x128xf32>
    %concatenate3A_241 = tpu.concatenate %sub3A_240, %get3A_2 in 1 : vector<512x128xf32>, vector<512x128xf32> -> vector<512x256xf32>
    %get3A_242 = arith.constant 0 : index
    %get3A_243 = arith.constant 0 : index
    %get3A_244 = vector.load %arg4[%get3A_242, %get3A_243] : memref<256x256xf32, #tpu.memory_space<vmem>>, vector<256x256xf32>
    %dot_general3A_245 = arith.constant dense<0.000000e+00> : vector<512x256xf32>
    %dot_general3A_246 = tpu.matmul %concatenate3A_241, %get3A_244, %dot_general3A_245 {dimension_numbers = #tpu.dot_dimension_numbers<[1], [0], [0], [1], [0, 0, 1, 1], [], []>, transpose_lhs_hint = false} : vector<512x256xf32>, vector<256x256xf32>, vector<512x256xf32> -> vector<512x256xf32>
    %max3A_247 = arith.maximumf %max3A_233, %dot_general3A_246 : vector<512x256xf32>
    %add3A_248 = arith.addf %add3A_234, %dot_general3A_246 : vector<512x256xf32>
    %get3A_249 = arith.constant 18 : index
    %get3A_250 = arith.constant 0 : index
    %get3A_251 = arith.constant 0 : index
    %get3A_252 = vector.load %arg2[%get3A_249, %get3A_250, %get3A_251] : memref<20x512x128xf32, #tpu.memory_space<vmem>>, vector<1x512x128xf32>
    %get3A_253 = vector.shape_cast %get3A_252 : vector<1x512x128xf32> to vector<512x128xf32>
    %sub3A_254 = arith.subf %get3A_253, %get3A_2 : vector<512x128xf32>
    %concatenate3A_255 = tpu.concatenate %sub3A_254, %get3A_2 in 1 : vector<512x128xf32>, vector<512x128xf32> -> vector<512x256xf32>
    %get3A_256 = arith.constant 0 : index
    %get3A_257 = arith.constant 0 : index
    %get3A_258 = vector.load %arg4[%get3A_256, %get3A_257] : memref<256x256xf32, #tpu.memory_space<vmem>>, vector<256x256xf32>
    %dot_general3A_259 = arith.constant dense<0.000000e+00> : vector<512x256xf32>
    %dot_general3A_260 = tpu.matmul %concatenate3A_255, %get3A_258, %dot_general3A_259 {dimension_numbers = #tpu.dot_dimension_numbers<[1], [0], [0], [1], [0, 0, 1, 1], [], []>, transpose_lhs_hint = false} : vector<512x256xf32>, vector<256x256xf32>, vector<512x256xf32> -> vector<512x256xf32>
    %max3A_261 = arith.maximumf %max3A_247, %dot_general3A_260 : vector<512x256xf32>
    %add3A_262 = arith.addf %add3A_248, %dot_general3A_260 : vector<512x256xf32>
    %get3A_263 = arith.constant 19 : index
    %get3A_264 = arith.constant 0 : index
    %get3A_265 = arith.constant 0 : index
    %get3A_266 = vector.load %arg2[%get3A_263, %get3A_264, %get3A_265] : memref<20x512x128xf32, #tpu.memory_space<vmem>>, vector<1x512x128xf32>
    %get3A_267 = vector.shape_cast %get3A_266 : vector<1x512x128xf32> to vector<512x128xf32>
    %sub3A_268 = arith.subf %get3A_267, %get3A_2 : vector<512x128xf32>
    %concatenate3A_269 = tpu.concatenate %sub3A_268, %get3A_2 in 1 : vector<512x128xf32>, vector<512x128xf32> -> vector<512x256xf32>
    %get3A_270 = arith.constant 0 : index
    %get3A_271 = arith.constant 0 : index
    %get3A_272 = vector.load %arg4[%get3A_270, %get3A_271] : memref<256x256xf32, #tpu.memory_space<vmem>>, vector<256x256xf32>
    %dot_general3A_273 = arith.constant dense<0.000000e+00> : vector<512x256xf32>
    %dot_general3A_274 = tpu.matmul %concatenate3A_269, %get3A_272, %dot_general3A_273 {dimension_numbers = #tpu.dot_dimension_numbers<[1], [0], [0], [1], [0, 0, 1, 1], [], []>, transpose_lhs_hint = false} : vector<512x256xf32>, vector<256x256xf32>, vector<512x256xf32> -> vector<512x256xf32>
    %max3A_275 = arith.maximumf %max3A_261, %dot_general3A_274 : vector<512x256xf32>
    %add3A_276 = arith.addf %add3A_262, %dot_general3A_274 : vector<512x256xf32>
    %swap3A = arith.constant 0 : index
    %swap3A_277 = arith.constant 0 : index
    %swap3A_278 = vector.load %arg5[%swap3A, %swap3A_277] : memref<512x256xf32, #tpu.memory_space<vmem>>, vector<512x256xf32>
    tpu.vector_store %arg5[%swap3A, %swap3A_277], %max3A_275 {strides = array<i32>} : memref<512x256xf32, #tpu.memory_space<vmem>>, vector<512x256xf32>,
    %reduce_sum3A = arith.constant dense<0.000000e+00> : vector<256xf32>
    %reduce_sum3A_279 = vector.multi_reduction <add>, %add3A_276, %reduce_sum3A [0] : vector<512x256xf32> to vector<256xf32>
    %broadcast_in_dim3A = vector.shape_cast %reduce_sum3A_279 : vector<256xf32> to vector<1x256xf32>
    %broadcast_in_dim3A_280 = arith.constant 0.000000e+00 : f32
    %broadcast_in_dim3A_281 = vector.broadcast %broadcast_in_dim3A_280 : f32 to vector<7x256xf32>
    %concatenate3A_282 = tpu.concatenate %broadcast_in_dim3A, %broadcast_in_dim3A_281 in 0 : vector<1x256xf32>, vector<7x256xf32> -> vector<8x256xf32>
    %eq3A = arith.constant 0 : i32
    %eq3A_283 = arith.cmpi eq, %add3A, %eq3A : i32
    %convert_element_type3A = arith.extui %eq3A_283 : i1 to i32
    %cond3A = arith.constant 0 : i32
    %cond3A_284 = arith.cmpi ne, %convert_element_type3A, %cond3A : i32
    scf.if %cond3A_284 {
      %broadcast_in_dim3A_292 = arith.constant 0.000000e+00 : f32
      %broadcast_in_dim3A_293 = vector.broadcast %broadcast_in_dim3A_292 : f32 to vector<8x256xf32>
      %swap3A_294 = arith.constant 0 : index
      %swap3A_295 = arith.constant 0 : index
      %swap3A_296 = vector.load %arg6[%swap3A_294, %swap3A_295] : memref<8x256xf32, #tpu.memory_space<vmem>>, vector<8x256xf32>
      tpu.vector_store %arg6[%swap3A_294, %swap3A_295], %broadcast_in_dim3A_293 {strides = array<i32>} : memref<8x256xf32, #tpu.memory_space<vmem>>, vector<8x256xf32>,
    } else {
    }
    %get3A_285 = arith.constant 0 : index
    %get3A_286 = arith.constant 0 : index
    %get3A_287 = vector.load %arg6[%get3A_285, %get3A_286] : memref<8x256xf32, #tpu.memory_space<vmem>>, vector<8x256xf32>
    %add3A_288 = arith.addf %get3A_287, %concatenate3A_282 : vector<8x256xf32>
    %swap3A_289 = arith.constant 0 : index
    %swap3A_290 = arith.constant 0 : index
    %swap3A_291 = vector.load %arg6[%swap3A_289, %swap3A_290] : memref<8x256xf32, #tpu.memory_space<vmem>>, vector<8x256xf32>
    tpu.vector_store %arg6[%swap3A_289, %swap3A_290], %add3A_288 {strides = array<i32>} : memref<8x256xf32, #tpu.memory_space<vmem>>, vector<8x256xf32>,
    return
  }
  func.func @transform_0(%arg0: i32, %arg1: i32) -> (i32, i32, i32) {
    %mul3A = arith.constant 2 : i32
    %mul3A_0 = arith.muli %arg0, %mul3A : i32
    %add3A = arith.addi %mul3A_0, %arg1 : i32
    %c0_i32 = arith.constant 0 : i32
    %c0_i32_1 = arith.constant 0 : i32
    %c0_i32_2 = arith.constant 0 : i32
    return %c0_i32, %add3A, %c0_i32_1 : i32, i32, i32
  }
  func.func @transform_1(%arg0: i32, %arg1: i32) -> (i32, i32) {
    %mul3A = arith.constant 2 : i32
    %mul3A_0 = arith.muli %arg0, %mul3A : i32
    %add3A = arith.addi %mul3A_0, %arg1 : i32
    %c0_i32 = arith.constant 0 : i32
    %c0_i32_1 = arith.constant 0 : i32
    return %add3A, %c0_i32 : i32, i32
  }
  func.func @transform_2(%arg0: i32, %arg1: i32) -> (i32, i32) {
    %c0_i32 = arith.constant 0 : i32
    %c0_i32_0 = arith.constant 0 : i32
    %c0_i32_1 = arith.constant 0 : i32
    return %c0_i32, %c0_i32_0 : i32, i32
  }
  func.func @transform_3(%arg0: i32, %arg1: i32) -> (i32, i32) {
    %mul3A = arith.constant 2 : i32
    %mul3A_0 = arith.muli %arg0, %mul3A : i32
    %add3A = arith.addi %mul3A_0, %arg1 : i32
    %c0_i32 = arith.constant 0 : i32
    %c0_i32_1 = arith.constant 0 : i32
    return %add3A, %c0_i32 : i32, i32
  }
  func.func @transform_4(%arg0: i32, %arg1: i32) -> (i32, i32) {
    %c0_i32 = arith.constant 0 : i32
    %c0_i32_0 = arith.constant 0 : i32
    %c0_i32_1 = arith.constant 0 : i32
    return %c0_i32, %c0_i32_0 : i32, i32
  }
}

module attributes {stable_mosaic.version = 14 : i64} {
  func.func @body(%arg0: i32, %arg1: i32, %arg2: memref<20x512x128xf32, #tpu.memory_space<vmem>>, %arg3: memref<512x128xf32, #tpu.memory_space<vmem>>, %arg4: memref<256x256xf32, #tpu.memory_space<vmem>>, %arg5: memref<8x256xf32, #tpu.memory_space<vmem>>, %arg6: memref<8x256xf32, #tpu.memory_space<vmem>>) attributes {dimension_semantics = [#tpu.dimension_semantics<arbitrary>, #tpu.dimension_semantics<arbitrary>], iteration_bounds = array<i64: 16, 2>, scalar_prefetch = 0 : i64, scratch_operands = 0 : i64, tpu.core_type = #tpu.core_type<tc>, window_params = [{transform_indices = @transform_0, window_bounds = array<i64: 20, 512, 128>}, {transform_indices = @transform_1, window_bounds = array<i64: 512, 128>}, {pipeline_mode = #tpu.pipeline_mode<synchronous>, transform_indices = @transform_2, window_bounds = array<i64: 256, 256>}, {pipeline_mode = #tpu.pipeline_mode<synchronous>, transform_indices = @transform_3, window_bounds = array<i64: 8, 256>}, {pipeline_mode = #tpu.pipeline_mode<synchronous>, transform_indices = @transform_4, window_bounds = array<i64: 8, 256>}]} {
    %mul3A = arith.constant 2 : i32
    %mul3A_0 = arith.muli %arg0, %mul3A : i32
    %add3A = arith.addi %mul3A_0, %arg1 : i32
    %get3A = arith.constant 0 : index
    %get3A_1 = arith.constant 0 : index
    %get3A_2 = vector.load %arg5[%get3A, %get3A_1] : memref<8x256xf32, #tpu.memory_space<vmem>>, vector<1x256xf32>
    %div3A = arith.constant 3.276800e+05 : f32
    %div3A_3 = vector.broadcast %div3A : f32 to vector<1x256xf32>
    %div3A_4 = arith.divf %get3A_2, %div3A_3 : vector<1x256xf32>
    %get3A_5 = arith.constant 0 : index
    %get3A_6 = arith.constant 0 : index
    %get3A_7 = vector.load %arg3[%get3A_5, %get3A_6] : memref<512x128xf32, #tpu.memory_space<vmem>>, vector<512x128xf32>
    %get3A_8 = arith.constant 0 : index
    %get3A_9 = arith.constant 0 : index
    %get3A_10 = arith.constant 0 : index
    %get3A_11 = vector.load %arg2[%get3A_8, %get3A_9, %get3A_10] : memref<20x512x128xf32, #tpu.memory_space<vmem>>, vector<1x512x128xf32>
    %get3A_12 = vector.shape_cast %get3A_11 : vector<1x512x128xf32> to vector<512x128xf32>
    %sub3A = arith.subf %get3A_12, %get3A_7 : vector<512x128xf32>
    %concatenate3A = tpu.concatenate %sub3A, %get3A_7 in 1 : vector<512x128xf32>, vector<512x128xf32> -> vector<512x256xf32>
    %get3A_13 = arith.constant 0 : index
    %get3A_14 = arith.constant 0 : index
    %get3A_15 = vector.load %arg4[%get3A_13, %get3A_14] : memref<256x256xf32, #tpu.memory_space<vmem>>, vector<256x256xf32>
    %dot_general3A = arith.constant dense<0.000000e+00> : vector<512x256xf32>
    %dot_general3A_16 = tpu.matmul %concatenate3A, %get3A_15, %dot_general3A {dimension_numbers = #tpu.dot_dimension_numbers<[1], [0], [0], [1], [0, 0, 1, 1], [], []>, transpose_lhs_hint = false} : vector<512x256xf32>, vector<256x256xf32>, vector<512x256xf32> -> vector<512x256xf32>
    %sub3A_17 = vector.broadcast %div3A_4 : vector<1x256xf32> to vector<512x256xf32>
    %sub3A_18 = arith.subf %dot_general3A_16, %sub3A_17 : vector<512x256xf32>
    %mul3A_19 = arith.mulf %sub3A_18, %sub3A_18 : vector<512x256xf32>
    %get3A_20 = arith.constant 1 : index
    %get3A_21 = arith.constant 0 : index
    %get3A_22 = arith.constant 0 : index
    %get3A_23 = vector.load %arg2[%get3A_20, %get3A_21, %get3A_22] : memref<20x512x128xf32, #tpu.memory_space<vmem>>, vector<1x512x128xf32>
    %get3A_24 = vector.shape_cast %get3A_23 : vector<1x512x128xf32> to vector<512x128xf32>
    %sub3A_25 = arith.subf %get3A_24, %get3A_7 : vector<512x128xf32>
    %concatenate3A_26 = tpu.concatenate %sub3A_25, %get3A_7 in 1 : vector<512x128xf32>, vector<512x128xf32> -> vector<512x256xf32>
    %get3A_27 = arith.constant 0 : index
    %get3A_28 = arith.constant 0 : index
    %get3A_29 = vector.load %arg4[%get3A_27, %get3A_28] : memref<256x256xf32, #tpu.memory_space<vmem>>, vector<256x256xf32>
    %dot_general3A_30 = arith.constant dense<0.000000e+00> : vector<512x256xf32>
    %dot_general3A_31 = tpu.matmul %concatenate3A_26, %get3A_29, %dot_general3A_30 {dimension_numbers = #tpu.dot_dimension_numbers<[1], [0], [0], [1], [0, 0, 1, 1], [], []>, transpose_lhs_hint = false} : vector<512x256xf32>, vector<256x256xf32>, vector<512x256xf32> -> vector<512x256xf32>
    %sub3A_32 = vector.broadcast %div3A_4 : vector<1x256xf32> to vector<512x256xf32>
    %sub3A_33 = arith.subf %dot_general3A_31, %sub3A_32 : vector<512x256xf32>
    %mul3A_34 = arith.mulf %sub3A_33, %sub3A_33 : vector<512x256xf32>
    %add3A_35 = arith.addf %mul3A_19, %mul3A_34 : vector<512x256xf32>
    %get3A_36 = arith.constant 2 : index
    %get3A_37 = arith.constant 0 : index
    %get3A_38 = arith.constant 0 : index
    %get3A_39 = vector.load %arg2[%get3A_36, %get3A_37, %get3A_38] : memref<20x512x128xf32, #tpu.memory_space<vmem>>, vector<1x512x128xf32>
    %get3A_40 = vector.shape_cast %get3A_39 : vector<1x512x128xf32> to vector<512x128xf32>
    %sub3A_41 = arith.subf %get3A_40, %get3A_7 : vector<512x128xf32>
    %concatenate3A_42 = tpu.concatenate %sub3A_41, %get3A_7 in 1 : vector<512x128xf32>, vector<512x128xf32> -> vector<512x256xf32>
    %get3A_43 = arith.constant 0 : index
    %get3A_44 = arith.constant 0 : index
    %get3A_45 = vector.load %arg4[%get3A_43, %get3A_44] : memref<256x256xf32, #tpu.memory_space<vmem>>, vector<256x256xf32>
    %dot_general3A_46 = arith.constant dense<0.000000e+00> : vector<512x256xf32>
    %dot_general3A_47 = tpu.matmul %concatenate3A_42, %get3A_45, %dot_general3A_46 {dimension_numbers = #tpu.dot_dimension_numbers<[1], [0], [0], [1], [0, 0, 1, 1], [], []>, transpose_lhs_hint = false} : vector<512x256xf32>, vector<256x256xf32>, vector<512x256xf32> -> vector<512x256xf32>
    %sub3A_48 = vector.broadcast %div3A_4 : vector<1x256xf32> to vector<512x256xf32>
    %sub3A_49 = arith.subf %dot_general3A_47, %sub3A_48 : vector<512x256xf32>
    %mul3A_50 = arith.mulf %sub3A_49, %sub3A_49 : vector<512x256xf32>
    %add3A_51 = arith.addf %add3A_35, %mul3A_50 : vector<512x256xf32>
    %get3A_52 = arith.constant 3 : index
    %get3A_53 = arith.constant 0 : index
    %get3A_54 = arith.constant 0 : index
    %get3A_55 = vector.load %arg2[%get3A_52, %get3A_53, %get3A_54] : memref<20x512x128xf32, #tpu.memory_space<vmem>>, vector<1x512x128xf32>
    %get3A_56 = vector.shape_cast %get3A_55 : vector<1x512x128xf32> to vector<512x128xf32>
    %sub3A_57 = arith.subf %get3A_56, %get3A_7 : vector<512x128xf32>
    %concatenate3A_58 = tpu.concatenate %sub3A_57, %get3A_7 in 1 : vector<512x128xf32>, vector<512x128xf32> -> vector<512x256xf32>
    %get3A_59 = arith.constant 0 : index
    %get3A_60 = arith.constant 0 : index
    %get3A_61 = vector.load %arg4[%get3A_59, %get3A_60] : memref<256x256xf32, #tpu.memory_space<vmem>>, vector<256x256xf32>
    %dot_general3A_62 = arith.constant dense<0.000000e+00> : vector<512x256xf32>
    %dot_general3A_63 = tpu.matmul %concatenate3A_58, %get3A_61, %dot_general3A_62 {dimension_numbers = #tpu.dot_dimension_numbers<[1], [0], [0], [1], [0, 0, 1, 1], [], []>, transpose_lhs_hint = false} : vector<512x256xf32>, vector<256x256xf32>, vector<512x256xf32> -> vector<512x256xf32>
    %sub3A_64 = vector.broadcast %div3A_4 : vector<1x256xf32> to vector<512x256xf32>
    %sub3A_65 = arith.subf %dot_general3A_63, %sub3A_64 : vector<512x256xf32>
    %mul3A_66 = arith.mulf %sub3A_65, %sub3A_65 : vector<512x256xf32>
    %add3A_67 = arith.addf %add3A_51, %mul3A_66 : vector<512x256xf32>
    %get3A_68 = arith.constant 4 : index
    %get3A_69 = arith.constant 0 : index
    %get3A_70 = arith.constant 0 : index
    %get3A_71 = vector.load %arg2[%get3A_68, %get3A_69, %get3A_70] : memref<20x512x128xf32, #tpu.memory_space<vmem>>, vector<1x512x128xf32>
    %get3A_72 = vector.shape_cast %get3A_71 : vector<1x512x128xf32> to vector<512x128xf32>
    %sub3A_73 = arith.subf %get3A_72, %get3A_7 : vector<512x128xf32>
    %concatenate3A_74 = tpu.concatenate %sub3A_73, %get3A_7 in 1 : vector<512x128xf32>, vector<512x128xf32> -> vector<512x256xf32>
    %get3A_75 = arith.constant 0 : index
    %get3A_76 = arith.constant 0 : index
    %get3A_77 = vector.load %arg4[%get3A_75, %get3A_76] : memref<256x256xf32, #tpu.memory_space<vmem>>, vector<256x256xf32>
    %dot_general3A_78 = arith.constant dense<0.000000e+00> : vector<512x256xf32>
    %dot_general3A_79 = tpu.matmul %concatenate3A_74, %get3A_77, %dot_general3A_78 {dimension_numbers = #tpu.dot_dimension_numbers<[1], [0], [0], [1], [0, 0, 1, 1], [], []>, transpose_lhs_hint = false} : vector<512x256xf32>, vector<256x256xf32>, vector<512x256xf32> -> vector<512x256xf32>
    %sub3A_80 = vector.broadcast %div3A_4 : vector<1x256xf32> to vector<512x256xf32>
    %sub3A_81 = arith.subf %dot_general3A_79, %sub3A_80 : vector<512x256xf32>
    %mul3A_82 = arith.mulf %sub3A_81, %sub3A_81 : vector<512x256xf32>
    %add3A_83 = arith.addf %add3A_67, %mul3A_82 : vector<512x256xf32>
    %get3A_84 = arith.constant 5 : index
    %get3A_85 = arith.constant 0 : index
    %get3A_86 = arith.constant 0 : index
    %get3A_87 = vector.load %arg2[%get3A_84, %get3A_85, %get3A_86] : memref<20x512x128xf32, #tpu.memory_space<vmem>>, vector<1x512x128xf32>
    %get3A_88 = vector.shape_cast %get3A_87 : vector<1x512x128xf32> to vector<512x128xf32>
    %sub3A_89 = arith.subf %get3A_88, %get3A_7 : vector<512x128xf32>
    %concatenate3A_90 = tpu.concatenate %sub3A_89, %get3A_7 in 1 : vector<512x128xf32>, vector<512x128xf32> -> vector<512x256xf32>
    %get3A_91 = arith.constant 0 : index
    %get3A_92 = arith.constant 0 : index
    %get3A_93 = vector.load %arg4[%get3A_91, %get3A_92] : memref<256x256xf32, #tpu.memory_space<vmem>>, vector<256x256xf32>
    %dot_general3A_94 = arith.constant dense<0.000000e+00> : vector<512x256xf32>
    %dot_general3A_95 = tpu.matmul %concatenate3A_90, %get3A_93, %dot_general3A_94 {dimension_numbers = #tpu.dot_dimension_numbers<[1], [0], [0], [1], [0, 0, 1, 1], [], []>, transpose_lhs_hint = false} : vector<512x256xf32>, vector<256x256xf32>, vector<512x256xf32> -> vector<512x256xf32>
    %sub3A_96 = vector.broadcast %div3A_4 : vector<1x256xf32> to vector<512x256xf32>
    %sub3A_97 = arith.subf %dot_general3A_95, %sub3A_96 : vector<512x256xf32>
    %mul3A_98 = arith.mulf %sub3A_97, %sub3A_97 : vector<512x256xf32>
    %add3A_99 = arith.addf %add3A_83, %mul3A_98 : vector<512x256xf32>
    %get3A_100 = arith.constant 6 : index
    %get3A_101 = arith.constant 0 : index
    %get3A_102 = arith.constant 0 : index
    %get3A_103 = vector.load %arg2[%get3A_100, %get3A_101, %get3A_102] : memref<20x512x128xf32, #tpu.memory_space<vmem>>, vector<1x512x128xf32>
    %get3A_104 = vector.shape_cast %get3A_103 : vector<1x512x128xf32> to vector<512x128xf32>
    %sub3A_105 = arith.subf %get3A_104, %get3A_7 : vector<512x128xf32>
    %concatenate3A_106 = tpu.concatenate %sub3A_105, %get3A_7 in 1 : vector<512x128xf32>, vector<512x128xf32> -> vector<512x256xf32>
    %get3A_107 = arith.constant 0 : index
    %get3A_108 = arith.constant 0 : index
    %get3A_109 = vector.load %arg4[%get3A_107, %get3A_108] : memref<256x256xf32, #tpu.memory_space<vmem>>, vector<256x256xf32>
    %dot_general3A_110 = arith.constant dense<0.000000e+00> : vector<512x256xf32>
    %dot_general3A_111 = tpu.matmul %concatenate3A_106, %get3A_109, %dot_general3A_110 {dimension_numbers = #tpu.dot_dimension_numbers<[1], [0], [0], [1], [0, 0, 1, 1], [], []>, transpose_lhs_hint = false} : vector<512x256xf32>, vector<256x256xf32>, vector<512x256xf32> -> vector<512x256xf32>
    %sub3A_112 = vector.broadcast %div3A_4 : vector<1x256xf32> to vector<512x256xf32>
    %sub3A_113 = arith.subf %dot_general3A_111, %sub3A_112 : vector<512x256xf32>
    %mul3A_114 = arith.mulf %sub3A_113, %sub3A_113 : vector<512x256xf32>
    %add3A_115 = arith.addf %add3A_99, %mul3A_114 : vector<512x256xf32>
    %get3A_116 = arith.constant 7 : index
    %get3A_117 = arith.constant 0 : index
    %get3A_118 = arith.constant 0 : index
    %get3A_119 = vector.load %arg2[%get3A_116, %get3A_117, %get3A_118] : memref<20x512x128xf32, #tpu.memory_space<vmem>>, vector<1x512x128xf32>
    %get3A_120 = vector.shape_cast %get3A_119 : vector<1x512x128xf32> to vector<512x128xf32>
    %sub3A_121 = arith.subf %get3A_120, %get3A_7 : vector<512x128xf32>
    %concatenate3A_122 = tpu.concatenate %sub3A_121, %get3A_7 in 1 : vector<512x128xf32>, vector<512x128xf32> -> vector<512x256xf32>
    %get3A_123 = arith.constant 0 : index
    %get3A_124 = arith.constant 0 : index
    %get3A_125 = vector.load %arg4[%get3A_123, %get3A_124] : memref<256x256xf32, #tpu.memory_space<vmem>>, vector<256x256xf32>
    %dot_general3A_126 = arith.constant dense<0.000000e+00> : vector<512x256xf32>
    %dot_general3A_127 = tpu.matmul %concatenate3A_122, %get3A_125, %dot_general3A_126 {dimension_numbers = #tpu.dot_dimension_numbers<[1], [0], [0], [1], [0, 0, 1, 1], [], []>, transpose_lhs_hint = false} : vector<512x256xf32>, vector<256x256xf32>, vector<512x256xf32> -> vector<512x256xf32>
    %sub3A_128 = vector.broadcast %div3A_4 : vector<1x256xf32> to vector<512x256xf32>
    %sub3A_129 = arith.subf %dot_general3A_127, %sub3A_128 : vector<512x256xf32>
    %mul3A_130 = arith.mulf %sub3A_129, %sub3A_129 : vector<512x256xf32>
    %add3A_131 = arith.addf %add3A_115, %mul3A_130 : vector<512x256xf32>
    %get3A_132 = arith.constant 8 : index
    %get3A_133 = arith.constant 0 : index
    %get3A_134 = arith.constant 0 : index
    %get3A_135 = vector.load %arg2[%get3A_132, %get3A_133, %get3A_134] : memref<20x512x128xf32, #tpu.memory_space<vmem>>, vector<1x512x128xf32>
    %get3A_136 = vector.shape_cast %get3A_135 : vector<1x512x128xf32> to vector<512x128xf32>
    %sub3A_137 = arith.subf %get3A_136, %get3A_7 : vector<512x128xf32>
    %concatenate3A_138 = tpu.concatenate %sub3A_137, %get3A_7 in 1 : vector<512x128xf32>, vector<512x128xf32> -> vector<512x256xf32>
    %get3A_139 = arith.constant 0 : index
    %get3A_140 = arith.constant 0 : index
    %get3A_141 = vector.load %arg4[%get3A_139, %get3A_140] : memref<256x256xf32, #tpu.memory_space<vmem>>, vector<256x256xf32>
    %dot_general3A_142 = arith.constant dense<0.000000e+00> : vector<512x256xf32>
    %dot_general3A_143 = tpu.matmul %concatenate3A_138, %get3A_141, %dot_general3A_142 {dimension_numbers = #tpu.dot_dimension_numbers<[1], [0], [0], [1], [0, 0, 1, 1], [], []>, transpose_lhs_hint = false} : vector<512x256xf32>, vector<256x256xf32>, vector<512x256xf32> -> vector<512x256xf32>
    %sub3A_144 = vector.broadcast %div3A_4 : vector<1x256xf32> to vector<512x256xf32>
    %sub3A_145 = arith.subf %dot_general3A_143, %sub3A_144 : vector<512x256xf32>
    %mul3A_146 = arith.mulf %sub3A_145, %sub3A_145 : vector<512x256xf32>
    %add3A_147 = arith.addf %add3A_131, %mul3A_146 : vector<512x256xf32>
    %get3A_148 = arith.constant 9 : index
    %get3A_149 = arith.constant 0 : index
    %get3A_150 = arith.constant 0 : index
    %get3A_151 = vector.load %arg2[%get3A_148, %get3A_149, %get3A_150] : memref<20x512x128xf32, #tpu.memory_space<vmem>>, vector<1x512x128xf32>
    %get3A_152 = vector.shape_cast %get3A_151 : vector<1x512x128xf32> to vector<512x128xf32>
    %sub3A_153 = arith.subf %get3A_152, %get3A_7 : vector<512x128xf32>
    %concatenate3A_154 = tpu.concatenate %sub3A_153, %get3A_7 in 1 : vector<512x128xf32>, vector<512x128xf32> -> vector<512x256xf32>
    %get3A_155 = arith.constant 0 : index
    %get3A_156 = arith.constant 0 : index
    %get3A_157 = vector.load %arg4[%get3A_155, %get3A_156] : memref<256x256xf32, #tpu.memory_space<vmem>>, vector<256x256xf32>
    %dot_general3A_158 = arith.constant dense<0.000000e+00> : vector<512x256xf32>
    %dot_general3A_159 = tpu.matmul %concatenate3A_154, %get3A_157, %dot_general3A_158 {dimension_numbers = #tpu.dot_dimension_numbers<[1], [0], [0], [1], [0, 0, 1, 1], [], []>, transpose_lhs_hint = false} : vector<512x256xf32>, vector<256x256xf32>, vector<512x256xf32> -> vector<512x256xf32>
    %sub3A_160 = vector.broadcast %div3A_4 : vector<1x256xf32> to vector<512x256xf32>
    %sub3A_161 = arith.subf %dot_general3A_159, %sub3A_160 : vector<512x256xf32>
    %mul3A_162 = arith.mulf %sub3A_161, %sub3A_161 : vector<512x256xf32>
    %add3A_163 = arith.addf %add3A_147, %mul3A_162 : vector<512x256xf32>
    %get3A_164 = arith.constant 10 : index
    %get3A_165 = arith.constant 0 : index
    %get3A_166 = arith.constant 0 : index
    %get3A_167 = vector.load %arg2[%get3A_164, %get3A_165, %get3A_166] : memref<20x512x128xf32, #tpu.memory_space<vmem>>, vector<1x512x128xf32>
    %get3A_168 = vector.shape_cast %get3A_167 : vector<1x512x128xf32> to vector<512x128xf32>
    %sub3A_169 = arith.subf %get3A_168, %get3A_7 : vector<512x128xf32>
    %concatenate3A_170 = tpu.concatenate %sub3A_169, %get3A_7 in 1 : vector<512x128xf32>, vector<512x128xf32> -> vector<512x256xf32>
    %get3A_171 = arith.constant 0 : index
    %get3A_172 = arith.constant 0 : index
    %get3A_173 = vector.load %arg4[%get3A_171, %get3A_172] : memref<256x256xf32, #tpu.memory_space<vmem>>, vector<256x256xf32>
    %dot_general3A_174 = arith.constant dense<0.000000e+00> : vector<512x256xf32>
    %dot_general3A_175 = tpu.matmul %concatenate3A_170, %get3A_173, %dot_general3A_174 {dimension_numbers = #tpu.dot_dimension_numbers<[1], [0], [0], [1], [0, 0, 1, 1], [], []>, transpose_lhs_hint = false} : vector<512x256xf32>, vector<256x256xf32>, vector<512x256xf32> -> vector<512x256xf32>
    %sub3A_176 = vector.broadcast %div3A_4 : vector<1x256xf32> to vector<512x256xf32>
    %sub3A_177 = arith.subf %dot_general3A_175, %sub3A_176 : vector<512x256xf32>
    %mul3A_178 = arith.mulf %sub3A_177, %sub3A_177 : vector<512x256xf32>
    %add3A_179 = arith.addf %add3A_163, %mul3A_178 : vector<512x256xf32>
    %get3A_180 = arith.constant 11 : index
    %get3A_181 = arith.constant 0 : index
    %get3A_182 = arith.constant 0 : index
    %get3A_183 = vector.load %arg2[%get3A_180, %get3A_181, %get3A_182] : memref<20x512x128xf32, #tpu.memory_space<vmem>>, vector<1x512x128xf32>
    %get3A_184 = vector.shape_cast %get3A_183 : vector<1x512x128xf32> to vector<512x128xf32>
    %sub3A_185 = arith.subf %get3A_184, %get3A_7 : vector<512x128xf32>
    %concatenate3A_186 = tpu.concatenate %sub3A_185, %get3A_7 in 1 : vector<512x128xf32>, vector<512x128xf32> -> vector<512x256xf32>
    %get3A_187 = arith.constant 0 : index
    %get3A_188 = arith.constant 0 : index
    %get3A_189 = vector.load %arg4[%get3A_187, %get3A_188] : memref<256x256xf32, #tpu.memory_space<vmem>>, vector<256x256xf32>
    %dot_general3A_190 = arith.constant dense<0.000000e+00> : vector<512x256xf32>
    %dot_general3A_191 = tpu.matmul %concatenate3A_186, %get3A_189, %dot_general3A_190 {dimension_numbers = #tpu.dot_dimension_numbers<[1], [0], [0], [1], [0, 0, 1, 1], [], []>, transpose_lhs_hint = false} : vector<512x256xf32>, vector<256x256xf32>, vector<512x256xf32> -> vector<512x256xf32>
    %sub3A_192 = vector.broadcast %div3A_4 : vector<1x256xf32> to vector<512x256xf32>
    %sub3A_193 = arith.subf %dot_general3A_191, %sub3A_192 : vector<512x256xf32>
    %mul3A_194 = arith.mulf %sub3A_193, %sub3A_193 : vector<512x256xf32>
    %add3A_195 = arith.addf %add3A_179, %mul3A_194 : vector<512x256xf32>
    %get3A_196 = arith.constant 12 : index
    %get3A_197 = arith.constant 0 : index
    %get3A_198 = arith.constant 0 : index
    %get3A_199 = vector.load %arg2[%get3A_196, %get3A_197, %get3A_198] : memref<20x512x128xf32, #tpu.memory_space<vmem>>, vector<1x512x128xf32>
    %get3A_200 = vector.shape_cast %get3A_199 : vector<1x512x128xf32> to vector<512x128xf32>
    %sub3A_201 = arith.subf %get3A_200, %get3A_7 : vector<512x128xf32>
    %concatenate3A_202 = tpu.concatenate %sub3A_201, %get3A_7 in 1 : vector<512x128xf32>, vector<512x128xf32> -> vector<512x256xf32>
    %get3A_203 = arith.constant 0 : index
    %get3A_204 = arith.constant 0 : index
    %get3A_205 = vector.load %arg4[%get3A_203, %get3A_204] : memref<256x256xf32, #tpu.memory_space<vmem>>, vector<256x256xf32>
    %dot_general3A_206 = arith.constant dense<0.000000e+00> : vector<512x256xf32>
    %dot_general3A_207 = tpu.matmul %concatenate3A_202, %get3A_205, %dot_general3A_206 {dimension_numbers = #tpu.dot_dimension_numbers<[1], [0], [0], [1], [0, 0, 1, 1], [], []>, transpose_lhs_hint = false} : vector<512x256xf32>, vector<256x256xf32>, vector<512x256xf32> -> vector<512x256xf32>
    %sub3A_208 = vector.broadcast %div3A_4 : vector<1x256xf32> to vector<512x256xf32>
    %sub3A_209 = arith.subf %dot_general3A_207, %sub3A_208 : vector<512x256xf32>
    %mul3A_210 = arith.mulf %sub3A_209, %sub3A_209 : vector<512x256xf32>
    %add3A_211 = arith.addf %add3A_195, %mul3A_210 : vector<512x256xf32>
    %get3A_212 = arith.constant 13 : index
    %get3A_213 = arith.constant 0 : index
    %get3A_214 = arith.constant 0 : index
    %get3A_215 = vector.load %arg2[%get3A_212, %get3A_213, %get3A_214] : memref<20x512x128xf32, #tpu.memory_space<vmem>>, vector<1x512x128xf32>
    %get3A_216 = vector.shape_cast %get3A_215 : vector<1x512x128xf32> to vector<512x128xf32>
    %sub3A_217 = arith.subf %get3A_216, %get3A_7 : vector<512x128xf32>
    %concatenate3A_218 = tpu.concatenate %sub3A_217, %get3A_7 in 1 : vector<512x128xf32>, vector<512x128xf32> -> vector<512x256xf32>
    %get3A_219 = arith.constant 0 : index
    %get3A_220 = arith.constant 0 : index
    %get3A_221 = vector.load %arg4[%get3A_219, %get3A_220] : memref<256x256xf32, #tpu.memory_space<vmem>>, vector<256x256xf32>
    %dot_general3A_222 = arith.constant dense<0.000000e+00> : vector<512x256xf32>
    %dot_general3A_223 = tpu.matmul %concatenate3A_218, %get3A_221, %dot_general3A_222 {dimension_numbers = #tpu.dot_dimension_numbers<[1], [0], [0], [1], [0, 0, 1, 1], [], []>, transpose_lhs_hint = false} : vector<512x256xf32>, vector<256x256xf32>, vector<512x256xf32> -> vector<512x256xf32>
    %sub3A_224 = vector.broadcast %div3A_4 : vector<1x256xf32> to vector<512x256xf32>
    %sub3A_225 = arith.subf %dot_general3A_223, %sub3A_224 : vector<512x256xf32>
    %mul3A_226 = arith.mulf %sub3A_225, %sub3A_225 : vector<512x256xf32>
    %add3A_227 = arith.addf %add3A_211, %mul3A_226 : vector<512x256xf32>
    %get3A_228 = arith.constant 14 : index
    %get3A_229 = arith.constant 0 : index
    %get3A_230 = arith.constant 0 : index
    %get3A_231 = vector.load %arg2[%get3A_228, %get3A_229, %get3A_230] : memref<20x512x128xf32, #tpu.memory_space<vmem>>, vector<1x512x128xf32>
    %get3A_232 = vector.shape_cast %get3A_231 : vector<1x512x128xf32> to vector<512x128xf32>
    %sub3A_233 = arith.subf %get3A_232, %get3A_7 : vector<512x128xf32>
    %concatenate3A_234 = tpu.concatenate %sub3A_233, %get3A_7 in 1 : vector<512x128xf32>, vector<512x128xf32> -> vector<512x256xf32>
    %get3A_235 = arith.constant 0 : index
    %get3A_236 = arith.constant 0 : index
    %get3A_237 = vector.load %arg4[%get3A_235, %get3A_236] : memref<256x256xf32, #tpu.memory_space<vmem>>, vector<256x256xf32>
    %dot_general3A_238 = arith.constant dense<0.000000e+00> : vector<512x256xf32>
    %dot_general3A_239 = tpu.matmul %concatenate3A_234, %get3A_237, %dot_general3A_238 {dimension_numbers = #tpu.dot_dimension_numbers<[1], [0], [0], [1], [0, 0, 1, 1], [], []>, transpose_lhs_hint = false} : vector<512x256xf32>, vector<256x256xf32>, vector<512x256xf32> -> vector<512x256xf32>
    %sub3A_240 = vector.broadcast %div3A_4 : vector<1x256xf32> to vector<512x256xf32>
    %sub3A_241 = arith.subf %dot_general3A_239, %sub3A_240 : vector<512x256xf32>
    %mul3A_242 = arith.mulf %sub3A_241, %sub3A_241 : vector<512x256xf32>
    %add3A_243 = arith.addf %add3A_227, %mul3A_242 : vector<512x256xf32>
    %get3A_244 = arith.constant 15 : index
    %get3A_245 = arith.constant 0 : index
    %get3A_246 = arith.constant 0 : index
    %get3A_247 = vector.load %arg2[%get3A_244, %get3A_245, %get3A_246] : memref<20x512x128xf32, #tpu.memory_space<vmem>>, vector<1x512x128xf32>
    %get3A_248 = vector.shape_cast %get3A_247 : vector<1x512x128xf32> to vector<512x128xf32>
    %sub3A_249 = arith.subf %get3A_248, %get3A_7 : vector<512x128xf32>
    %concatenate3A_250 = tpu.concatenate %sub3A_249, %get3A_7 in 1 : vector<512x128xf32>, vector<512x128xf32> -> vector<512x256xf32>
    %get3A_251 = arith.constant 0 : index
    %get3A_252 = arith.constant 0 : index
    %get3A_253 = vector.load %arg4[%get3A_251, %get3A_252] : memref<256x256xf32, #tpu.memory_space<vmem>>, vector<256x256xf32>
    %dot_general3A_254 = arith.constant dense<0.000000e+00> : vector<512x256xf32>
    %dot_general3A_255 = tpu.matmul %concatenate3A_250, %get3A_253, %dot_general3A_254 {dimension_numbers = #tpu.dot_dimension_numbers<[1], [0], [0], [1], [0, 0, 1, 1], [], []>, transpose_lhs_hint = false} : vector<512x256xf32>, vector<256x256xf32>, vector<512x256xf32> -> vector<512x256xf32>
    %sub3A_256 = vector.broadcast %div3A_4 : vector<1x256xf32> to vector<512x256xf32>
    %sub3A_257 = arith.subf %dot_general3A_255, %sub3A_256 : vector<512x256xf32>
    %mul3A_258 = arith.mulf %sub3A_257, %sub3A_257 : vector<512x256xf32>
    %add3A_259 = arith.addf %add3A_243, %mul3A_258 : vector<512x256xf32>
    %get3A_260 = arith.constant 16 : index
    %get3A_261 = arith.constant 0 : index
    %get3A_262 = arith.constant 0 : index
    %get3A_263 = vector.load %arg2[%get3A_260, %get3A_261, %get3A_262] : memref<20x512x128xf32, #tpu.memory_space<vmem>>, vector<1x512x128xf32>
    %get3A_264 = vector.shape_cast %get3A_263 : vector<1x512x128xf32> to vector<512x128xf32>
    %sub3A_265 = arith.subf %get3A_264, %get3A_7 : vector<512x128xf32>
    %concatenate3A_266 = tpu.concatenate %sub3A_265, %get3A_7 in 1 : vector<512x128xf32>, vector<512x128xf32> -> vector<512x256xf32>
    %get3A_267 = arith.constant 0 : index
    %get3A_268 = arith.constant 0 : index
    %get3A_269 = vector.load %arg4[%get3A_267, %get3A_268] : memref<256x256xf32, #tpu.memory_space<vmem>>, vector<256x256xf32>
    %dot_general3A_270 = arith.constant dense<0.000000e+00> : vector<512x256xf32>
    %dot_general3A_271 = tpu.matmul %concatenate3A_266, %get3A_269, %dot_general3A_270 {dimension_numbers = #tpu.dot_dimension_numbers<[1], [0], [0], [1], [0, 0, 1, 1], [], []>, transpose_lhs_hint = false} : vector<512x256xf32>, vector<256x256xf32>, vector<512x256xf32> -> vector<512x256xf32>
    %sub3A_272 = vector.broadcast %div3A_4 : vector<1x256xf32> to vector<512x256xf32>
    %sub3A_273 = arith.subf %dot_general3A_271, %sub3A_272 : vector<512x256xf32>
    %mul3A_274 = arith.mulf %sub3A_273, %sub3A_273 : vector<512x256xf32>
    %add3A_275 = arith.addf %add3A_259, %mul3A_274 : vector<512x256xf32>
    %get3A_276 = arith.constant 17 : index
    %get3A_277 = arith.constant 0 : index
    %get3A_278 = arith.constant 0 : index
    %get3A_279 = vector.load %arg2[%get3A_276, %get3A_277, %get3A_278] : memref<20x512x128xf32, #tpu.memory_space<vmem>>, vector<1x512x128xf32>
    %get3A_280 = vector.shape_cast %get3A_279 : vector<1x512x128xf32> to vector<512x128xf32>
    %sub3A_281 = arith.subf %get3A_280, %get3A_7 : vector<512x128xf32>
    %concatenate3A_282 = tpu.concatenate %sub3A_281, %get3A_7 in 1 : vector<512x128xf32>, vector<512x128xf32> -> vector<512x256xf32>
    %get3A_283 = arith.constant 0 : index
    %get3A_284 = arith.constant 0 : index
    %get3A_285 = vector.load %arg4[%get3A_283, %get3A_284] : memref<256x256xf32, #tpu.memory_space<vmem>>, vector<256x256xf32>
    %dot_general3A_286 = arith.constant dense<0.000000e+00> : vector<512x256xf32>
    %dot_general3A_287 = tpu.matmul %concatenate3A_282, %get3A_285, %dot_general3A_286 {dimension_numbers = #tpu.dot_dimension_numbers<[1], [0], [0], [1], [0, 0, 1, 1], [], []>, transpose_lhs_hint = false} : vector<512x256xf32>, vector<256x256xf32>, vector<512x256xf32> -> vector<512x256xf32>
    %sub3A_288 = vector.broadcast %div3A_4 : vector<1x256xf32> to vector<512x256xf32>
    %sub3A_289 = arith.subf %dot_general3A_287, %sub3A_288 : vector<512x256xf32>
    %mul3A_290 = arith.mulf %sub3A_289, %sub3A_289 : vector<512x256xf32>
    %add3A_291 = arith.addf %add3A_275, %mul3A_290 : vector<512x256xf32>
    %get3A_292 = arith.constant 18 : index
    %get3A_293 = arith.constant 0 : index
    %get3A_294 = arith.constant 0 : index
    %get3A_295 = vector.load %arg2[%get3A_292, %get3A_293, %get3A_294] : memref<20x512x128xf32, #tpu.memory_space<vmem>>, vector<1x512x128xf32>
    %get3A_296 = vector.shape_cast %get3A_295 : vector<1x512x128xf32> to vector<512x128xf32>
    %sub3A_297 = arith.subf %get3A_296, %get3A_7 : vector<512x128xf32>
    %concatenate3A_298 = tpu.concatenate %sub3A_297, %get3A_7 in 1 : vector<512x128xf32>, vector<512x128xf32> -> vector<512x256xf32>
    %get3A_299 = arith.constant 0 : index
    %get3A_300 = arith.constant 0 : index
    %get3A_301 = vector.load %arg4[%get3A_299, %get3A_300] : memref<256x256xf32, #tpu.memory_space<vmem>>, vector<256x256xf32>
    %dot_general3A_302 = arith.constant dense<0.000000e+00> : vector<512x256xf32>
    %dot_general3A_303 = tpu.matmul %concatenate3A_298, %get3A_301, %dot_general3A_302 {dimension_numbers = #tpu.dot_dimension_numbers<[1], [0], [0], [1], [0, 0, 1, 1], [], []>, transpose_lhs_hint = false} : vector<512x256xf32>, vector<256x256xf32>, vector<512x256xf32> -> vector<512x256xf32>
    %sub3A_304 = vector.broadcast %div3A_4 : vector<1x256xf32> to vector<512x256xf32>
    %sub3A_305 = arith.subf %dot_general3A_303, %sub3A_304 : vector<512x256xf32>
    %mul3A_306 = arith.mulf %sub3A_305, %sub3A_305 : vector<512x256xf32>
    %add3A_307 = arith.addf %add3A_291, %mul3A_306 : vector<512x256xf32>
    %get3A_308 = arith.constant 19 : index
    %get3A_309 = arith.constant 0 : index
    %get3A_310 = arith.constant 0 : index
    %get3A_311 = vector.load %arg2[%get3A_308, %get3A_309, %get3A_310] : memref<20x512x128xf32, #tpu.memory_space<vmem>>, vector<1x512x128xf32>
    %get3A_312 = vector.shape_cast %get3A_311 : vector<1x512x128xf32> to vector<512x128xf32>
    %sub3A_313 = arith.subf %get3A_312, %get3A_7 : vector<512x128xf32>
    %concatenate3A_314 = tpu.concatenate %sub3A_313, %get3A_7 in 1 : vector<512x128xf32>, vector<512x128xf32> -> vector<512x256xf32>
    %get3A_315 = arith.constant 0 : index
    %get3A_316 = arith.constant 0 : index
    %get3A_317 = vector.load %arg4[%get3A_315, %get3A_316] : memref<256x256xf32, #tpu.memory_space<vmem>>, vector<256x256xf32>
    %dot_general3A_318 = arith.constant dense<0.000000e+00> : vector<512x256xf32>
    %dot_general3A_319 = tpu.matmul %concatenate3A_314, %get3A_317, %dot_general3A_318 {dimension_numbers = #tpu.dot_dimension_numbers<[1], [0], [0], [1], [0, 0, 1, 1], [], []>, transpose_lhs_hint = false} : vector<512x256xf32>, vector<256x256xf32>, vector<512x256xf32> -> vector<512x256xf32>
    %sub3A_320 = vector.broadcast %div3A_4 : vector<1x256xf32> to vector<512x256xf32>
    %sub3A_321 = arith.subf %dot_general3A_319, %sub3A_320 : vector<512x256xf32>
    %mul3A_322 = arith.mulf %sub3A_321, %sub3A_321 : vector<512x256xf32>
    %add3A_323 = arith.addf %add3A_307, %mul3A_322 : vector<512x256xf32>
    %reduce_sum3A = arith.constant dense<0.000000e+00> : vector<256xf32>
    %reduce_sum3A_324 = vector.multi_reduction <add>, %add3A_323, %reduce_sum3A [0] : vector<512x256xf32> to vector<256xf32>
    %broadcast_in_dim3A = vector.shape_cast %reduce_sum3A_324 : vector<256xf32> to vector<1x256xf32>
    %broadcast_in_dim3A_325 = arith.constant 0.000000e+00 : f32
    %broadcast_in_dim3A_326 = vector.broadcast %broadcast_in_dim3A_325 : f32 to vector<7x256xf32>
    %concatenate3A_327 = tpu.concatenate %broadcast_in_dim3A, %broadcast_in_dim3A_326 in 0 : vector<1x256xf32>, vector<7x256xf32> -> vector<8x256xf32>
    %eq3A = arith.constant 0 : i32
    %eq3A_328 = arith.cmpi eq, %add3A, %eq3A : i32
    %convert_element_type3A = arith.extui %eq3A_328 : i1 to i32
    %cond3A = arith.constant 0 : i32
    %cond3A_329 = arith.cmpi ne, %convert_element_type3A, %cond3A : i32
    scf.if %cond3A_329 {
      %broadcast_in_dim3A_336 = arith.constant 0.000000e+00 : f32
      %broadcast_in_dim3A_337 = vector.broadcast %broadcast_in_dim3A_336 : f32 to vector<8x256xf32>
      %swap3A_338 = arith.constant 0 : index
      %swap3A_339 = arith.constant 0 : index
      %swap3A_340 = vector.load %arg6[%swap3A_338, %swap3A_339] : memref<8x256xf32, #tpu.memory_space<vmem>>, vector<8x256xf32>
      tpu.vector_store %arg6[%swap3A_338, %swap3A_339], %broadcast_in_dim3A_337 {strides = array<i32>} : memref<8x256xf32, #tpu.memory_space<vmem>>, vector<8x256xf32>,
    } else {
    }
    %get3A_330 = arith.constant 0 : index
    %get3A_331 = arith.constant 0 : index
    %get3A_332 = vector.load %arg6[%get3A_330, %get3A_331] : memref<8x256xf32, #tpu.memory_space<vmem>>, vector<8x256xf32>
    %add3A_333 = arith.addf %get3A_332, %concatenate3A_327 : vector<8x256xf32>
    %swap3A = arith.constant 0 : index
    %swap3A_334 = arith.constant 0 : index
    %swap3A_335 = vector.load %arg6[%swap3A, %swap3A_334] : memref<8x256xf32, #tpu.memory_space<vmem>>, vector<8x256xf32>
    tpu.vector_store %arg6[%swap3A, %swap3A_334], %add3A_333 {strides = array<i32>} : memref<8x256xf32, #tpu.memory_space<vmem>>, vector<8x256xf32>,
    return
  }
  func.func @transform_0(%arg0: i32, %arg1: i32) -> (i32, i32, i32) {
    %mul3A = arith.constant 2 : i32
    %mul3A_0 = arith.muli %arg0, %mul3A : i32
    %add3A = arith.addi %mul3A_0, %arg1 : i32
    %c0_i32 = arith.constant 0 : i32
    %c0_i32_1 = arith.constant 0 : i32
    %c0_i32_2 = arith.constant 0 : i32
    return %c0_i32, %add3A, %c0_i32_1 : i32, i32, i32
  }
  func.func @transform_1(%arg0: i32, %arg1: i32) -> (i32, i32) {
    %mul3A = arith.constant 2 : i32
    %mul3A_0 = arith.muli %arg0, %mul3A : i32
    %add3A = arith.addi %mul3A_0, %arg1 : i32
    %c0_i32 = arith.constant 0 : i32
    %c0_i32_1 = arith.constant 0 : i32
    return %add3A, %c0_i32 : i32, i32
  }
  func.func @transform_2(%arg0: i32, %arg1: i32) -> (i32, i32) {
    %c0_i32 = arith.constant 0 : i32
    %c0_i32_0 = arith.constant 0 : i32
    %c0_i32_1 = arith.constant 0 : i32
    return %c0_i32, %c0_i32_0 : i32, i32
  }
  func.func @transform_3(%arg0: i32, %arg1: i32) -> (i32, i32) {
    %c0_i32 = arith.constant 0 : i32
    %c0_i32_0 = arith.constant 0 : i32
    %c0_i32_1 = arith.constant 0 : i32
    return %c0_i32, %c0_i32_0 : i32, i32
  }
  func.func @transform_4(%arg0: i32, %arg1: i32) -> (i32, i32) {
    %c0_i32 = arith.constant 0 : i32
    %c0_i32_0 = arith.constant 0 : i32
    %c0_i32_1 = arith.constant 0 : i32
    return %c0_i32, %c0_i32_0 : i32, i32
  }
}

module attributes {stable_mosaic.version = 14 : i64} {
  func.func @_norm_body(%arg0: i32, %arg1: memref<512x256xf32, #tpu.memory_space<vmem>>, %arg2: memref<8x256xf32, #tpu.memory_space<vmem>>, %arg3: memref<8x256xf32, #tpu.memory_space<vmem>>, %arg4: memref<1x256xf32, #tpu.memory_space<vmem>>, %arg5: memref<1x256xf32, #tpu.memory_space<vmem>>, %arg6: memref<512x256xf32, #tpu.memory_space<vmem>>) attributes {dimension_semantics = [#tpu.dimension_semantics<arbitrary>], iteration_bounds = array<i64: 32>, scalar_prefetch = 0 : i64, scratch_operands = 0 : i64, tpu.core_type = #tpu.core_type<tc>, window_params = [{transform_indices = @transform_0, window_bounds = array<i64: 512, 256>}, {pipeline_mode = #tpu.pipeline_mode<synchronous>, transform_indices = @transform_1, window_bounds = array<i64: 8, 256>}, {pipeline_mode = #tpu.pipeline_mode<synchronous>, transform_indices = @transform_2, window_bounds = array<i64: 8, 256>}, {pipeline_mode = #tpu.pipeline_mode<synchronous>, transform_indices = @transform_3, window_bounds = array<i64: 1, 256>}, {pipeline_mode = #tpu.pipeline_mode<synchronous>, transform_indices = @transform_4, window_bounds = array<i64: 1, 256>}, {transform_indices = @transform_5, window_bounds = array<i64: 512, 256>}]} {
    %get3A = arith.constant 0 : index
    %get3A_0 = arith.constant 0 : index
    %get3A_1 = vector.load %arg2[%get3A, %get3A_0] : memref<8x256xf32, #tpu.memory_space<vmem>>, vector<8x256xf32>
    %slice3A = vector.extract_strided_slice %get3A_1 {offsets = [0, 0], sizes = [1, 256], strides = [1, 1]} : vector<8x256xf32> to vector<1x256xf32>
    %div3A = arith.constant 3.276800e+05 : f32
    %div3A_2 = vector.broadcast %div3A : f32 to vector<1x256xf32>
    %div3A_3 = arith.divf %slice3A, %div3A_2 : vector<1x256xf32>
    %get3A_4 = arith.constant 0 : index
    %get3A_5 = arith.constant 0 : index
    %get3A_6 = vector.load %arg3[%get3A_4, %get3A_5] : memref<8x256xf32, #tpu.memory_space<vmem>>, vector<1x256xf32>
    %div3A_7 = arith.constant 3.276800e+05 : f32
    %div3A_8 = vector.broadcast %div3A_7 : f32 to vector<1x256xf32>
    %div3A_9 = arith.divf %get3A_6, %div3A_8 : vector<1x256xf32>
    %add3A = arith.constant 9.99999974E-6 : f32
    %add3A_10 = vector.broadcast %add3A : f32 to vector<1x256xf32>
    %add3A_11 = arith.addf %div3A_9, %add3A_10 : vector<1x256xf32>
    %sqrt3A = math.sqrt %add3A_11 : vector<1x256xf32>
    %get3A_12 = arith.constant 0 : index
    %get3A_13 = arith.constant 0 : index
    %get3A_14 = vector.load %arg1[%get3A_12, %get3A_13] : memref<512x256xf32, #tpu.memory_space<vmem>>, vector<512x256xf32>
    %sub3A = vector.broadcast %div3A_3 : vector<1x256xf32> to vector<512x256xf32>
    %sub3A_15 = arith.subf %get3A_14, %sub3A : vector<512x256xf32>
    %div3A_16 = vector.broadcast %sqrt3A : vector<1x256xf32> to vector<512x256xf32>
    %div3A_17 = arith.divf %sub3A_15, %div3A_16 : vector<512x256xf32>
    %get3A_18 = arith.constant 0 : index
    %get3A_19 = arith.constant 0 : index
    %get3A_20 = vector.load %arg4[%get3A_18, %get3A_19] : memref<1x256xf32, #tpu.memory_space<vmem>>, vector<1x256xf32>
    %mul3A = vector.broadcast %get3A_20 : vector<1x256xf32> to vector<512x256xf32>
    %mul3A_21 = arith.mulf %div3A_17, %mul3A : vector<512x256xf32>
    %get3A_22 = arith.constant 0 : index
    %get3A_23 = arith.constant 0 : index
    %get3A_24 = vector.load %arg5[%get3A_22, %get3A_23] : memref<1x256xf32, #tpu.memory_space<vmem>>, vector<1x256xf32>
    %add3A_25 = vector.broadcast %get3A_24 : vector<1x256xf32> to vector<512x256xf32>
    %add3A_26 = arith.addf %mul3A_21, %add3A_25 : vector<512x256xf32>
    %ge3A = arith.constant 0.000000e+00 : f32
    %ge3A_27 = vector.broadcast %ge3A : f32 to vector<512x256xf32>
    %ge3A_28 = arith.cmpf oge, %add3A_26, %ge3A_27 : vector<512x256xf32>
    %mul3A_29 = arith.constant 2.000000e-01 : f32
    %mul3A_30 = vector.broadcast %mul3A_29 : f32 to vector<512x256xf32>
    %mul3A_31 = arith.mulf %mul3A_30, %add3A_26 : vector<512x256xf32>
    %select_n3A = arith.select %ge3A_28, %add3A_26, %mul3A_31 : vector<512x256xi1>, vector<512x256xf32>
    %swap3A = arith.constant 0 : index
    %swap3A_32 = arith.constant 0 : index
    %swap3A_33 = vector.load %arg6[%swap3A, %swap3A_32] : memref<512x256xf32, #tpu.memory_space<vmem>>, vector<512x256xf32>
    tpu.vector_store %arg6[%swap3A, %swap3A_32], %select_n3A {strides = array<i32>} : memref<512x256xf32, #tpu.memory_space<vmem>>, vector<512x256xf32>,
    return
  }
  func.func @transform_0(%arg0: i32) -> (i32, i32) {
    %c0_i32 = arith.constant 0 : i32
    %c0_i32_0 = arith.constant 0 : i32
    return %arg0, %c0_i32 : i32, i32
  }
  func.func @transform_1(%arg0: i32) -> (i32, i32) {
    %c0_i32 = arith.constant 0 : i32
    %c0_i32_0 = arith.constant 0 : i32
    %c0_i32_1 = arith.constant 0 : i32
    return %c0_i32, %c0_i32_0 : i32, i32
  }
  func.func @transform_2(%arg0: i32) -> (i32, i32) {
    %c0_i32 = arith.constant 0 : i32
    %c0_i32_0 = arith.constant 0 : i32
    %c0_i32_1 = arith.constant 0 : i32
    return %c0_i32, %c0_i32_0 : i32, i32
  }
  func.func @transform_3(%arg0: i32) -> (i32, i32) {
    %c0_i32 = arith.constant 0 : i32
    %c0_i32_0 = arith.constant 0 : i32
    %c0_i32_1 = arith.constant 0 : i32
    return %c0_i32, %c0_i32_0 : i32, i32
  }
  func.func @transform_4(%arg0: i32) -> (i32, i32) {
    %c0_i32 = arith.constant 0 : i32
    %c0_i32_0 = arith.constant 0 : i32
    %c0_i32_1 = arith.constant 0 : i32
    return %c0_i32, %c0_i32_0 : i32, i32
  }
  func.func @transform_5(%arg0: i32) -> (i32, i32) {
    %c0_i32 = arith.constant 0 : i32
    %c0_i32_0 = arith.constant 0 : i32
    return %arg0, %c0_i32 : i32, i32
  }
}

module attributes {stable_mosaic.version = 14 : i64} {
  func.func @_conv5_body(%arg0: i32, %arg1: memref<1x1024x64xf32, #tpu.memory_space<vmem>>, %arg2: memref<1x1024x64xf32, #tpu.memory_space<vmem>>, %arg3: memref<1x1024x128xf32, #tpu.memory_space<vmem>>, %arg4: memref<1x1024x256xf32, #tpu.memory_space<vmem>>, %arg5: memref<64x1024xf32, #tpu.memory_space<vmem>>, %arg6: memref<64x1024xf32, #tpu.memory_space<vmem>>, %arg7: memref<128x1024xf32, #tpu.memory_space<vmem>>, %arg8: memref<256x1024xf32, #tpu.memory_space<vmem>>, %arg9: memref<1x1x1024xf32, #tpu.memory_space<vmem>>, %arg10: memref<8x1024xf32, #tpu.memory_space<vmem>>) attributes {dimension_semantics = [#tpu.dimension_semantics<arbitrary>], iteration_bounds = array<i64: 16>, scalar_prefetch = 0 : i64, scratch_operands = 0 : i64, tpu.core_type = #tpu.core_type<tc>, window_params = [{transform_indices = @transform_0, window_bounds = array<i64: 1, 1024, 64>}, {transform_indices = @transform_1, window_bounds = array<i64: 1, 1024, 64>}, {transform_indices = @transform_2, window_bounds = array<i64: 1, 1024, 128>}, {transform_indices = @transform_3, window_bounds = array<i64: 1, 1024, 256>}, {pipeline_mode = #tpu.pipeline_mode<synchronous>, transform_indices = @transform_4, window_bounds = array<i64: 64, 1024>}, {pipeline_mode = #tpu.pipeline_mode<synchronous>, transform_indices = @transform_5, window_bounds = array<i64: 64, 1024>}, {pipeline_mode = #tpu.pipeline_mode<synchronous>, transform_indices = @transform_6, window_bounds = array<i64: 128, 1024>}, {pipeline_mode = #tpu.pipeline_mode<synchronous>, transform_indices = @transform_7, window_bounds = array<i64: 256, 1024>}, {transform_indices = @transform_8, window_bounds = array<i64: 1, 1, 1024>}, {pipeline_mode = #tpu.pipeline_mode<synchronous>, transform_indices = @transform_9, window_bounds = array<i64: 8, 1024>}]} {
    %get3A = arith.constant 0 : index
    %get3A_0 = arith.constant 0 : index
    %get3A_1 = arith.constant 0 : index
    %get3A_2 = vector.load %arg1[%get3A, %get3A_0, %get3A_1] : memref<1x1024x64xf32, #tpu.memory_space<vmem>>, vector<1x1024x64xf32>
    %get3A_3 = vector.shape_cast %get3A_2 : vector<1x1024x64xf32> to vector<1024x64xf32>
    %get3A_4 = arith.constant 0 : index
    %get3A_5 = arith.constant 0 : index
    %get3A_6 = vector.load %arg5[%get3A_4, %get3A_5] : memref<64x1024xf32, #tpu.memory_space<vmem>>, vector<64x1024xf32>
    %dot_general3A = arith.constant dense<0.000000e+00> : vector<1024x1024xf32>
    %dot_general3A_7 = tpu.matmul %get3A_3, %get3A_6, %dot_general3A {dimension_numbers = #tpu.dot_dimension_numbers<[1], [0], [0], [1], [0, 0, 1, 1], [], []>, transpose_lhs_hint = false} : vector<1024x64xf32>, vector<64x1024xf32>, vector<1024x1024xf32> -> vector<1024x1024xf32>
    %get3A_8 = arith.constant 0 : index
    %get3A_9 = arith.constant 0 : index
    %get3A_10 = arith.constant 0 : index
    %get3A_11 = vector.load %arg2[%get3A_8, %get3A_9, %get3A_10] : memref<1x1024x64xf32, #tpu.memory_space<vmem>>, vector<1x1024x64xf32>
    %get3A_12 = vector.shape_cast %get3A_11 : vector<1x1024x64xf32> to vector<1024x64xf32>
    %get3A_13 = arith.constant 0 : index
    %get3A_14 = arith.constant 0 : index
    %get3A_15 = vector.load %arg6[%get3A_13, %get3A_14] : memref<64x1024xf32, #tpu.memory_space<vmem>>, vector<64x1024xf32>
    %dot_general3A_16 = arith.constant dense<0.000000e+00> : vector<1024x1024xf32>
    %dot_general3A_17 = tpu.matmul %get3A_12, %get3A_15, %dot_general3A_16 {dimension_numbers = #tpu.dot_dimension_numbers<[1], [0], [0], [1], [0, 0, 1, 1], [], []>, transpose_lhs_hint = false} : vector<1024x64xf32>, vector<64x1024xf32>, vector<1024x1024xf32> -> vector<1024x1024xf32>
    %add3A = arith.addf %dot_general3A_7, %dot_general3A_17 : vector<1024x1024xf32>
    %get3A_18 = arith.constant 0 : index
    %get3A_19 = arith.constant 0 : index
    %get3A_20 = arith.constant 0 : index
    %get3A_21 = vector.load %arg3[%get3A_18, %get3A_19, %get3A_20] : memref<1x1024x128xf32, #tpu.memory_space<vmem>>, vector<1x1024x128xf32>
    %get3A_22 = vector.shape_cast %get3A_21 : vector<1x1024x128xf32> to vector<1024x128xf32>
    %get3A_23 = arith.constant 0 : index
    %get3A_24 = arith.constant 0 : index
    %get3A_25 = vector.load %arg7[%get3A_23, %get3A_24] : memref<128x1024xf32, #tpu.memory_space<vmem>>, vector<128x1024xf32>
    %dot_general3A_26 = arith.constant dense<0.000000e+00> : vector<1024x1024xf32>
    %dot_general3A_27 = tpu.matmul %get3A_22, %get3A_25, %dot_general3A_26 {dimension_numbers = #tpu.dot_dimension_numbers<[1], [0], [0], [1], [0, 0, 1, 1], [], []>, transpose_lhs_hint = false} : vector<1024x128xf32>, vector<128x1024xf32>, vector<1024x1024xf32> -> vector<1024x1024xf32>
    %add3A_28 = arith.addf %add3A, %dot_general3A_27 : vector<1024x1024xf32>
    %get3A_29 = arith.constant 0 : index
    %get3A_30 = arith.constant 0 : index
    %get3A_31 = arith.constant 0 : index
    %get3A_32 = vector.load %arg4[%get3A_29, %get3A_30, %get3A_31] : memref<1x1024x256xf32, #tpu.memory_space<vmem>>, vector<1x1024x256xf32>
    %get3A_33 = vector.shape_cast %get3A_32 : vector<1x1024x256xf32> to vector<1024x256xf32>
    %get3A_34 = arith.constant 0 : index
    %get3A_35 = arith.constant 0 : index
    %get3A_36 = vector.load %arg8[%get3A_34, %get3A_35] : memref<256x1024xf32, #tpu.memory_space<vmem>>, vector<256x1024xf32>
    %dot_general3A_37 = arith.constant dense<0.000000e+00> : vector<1024x1024xf32>
    %dot_general3A_38 = tpu.matmul %get3A_33, %get3A_36, %dot_general3A_37 {dimension_numbers = #tpu.dot_dimension_numbers<[1], [0], [0], [1], [0, 0, 1, 1], [], []>, transpose_lhs_hint = false} : vector<1024x256xf32>, vector<256x1024xf32>, vector<1024x1024xf32> -> vector<1024x1024xf32>
    %add3A_39 = arith.addf %add3A_28, %dot_general3A_38 : vector<1024x1024xf32>
    %reduce_max3A = arith.constant dense<0xFF800000> : vector<1024xf32>
    %reduce_max3A_40 = vector.multi_reduction <maximumf>, %add3A_39, %reduce_max3A [0] : vector<1024x1024xf32> to vector<1024xf32>
    %broadcast_in_dim3A = vector.shape_cast %reduce_max3A_40 : vector<1024xf32> to vector<1x1024xf32>
    %swap3A = arith.constant 0 : index
    %swap3A_41 = arith.constant 0 : index
    %swap3A_42 = arith.constant 0 : index
    %swap3A_43 = vector.load %arg9[%swap3A, %swap3A_41, %swap3A_42] : memref<1x1x1024xf32, #tpu.memory_space<vmem>>, vector<1x1x1024xf32>
    %swap3A_44 = vector.shape_cast %swap3A_43 : vector<1x1x1024xf32> to vector<1x1024xf32>
    %swap3A_45 = vector.shape_cast %broadcast_in_dim3A : vector<1x1024xf32> to vector<1x1x1024xf32>
    tpu.vector_store %arg9[%swap3A, %swap3A_41, %swap3A_42], %swap3A_45 {strides = array<i32>} : memref<1x1x1024xf32, #tpu.memory_space<vmem>>, vector<1x1x1024xf32>,
    %reduce_sum3A = arith.constant dense<0.000000e+00> : vector<1024xf32>
    %reduce_sum3A_46 = vector.multi_reduction <add>, %add3A_39, %reduce_sum3A [0] : vector<1024x1024xf32> to vector<1024xf32>
    %broadcast_in_dim3A_47 = vector.shape_cast %reduce_sum3A_46 : vector<1024xf32> to vector<1x1024xf32>
    %mul3A = arith.mulf %add3A_39, %add3A_39 : vector<1024x1024xf32>
    %reduce_sum3A_48 = arith.constant dense<0.000000e+00> : vector<1024xf32>
    %reduce_sum3A_49 = vector.multi_reduction <add>, %mul3A, %reduce_sum3A_48 [0] : vector<1024x1024xf32> to vector<1024xf32>
    %broadcast_in_dim3A_50 = vector.shape_cast %reduce_sum3A_49 : vector<1024xf32> to vector<1x1024xf32>
    %concatenate3A = tpu.concatenate %broadcast_in_dim3A_47, %broadcast_in_dim3A_50 in 0 : vector<1x1024xf32>, vector<1x1024xf32> -> vector<2x1024xf32>
    %broadcast_in_dim3A_51 = arith.constant 0.000000e+00 : f32
    %broadcast_in_dim3A_52 = vector.broadcast %broadcast_in_dim3A_51 : f32 to vector<6x1024xf32>
    %concatenate3A_53 = tpu.concatenate %concatenate3A, %broadcast_in_dim3A_52 in 0 : vector<2x1024xf32>, vector<6x1024xf32> -> vector<8x1024xf32>
    %eq3A = arith.constant 0 : i32
    %eq3A_54 = arith.cmpi eq, %arg0, %eq3A : i32
    %convert_element_type3A = arith.extui %eq3A_54 : i1 to i32
    %cond3A = arith.constant 0 : i32
    %cond3A_55 = arith.cmpi ne, %convert_element_type3A, %cond3A : i32
    scf.if %cond3A_55 {
      %broadcast_in_dim3A_63 = arith.constant 0.000000e+00 : f32
      %broadcast_in_dim3A_64 = vector.broadcast %broadcast_in_dim3A_63 : f32 to vector<8x1024xf32>
      %swap3A_65 = arith.constant 0 : index
      %swap3A_66 = arith.constant 0 : index
      %swap3A_67 = vector.load %arg10[%swap3A_65, %swap3A_66] : memref<8x1024xf32, #tpu.memory_space<vmem>>, vector<8x1024xf32>
      tpu.vector_store %arg10[%swap3A_65, %swap3A_66], %broadcast_in_dim3A_64 {strides = array<i32>} : memref<8x1024xf32, #tpu.memory_space<vmem>>, vector<8x1024xf32>,
    } else {
    }
    %get3A_56 = arith.constant 0 : index
    %get3A_57 = arith.constant 0 : index
    %get3A_58 = vector.load %arg10[%get3A_56, %get3A_57] : memref<8x1024xf32, #tpu.memory_space<vmem>>, vector<8x1024xf32>
    %add3A_59 = arith.addf %get3A_58, %concatenate3A_53 : vector<8x1024xf32>
    %swap3A_60 = arith.constant 0 : index
    %swap3A_61 = arith.constant 0 : index
    %swap3A_62 = vector.load %arg10[%swap3A_60, %swap3A_61] : memref<8x1024xf32, #tpu.memory_space<vmem>>, vector<8x1024xf32>
    tpu.vector_store %arg10[%swap3A_60, %swap3A_61], %add3A_59 {strides = array<i32>} : memref<8x1024xf32, #tpu.memory_space<vmem>>, vector<8x1024xf32>,
    return
  }
  func.func @transform_0(%arg0: i32) -> (i32, i32, i32) {
    %c0_i32 = arith.constant 0 : i32
    %c0_i32_0 = arith.constant 0 : i32
    %c0_i32_1 = arith.constant 0 : i32
    return %arg0, %c0_i32, %c0_i32_0 : i32, i32, i32
  }
  func.func @transform_1(%arg0: i32) -> (i32, i32, i32) {
    %c0_i32 = arith.constant 0 : i32
    %c0_i32_0 = arith.constant 0 : i32
    %c0_i32_1 = arith.constant 0 : i32
    return %arg0, %c0_i32, %c0_i32_0 : i32, i32, i32
  }
  func.func @transform_2(%arg0: i32) -> (i32, i32, i32) {
    %c0_i32 = arith.constant 0 : i32
    %c0_i32_0 = arith.constant 0 : i32
    %c0_i32_1 = arith.constant 0 : i32
    return %arg0, %c0_i32, %c0_i32_0 : i32, i32, i32
  }
  func.func @transform_3(%arg0: i32) -> (i32, i32, i32) {
    %c0_i32 = arith.constant 0 : i32
    %c0_i32_0 = arith.constant 0 : i32
    %c0_i32_1 = arith.constant 0 : i32
    return %arg0, %c0_i32, %c0_i32_0 : i32, i32, i32
  }
  func.func @transform_4(%arg0: i32) -> (i32, i32) {
    %c0_i32 = arith.constant 0 : i32
    %c0_i32_0 = arith.constant 0 : i32
    %c0_i32_1 = arith.constant 0 : i32
    return %c0_i32, %c0_i32_0 : i32, i32
  }
  func.func @transform_5(%arg0: i32) -> (i32, i32) {
    %c0_i32 = arith.constant 0 : i32
    %c0_i32_0 = arith.constant 0 : i32
    %c0_i32_1 = arith.constant 0 : i32
    return %c0_i32, %c0_i32_0 : i32, i32
  }
  func.func @transform_6(%arg0: i32) -> (i32, i32) {
    %c0_i32 = arith.constant 0 : i32
    %c0_i32_0 = arith.constant 0 : i32
    %c0_i32_1 = arith.constant 0 : i32
    return %c0_i32, %c0_i32_0 : i32, i32
  }
  func.func @transform_7(%arg0: i32) -> (i32, i32) {
    %c0_i32 = arith.constant 0 : i32
    %c0_i32_0 = arith.constant 0 : i32
    %c0_i32_1 = arith.constant 0 : i32
    return %c0_i32, %c0_i32_0 : i32, i32
  }
  func.func @transform_8(%arg0: i32) -> (i32, i32, i32) {
    %c0_i32 = arith.constant 0 : i32
    %c0_i32_0 = arith.constant 0 : i32
    %c0_i32_1 = arith.constant 0 : i32
    return %arg0, %c0_i32, %c0_i32_0 : i32, i32, i32
  }
  func.func @transform_9(%arg0: i32) -> (i32, i32) {
    %c0_i32 = arith.constant 0 : i32
    %c0_i32_0 = arith.constant 0 : i32
    %c0_i32_1 = arith.constant 0 : i32
    return %c0_i32, %c0_i32_0 : i32, i32
  }
}

module attributes {stable_mosaic.version = 14 : i64} {
  func.func @_head_body(%arg0: memref<16x1024xf32, #tpu.memory_space<vmem>>, %arg1: memref<8x1024xf32, #tpu.memory_space<vmem>>, %arg2: memref<1x1024xf32, #tpu.memory_space<vmem>>, %arg3: memref<1x1024xf32, #tpu.memory_space<vmem>>, %arg4: memref<1024x512xf32, #tpu.memory_space<vmem>>, %arg5: memref<1x512xf32, #tpu.memory_space<vmem>>, %arg6: memref<1x512xf32, #tpu.memory_space<vmem>>, %arg7: memref<512x256xf32, #tpu.memory_space<vmem>>, %arg8: memref<1x256xf32, #tpu.memory_space<vmem>>, %arg9: memref<1x256xf32, #tpu.memory_space<vmem>>, %arg10: memref<1x256xf32, #tpu.memory_space<vmem>>, %arg11: memref<256x40xf32, #tpu.memory_space<vmem>>, %arg12: memref<1x40xf32, #tpu.memory_space<vmem>>, %arg13: memref<16x40xf32, #tpu.memory_space<vmem>>) attributes {dimension_semantics = [], scalar_prefetch = 0 : i64, scratch_operands = 0 : i64, tpu.core_type = #tpu.core_type<tc>} {
    %get3A = arith.constant 0 : index
    %get3A_0 = arith.constant 0 : index
    %get3A_1 = vector.load %arg1[%get3A, %get3A_0] : memref<8x1024xf32, #tpu.memory_space<vmem>>, vector<8x1024xf32>
    %slice3A = vector.extract_strided_slice %get3A_1 {offsets = [0, 0], sizes = [1, 1024], strides = [1, 1]} : vector<8x1024xf32> to vector<1x1024xf32>
    %div3A = arith.constant 1.638400e+04 : f32
    %div3A_2 = vector.broadcast %div3A : f32 to vector<1x1024xf32>
    %div3A_3 = arith.divf %slice3A, %div3A_2 : vector<1x1024xf32>
    %slice3A_4 = vector.extract_strided_slice %get3A_1 {offsets = [1, 0], sizes = [1, 1024], strides = [1, 1]} : vector<8x1024xf32> to vector<1x1024xf32>
    %div3A_5 = arith.constant 1.638400e+04 : f32
    %div3A_6 = vector.broadcast %div3A_5 : f32 to vector<1x1024xf32>
    %div3A_7 = arith.divf %slice3A_4, %div3A_6 : vector<1x1024xf32>
    %mul3A = arith.mulf %div3A_3, %div3A_3 : vector<1x1024xf32>
    %sub3A = arith.subf %div3A_7, %mul3A : vector<1x1024xf32>
    %get3A_8 = arith.constant 0 : index
    %get3A_9 = arith.constant 0 : index
    %get3A_10 = vector.load %arg0[%get3A_8, %get3A_9] : memref<16x1024xf32, #tpu.memory_space<vmem>>, vector<16x1024xf32>
    %sub3A_11 = vector.broadcast %div3A_3 : vector<1x1024xf32> to vector<16x1024xf32>
    %sub3A_12 = arith.subf %get3A_10, %sub3A_11 : vector<16x1024xf32>
    %add3A = arith.constant 9.99999974E-6 : f32
    %add3A_13 = vector.broadcast %add3A : f32 to vector<1x1024xf32>
    %add3A_14 = arith.addf %sub3A, %add3A_13 : vector<1x1024xf32>
    %sqrt3A = math.sqrt %add3A_14 : vector<1x1024xf32>
    %div3A_15 = vector.broadcast %sqrt3A : vector<1x1024xf32> to vector<16x1024xf32>
    %div3A_16 = arith.divf %sub3A_12, %div3A_15 : vector<16x1024xf32>
    %get3A_17 = arith.constant 0 : index
    %get3A_18 = arith.constant 0 : index
    %get3A_19 = vector.load %arg2[%get3A_17, %get3A_18] : memref<1x1024xf32, #tpu.memory_space<vmem>>, vector<1x1024xf32>
    %mul3A_20 = vector.broadcast %get3A_19 : vector<1x1024xf32> to vector<16x1024xf32>
    %mul3A_21 = arith.mulf %div3A_16, %mul3A_20 : vector<16x1024xf32>
    %get3A_22 = arith.constant 0 : index
    %get3A_23 = arith.constant 0 : index
    %get3A_24 = vector.load %arg3[%get3A_22, %get3A_23] : memref<1x1024xf32, #tpu.memory_space<vmem>>, vector<1x1024xf32>
    %add3A_25 = vector.broadcast %get3A_24 : vector<1x1024xf32> to vector<16x1024xf32>
    %add3A_26 = arith.addf %mul3A_21, %add3A_25 : vector<16x1024xf32>
    %ge3A = arith.constant 0.000000e+00 : f32
    %ge3A_27 = vector.broadcast %ge3A : f32 to vector<16x1024xf32>
    %ge3A_28 = arith.cmpf oge, %add3A_26, %ge3A_27 : vector<16x1024xf32>
    %mul3A_29 = arith.constant 2.000000e-01 : f32
    %mul3A_30 = vector.broadcast %mul3A_29 : f32 to vector<16x1024xf32>
    %mul3A_31 = arith.mulf %mul3A_30, %add3A_26 : vector<16x1024xf32>
    %select_n3A = arith.select %ge3A_28, %add3A_26, %mul3A_31 : vector<16x1024xi1>, vector<16x1024xf32>
    %get3A_32 = arith.constant 0 : index
    %get3A_33 = arith.constant 0 : index
    %get3A_34 = vector.load %arg4[%get3A_32, %get3A_33] : memref<1024x512xf32, #tpu.memory_space<vmem>>, vector<1024x512xf32>
    %dot_general3A = arith.constant dense<0.000000e+00> : vector<16x512xf32>
    %dot_general3A_35 = tpu.matmul %select_n3A, %get3A_34, %dot_general3A {dimension_numbers = #tpu.dot_dimension_numbers<[1], [0], [0], [1], [0, 0, 1, 1], [], []>, transpose_lhs_hint = false} : vector<16x1024xf32>, vector<1024x512xf32>, vector<16x512xf32> -> vector<16x512xf32>
    %reduce_sum3A = arith.constant dense<0.000000e+00> : vector<512xf32>
    %reduce_sum3A_36 = vector.multi_reduction <add>, %dot_general3A_35, %reduce_sum3A [0] : vector<16x512xf32> to vector<512xf32>
    %broadcast_in_dim3A = vector.shape_cast %reduce_sum3A_36 : vector<512xf32> to vector<1x512xf32>
    %div3A_37 = arith.constant 1.600000e+01 : f32
    %div3A_38 = vector.broadcast %div3A_37 : f32 to vector<1x512xf32>
    %div3A_39 = arith.divf %broadcast_in_dim3A, %div3A_38 : vector<1x512xf32>
    %sub3A_40 = vector.broadcast %div3A_39 : vector<1x512xf32> to vector<16x512xf32>
    %sub3A_41 = arith.subf %dot_general3A_35, %sub3A_40 : vector<16x512xf32>
    %mul3A_42 = arith.mulf %sub3A_41, %sub3A_41 : vector<16x512xf32>
    %reduce_sum3A_43 = arith.constant dense<0.000000e+00> : vector<512xf32>
    %reduce_sum3A_44 = vector.multi_reduction <add>, %mul3A_42, %reduce_sum3A_43 [0] : vector<16x512xf32> to vector<512xf32>
    %broadcast_in_dim3A_45 = vector.shape_cast %reduce_sum3A_44 : vector<512xf32> to vector<1x512xf32>
    %div3A_46 = arith.constant 1.600000e+01 : f32
    %div3A_47 = vector.broadcast %div3A_46 : f32 to vector<1x512xf32>
    %div3A_48 = arith.divf %broadcast_in_dim3A_45, %div3A_47 : vector<1x512xf32>
    %sub3A_49 = vector.broadcast %div3A_39 : vector<1x512xf32> to vector<16x512xf32>
    %sub3A_50 = arith.subf %dot_general3A_35, %sub3A_49 : vector<16x512xf32>
    %add3A_51 = arith.constant 9.99999974E-6 : f32
    %add3A_52 = vector.broadcast %add3A_51 : f32 to vector<1x512xf32>
    %add3A_53 = arith.addf %div3A_48, %add3A_52 : vector<1x512xf32>
    %sqrt3A_54 = math.sqrt %add3A_53 : vector<1x512xf32>
    %div3A_55 = vector.broadcast %sqrt3A_54 : vector<1x512xf32> to vector<16x512xf32>
    %div3A_56 = arith.divf %sub3A_50, %div3A_55 : vector<16x512xf32>
    %get3A_57 = arith.constant 0 : index
    %get3A_58 = arith.constant 0 : index
    %get3A_59 = vector.load %arg5[%get3A_57, %get3A_58] : memref<1x512xf32, #tpu.memory_space<vmem>>, vector<1x512xf32>
    %mul3A_60 = vector.broadcast %get3A_59 : vector<1x512xf32> to vector<16x512xf32>
    %mul3A_61 = arith.mulf %div3A_56, %mul3A_60 : vector<16x512xf32>
    %get3A_62 = arith.constant 0 : index
    %get3A_63 = arith.constant 0 : index
    %get3A_64 = vector.load %arg6[%get3A_62, %get3A_63] : memref<1x512xf32, #tpu.memory_space<vmem>>, vector<1x512xf32>
    %add3A_65 = vector.broadcast %get3A_64 : vector<1x512xf32> to vector<16x512xf32>
    %add3A_66 = arith.addf %mul3A_61, %add3A_65 : vector<16x512xf32>
    %ge3A_67 = arith.constant 0.000000e+00 : f32
    %ge3A_68 = vector.broadcast %ge3A_67 : f32 to vector<16x512xf32>
    %ge3A_69 = arith.cmpf oge, %add3A_66, %ge3A_68 : vector<16x512xf32>
    %mul3A_70 = arith.constant 2.000000e-01 : f32
    %mul3A_71 = vector.broadcast %mul3A_70 : f32 to vector<16x512xf32>
    %mul3A_72 = arith.mulf %mul3A_71, %add3A_66 : vector<16x512xf32>
    %select_n3A_73 = arith.select %ge3A_69, %add3A_66, %mul3A_72 : vector<16x512xi1>, vector<16x512xf32>
    %get3A_74 = arith.constant 0 : index
    %get3A_75 = arith.constant 0 : index
    %get3A_76 = vector.load %arg7[%get3A_74, %get3A_75] : memref<512x256xf32, #tpu.memory_space<vmem>>, vector<512x256xf32>
    %dot_general3A_77 = arith.constant dense<0.000000e+00> : vector<16x256xf32>
    %dot_general3A_78 = tpu.matmul %select_n3A_73, %get3A_76, %dot_general3A_77 {dimension_numbers = #tpu.dot_dimension_numbers<[1], [0], [0], [1], [0, 0, 1, 1], [], []>, transpose_lhs_hint = false} : vector<16x512xf32>, vector<512x256xf32>, vector<16x256xf32> -> vector<16x256xf32>
    %get3A_79 = arith.constant 0 : index
    %get3A_80 = arith.constant 0 : index
    %get3A_81 = vector.load %arg8[%get3A_79, %get3A_80] : memref<1x256xf32, #tpu.memory_space<vmem>>, vector<1x256xf32>
    %add3A_82 = vector.broadcast %get3A_81 : vector<1x256xf32> to vector<16x256xf32>
    %add3A_83 = arith.addf %dot_general3A_78, %add3A_82 : vector<16x256xf32>
    %reduce_sum3A_84 = arith.constant dense<0.000000e+00> : vector<256xf32>
    %reduce_sum3A_85 = vector.multi_reduction <add>, %add3A_83, %reduce_sum3A_84 [0] : vector<16x256xf32> to vector<256xf32>
    %broadcast_in_dim3A_86 = vector.shape_cast %reduce_sum3A_85 : vector<256xf32> to vector<1x256xf32>
    %div3A_87 = arith.constant 1.600000e+01 : f32
    %div3A_88 = vector.broadcast %div3A_87 : f32 to vector<1x256xf32>
    %div3A_89 = arith.divf %broadcast_in_dim3A_86, %div3A_88 : vector<1x256xf32>
    %sub3A_90 = vector.broadcast %div3A_89 : vector<1x256xf32> to vector<16x256xf32>
    %sub3A_91 = arith.subf %add3A_83, %sub3A_90 : vector<16x256xf32>
    %mul3A_92 = arith.mulf %sub3A_91, %sub3A_91 : vector<16x256xf32>
    %reduce_sum3A_93 = arith.constant dense<0.000000e+00> : vector<256xf32>
    %reduce_sum3A_94 = vector.multi_reduction <add>, %mul3A_92, %reduce_sum3A_93 [0] : vector<16x256xf32> to vector<256xf32>
    %broadcast_in_dim3A_95 = vector.shape_cast %reduce_sum3A_94 : vector<256xf32> to vector<1x256xf32>
    %div3A_96 = arith.constant 1.600000e+01 : f32
    %div3A_97 = vector.broadcast %div3A_96 : f32 to vector<1x256xf32>
    %div3A_98 = arith.divf %broadcast_in_dim3A_95, %div3A_97 : vector<1x256xf32>
    %sub3A_99 = vector.broadcast %div3A_89 : vector<1x256xf32> to vector<16x256xf32>
    %sub3A_100 = arith.subf %add3A_83, %sub3A_99 : vector<16x256xf32>
    %add3A_101 = arith.constant 9.99999974E-6 : f32
    %add3A_102 = vector.broadcast %add3A_101 : f32 to vector<1x256xf32>
    %add3A_103 = arith.addf %div3A_98, %add3A_102 : vector<1x256xf32>
    %sqrt3A_104 = math.sqrt %add3A_103 : vector<1x256xf32>
    %div3A_105 = vector.broadcast %sqrt3A_104 : vector<1x256xf32> to vector<16x256xf32>
    %div3A_106 = arith.divf %sub3A_100, %div3A_105 : vector<16x256xf32>
    %get3A_107 = arith.constant 0 : index
    %get3A_108 = arith.constant 0 : index
    %get3A_109 = vector.load %arg9[%get3A_107, %get3A_108] : memref<1x256xf32, #tpu.memory_space<vmem>>, vector<1x256xf32>
    %mul3A_110 = vector.broadcast %get3A_109 : vector<1x256xf32> to vector<16x256xf32>
    %mul3A_111 = arith.mulf %div3A_106, %mul3A_110 : vector<16x256xf32>
    %get3A_112 = arith.constant 0 : index
    %get3A_113 = arith.constant 0 : index
    %get3A_114 = vector.load %arg10[%get3A_112, %get3A_113] : memref<1x256xf32, #tpu.memory_space<vmem>>, vector<1x256xf32>
    %add3A_115 = vector.broadcast %get3A_114 : vector<1x256xf32> to vector<16x256xf32>
    %add3A_116 = arith.addf %mul3A_111, %add3A_115 : vector<16x256xf32>
    %ge3A_117 = arith.constant 0.000000e+00 : f32
    %ge3A_118 = vector.broadcast %ge3A_117 : f32 to vector<16x256xf32>
    %ge3A_119 = arith.cmpf oge, %add3A_116, %ge3A_118 : vector<16x256xf32>
    %mul3A_120 = arith.constant 2.000000e-01 : f32
    %mul3A_121 = vector.broadcast %mul3A_120 : f32 to vector<16x256xf32>
    %mul3A_122 = arith.mulf %mul3A_121, %add3A_116 : vector<16x256xf32>
    %select_n3A_123 = arith.select %ge3A_119, %add3A_116, %mul3A_122 : vector<16x256xi1>, vector<16x256xf32>
    %get3A_124 = arith.constant 0 : index
    %get3A_125 = arith.constant 0 : index
    %get3A_126 = vector.load %arg11[%get3A_124, %get3A_125] : memref<256x40xf32, #tpu.memory_space<vmem>>, vector<256x40xf32>
    %dot_general3A_127 = arith.constant dense<0.000000e+00> : vector<16x40xf32>
    %dot_general3A_128 = tpu.matmul %select_n3A_123, %get3A_126, %dot_general3A_127 {dimension_numbers = #tpu.dot_dimension_numbers<[1], [0], [0], [1], [0, 0, 1, 1], [], []>, transpose_lhs_hint = false} : vector<16x256xf32>, vector<256x40xf32>, vector<16x40xf32> -> vector<16x40xf32>
    %get3A_129 = arith.constant 0 : index
    %get3A_130 = arith.constant 0 : index
    %get3A_131 = vector.load %arg12[%get3A_129, %get3A_130] : memref<1x40xf32, #tpu.memory_space<vmem>>, vector<1x40xf32>
    %add3A_132 = vector.broadcast %get3A_131 : vector<1x40xf32> to vector<16x40xf32>
    %add3A_133 = arith.addf %dot_general3A_128, %add3A_132 : vector<16x40xf32>
    %swap3A = arith.constant 0 : index
    %swap3A_134 = arith.constant 0 : index
    %swap3A_135 = vector.load %arg13[%swap3A, %swap3A_134] : memref<16x40xf32, #tpu.memory_space<vmem>>, vector<16x40xf32>
    tpu.vector_store %arg13[%swap3A, %swap3A_134], %add3A_133 {strides = array<i32>} : memref<16x40xf32, #tpu.memory_space<vmem>>, vector<16x40xf32>,
    return
  }
}

</mosaic_0001>

<sc_bundles>
// kernel: kernel.24.cloned.1.call-start
scs
__scs_entry_jumppad:
0x0: {  	(pc) =	sbr.rel $0x88, $3  }
0x1: {  	(tag) =	ssettag $0x0;
	lr =	simm.s32 $0x1  }
0x2: {  	[smem:$0x3F88] =	sst lr;
	_ =	strace $0xD0000000  }
0x3: {  	_ = 	snop  }
0x4: {  	_ = 	snop  }
0x5: {  	_ = 	snop  }
0x6: {  	_ = 	snop  }
0x7: {  	_ = 	snop  }
__scs_overlays_trampoline_lowered:
0x8: {  	[smem:$0x3F97] =	sst s0  }
0x9: {  	[smem:$0x3F98] =	sst s1  }
0xa: {  	[smem:$0x3F99] =	sst s2  }
0xb: {  	[smem:$0x3F9A] =	sst s3  }
0xc: {  	[smem:$0x3F9B] =	sst s4  }
0xd: {  	[smem:$0x3F9C] =	sst s5  }
0xe: {  	[smem:$0x3F9D] =	sst s6  }
0xf: {  	[smem:$0x3F9E] =	sst s7  }
0x10: {  	[smem:$0x3F9F] =	sst s8  }
0x11: {  	[smem:$0x3FA0] =	sst s9;
	s0 =	simm.s32 @!p0 $0x0  }
0x12: {  	s1 =	sld [smem:$0x3F86];
	s0 =	simm.s32 @p0 $0x1  }
0x13: {  	[smem:$0x3FA1] =	sst s0;
	s0 =	simm.s32 @!p1 $0x0  }
0x14: {  	s2 =	sld [smem:$0x3F85];
	s0 =	simm.s32 @p1 $0x1  }
0x15: {  	[smem:$0x3FA2] =	sst s0;
	s0 =	simm.s32 @!p2 $0x0  }
0x16: {  	s3 =	sld [smem:$0x3FDB];
	s0 =	simm.s32 @p2 $0x1  }
0x17: {  	s4 =	simm.s32 $0x1BF5;
	[smem:$0x3FA4] =	sst s0  }
0x18: {  	s0 =	sld [smem:$0x3F87];
	_ =	swait.ge [sflag:s4], $0x0  }
0x19: {  	s7 =	sld [smem:$0x3F88]  }
0x1a: {  	s8 =	sadd.s32 $0xFFFFE003, lr  }
0x1b: {  	s9 =	sadd.s32 $0xFFFFFEF7, lr;
	s5 =	simm.s32 $0xFFFFFFFF;
	p2 =	slt.u32 s8, $0xFFFFF086  }
0x1c: {  	p1 =	slt.u32 s9, $0xF7A;
	s5 =	simm.s32 @!p2 $0x0  }
0x1d: {  	s5 =	simm.s32 @p1 $0x1;
	p0 =	seq.s32 s7, s2  }
0x1e: {  	s7 =	smul.u32 @!p0 $0xF7A, s2;
	p2 =	seq.s32 @!p0 s5, $0x0  }
0x1f: {  	s9 =	smul.u32 $0xF7A, s1;
	s8 =	simm.s32 @!p0 $0x1BF5;
	p2 =	por !p2, p0  }
0x20: {  	[sflag:s8] =	ssyncset.s32 @!p0 $0xFFFFF086;
	s6 =	sadd.s32 @!p0 s3, s7;
	s7 =	simm.s32 @!p0 $0x108  }
0x21: {  	s3 =	sadd.s32 s3, s9;
	s6 =	sadd.s32 @!p0 $0x88, s6;
	s7 =	simm.s32 @p2 $0x1082  }
0x22: {  	[simem:s7], [sflag:s8] =	dma.local @!p0 [hbm:s6], $0xF7A  }
0x23: {  	s9 =	sor.u32 $0xD0000000, s2;
	s6 =	simm.s32 $0x108;
	_ =	swait.ge @!p0 [sflag:s8], $0x0  }
0x24: {  	s3 =	sadd.s32 $0x88, s3;
	s6 =	simm.s32 @!p1 $0x1082;
	[sflag:s4] =	ssyncset.s32 $0xFFFFF086  }
0x25: {  	[simem:s6], [sflag:s4] =	dma.local [hbm:s3], $0xF7A  }
0x26: {  	[smem:$0x3F88] =	sst s1;
	(tag) =	ssettag s2;
	_ =	strace s9  }
0x27: {  	s1 =	sld [smem:$0x3F98]  }
0x28: {  	s2 =	sld [smem:$0x3F99]  }
0x29: {  	s4 =	sld [smem:$0x3F9B]  }
0x2a: {  	p0 =	seq.s32 s5, $0x0;
	s5 =	sld [smem:$0x3F9C]  }
0x2b: {  	s6 =	sld [smem:$0x3F9D]  }
0x2c: {  	s7 =	sld [smem:$0x3F9E]  }
0x2d: {  	s3 =	simm.s32 $0x108;
	s8 =	sld [smem:$0x3F9F]  }
0x2e: {  	s3 =	simm.s32 @!p0 $0x1082;
	s9 =	sld [smem:$0x3FA0]  }
0x2f: {  	lr =	sadd.s32 s0, s3;
	s0 =	sld [smem:$0x3F97]  }
0x30: {  	s3 =	sld [smem:$0x3F9A]  }
0x31: {  	[smem:$0x3FA3] =	sst s10  }
0x32: {  	s10 =	sld [smem:$0x3FA1];
	_ =	sdelay $0x3  }
0x33: {  	p0 =	seq.s32 s10, $0x1;
	s10 =	sld [smem:$0x3FA3];
	_ =	sdelay $0x3  }
0x34: {  	[smem:$0x3FA3] =	sst s10  }
0x35: {  	s10 =	sld [smem:$0x3FA2];
	_ =	sdelay $0x3  }
0x36: {  	p1 =	seq.s32 s10, $0x1;
	s10 =	sld [smem:$0x3FA3];
	_ =	sdelay $0x3  }
0x37: {  	[smem:$0x3FA3] =	sst s10  }
0x38: {  	s10 =	sld [smem:$0x3FA4]  }
0x39: {  	_ = 	snop;
	(pc) =	sbr.ind lr, $3  }
0x3a: {  	_ = 	snop  }
0x3b: {  	_ = 	snop  }
0x3c: {  	p2 =	seq.s32 s10, $0x1;
	s10 =	sld [smem:$0x3FA3]  }
0x3d: {  	_ =	shalt  }
0x3e: {  	_ =	shalt  }
0x3f: {  	_ =	shalt  }
0x40: {  	_ =	shalt  }
0x41: {  	_ =	shalt  }
0x42: {  	_ =	shalt  }
0x43: {  	_ =	shalt  }
0x44: {  	_ =	shalt  }
0x45: {  	_ =	shalt  }
0x46: {  	_ =	shalt  }
0x47: {  	_ =	shalt  }
0x48: {  	_ =	shalt  }
0x49: {  	_ =	shalt  }
0x4a: {  	_ =	shalt  }
0x4b: {  	_ =	shalt  }
0x4c: {  	_ =	shalt  }
0x4d: {  	_ =	shalt  }
0x4e: {  	_ =	shalt  }
0x4f: {  	_ =	shalt  }
0x50: {  	_ =	shalt  }
0x51: {  	_ =	shalt  }
0x52: {  	_ =	shalt  }
0x53: {  	_ =	shalt  }
0x54: {  	_ =	shalt  }
0x55: {  	_ =	shalt  }
0x56: {  	_ =	shalt  }
0x57: {  	_ =	shalt  }
0x58: {  	_ =	shalt  }
0x59: {  	_ =	shalt  }
0x5a: {  	_ =	shalt  }
0x5b: {  	_ =	shalt  }
0x5c: {  	_ =	shalt  }
0x5d: {  	_ =	shalt  }
0x5e: {  	_ =	shalt  }
0x5f: {  	_ =	shalt  }
0x60: {  	_ =	shalt  }
0x61: {  	_ =	shalt  }
0x62: {  	_ =	shalt  }
0x63: {  	_ =	shalt  }
0x64: {  	_ =	shalt  }
0x65: {  	_ =	shalt  }
0x66: {  	_ =	shalt  }
0x67: {  	_ =	shalt  }
0x68: {  	_ =	shalt  }
0x69: {  	_ =	shalt  }
0x6a: {  	_ =	shalt  }
0x6b: {  	_ =	shalt  }
0x6c: {  	_ =	shalt  }
0x6d: {  	_ =	shalt  }
0x6e: {  	_ =	shalt  }
0x6f: {  	_ =	shalt  }
0x70: {  	_ =	shalt  }
0x71: {  	_ =	shalt  }
0x72: {  	_ =	shalt  }
0x73: {  	_ =	shalt  }
0x74: {  	_ =	shalt  }
0x75: {  	_ =	shalt  }
0x76: {  	_ =	shalt  }
0x77: {  	_ =	shalt  }
0x78: {  	_ =	shalt  }
0x79: {  	_ =	shalt  }
0x7a: {  	_ =	shalt  }
0x7b: {  	_ =	shalt  }
0x7c: {  	_ =	shalt  }
0x7d: {  	_ =	shalt  }
0x7e: {  	_ =	shalt  }
0x7f: {  	_ =	shalt  }
0x80: {  	_ =	shalt  }
0x81: {  	_ =	shalt  }
0x82: {  	_ =	shalt  }
0x83: {  	_ =	shalt  }
0x84: {  	_ =	shalt  }
0x85: {  	_ =	shalt  }
0x86: {  	_ =	shalt  }
0x87: {  	_ =	shalt  }
.Lfunc_end0:
.L_simem_size_0:
called_computation_lowered:
.L_overlay_start_0:
0x88: {  	s2 =	sld [smem:$0x3FD9]  }
0x89: {  	s3 =	sld [smem:$0x3FFE];
	_ =	sdelay $0x1  }
0x8a: {  	s1 =	srdreg.scid  }
0x8b: {  	s0 =	sand.u32 $0x1, s1  }
0x8c: {  	s16 =	sshll.u32 s0, $0xA;
	s2 =	sadd.s32 s3, s2  }
0x8d: {  	s2 =	sadd.s32 s2, s16  }
0x8e: {  	[smem:$0x3FAF] =	sst s2  }
0x8f: {  	_ = 	snop  }
0x90: {  	(tm) =	ssettm $0x1  }
0x91: {  	s17 =	sld [smem:$0x3FFB];
	_ =	sdelay $0x3  }
0x92: {  	_ =	strace s17  }
0x93: {  	s2 =	sld [smem:$0x3FFC];
	_ =	sdelay $0x3  }
0x94: {  	_ =	strace s2  }
0x95: {  	s2 =	sld [smem:$0x3FFD];
	_ =	sdelay $0x3  }
0x96: {  	_ =	strace s2  }
0x97: {  	_ =	strace $0x8FFFFFFF  }
0x98: {  	s18 =	sld [smem:$0x3FDB];
	_ =	sdelay $0x1  }
0x99: {  	s19 =	simm.s32 $_scs_section_size  }
0x9a: {  	s4 =	simm.s32 $_size__tile_overlayer_lowered;
	s5 =	simm.s32 $_tile_overlayer_lowered  }
0x9b: {  	s22 =	simm.s32 $0x1BFF;
	s21 =	sshll.u32 s5, $0x1;
	s2 =	sadd.s32 s19, s18  }
0x9c: {  	s6 =	simm.s32 $0x0;
	s20 =	sshll.u32 s4, $0x1;
	s4 =	sadd.s32 s21, s2  }
0x9d: {  	[timem:s6], [sflag:s22] =	dma.local [hbm:s4], s20  }
0x9e: {  	_ =	swait.ge [sflag:s22], s20  }
0x9f: {  	s3 =	ssub.s32 $0x0, s20;
	[sflag:s22] =	ssyncset.done $0x0  }
0xa0: {  	[sflag:s22] =	ssyncadd.s32 s3;
	_ =	sdelay $0x1  }
0xa1: {  	s23 =	simm.s32 $0x1B8B  }
0xa2: {  	_ =	swait.ge [sflag:s23], $0x1  }
0xa3: {  	[sflag:s23] =	ssyncset.done $0x0  }
0xa4: {  	s25 =	simm.s32 $0x1B8E;
	s24 =	sld [smem:$0x3FFE];
	[sflag:s23] =	ssyncadd.s32 $0xFFFFFFFF  }
0xa5: {  	s26 =	simm.s32 $execute0_lowered;
	[smem:$0x3FD2] =	sst s25  }
0xa6: {  	s4 =	sshll.u32 s26, $0x1;
	_ =	strace $0x80000046;
	[dreg:$0x1] =	wrdreg $0xFFFFFFFF  }
0xa7: {  	s28 =	simm.s32 $_size_execute0_lowered;
	s2 =	sadd.s32 s2, s4;
	[dreg:$0x0] =	wrdreg $0x0  }
0xa8: {  	s4 =	sshll.u32 s28, $0x1;
	[dreg:$0x2] =	wrdreg s2  }
0xa9: {  	[dreg:$0x3] =	wrdreg s4  }
0xaa: {  	[dreg:$0x4] =	wrdreg $0xC0  }
0xab: {  	_ =	task [dreg:s6], $0x5FFFF  }
0xac: {  	[dreg:$0x1] =	wrdreg $0xFFFFFFFF  }
0xad: {  	[dreg:$0x0] =	wrdreg $0x60  }
0xae: {  	[dreg:$0x2] =	wrdreg s24  }
0xaf: {  	[dreg:$0x3] =	wrdreg $0x9  }
0xb0: {  	_ =	task.clear_ibuf [dreg:s6], $0x4FFFF;
	_ =	strace $0x90000046  }
0xb1: {  	s29 =	simm.s32 $0x9;
	_ =	strace $0x80000048  }
0xb2: {  	_ =	swait.ge [sflag:s29], $0x1  }
0xb3: {  	[sflag:s29] =	ssyncadd.s32 $0xFFFFFFFF  }
0xb4: {  	_ =	strace $0x90000048  }
0xb5: {  	_ =	sfence  }
0xb6: {  	s30 =	sld [smem:$0x0];
	_ =	sdelay $0x2  }
0xb7: {  	s31 =	sshll.u32 s1, $0xD;
	s1 =	sshrl.u32 s1, $0x2  }
0xb8: {  	s3 =	sand.u32 $0x4000, s31;
	s1 =	sadd.s32 s1, s30  }
0xb9: {  	s0 =	sor.u32 s3, s0;
	s1 =	sshll.u32 s1, $0x11  }
0xba: {  	s0 =	sor.u32 s1, s0  }
0xbb: {  	s0 =	sadd.s32 $0x8F2B, s0  }
0xbc: {  	[sflag:s0] =	ssyncadd.remote.s32 $0x1  }
0xbd: {  	_ =	sfence.sel $0xFFFF  }
0xbe: {  	[dreg:$0x0] =	wrdreg $0xFFFFFFFF;
	(pc) =	sbr.abs _section_cstart, $3  }
0xbf: {  	[dreg:$0x1] =	wrdreg $0xFFFFFFFF  }
0xc0: {  	_ =	task.clear_ibuf [dreg:s6], $0x2FFFF;
	_ =	strace $0x9FFFFFFF  }
0xc1: {  	(tm) =	ssettm $0x7FFFFFFF  }
tec
execute0_lowered:
.L_overlay_start_1:
0x0: {  	(tag) =	ssettag $0x1  }
0x1: {  	s4 =	rddreg [dreg:$0x0]  }
0x2: {  	s0 =	rddreg [dreg:$0x1];
	s3 =	srdreg.scid  }
0x3: {  	s2 =	simm.s32 $0x0;
	s1 =	stileid.u32;
	s9 =	simm.s32 $0x2  }
0x4: {  	s10 =	simm.s32 $0x100;
	s11 =	simm.s32 $0x200;
	s12 =	simm.s32 $0x1  }
0x5: {  	s13 =	simm.s32 $0x0;
	s5 =	sand.u32 $0x1, s3;
	[smem:$0x7FF] =	sst s2  }
0x6: {  	s6 =	sshll.u32 s1, $0xA;
	s3 =	sadd.s32 $0x6A00, s4;
	s29 =	sshll.u32 s1, $0xE  }
0x7: {  	s7 =	sshll.u32 s5, $0x9;
	_ =	strace $0x80000047;
	s8 =	ssub.s32 $0x2, s5  }
0x8: {  	s5 =	sshll.u32 s5, $0xD;
	s6 =	sor.u32 s7, s6;
	s30 =	sshrl.u32 s8, $0x1  }
0x9: {  	s7 =	sadd.s32 s29, s4;
	s6 =	sadd.s32 s6, s4;
	s8 =	ssub.s32 s8, s30  }
0xa: {  	s31 =	sadd.s32 s5, s7;
	s7 =	simm.s32 $0x80;
	s4 =	sadd.s32 $0x46A00, s6  }
0xb: {  	s5 =	smax.u32 s8, $0x1;
	s6 =	sadd.s32 $0x53A00, s31;
	s8 =	simm.s32 $0x400  }
.LBB2_1:
0xc: {  	s14 =	sand.u32 $0xC000, s2;
	s15 =	sand.u32 $0x70, s2  }
0xd: {  	s14 =	sor.u32 s15, s14  }
0xe: {  	s14 =	sadd.s32 s14, s4  }
0xf: {  	[tilespmem:s2], [sflag:$0x2] =	stream.strided.gather [hbm4b:s14+s7], $0x200, s8, s7, $0x38;
	[tilespmem:$0x8200] =	vst v63  }
0x10: {  	_ =	swait.ge [sflag:s9], $0x200  }
0x11: {  	[sflag:s9] =	ssyncset.done $0x0  }
0x12: {  	[sflag:s9] =	ssyncadd.s32 $0xFFFFFE00  }
0x13: {  	[tilespmem:s11], [sflag:$0x1] =	stream.indirect.gather [hbm4b:s3+s10], $0x80, s2, s10, $0xb8;
	[tilespmem:$0x8200] =	vst v63  }
0x14: {  	_ =	swait.ge [sflag:s12], $0x8000  }
0x15: {  	[sflag:s12] =	ssyncset.done $0x0  }
0x16: {  	s30 =	sadd.s32 $0xFFFFF000, s6;
	[sflag:s12] =	ssyncadd.s32 $0xFFFF8000  }
0x17: {  	[hbm4b:s30+s2] =	stream.linear.scatter [tilespmem:s11], [sflag:$0x2], $0x8000, $0x38;
	[tilespmem:$0x8200] =	vst v63  }
0x18: {  	_ =	swait.ge [sflag:s9], $0x8000  }
0x19: {  	[sflag:s9] =	ssyncset.done $0x0  }
0x1a: {  	[sflag:s9] =	ssyncadd.s32 $0xFFFF8000  }
0x1b: {  	[tilespmem:s11], [sflag:$0x1] =	stream.indirect.gather [hbm4b:s3+s10], $0x80, s10, s10, $0xb8;
	[tilespmem:$0x8200] =	vst v63  }
0x1c: {  	_ =	swait.ge [sflag:s12], $0x8000  }
0x1d: {  	s31 =	simm.s32 $0x800;
	[sflag:s12] =	ssyncset.done $0x0  }
0x1e: {  	s16 =	simm.s32 $0x1000;
	s15 =	simm.s32 $0x10;
	[sflag:s12] =	ssyncadd.s32 $0xFFFF8000  }
0x1f: {  	[hbm4b:s6+s2] =	stream.linear.scatter [tilespmem:s11], [sflag:$0x2], $0x8000, $0x38;
	[tilespmem:$0x8200] =	vst v63  }
0x20: {  	s17 =	sand.u32 $0x70, s15;
	s14 =	sand.u32 $0xC000, s31;
	_ =	swait.ge [sflag:s9], $0x8000  }
0x21: {  	s17 =	sor.u32 s17, s14;
	s14 =	sadd.s32 $0x40000, s6;
	[sflag:s9] =	ssyncset.done $0x0  }
.LBB2_2:
0x22: {  	s17 =	sadd.s32 s17, s4  }
0x23: {  	[sflag:s9] =	ssyncadd.s32 $0xFFFF8000;
	s18 =	smov.u32 s16;
	s19 =	sadd.s32 $0x800, s16  }
0x24: {  	[tilespmem:s2], [sflag:$0x2] =	stream.strided.gather [hbm4b:s17+s7], $0x200, s8, s7, $0x38;
	[tilespmem:$0x8200] =	vst v63  }
0x25: {  	p0 =	sne.s32 s16, $0x9800;
	_ =	swait.ge [sflag:s9], $0x200  }
0x26: {  	[sflag:s9] =	ssyncset.done $0x0  }
0x27: {  	[sflag:s9] =	ssyncadd.s32 $0xFFFFFE00  }
0x28: {  	[tilespmem:s11], [sflag:$0x1] =	stream.indirect.gather [hbm4b:s3+s10], $0x80, s2, s10, $0xb8;
	[tilespmem:$0x8200] =	vst v63  }
0x29: {  	_ =	swait.ge [sflag:s12], $0x8000  }
0x2a: {  	[sflag:s12] =	ssyncset.done $0x0  }
0x2b: {  	s16 =	sadd.s32 $0xFFFFF000, s14;
	[sflag:s12] =	ssyncadd.s32 $0xFFFF8000  }
0x2c: {  	[hbm4b:s16+s2] =	stream.linear.scatter [tilespmem:s11], [sflag:$0x2], $0x8000, $0x38;
	[tilespmem:$0x8200] =	vst v63  }
0x2d: {  	_ =	swait.ge [sflag:s9], $0x8000  }
0x2e: {  	[sflag:s9] =	ssyncset.done $0x0  }
0x2f: {  	[sflag:s9] =	ssyncadd.s32 $0xFFFF8000  }
0x30: {  	[tilespmem:s11], [sflag:$0x1] =	stream.indirect.gather [hbm4b:s3+s10], $0x80, s10, s10, $0xb8;
	[tilespmem:$0x8200] =	vst v63  }
0x31: {  	_ =	swait.ge [sflag:s12], $0x8000  }
.Ltmp0:
0x32: {  	s15 =	sadd.s32 $0x10, s15;
	[sflag:s12] =	ssyncset.done $0x0;
	(pc) =	sbr.rel @p0 .LBB2_2-.Ltmp0, $4  }
0x33: {  	s17 =	sand.u32 $0x70, s15;
	s16 =	sand.u32 $0xC000, s18;
	[sflag:s12] =	ssyncadd.s32 $0xFFFF8000  }
0x34: {  	[hbm4b:s14+s2] =	stream.linear.scatter [tilespmem:s11], [sflag:$0x2], $0x8000, $0x38;
	[tilespmem:$0x8200] =	vst v63  }
0x35: {  	s17 =	sor.u32 s17, s16;
	_ =	swait.ge [sflag:s9], $0x8000  }
0x36: {  	s16 =	smov.u32 s19;
	s14 =	sadd.s32 $0x40000, s14;
	[sflag:s9] =	ssyncset.done $0x0  }
0x37: {  	s15 =	sadd.s32 s17, s4;
	[sflag:s9] =	ssyncadd.s32 $0xFFFF8000  }
0x38: {  	[tilespmem:s2], [sflag:$0x2] =	stream.strided.gather [hbm4b:s15+s7], $0x200, s8, s7, $0x38;
	[tilespmem:$0x8200] =	vst v63  }
0x39: {  	_ =	swait.ge [sflag:s9], $0x200  }
0x3a: {  	[sflag:s9] =	ssyncset.done $0x0  }
0x3b: {  	[sflag:s9] =	ssyncadd.s32 $0xFFFFFE00  }
0x3c: {  	[tilespmem:s11], [sflag:$0x1] =	stream.indirect.gather [hbm4b:s3+s10], $0x80, s2, s10, $0xb8;
	[tilespmem:$0x8200] =	vst v63  }
0x3d: {  	_ =	swait.ge [sflag:s12], $0x8000  }
0x3e: {  	[sflag:s12] =	ssyncset.done $0x0  }
0x3f: {  	s31 =	sadd.s32 $0xFFFFF000, s14;
	[sflag:s12] =	ssyncadd.s32 $0xFFFF8000  }
0x40: {  	[hbm4b:s31+s2] =	stream.linear.scatter [tilespmem:s11], [sflag:$0x2], $0x8000, $0x38;
	[tilespmem:$0x8200] =	vst v63  }
0x41: {  	_ =	swait.ge [sflag:s9], $0x8000  }
0x42: {  	[sflag:s9] =	ssyncset.done $0x0  }
0x43: {  	[sflag:s9] =	ssyncadd.s32 $0xFFFF8000  }
0x44: {  	[tilespmem:s11], [sflag:$0x1] =	stream.indirect.gather [hbm4b:s3+s10], $0x80, s10, s10, $0xb8;
	[tilespmem:$0x8200] =	vst v63  }
0x45: {  	s13 =	sadd.s32 $0x1, s13;
	_ =	swait.ge [sflag:s12], $0x8000  }
0x46: {  	p0 =	sne.s32 s13, s5;
	[sflag:s12] =	ssyncset.done $0x0  }
.Ltmp1:
0x47: {  	[sflag:s12] =	ssyncadd.s32 $0xFFFF8000;
	(pc) =	sbr.rel @p0 .LBB2_1-.Ltmp1, $4  }
0x48: {  	[hbm4b:s14+s2] =	stream.linear.scatter [tilespmem:s11], [sflag:$0x2], $0x8000, $0x38;
	[tilespmem:$0x8200] =	vst v63  }
0x49: {  	_ =	swait.ge [sflag:s9], $0x8000  }
0x4a: {  	[sflag:s9] =	ssyncset.done $0x0  }
0x4b: {  	[sflag:s9] =	ssyncadd.s32 $0xFFFF8000  }
0x4c: {  	_ =	sfence.sel $0x180000  }
0x4d: {  	[bflag:$0x0] =	sbarrier.arrive $0xFFFF  }
0x4e: {  	p0 =	sne.s32 s1, $0x0;
	_ =	strace $0x90000047  }
0x4f: {  	s0 =	sadd.s32 @!p0 $0x100000, s0;
	[bflag:$0x2] =	sbarrier.arrive $0xFFFF  }
0x50: {  	[sflag:s0] =	ssyncadd.tile.s32 @!p0 $0x1;
	_ =	shalt  }
.Lfunc_end2:
_tile_overlayer_lowered:
.L_overlay_start_2:
0x51: {  	(tag) =	ssettag $0x2  }
0x52: {  	s0 =	rddreg [dreg:$0x0];
	s2 =	stileid.u32  }
0x53: {  	s1 =	rddreg [dreg:$0x1];
	p0 =	sne.s32 s2, $0x0  }
0x54: {  	s3 =	rddreg [dreg:$0x2];
	[bflag:$0x3] =	sbarrier.arrive $0xFFFF;
	s2 =	simm.s32 @!p0 $0x1C02  }
0x55: {  	[timem:s3], [sflag:s2] =	dma.local @!p0 [hbm:s0], s1  }
0x56: {  	s0 =	simm.s32 @!p0 $0x2  }
0x57: {  	_ =	swait.ge @!p0 [sflag:s0], s1  }
0x58: {  	s1 =	ssub.s32 @!p0 $0x0, s1;
	[sflag:s0] =	ssyncset.done @!p0 $0x0  }
0x59: {  	[sflag:s0] =	ssyncadd.s32 @!p0 s1  }
0x5a: {  	[bflag:$0x3] =	sbarrier.arrive $0xFFFF  }
0x5b: {  	_ =	shalt  }

// kernel: kernel.27.cloned.1.call-start
scs
__scs_entry_jumppad:
0x0: {  	(pc) =	sbr.rel $0x88, $3  }
0x1: {  	(tag) =	ssettag $0x0;
	lr =	simm.s32 $0x1  }
0x2: {  	[smem:$0x3F88] =	sst lr;
	_ =	strace $0xD0000000  }
0x3: {  	_ = 	snop  }
0x4: {  	_ = 	snop  }
0x5: {  	_ = 	snop  }
0x6: {  	_ = 	snop  }
0x7: {  	_ = 	snop  }
__scs_overlays_trampoline_lowered:
0x8: {  	[smem:$0x3F97] =	sst s0  }
0x9: {  	[smem:$0x3F98] =	sst s1  }
0xa: {  	[smem:$0x3F99] =	sst s2  }
0xb: {  	[smem:$0x3F9A] =	sst s3  }
0xc: {  	[smem:$0x3F9B] =	sst s4  }
0xd: {  	[smem:$0x3F9C] =	sst s5  }
0xe: {  	[smem:$0x3F9D] =	sst s6  }
0xf: {  	[smem:$0x3F9E] =	sst s7  }
0x10: {  	[smem:$0x3F9F] =	sst s8  }
0x11: {  	[smem:$0x3FA0] =	sst s9;
	s0 =	simm.s32 @!p0 $0x0  }
0x12: {  	s1 =	sld [smem:$0x3F86];
	s0 =	simm.s32 @p0 $0x1  }
0x13: {  	[smem:$0x3FA1] =	sst s0;
	s0 =	simm.s32 @!p1 $0x0  }
0x14: {  	s2 =	sld [smem:$0x3F85];
	s0 =	simm.s32 @p1 $0x1  }
0x15: {  	[smem:$0x3FA2] =	sst s0;
	s0 =	simm.s32 @!p2 $0x0  }
0x16: {  	s3 =	sld [smem:$0x3FDB];
	s0 =	simm.s32 @p2 $0x1  }
0x17: {  	s4 =	simm.s32 $0x1BF5;
	[smem:$0x3FA4] =	sst s0  }
0x18: {  	s0 =	sld [smem:$0x3F87];
	_ =	swait.ge [sflag:s4], $0x0  }
0x19: {  	s7 =	sld [smem:$0x3F88]  }
0x1a: {  	s8 =	sadd.s32 $0xFFFFE003, lr  }
0x1b: {  	s9 =	sadd.s32 $0xFFFFFEF7, lr;
	s5 =	simm.s32 $0xFFFFFFFF;
	p2 =	slt.u32 s8, $0xFFFFF086  }
0x1c: {  	p1 =	slt.u32 s9, $0xF7A;
	s5 =	simm.s32 @!p2 $0x0  }
0x1d: {  	s5 =	simm.s32 @p1 $0x1;
	p0 =	seq.s32 s7, s2  }
0x1e: {  	s7 =	smul.u32 @!p0 $0xF7A, s2;
	p2 =	seq.s32 @!p0 s5, $0x0  }
0x1f: {  	s9 =	smul.u32 $0xF7A, s1;
	s8 =	simm.s32 @!p0 $0x1BF5;
	p2 =	por !p2, p0  }
0x20: {  	[sflag:s8] =	ssyncset.s32 @!p0 $0xFFFFF086;
	s6 =	sadd.s32 @!p0 s3, s7;
	s7 =	simm.s32 @!p0 $0x108  }
0x21: {  	s3 =	sadd.s32 s3, s9;
	s6 =	sadd.s32 @!p0 $0x88, s6;
	s7 =	simm.s32 @p2 $0x1082  }
0x22: {  	[simem:s7], [sflag:s8] =	dma.local @!p0 [hbm:s6], $0xF7A  }
0x23: {  	s9 =	sor.u32 $0xD0000000, s2;
	s6 =	simm.s32 $0x108;
	_ =	swait.ge @!p0 [sflag:s8], $0x0  }
0x24: {  	s3 =	sadd.s32 $0x88, s3;
	s6 =	simm.s32 @!p1 $0x1082;
	[sflag:s4] =	ssyncset.s32 $0xFFFFF086  }
0x25: {  	[simem:s6], [sflag:s4] =	dma.local [hbm:s3], $0xF7A  }
0x26: {  	[smem:$0x3F88] =	sst s1;
	(tag) =	ssettag s2;
	_ =	strace s9  }
0x27: {  	s1 =	sld [smem:$0x3F98]  }
0x28: {  	s2 =	sld [smem:$0x3F99]  }
0x29: {  	s4 =	sld [smem:$0x3F9B]  }
0x2a: {  	p0 =	seq.s32 s5, $0x0;
	s5 =	sld [smem:$0x3F9C]  }
0x2b: {  	s6 =	sld [smem:$0x3F9D]  }
0x2c: {  	s7 =	sld [smem:$0x3F9E]  }
0x2d: {  	s3 =	simm.s32 $0x108;
	s8 =	sld [smem:$0x3F9F]  }
0x2e: {  	s3 =	simm.s32 @!p0 $0x1082;
	s9 =	sld [smem:$0x3FA0]  }
0x2f: {  	lr =	sadd.s32 s0, s3;
	s0 =	sld [smem:$0x3F97]  }
0x30: {  	s3 =	sld [smem:$0x3F9A]  }
0x31: {  	[smem:$0x3FA3] =	sst s10  }
0x32: {  	s10 =	sld [smem:$0x3FA1];
	_ =	sdelay $0x3  }
0x33: {  	p0 =	seq.s32 s10, $0x1;
	s10 =	sld [smem:$0x3FA3];
	_ =	sdelay $0x3  }
0x34: {  	[smem:$0x3FA3] =	sst s10  }
0x35: {  	s10 =	sld [smem:$0x3FA2];
	_ =	sdelay $0x3  }
0x36: {  	p1 =	seq.s32 s10, $0x1;
	s10 =	sld [smem:$0x3FA3];
	_ =	sdelay $0x3  }
0x37: {  	[smem:$0x3FA3] =	sst s10  }
0x38: {  	s10 =	sld [smem:$0x3FA4]  }
0x39: {  	_ = 	snop;
	(pc) =	sbr.ind lr, $3  }
0x3a: {  	_ = 	snop  }
0x3b: {  	_ = 	snop  }
0x3c: {  	p2 =	seq.s32 s10, $0x1;
	s10 =	sld [smem:$0x3FA3]  }
0x3d: {  	_ =	shalt  }
0x3e: {  	_ =	shalt  }
0x3f: {  	_ =	shalt  }
0x40: {  	_ =	shalt  }
0x41: {  	_ =	shalt  }
0x42: {  	_ =	shalt  }
0x43: {  	_ =	shalt  }
0x44: {  	_ =	shalt  }
0x45: {  	_ =	shalt  }
0x46: {  	_ =	shalt  }
0x47: {  	_ =	shalt  }
0x48: {  	_ =	shalt  }
0x49: {  	_ =	shalt  }
0x4a: {  	_ =	shalt  }
0x4b: {  	_ =	shalt  }
0x4c: {  	_ =	shalt  }
0x4d: {  	_ =	shalt  }
0x4e: {  	_ =	shalt  }
0x4f: {  	_ =	shalt  }
0x50: {  	_ =	shalt  }
0x51: {  	_ =	shalt  }
0x52: {  	_ =	shalt  }
0x53: {  	_ =	shalt  }
0x54: {  	_ =	shalt  }
0x55: {  	_ =	shalt  }
0x56: {  	_ =	shalt  }
0x57: {  	_ =	shalt  }
0x58: {  	_ =	shalt  }
0x59: {  	_ =	shalt  }
0x5a: {  	_ =	shalt  }
0x5b: {  	_ =	shalt  }
0x5c: {  	_ =	shalt  }
0x5d: {  	_ =	shalt  }
0x5e: {  	_ =	shalt  }
0x5f: {  	_ =	shalt  }
0x60: {  	_ =	shalt  }
0x61: {  	_ =	shalt  }
0x62: {  	_ =	shalt  }
0x63: {  	_ =	shalt  }
0x64: {  	_ =	shalt  }
0x65: {  	_ =	shalt  }
0x66: {  	_ =	shalt  }
0x67: {  	_ =	shalt  }
0x68: {  	_ =	shalt  }
0x69: {  	_ =	shalt  }
0x6a: {  	_ =	shalt  }
0x6b: {  	_ =	shalt  }
0x6c: {  	_ =	shalt  }
0x6d: {  	_ =	shalt  }
0x6e: {  	_ =	shalt  }
0x6f: {  	_ =	shalt  }
0x70: {  	_ =	shalt  }
0x71: {  	_ =	shalt  }
0x72: {  	_ =	shalt  }
0x73: {  	_ =	shalt  }
0x74: {  	_ =	shalt  }
0x75: {  	_ =	shalt  }
0x76: {  	_ =	shalt  }
0x77: {  	_ =	shalt  }
0x78: {  	_ =	shalt  }
0x79: {  	_ =	shalt  }
0x7a: {  	_ =	shalt  }
0x7b: {  	_ =	shalt  }
0x7c: {  	_ =	shalt  }
0x7d: {  	_ =	shalt  }
0x7e: {  	_ =	shalt  }
0x7f: {  	_ =	shalt  }
0x80: {  	_ =	shalt  }
0x81: {  	_ =	shalt  }
0x82: {  	_ =	shalt  }
0x83: {  	_ =	shalt  }
0x84: {  	_ =	shalt  }
0x85: {  	_ =	shalt  }
0x86: {  	_ =	shalt  }
0x87: {  	_ =	shalt  }
.Lfunc_end0:
.L_simem_size_0:
called_computation.1_lowered:
.L_overlay_start_0:
0x88: {  	s2 =	sld [smem:$0x3FD9]  }
0x89: {  	s3 =	sld [smem:$0x3FFE];
	_ =	sdelay $0x1  }
0x8a: {  	s1 =	srdreg.scid  }
0x8b: {  	s0 =	sand.u32 $0x1, s1  }
0x8c: {  	s16 =	sshll.u32 s0, $0xA;
	s2 =	sadd.s32 s3, s2  }
0x8d: {  	s2 =	sadd.s32 s2, s16  }
0x8e: {  	[smem:$0x3FAF] =	sst s2  }
0x8f: {  	_ = 	snop  }
0x90: {  	(tm) =	ssettm $0x1  }
0x91: {  	s17 =	sld [smem:$0x3FFB];
	_ =	sdelay $0x3  }
0x92: {  	_ =	strace s17  }
0x93: {  	s2 =	sld [smem:$0x3FFC];
	_ =	sdelay $0x3  }
0x94: {  	_ =	strace s2  }
0x95: {  	s2 =	sld [smem:$0x3FFD];
	_ =	sdelay $0x3  }
0x96: {  	_ =	strace s2  }
0x97: {  	_ =	strace $0x8FFFFFFF  }
0x98: {  	s18 =	sld [smem:$0x3FDB];
	_ =	sdelay $0x1  }
0x99: {  	s19 =	simm.s32 $_scs_section_size  }
0x9a: {  	s4 =	simm.s32 $_size__tile_overlayer_lowered;
	s5 =	simm.s32 $_tile_overlayer_lowered  }
0x9b: {  	s22 =	simm.s32 $0x1BFF;
	s21 =	sshll.u32 s5, $0x1;
	s2 =	sadd.s32 s19, s18  }
0x9c: {  	s6 =	simm.s32 $0x0;
	s20 =	sshll.u32 s4, $0x1;
	s4 =	sadd.s32 s21, s2  }
0x9d: {  	[timem:s6], [sflag:s22] =	dma.local [hbm:s4], s20  }
0x9e: {  	_ =	swait.ge [sflag:s22], s20  }
0x9f: {  	s3 =	ssub.s32 $0x0, s20;
	[sflag:s22] =	ssyncset.done $0x0  }
0xa0: {  	[sflag:s22] =	ssyncadd.s32 s3;
	_ =	sdelay $0x1  }
0xa1: {  	s23 =	simm.s32 $0x1B8B  }
0xa2: {  	_ =	swait.ge [sflag:s23], $0x1  }
0xa3: {  	[sflag:s23] =	ssyncset.done $0x0  }
0xa4: {  	s25 =	simm.s32 $0x1B8E;
	s24 =	sld [smem:$0x3FFE];
	[sflag:s23] =	ssyncadd.s32 $0xFFFFFFFF  }
0xa5: {  	s26 =	simm.s32 $execute0_lowered;
	[smem:$0x3FD2] =	sst s25  }
0xa6: {  	s4 =	sshll.u32 s26, $0x1;
	_ =	strace $0x80000049;
	[dreg:$0x1] =	wrdreg $0xFFFFFFFF  }
0xa7: {  	s28 =	simm.s32 $_size_execute0_lowered;
	s2 =	sadd.s32 s2, s4;
	[dreg:$0x0] =	wrdreg $0x0  }
0xa8: {  	s4 =	sshll.u32 s28, $0x1;
	[dreg:$0x2] =	wrdreg s2  }
0xa9: {  	[dreg:$0x3] =	wrdreg s4  }
0xaa: {  	[dreg:$0x4] =	wrdreg $0xC0  }
0xab: {  	_ =	task [dreg:s6], $0x5FFFF  }
0xac: {  	[dreg:$0x1] =	wrdreg $0xFFFFFFFF  }
0xad: {  	[dreg:$0x0] =	wrdreg $0x60  }
0xae: {  	[dreg:$0x2] =	wrdreg s24  }
0xaf: {  	[dreg:$0x3] =	wrdreg $0x9  }
0xb0: {  	_ =	task.clear_ibuf [dreg:s6], $0x4FFFF;
	_ =	strace $0x90000049  }
0xb1: {  	s29 =	simm.s32 $0x9;
	_ =	strace $0x8000004B  }
0xb2: {  	_ =	swait.ge [sflag:s29], $0x1  }
0xb3: {  	[sflag:s29] =	ssyncadd.s32 $0xFFFFFFFF  }
0xb4: {  	_ =	strace $0x9000004B  }
0xb5: {  	_ =	sfence  }
0xb6: {  	s30 =	sld [smem:$0x0];
	_ =	sdelay $0x2  }
0xb7: {  	s31 =	sshll.u32 s1, $0xD;
	s1 =	sshrl.u32 s1, $0x2  }
0xb8: {  	s3 =	sand.u32 $0x4000, s31;
	s1 =	sadd.s32 s1, s30  }
0xb9: {  	s0 =	sor.u32 s3, s0;
	s1 =	sshll.u32 s1, $0x11  }
0xba: {  	s0 =	sor.u32 s1, s0  }
0xbb: {  	s0 =	sadd.s32 $0x8F2B, s0  }
0xbc: {  	[sflag:s0] =	ssyncadd.remote.s32 $0x1  }
0xbd: {  	_ =	sfence.sel $0xFFFF  }
0xbe: {  	[dreg:$0x0] =	wrdreg $0xFFFFFFFF;
	(pc) =	sbr.abs _section_cstart, $3  }
0xbf: {  	[dreg:$0x1] =	wrdreg $0xFFFFFFFF  }
0xc0: {  	_ =	task.clear_ibuf [dreg:s6], $0x2FFFF;
	_ =	strace $0x9FFFFFFF  }
0xc1: {  	(tm) =	ssettm $0x7FFFFFFF  }
tec
execute0_lowered:
.L_overlay_start_1:
0x0: {  	(tag) =	ssettag $0x1  }
0x1: {  	s4 =	rddreg [dreg:$0x0]  }
0x2: {  	s0 =	rddreg [dreg:$0x1];
	s3 =	srdreg.scid  }
0x3: {  	s2 =	simm.s32 $0x0;
	s1 =	stileid.u32;
	s9 =	simm.s32 $0x2  }
0x4: {  	s10 =	simm.s32 $0x100;
	s11 =	simm.s32 $0x200;
	s12 =	simm.s32 $0x1  }
0x5: {  	s13 =	simm.s32 $0x0;
	s5 =	sand.u32 $0x1, s3;
	[smem:$0x7FF] =	sst s2  }
0x6: {  	s6 =	sshll.u32 s1, $0xA;
	s3 =	sadd.s32 $0x6A00, s4;
	s29 =	sshll.u32 s1, $0xE  }
0x7: {  	s7 =	sshll.u32 s5, $0x9;
	_ =	strace $0x8000004A;
	s8 =	ssub.s32 $0x2, s5  }
0x8: {  	s5 =	sshll.u32 s5, $0xD;
	s6 =	sor.u32 s7, s6;
	s30 =	sshrl.u32 s8, $0x1  }
0x9: {  	s7 =	sadd.s32 s29, s4;
	s6 =	sadd.s32 s6, s4;
	s8 =	ssub.s32 s8, s30  }
0xa: {  	s31 =	sadd.s32 s5, s7;
	s7 =	simm.s32 $0x80;
	s4 =	sadd.s32 $0x46A00, s6  }
0xb: {  	s5 =	smax.u32 s8, $0x1;
	s6 =	sadd.s32 $0x53A00, s31;
	s8 =	simm.s32 $0x400  }
.LBB2_1:
0xc: {  	s14 =	sand.u32 $0xC000, s2;
	s15 =	sand.u32 $0x70, s2  }
0xd: {  	s14 =	sor.u32 s15, s14  }
0xe: {  	s14 =	sadd.s32 s14, s4  }
0xf: {  	[tilespmem:s2], [sflag:$0x2] =	stream.strided.gather [hbm4b:s14+s7], $0x200, s8, s7, $0x38;
	[tilespmem:$0x8200] =	vst v63  }
0x10: {  	_ =	swait.ge [sflag:s9], $0x200  }
0x11: {  	[sflag:s9] =	ssyncset.done $0x0  }
0x12: {  	[sflag:s9] =	ssyncadd.s32 $0xFFFFFE00  }
0x13: {  	[tilespmem:s11], [sflag:$0x1] =	stream.indirect.gather [hbm4b:s3+s10], $0x80, s2, s10, $0xb8;
	[tilespmem:$0x8200] =	vst v63  }
0x14: {  	_ =	swait.ge [sflag:s12], $0x8000  }
0x15: {  	[sflag:s12] =	ssyncset.done $0x0  }
0x16: {  	s30 =	sadd.s32 $0xFFFFF000, s6;
	[sflag:s12] =	ssyncadd.s32 $0xFFFF8000  }
0x17: {  	[hbm4b:s30+s2] =	stream.linear.scatter [tilespmem:s11], [sflag:$0x2], $0x8000, $0x38;
	[tilespmem:$0x8200] =	vst v63  }
0x18: {  	_ =	swait.ge [sflag:s9], $0x8000  }
0x19: {  	[sflag:s9] =	ssyncset.done $0x0  }
0x1a: {  	[sflag:s9] =	ssyncadd.s32 $0xFFFF8000  }
0x1b: {  	[tilespmem:s11], [sflag:$0x1] =	stream.indirect.gather [hbm4b:s3+s10], $0x80, s10, s10, $0xb8;
	[tilespmem:$0x8200] =	vst v63  }
0x1c: {  	_ =	swait.ge [sflag:s12], $0x8000  }
0x1d: {  	s31 =	simm.s32 $0x800;
	[sflag:s12] =	ssyncset.done $0x0  }
0x1e: {  	s16 =	simm.s32 $0x1000;
	s15 =	simm.s32 $0x10;
	[sflag:s12] =	ssyncadd.s32 $0xFFFF8000  }
0x1f: {  	[hbm4b:s6+s2] =	stream.linear.scatter [tilespmem:s11], [sflag:$0x2], $0x8000, $0x38;
	[tilespmem:$0x8200] =	vst v63  }
0x20: {  	s17 =	sand.u32 $0x70, s15;
	s14 =	sand.u32 $0xC000, s31;
	_ =	swait.ge [sflag:s9], $0x8000  }
0x21: {  	s17 =	sor.u32 s17, s14;
	s14 =	sadd.s32 $0x40000, s6;
	[sflag:s9] =	ssyncset.done $0x0  }
.LBB2_2:
0x22: {  	s17 =	sadd.s32 s17, s4  }
0x23: {  	[sflag:s9] =	ssyncadd.s32 $0xFFFF8000;
	s18 =	smov.u32 s16;
	s19 =	sadd.s32 $0x800, s16  }
0x24: {  	[tilespmem:s2], [sflag:$0x2] =	stream.strided.gather [hbm4b:s17+s7], $0x200, s8, s7, $0x38;
	[tilespmem:$0x8200] =	vst v63  }
0x25: {  	p0 =	sne.s32 s16, $0x9800;
	_ =	swait.ge [sflag:s9], $0x200  }
0x26: {  	[sflag:s9] =	ssyncset.done $0x0  }
0x27: {  	[sflag:s9] =	ssyncadd.s32 $0xFFFFFE00  }
0x28: {  	[tilespmem:s11], [sflag:$0x1] =	stream.indirect.gather [hbm4b:s3+s10], $0x80, s2, s10, $0xb8;
	[tilespmem:$0x8200] =	vst v63  }
0x29: {  	_ =	swait.ge [sflag:s12], $0x8000  }
0x2a: {  	[sflag:s12] =	ssyncset.done $0x0  }
0x2b: {  	s16 =	sadd.s32 $0xFFFFF000, s14;
	[sflag:s12] =	ssyncadd.s32 $0xFFFF8000  }
0x2c: {  	[hbm4b:s16+s2] =	stream.linear.scatter [tilespmem:s11], [sflag:$0x2], $0x8000, $0x38;
	[tilespmem:$0x8200] =	vst v63  }
0x2d: {  	_ =	swait.ge [sflag:s9], $0x8000  }
0x2e: {  	[sflag:s9] =	ssyncset.done $0x0  }
0x2f: {  	[sflag:s9] =	ssyncadd.s32 $0xFFFF8000  }
0x30: {  	[tilespmem:s11], [sflag:$0x1] =	stream.indirect.gather [hbm4b:s3+s10], $0x80, s10, s10, $0xb8;
	[tilespmem:$0x8200] =	vst v63  }
0x31: {  	_ =	swait.ge [sflag:s12], $0x8000  }
.Ltmp0:
0x32: {  	s15 =	sadd.s32 $0x10, s15;
	[sflag:s12] =	ssyncset.done $0x0;
	(pc) =	sbr.rel @p0 .LBB2_2-.Ltmp0, $4  }
0x33: {  	s17 =	sand.u32 $0x70, s15;
	s16 =	sand.u32 $0xC000, s18;
	[sflag:s12] =	ssyncadd.s32 $0xFFFF8000  }
0x34: {  	[hbm4b:s14+s2] =	stream.linear.scatter [tilespmem:s11], [sflag:$0x2], $0x8000, $0x38;
	[tilespmem:$0x8200] =	vst v63  }
0x35: {  	s17 =	sor.u32 s17, s16;
	_ =	swait.ge [sflag:s9], $0x8000  }
0x36: {  	s16 =	smov.u32 s19;
	s14 =	sadd.s32 $0x40000, s14;
	[sflag:s9] =	ssyncset.done $0x0  }
0x37: {  	s15 =	sadd.s32 s17, s4;
	[sflag:s9] =	ssyncadd.s32 $0xFFFF8000  }
0x38: {  	[tilespmem:s2], [sflag:$0x2] =	stream.strided.gather [hbm4b:s15+s7], $0x200, s8, s7, $0x38;
	[tilespmem:$0x8200] =	vst v63  }
0x39: {  	_ =	swait.ge [sflag:s9], $0x200  }
0x3a: {  	[sflag:s9] =	ssyncset.done $0x0  }
0x3b: {  	[sflag:s9] =	ssyncadd.s32 $0xFFFFFE00  }
0x3c: {  	[tilespmem:s11], [sflag:$0x1] =	stream.indirect.gather [hbm4b:s3+s10], $0x80, s2, s10, $0xb8;
	[tilespmem:$0x8200] =	vst v63  }
0x3d: {  	_ =	swait.ge [sflag:s12], $0x8000  }
0x3e: {  	[sflag:s12] =	ssyncset.done $0x0  }
0x3f: {  	s31 =	sadd.s32 $0xFFFFF000, s14;
	[sflag:s12] =	ssyncadd.s32 $0xFFFF8000  }
0x40: {  	[hbm4b:s31+s2] =	stream.linear.scatter [tilespmem:s11], [sflag:$0x2], $0x8000, $0x38;
	[tilespmem:$0x8200] =	vst v63  }
0x41: {  	_ =	swait.ge [sflag:s9], $0x8000  }
0x42: {  	[sflag:s9] =	ssyncset.done $0x0  }
0x43: {  	[sflag:s9] =	ssyncadd.s32 $0xFFFF8000  }
0x44: {  	[tilespmem:s11], [sflag:$0x1] =	stream.indirect.gather [hbm4b:s3+s10], $0x80, s10, s10, $0xb8;
	[tilespmem:$0x8200] =	vst v63  }
0x45: {  	s13 =	sadd.s32 $0x1, s13;
	_ =	swait.ge [sflag:s12], $0x8000  }
0x46: {  	p0 =	sne.s32 s13, s5;
	[sflag:s12] =	ssyncset.done $0x0  }
.Ltmp1:
0x47: {  	[sflag:s12] =	ssyncadd.s32 $0xFFFF8000;
	(pc) =	sbr.rel @p0 .LBB2_1-.Ltmp1, $4  }
0x48: {  	[hbm4b:s14+s2] =	stream.linear.scatter [tilespmem:s11], [sflag:$0x2], $0x8000, $0x38;
	[tilespmem:$0x8200] =	vst v63  }
0x49: {  	_ =	swait.ge [sflag:s9], $0x8000  }
0x4a: {  	[sflag:s9] =	ssyncset.done $0x0  }
0x4b: {  	[sflag:s9] =	ssyncadd.s32 $0xFFFF8000  }
0x4c: {  	_ =	sfence.sel $0x180000  }
0x4d: {  	[bflag:$0x0] =	sbarrier.arrive $0xFFFF  }
0x4e: {  	p0 =	sne.s32 s1, $0x0;
	_ =	strace $0x9000004A  }
0x4f: {  	s0 =	sadd.s32 @!p0 $0x100000, s0;
	[bflag:$0x2] =	sbarrier.arrive $0xFFFF  }
0x50: {  	[sflag:s0] =	ssyncadd.tile.s32 @!p0 $0x1;
	_ =	shalt  }
.Lfunc_end2:
_tile_overlayer_lowered:
.L_overlay_start_2:
0x51: {  	(tag) =	ssettag $0x2  }
0x52: {  	s0 =	rddreg [dreg:$0x0];
	s2 =	stileid.u32  }
0x53: {  	s1 =	rddreg [dreg:$0x1];
	p0 =	sne.s32 s2, $0x0  }
0x54: {  	s3 =	rddreg [dreg:$0x2];
	[bflag:$0x3] =	sbarrier.arrive $0xFFFF;
	s2 =	simm.s32 @!p0 $0x1C02  }
0x55: {  	[timem:s3], [sflag:s2] =	dma.local @!p0 [hbm:s0], s1  }
0x56: {  	s0 =	simm.s32 @!p0 $0x2  }
0x57: {  	_ =	swait.ge @!p0 [sflag:s0], s1  }
0x58: {  	s1 =	ssub.s32 @!p0 $0x0, s1;
	[sflag:s0] =	ssyncset.done @!p0 $0x0  }
0x59: {  	[sflag:s0] =	ssyncadd.s32 @!p0 s1  }
0x5a: {  	[bflag:$0x3] =	sbarrier.arrive $0xFFFF  }
0x5b: {  	_ =	shalt  }

// kernel: kernel.30.cloned.1.call-start
scs
__scs_entry_jumppad:
0x0: {  	(pc) =	sbr.rel $0x88, $3  }
0x1: {  	(tag) =	ssettag $0x0;
	lr =	simm.s32 $0x1  }
0x2: {  	[smem:$0x3F88] =	sst lr;
	_ =	strace $0xD0000000  }
0x3: {  	_ = 	snop  }
0x4: {  	_ = 	snop  }
0x5: {  	_ = 	snop  }
0x6: {  	_ = 	snop  }
0x7: {  	_ = 	snop  }
__scs_overlays_trampoline_lowered:
0x8: {  	[smem:$0x3F97] =	sst s0  }
0x9: {  	[smem:$0x3F98] =	sst s1  }
0xa: {  	[smem:$0x3F99] =	sst s2  }
0xb: {  	[smem:$0x3F9A] =	sst s3  }
0xc: {  	[smem:$0x3F9B] =	sst s4  }
0xd: {  	[smem:$0x3F9C] =	sst s5  }
0xe: {  	[smem:$0x3F9D] =	sst s6  }
0xf: {  	[smem:$0x3F9E] =	sst s7  }
0x10: {  	[smem:$0x3F9F] =	sst s8  }
0x11: {  	[smem:$0x3FA0] =	sst s9;
	s0 =	simm.s32 @!p0 $0x0  }
0x12: {  	s1 =	sld [smem:$0x3F86];
	s0 =	simm.s32 @p0 $0x1  }
0x13: {  	[smem:$0x3FA1] =	sst s0;
	s0 =	simm.s32 @!p1 $0x0  }
0x14: {  	s2 =	sld [smem:$0x3F85];
	s0 =	simm.s32 @p1 $0x1  }
0x15: {  	[smem:$0x3FA2] =	sst s0;
	s0 =	simm.s32 @!p2 $0x0  }
0x16: {  	s3 =	sld [smem:$0x3FDB];
	s0 =	simm.s32 @p2 $0x1  }
0x17: {  	s4 =	simm.s32 $0x1BF5;
	[smem:$0x3FA4] =	sst s0  }
0x18: {  	s0 =	sld [smem:$0x3F87];
	_ =	swait.ge [sflag:s4], $0x0  }
0x19: {  	s7 =	sld [smem:$0x3F88]  }
0x1a: {  	s8 =	sadd.s32 $0xFFFFE003, lr  }
0x1b: {  	s9 =	sadd.s32 $0xFFFFFEF7, lr;
	s5 =	simm.s32 $0xFFFFFFFF;
	p2 =	slt.u32 s8, $0xFFFFF086  }
0x1c: {  	p1 =	slt.u32 s9, $0xF7A;
	s5 =	simm.s32 @!p2 $0x0  }
0x1d: {  	s5 =	simm.s32 @p1 $0x1;
	p0 =	seq.s32 s7, s2  }
0x1e: {  	s7 =	smul.u32 @!p0 $0xF7A, s2;
	p2 =	seq.s32 @!p0 s5, $0x0  }
0x1f: {  	s9 =	smul.u32 $0xF7A, s1;
	s8 =	simm.s32 @!p0 $0x1BF5;
	p2 =	por !p2, p0  }
0x20: {  	[sflag:s8] =	ssyncset.s32 @!p0 $0xFFFFF086;
	s6 =	sadd.s32 @!p0 s3, s7;
	s7 =	simm.s32 @!p0 $0x108  }
0x21: {  	s3 =	sadd.s32 s3, s9;
	s6 =	sadd.s32 @!p0 $0x88, s6;
	s7 =	simm.s32 @p2 $0x1082  }
0x22: {  	[simem:s7], [sflag:s8] =	dma.local @!p0 [hbm:s6], $0xF7A  }
0x23: {  	s9 =	sor.u32 $0xD0000000, s2;
	s6 =	simm.s32 $0x108;
	_ =	swait.ge @!p0 [sflag:s8], $0x0  }
0x24: {  	s3 =	sadd.s32 $0x88, s3;
	s6 =	simm.s32 @!p1 $0x1082;
	[sflag:s4] =	ssyncset.s32 $0xFFFFF086  }
0x25: {  	[simem:s6], [sflag:s4] =	dma.local [hbm:s3], $0xF7A  }
0x26: {  	[smem:$0x3F88] =	sst s1;
	(tag) =	ssettag s2;
	_ =	strace s9  }
0x27: {  	s1 =	sld [smem:$0x3F98]  }
0x28: {  	s2 =	sld [smem:$0x3F99]  }
0x29: {  	s4 =	sld [smem:$0x3F9B]  }
0x2a: {  	p0 =	seq.s32 s5, $0x0;
	s5 =	sld [smem:$0x3F9C]  }
0x2b: {  	s6 =	sld [smem:$0x3F9D]  }
0x2c: {  	s7 =	sld [smem:$0x3F9E]  }
0x2d: {  	s3 =	simm.s32 $0x108;
	s8 =	sld [smem:$0x3F9F]  }
0x2e: {  	s3 =	simm.s32 @!p0 $0x1082;
	s9 =	sld [smem:$0x3FA0]  }
0x2f: {  	lr =	sadd.s32 s0, s3;
	s0 =	sld [smem:$0x3F97]  }
0x30: {  	s3 =	sld [smem:$0x3F9A]  }
0x31: {  	[smem:$0x3FA3] =	sst s10  }
0x32: {  	s10 =	sld [smem:$0x3FA1];
	_ =	sdelay $0x3  }
0x33: {  	p0 =	seq.s32 s10, $0x1;
	s10 =	sld [smem:$0x3FA3];
	_ =	sdelay $0x3  }
0x34: {  	[smem:$0x3FA3] =	sst s10  }
0x35: {  	s10 =	sld [smem:$0x3FA2];
	_ =	sdelay $0x3  }
0x36: {  	p1 =	seq.s32 s10, $0x1;
	s10 =	sld [smem:$0x3FA3];
	_ =	sdelay $0x3  }
0x37: {  	[smem:$0x3FA3] =	sst s10  }
0x38: {  	s10 =	sld [smem:$0x3FA4]  }
0x39: {  	_ = 	snop;
	(pc) =	sbr.ind lr, $3  }
0x3a: {  	_ = 	snop  }
0x3b: {  	_ = 	snop  }
0x3c: {  	p2 =	seq.s32 s10, $0x1;
	s10 =	sld [smem:$0x3FA3]  }
0x3d: {  	_ =	shalt  }
0x3e: {  	_ =	shalt  }
0x3f: {  	_ =	shalt  }
0x40: {  	_ =	shalt  }
0x41: {  	_ =	shalt  }
0x42: {  	_ =	shalt  }
0x43: {  	_ =	shalt  }
0x44: {  	_ =	shalt  }
0x45: {  	_ =	shalt  }
0x46: {  	_ =	shalt  }
0x47: {  	_ =	shalt  }
0x48: {  	_ =	shalt  }
0x49: {  	_ =	shalt  }
0x4a: {  	_ =	shalt  }
0x4b: {  	_ =	shalt  }
0x4c: {  	_ =	shalt  }
0x4d: {  	_ =	shalt  }
0x4e: {  	_ =	shalt  }
0x4f: {  	_ =	shalt  }
0x50: {  	_ =	shalt  }
0x51: {  	_ =	shalt  }
0x52: {  	_ =	shalt  }
0x53: {  	_ =	shalt  }
0x54: {  	_ =	shalt  }
0x55: {  	_ =	shalt  }
0x56: {  	_ =	shalt  }
0x57: {  	_ =	shalt  }
0x58: {  	_ =	shalt  }
0x59: {  	_ =	shalt  }
0x5a: {  	_ =	shalt  }
0x5b: {  	_ =	shalt  }
0x5c: {  	_ =	shalt  }
0x5d: {  	_ =	shalt  }
0x5e: {  	_ =	shalt  }
0x5f: {  	_ =	shalt  }
0x60: {  	_ =	shalt  }
0x61: {  	_ =	shalt  }
0x62: {  	_ =	shalt  }
0x63: {  	_ =	shalt  }
0x64: {  	_ =	shalt  }
0x65: {  	_ =	shalt  }
0x66: {  	_ =	shalt  }
0x67: {  	_ =	shalt  }
0x68: {  	_ =	shalt  }
0x69: {  	_ =	shalt  }
0x6a: {  	_ =	shalt  }
0x6b: {  	_ =	shalt  }
0x6c: {  	_ =	shalt  }
0x6d: {  	_ =	shalt  }
0x6e: {  	_ =	shalt  }
0x6f: {  	_ =	shalt  }
0x70: {  	_ =	shalt  }
0x71: {  	_ =	shalt  }
0x72: {  	_ =	shalt  }
0x73: {  	_ =	shalt  }
0x74: {  	_ =	shalt  }
0x75: {  	_ =	shalt  }
0x76: {  	_ =	shalt  }
0x77: {  	_ =	shalt  }
0x78: {  	_ =	shalt  }
0x79: {  	_ =	shalt  }
0x7a: {  	_ =	shalt  }
0x7b: {  	_ =	shalt  }
0x7c: {  	_ =	shalt  }
0x7d: {  	_ =	shalt  }
0x7e: {  	_ =	shalt  }
0x7f: {  	_ =	shalt  }
0x80: {  	_ =	shalt  }
0x81: {  	_ =	shalt  }
0x82: {  	_ =	shalt  }
0x83: {  	_ =	shalt  }
0x84: {  	_ =	shalt  }
0x85: {  	_ =	shalt  }
0x86: {  	_ =	shalt  }
0x87: {  	_ =	shalt  }
.Lfunc_end0:
.L_simem_size_0:
called_computation.2_lowered:
.L_overlay_start_0:
0x88: {  	s2 =	sld [smem:$0x3FD9]  }
0x89: {  	s3 =	sld [smem:$0x3FFE];
	_ =	sdelay $0x1  }
0x8a: {  	s1 =	srdreg.scid  }
0x8b: {  	s0 =	sand.u32 $0x1, s1  }
0x8c: {  	s16 =	sshll.u32 s0, $0xA;
	s2 =	sadd.s32 s3, s2  }
0x8d: {  	s2 =	sadd.s32 s2, s16  }
0x8e: {  	[smem:$0x3FAF] =	sst s2  }
0x8f: {  	_ = 	snop  }
0x90: {  	(tm) =	ssettm $0x1  }
0x91: {  	s17 =	sld [smem:$0x3FFB];
	_ =	sdelay $0x3  }
0x92: {  	_ =	strace s17  }
0x93: {  	s2 =	sld [smem:$0x3FFC];
	_ =	sdelay $0x3  }
0x94: {  	_ =	strace s2  }
0x95: {  	s2 =	sld [smem:$0x3FFD];
	_ =	sdelay $0x3  }
0x96: {  	_ =	strace s2  }
0x97: {  	_ =	strace $0x8FFFFFFF  }
0x98: {  	s18 =	sld [smem:$0x3FDB];
	_ =	sdelay $0x1  }
0x99: {  	s19 =	simm.s32 $_scs_section_size  }
0x9a: {  	s4 =	simm.s32 $_size__tile_overlayer_lowered;
	s5 =	simm.s32 $_tile_overlayer_lowered  }
0x9b: {  	s22 =	simm.s32 $0x1BFF;
	s21 =	sshll.u32 s5, $0x1;
	s2 =	sadd.s32 s19, s18  }
0x9c: {  	s6 =	simm.s32 $0x0;
	s20 =	sshll.u32 s4, $0x1;
	s4 =	sadd.s32 s21, s2  }
0x9d: {  	[timem:s6], [sflag:s22] =	dma.local [hbm:s4], s20  }
0x9e: {  	_ =	swait.ge [sflag:s22], s20  }
0x9f: {  	s3 =	ssub.s32 $0x0, s20;
	[sflag:s22] =	ssyncset.done $0x0  }
0xa0: {  	[sflag:s22] =	ssyncadd.s32 s3;
	_ =	sdelay $0x1  }
0xa1: {  	s23 =	simm.s32 $0x1B8B  }
0xa2: {  	_ =	swait.ge [sflag:s23], $0x1  }
0xa3: {  	[sflag:s23] =	ssyncset.done $0x0  }
0xa4: {  	s25 =	simm.s32 $0x1B8E;
	s24 =	sld [smem:$0x3FFE];
	[sflag:s23] =	ssyncadd.s32 $0xFFFFFFFF  }
0xa5: {  	s26 =	simm.s32 $execute0_lowered;
	[smem:$0x3FD2] =	sst s25  }
0xa6: {  	s4 =	sshll.u32 s26, $0x1;
	_ =	strace $0x8000004C;
	[dreg:$0x1] =	wrdreg $0xFFFFFFFF  }
0xa7: {  	s28 =	simm.s32 $_size_execute0_lowered;
	s2 =	sadd.s32 s2, s4;
	[dreg:$0x0] =	wrdreg $0x0  }
0xa8: {  	s4 =	sshll.u32 s28, $0x1;
	[dreg:$0x2] =	wrdreg s2  }
0xa9: {  	[dreg:$0x3] =	wrdreg s4  }
0xaa: {  	[dreg:$0x4] =	wrdreg $0xC0  }
0xab: {  	_ =	task [dreg:s6], $0x5FFFF  }
0xac: {  	[dreg:$0x1] =	wrdreg $0xFFFFFFFF  }
0xad: {  	[dreg:$0x0] =	wrdreg $0x60  }
0xae: {  	[dreg:$0x2] =	wrdreg s24  }
0xaf: {  	[dreg:$0x3] =	wrdreg $0x9  }
0xb0: {  	_ =	task.clear_ibuf [dreg:s6], $0x4FFFF;
	_ =	strace $0x9000004C  }
0xb1: {  	s29 =	simm.s32 $0x9;
	_ =	strace $0x8000004E  }
0xb2: {  	_ =	swait.ge [sflag:s29], $0x1  }
0xb3: {  	[sflag:s29] =	ssyncadd.s32 $0xFFFFFFFF  }
0xb4: {  	_ =	strace $0x9000004E  }
0xb5: {  	_ =	sfence  }
0xb6: {  	s30 =	sld [smem:$0x0];
	_ =	sdelay $0x2  }
0xb7: {  	s31 =	sshll.u32 s1, $0xD;
	s1 =	sshrl.u32 s1, $0x2  }
0xb8: {  	s3 =	sand.u32 $0x4000, s31;
	s1 =	sadd.s32 s1, s30  }
0xb9: {  	s0 =	sor.u32 s3, s0;
	s1 =	sshll.u32 s1, $0x11  }
0xba: {  	s0 =	sor.u32 s1, s0  }
0xbb: {  	s0 =	sadd.s32 $0x8F2B, s0  }
0xbc: {  	[sflag:s0] =	ssyncadd.remote.s32 $0x1  }
0xbd: {  	_ =	sfence.sel $0xFFFF  }
0xbe: {  	[dreg:$0x0] =	wrdreg $0xFFFFFFFF;
	(pc) =	sbr.abs _section_cstart, $3  }
0xbf: {  	[dreg:$0x1] =	wrdreg $0xFFFFFFFF  }
0xc0: {  	_ =	task.clear_ibuf [dreg:s6], $0x2FFFF;
	_ =	strace $0x9FFFFFFF  }
0xc1: {  	(tm) =	ssettm $0x7FFFFFFF  }
tec
execute0_lowered:
.L_overlay_start_1:
0x0: {  	(tag) =	ssettag $0x1  }
0x1: {  	s4 =	rddreg [dreg:$0x0]  }
0x2: {  	s0 =	rddreg [dreg:$0x1];
	s3 =	srdreg.scid  }
0x3: {  	s2 =	simm.s32 $0x0;
	s1 =	stileid.u32;
	s9 =	simm.s32 $0x2  }
0x4: {  	s10 =	simm.s32 $0x100;
	s11 =	simm.s32 $0x200;
	s12 =	simm.s32 $0x1  }
0x5: {  	s13 =	simm.s32 $0x0;
	s5 =	sand.u32 $0x1, s3;
	[smem:$0x7FF] =	sst s2  }
0x6: {  	s6 =	sshll.u32 s1, $0xA;
	s3 =	sadd.s32 $0x46A00, s4;
	s29 =	sshll.u32 s1, $0xE  }
0x7: {  	s7 =	sshll.u32 s5, $0x9;
	_ =	strace $0x8000004D;
	s8 =	ssub.s32 $0x2, s5  }
0x8: {  	s5 =	sshll.u32 s5, $0xD;
	s6 =	sor.u32 s7, s6;
	s30 =	sshrl.u32 s8, $0x1  }
0x9: {  	s7 =	sadd.s32 s29, s4;
	s6 =	sadd.s32 s6, s4;
	s8 =	ssub.s32 s8, s30  }
0xa: {  	s31 =	sadd.s32 s5, s7;
	s7 =	simm.s32 $0x80;
	s4 =	sadd.s32 $0x86A00, s6  }
0xb: {  	s5 =	smax.u32 s8, $0x1;
	s6 =	sadd.s32 $0x93A00, s31;
	s8 =	simm.s32 $0x400  }
.LBB2_1:
0xc: {  	s14 =	sand.u32 $0xC000, s2;
	s15 =	sand.u32 $0x70, s2  }
0xd: {  	s14 =	sor.u32 s15, s14  }
0xe: {  	s14 =	sadd.s32 s14, s4  }
0xf: {  	[tilespmem:s2], [sflag:$0x2] =	stream.strided.gather [hbm4b:s14+s7], $0x200, s8, s7, $0x38;
	[tilespmem:$0x8200] =	vst v63  }
0x10: {  	_ =	swait.ge [sflag:s9], $0x200  }
0x11: {  	[sflag:s9] =	ssyncset.done $0x0  }
0x12: {  	[sflag:s9] =	ssyncadd.s32 $0xFFFFFE00  }
0x13: {  	[tilespmem:s11], [sflag:$0x1] =	stream.indirect.gather [hbm4b:s3+s10], $0x80, s2, s10, $0xb8;
	[tilespmem:$0x8200] =	vst v63  }
0x14: {  	_ =	swait.ge [sflag:s12], $0x8000  }
0x15: {  	[sflag:s12] =	ssyncset.done $0x0  }
0x16: {  	s30 =	sadd.s32 $0xFFFFF000, s6;
	[sflag:s12] =	ssyncadd.s32 $0xFFFF8000  }
0x17: {  	[hbm4b:s30+s2] =	stream.linear.scatter [tilespmem:s11], [sflag:$0x2], $0x8000, $0x38;
	[tilespmem:$0x8200] =	vst v63  }
0x18: {  	_ =	swait.ge [sflag:s9], $0x8000  }
0x19: {  	[sflag:s9] =	ssyncset.done $0x0  }
0x1a: {  	[sflag:s9] =	ssyncadd.s32 $0xFFFF8000  }
0x1b: {  	[tilespmem:s11], [sflag:$0x1] =	stream.indirect.gather [hbm4b:s3+s10], $0x80, s10, s10, $0xb8;
	[tilespmem:$0x8200] =	vst v63  }
0x1c: {  	_ =	swait.ge [sflag:s12], $0x8000  }
0x1d: {  	s31 =	simm.s32 $0x800;
	[sflag:s12] =	ssyncset.done $0x0  }
0x1e: {  	s16 =	simm.s32 $0x1000;
	s15 =	simm.s32 $0x10;
	[sflag:s12] =	ssyncadd.s32 $0xFFFF8000  }
0x1f: {  	[hbm4b:s6+s2] =	stream.linear.scatter [tilespmem:s11], [sflag:$0x2], $0x8000, $0x38;
	[tilespmem:$0x8200] =	vst v63  }
0x20: {  	s17 =	sand.u32 $0x70, s15;
	s14 =	sand.u32 $0xC000, s31;
	_ =	swait.ge [sflag:s9], $0x8000  }
0x21: {  	s17 =	sor.u32 s17, s14;
	s14 =	sadd.s32 $0x40000, s6;
	[sflag:s9] =	ssyncset.done $0x0  }
.LBB2_2:
0x22: {  	s17 =	sadd.s32 s17, s4  }
0x23: {  	[sflag:s9] =	ssyncadd.s32 $0xFFFF8000;
	s18 =	smov.u32 s16;
	s19 =	sadd.s32 $0x800, s16  }
0x24: {  	[tilespmem:s2], [sflag:$0x2] =	stream.strided.gather [hbm4b:s17+s7], $0x200, s8, s7, $0x38;
	[tilespmem:$0x8200] =	vst v63  }
0x25: {  	p0 =	sne.s32 s16, $0x9800;
	_ =	swait.ge [sflag:s9], $0x200  }
0x26: {  	[sflag:s9] =	ssyncset.done $0x0  }
0x27: {  	[sflag:s9] =	ssyncadd.s32 $0xFFFFFE00  }
0x28: {  	[tilespmem:s11], [sflag:$0x1] =	stream.indirect.gather [hbm4b:s3+s10], $0x80, s2, s10, $0xb8;
	[tilespmem:$0x8200] =	vst v63  }
0x29: {  	_ =	swait.ge [sflag:s12], $0x8000  }
0x2a: {  	[sflag:s12] =	ssyncset.done $0x0  }
0x2b: {  	s16 =	sadd.s32 $0xFFFFF000, s14;
	[sflag:s12] =	ssyncadd.s32 $0xFFFF8000  }
0x2c: {  	[hbm4b:s16+s2] =	stream.linear.scatter [tilespmem:s11], [sflag:$0x2], $0x8000, $0x38;
	[tilespmem:$0x8200] =	vst v63  }
0x2d: {  	_ =	swait.ge [sflag:s9], $0x8000  }
0x2e: {  	[sflag:s9] =	ssyncset.done $0x0  }
0x2f: {  	[sflag:s9] =	ssyncadd.s32 $0xFFFF8000  }
0x30: {  	[tilespmem:s11], [sflag:$0x1] =	stream.indirect.gather [hbm4b:s3+s10], $0x80, s10, s10, $0xb8;
	[tilespmem:$0x8200] =	vst v63  }
0x31: {  	_ =	swait.ge [sflag:s12], $0x8000  }
.Ltmp0:
0x32: {  	s15 =	sadd.s32 $0x10, s15;
	[sflag:s12] =	ssyncset.done $0x0;
	(pc) =	sbr.rel @p0 .LBB2_2-.Ltmp0, $4  }
0x33: {  	s17 =	sand.u32 $0x70, s15;
	s16 =	sand.u32 $0xC000, s18;
	[sflag:s12] =	ssyncadd.s32 $0xFFFF8000  }
0x34: {  	[hbm4b:s14+s2] =	stream.linear.scatter [tilespmem:s11], [sflag:$0x2], $0x8000, $0x38;
	[tilespmem:$0x8200] =	vst v63  }
0x35: {  	s17 =	sor.u32 s17, s16;
	_ =	swait.ge [sflag:s9], $0x8000  }
0x36: {  	s16 =	smov.u32 s19;
	s14 =	sadd.s32 $0x40000, s14;
	[sflag:s9] =	ssyncset.done $0x0  }
0x37: {  	s15 =	sadd.s32 s17, s4;
	[sflag:s9] =	ssyncadd.s32 $0xFFFF8000  }
0x38: {  	[tilespmem:s2], [sflag:$0x2] =	stream.strided.gather [hbm4b:s15+s7], $0x200, s8, s7, $0x38;
	[tilespmem:$0x8200] =	vst v63  }
0x39: {  	_ =	swait.ge [sflag:s9], $0x200  }
0x3a: {  	[sflag:s9] =	ssyncset.done $0x0  }
0x3b: {  	[sflag:s9] =	ssyncadd.s32 $0xFFFFFE00  }
0x3c: {  	[tilespmem:s11], [sflag:$0x1] =	stream.indirect.gather [hbm4b:s3+s10], $0x80, s2, s10, $0xb8;
	[tilespmem:$0x8200] =	vst v63  }
0x3d: {  	_ =	swait.ge [sflag:s12], $0x8000  }
0x3e: {  	[sflag:s12] =	ssyncset.done $0x0  }
0x3f: {  	s31 =	sadd.s32 $0xFFFFF000, s14;
	[sflag:s12] =	ssyncadd.s32 $0xFFFF8000  }
0x40: {  	[hbm4b:s31+s2] =	stream.linear.scatter [tilespmem:s11], [sflag:$0x2], $0x8000, $0x38;
	[tilespmem:$0x8200] =	vst v63  }
0x41: {  	_ =	swait.ge [sflag:s9], $0x8000  }
0x42: {  	[sflag:s9] =	ssyncset.done $0x0  }
0x43: {  	[sflag:s9] =	ssyncadd.s32 $0xFFFF8000  }
0x44: {  	[tilespmem:s11], [sflag:$0x1] =	stream.indirect.gather [hbm4b:s3+s10], $0x80, s10, s10, $0xb8;
	[tilespmem:$0x8200] =	vst v63  }
0x45: {  	s13 =	sadd.s32 $0x1, s13;
	_ =	swait.ge [sflag:s12], $0x8000  }
0x46: {  	p0 =	sne.s32 s13, s5;
	[sflag:s12] =	ssyncset.done $0x0  }
.Ltmp1:
0x47: {  	[sflag:s12] =	ssyncadd.s32 $0xFFFF8000;
	(pc) =	sbr.rel @p0 .LBB2_1-.Ltmp1, $4  }
0x48: {  	[hbm4b:s14+s2] =	stream.linear.scatter [tilespmem:s11], [sflag:$0x2], $0x8000, $0x38;
	[tilespmem:$0x8200] =	vst v63  }
0x49: {  	_ =	swait.ge [sflag:s9], $0x8000  }
0x4a: {  	[sflag:s9] =	ssyncset.done $0x0  }
0x4b: {  	[sflag:s9] =	ssyncadd.s32 $0xFFFF8000  }
0x4c: {  	_ =	sfence.sel $0x180000  }
0x4d: {  	[bflag:$0x0] =	sbarrier.arrive $0xFFFF  }
0x4e: {  	p0 =	sne.s32 s1, $0x0;
	_ =	strace $0x9000004D  }
0x4f: {  	s0 =	sadd.s32 @!p0 $0x100000, s0;
	[bflag:$0x2] =	sbarrier.arrive $0xFFFF  }
0x50: {  	[sflag:s0] =	ssyncadd.tile.s32 @!p0 $0x1;
	_ =	shalt  }
.Lfunc_end2:
_tile_overlayer_lowered:
.L_overlay_start_2:
0x51: {  	(tag) =	ssettag $0x2  }
0x52: {  	s0 =	rddreg [dreg:$0x0];
	s2 =	stileid.u32  }
0x53: {  	s1 =	rddreg [dreg:$0x1];
	p0 =	sne.s32 s2, $0x0  }
0x54: {  	s3 =	rddreg [dreg:$0x2];
	[bflag:$0x3] =	sbarrier.arrive $0xFFFF;
	s2 =	simm.s32 @!p0 $0x1C02  }
0x55: {  	[timem:s3], [sflag:s2] =	dma.local @!p0 [hbm:s0], s1  }
0x56: {  	s0 =	simm.s32 @!p0 $0x2  }
0x57: {  	_ =	swait.ge @!p0 [sflag:s0], s1  }
0x58: {  	s1 =	ssub.s32 @!p0 $0x0, s1;
	[sflag:s0] =	ssyncset.done @!p0 $0x0  }
0x59: {  	[sflag:s0] =	ssyncadd.s32 @!p0 s1  }
0x5a: {  	[bflag:$0x3] =	sbarrier.arrive $0xFFFF  }
0x5b: {  	_ =	shalt  }

// kernel: kernel.33.cloned.1.call-start
scs
__scs_entry_jumppad:
0x0: {  	(pc) =	sbr.rel $0x88, $3  }
0x1: {  	(tag) =	ssettag $0x0;
	lr =	simm.s32 $0x1  }
0x2: {  	[smem:$0x3F88] =	sst lr;
	_ =	strace $0xD0000000  }
0x3: {  	_ = 	snop  }
0x4: {  	_ = 	snop  }
0x5: {  	_ = 	snop  }
0x6: {  	_ = 	snop  }
0x7: {  	_ = 	snop  }
__scs_overlays_trampoline_lowered:
0x8: {  	[smem:$0x3F97] =	sst s0  }
0x9: {  	[smem:$0x3F98] =	sst s1  }
0xa: {  	[smem:$0x3F99] =	sst s2  }
0xb: {  	[smem:$0x3F9A] =	sst s3  }
0xc: {  	[smem:$0x3F9B] =	sst s4  }
0xd: {  	[smem:$0x3F9C] =	sst s5  }
0xe: {  	[smem:$0x3F9D] =	sst s6  }
0xf: {  	[smem:$0x3F9E] =	sst s7  }
0x10: {  	[smem:$0x3F9F] =	sst s8  }
0x11: {  	[smem:$0x3FA0] =	sst s9;
	s0 =	simm.s32 @!p0 $0x0  }
0x12: {  	s1 =	sld [smem:$0x3F86];
	s0 =	simm.s32 @p0 $0x1  }
0x13: {  	[smem:$0x3FA1] =	sst s0;
	s0 =	simm.s32 @!p1 $0x0  }
0x14: {  	s2 =	sld [smem:$0x3F85];
	s0 =	simm.s32 @p1 $0x1  }
0x15: {  	[smem:$0x3FA2] =	sst s0;
	s0 =	simm.s32 @!p2 $0x0  }
0x16: {  	s3 =	sld [smem:$0x3FDB];
	s0 =	simm.s32 @p2 $0x1  }
0x17: {  	s4 =	simm.s32 $0x1BF5;
	[smem:$0x3FA4] =	sst s0  }
0x18: {  	s0 =	sld [smem:$0x3F87];
	_ =	swait.ge [sflag:s4], $0x0  }
0x19: {  	s7 =	sld [smem:$0x3F88]  }
0x1a: {  	s8 =	sadd.s32 $0xFFFFE003, lr  }
0x1b: {  	s9 =	sadd.s32 $0xFFFFFEF7, lr;
	s5 =	simm.s32 $0xFFFFFFFF;
	p2 =	slt.u32 s8, $0xFFFFF086  }
0x1c: {  	p1 =	slt.u32 s9, $0xF7A;
	s5 =	simm.s32 @!p2 $0x0  }
0x1d: {  	s5 =	simm.s32 @p1 $0x1;
	p0 =	seq.s32 s7, s2  }
0x1e: {  	s7 =	smul.u32 @!p0 $0xF7A, s2;
	p2 =	seq.s32 @!p0 s5, $0x0  }
0x1f: {  	s9 =	smul.u32 $0xF7A, s1;
	s8 =	simm.s32 @!p0 $0x1BF5;
	p2 =	por !p2, p0  }
0x20: {  	[sflag:s8] =	ssyncset.s32 @!p0 $0xFFFFF086;
	s6 =	sadd.s32 @!p0 s3, s7;
	s7 =	simm.s32 @!p0 $0x108  }
0x21: {  	s3 =	sadd.s32 s3, s9;
	s6 =	sadd.s32 @!p0 $0x88, s6;
	s7 =	simm.s32 @p2 $0x1082  }
0x22: {  	[simem:s7], [sflag:s8] =	dma.local @!p0 [hbm:s6], $0xF7A  }
0x23: {  	s9 =	sor.u32 $0xD0000000, s2;
	s6 =	simm.s32 $0x108;
	_ =	swait.ge @!p0 [sflag:s8], $0x0  }
0x24: {  	s3 =	sadd.s32 $0x88, s3;
	s6 =	simm.s32 @!p1 $0x1082;
	[sflag:s4] =	ssyncset.s32 $0xFFFFF086  }
0x25: {  	[simem:s6], [sflag:s4] =	dma.local [hbm:s3], $0xF7A  }
0x26: {  	[smem:$0x3F88] =	sst s1;
	(tag) =	ssettag s2;
	_ =	strace s9  }
0x27: {  	s1 =	sld [smem:$0x3F98]  }
0x28: {  	s2 =	sld [smem:$0x3F99]  }
0x29: {  	s4 =	sld [smem:$0x3F9B]  }
0x2a: {  	p0 =	seq.s32 s5, $0x0;
	s5 =	sld [smem:$0x3F9C]  }
0x2b: {  	s6 =	sld [smem:$0x3F9D]  }
0x2c: {  	s7 =	sld [smem:$0x3F9E]  }
0x2d: {  	s3 =	simm.s32 $0x108;
	s8 =	sld [smem:$0x3F9F]  }
0x2e: {  	s3 =	simm.s32 @!p0 $0x1082;
	s9 =	sld [smem:$0x3FA0]  }
0x2f: {  	lr =	sadd.s32 s0, s3;
	s0 =	sld [smem:$0x3F97]  }
0x30: {  	s3 =	sld [smem:$0x3F9A]  }
0x31: {  	[smem:$0x3FA3] =	sst s10  }
0x32: {  	s10 =	sld [smem:$0x3FA1];
	_ =	sdelay $0x3  }
0x33: {  	p0 =	seq.s32 s10, $0x1;
	s10 =	sld [smem:$0x3FA3];
	_ =	sdelay $0x3  }
0x34: {  	[smem:$0x3FA3] =	sst s10  }
0x35: {  	s10 =	sld [smem:$0x3FA2];
	_ =	sdelay $0x3  }
0x36: {  	p1 =	seq.s32 s10, $0x1;
	s10 =	sld [smem:$0x3FA3];
	_ =	sdelay $0x3  }
0x37: {  	[smem:$0x3FA3] =	sst s10  }
0x38: {  	s10 =	sld [smem:$0x3FA4]  }
0x39: {  	_ = 	snop;
	(pc) =	sbr.ind lr, $3  }
0x3a: {  	_ = 	snop  }
0x3b: {  	_ = 	snop  }
0x3c: {  	p2 =	seq.s32 s10, $0x1;
	s10 =	sld [smem:$0x3FA3]  }
0x3d: {  	_ =	shalt  }
0x3e: {  	_ =	shalt  }
0x3f: {  	_ =	shalt  }
0x40: {  	_ =	shalt  }
0x41: {  	_ =	shalt  }
0x42: {  	_ =	shalt  }
0x43: {  	_ =	shalt  }
0x44: {  	_ =	shalt  }
0x45: {  	_ =	shalt  }
0x46: {  	_ =	shalt  }
0x47: {  	_ =	shalt  }
0x48: {  	_ =	shalt  }
0x49: {  	_ =	shalt  }
0x4a: {  	_ =	shalt  }
0x4b: {  	_ =	shalt  }
0x4c: {  	_ =	shalt  }
0x4d: {  	_ =	shalt  }
0x4e: {  	_ =	shalt  }
0x4f: {  	_ =	shalt  }
0x50: {  	_ =	shalt  }
0x51: {  	_ =	shalt  }
0x52: {  	_ =	shalt  }
0x53: {  	_ =	shalt  }
0x54: {  	_ =	shalt  }
0x55: {  	_ =	shalt  }
0x56: {  	_ =	shalt  }
0x57: {  	_ =	shalt  }
0x58: {  	_ =	shalt  }
0x59: {  	_ =	shalt  }
0x5a: {  	_ =	shalt  }
0x5b: {  	_ =	shalt  }
0x5c: {  	_ =	shalt  }
0x5d: {  	_ =	shalt  }
0x5e: {  	_ =	shalt  }
0x5f: {  	_ =	shalt  }
0x60: {  	_ =	shalt  }
0x61: {  	_ =	shalt  }
0x62: {  	_ =	shalt  }
0x63: {  	_ =	shalt  }
0x64: {  	_ =	shalt  }
0x65: {  	_ =	shalt  }
0x66: {  	_ =	shalt  }
0x67: {  	_ =	shalt  }
0x68: {  	_ =	shalt  }
0x69: {  	_ =	shalt  }
0x6a: {  	_ =	shalt  }
0x6b: {  	_ =	shalt  }
0x6c: {  	_ =	shalt  }
0x6d: {  	_ =	shalt  }
0x6e: {  	_ =	shalt  }
0x6f: {  	_ =	shalt  }
0x70: {  	_ =	shalt  }
0x71: {  	_ =	shalt  }
0x72: {  	_ =	shalt  }
0x73: {  	_ =	shalt  }
0x74: {  	_ =	shalt  }
0x75: {  	_ =	shalt  }
0x76: {  	_ =	shalt  }
0x77: {  	_ =	shalt  }
0x78: {  	_ =	shalt  }
0x79: {  	_ =	shalt  }
0x7a: {  	_ =	shalt  }
0x7b: {  	_ =	shalt  }
0x7c: {  	_ =	shalt  }
0x7d: {  	_ =	shalt  }
0x7e: {  	_ =	shalt  }
0x7f: {  	_ =	shalt  }
0x80: {  	_ =	shalt  }
0x81: {  	_ =	shalt  }
0x82: {  	_ =	shalt  }
0x83: {  	_ =	shalt  }
0x84: {  	_ =	shalt  }
0x85: {  	_ =	shalt  }
0x86: {  	_ =	shalt  }
0x87: {  	_ =	shalt  }
.Lfunc_end0:
.L_simem_size_0:
called_computation.3_lowered:
.L_overlay_start_0:
0x88: {  	s2 =	sld [smem:$0x3FD9]  }
0x89: {  	s3 =	sld [smem:$0x3FFE];
	_ =	sdelay $0x1  }
0x8a: {  	s1 =	srdreg.scid  }
0x8b: {  	s0 =	sand.u32 $0x1, s1  }
0x8c: {  	s16 =	sshll.u32 s0, $0xA;
	s2 =	sadd.s32 s3, s2  }
0x8d: {  	s2 =	sadd.s32 s2, s16  }
0x8e: {  	[smem:$0x3FAF] =	sst s2  }
0x8f: {  	_ = 	snop  }
0x90: {  	(tm) =	ssettm $0x1  }
0x91: {  	s17 =	sld [smem:$0x3FFB];
	_ =	sdelay $0x3  }
0x92: {  	_ =	strace s17  }
0x93: {  	s2 =	sld [smem:$0x3FFC];
	_ =	sdelay $0x3  }
0x94: {  	_ =	strace s2  }
0x95: {  	s2 =	sld [smem:$0x3FFD];
	_ =	sdelay $0x3  }
0x96: {  	_ =	strace s2  }
0x97: {  	_ =	strace $0x8FFFFFFF  }
0x98: {  	s18 =	sld [smem:$0x3FDB];
	_ =	sdelay $0x1  }
0x99: {  	s19 =	simm.s32 $_scs_section_size  }
0x9a: {  	s4 =	simm.s32 $_size__tile_overlayer_lowered;
	s5 =	simm.s32 $_tile_overlayer_lowered  }
0x9b: {  	s22 =	simm.s32 $0x1BFF;
	s21 =	sshll.u32 s5, $0x1;
	s2 =	sadd.s32 s19, s18  }
0x9c: {  	s6 =	simm.s32 $0x0;
	s20 =	sshll.u32 s4, $0x1;
	s4 =	sadd.s32 s21, s2  }
0x9d: {  	[timem:s6], [sflag:s22] =	dma.local [hbm:s4], s20  }
0x9e: {  	_ =	swait.ge [sflag:s22], s20  }
0x9f: {  	s3 =	ssub.s32 $0x0, s20;
	[sflag:s22] =	ssyncset.done $0x0  }
0xa0: {  	[sflag:s22] =	ssyncadd.s32 s3;
	_ =	sdelay $0x1  }
0xa1: {  	s23 =	simm.s32 $0x1B8B  }
0xa2: {  	_ =	swait.ge [sflag:s23], $0x1  }
0xa3: {  	[sflag:s23] =	ssyncset.done $0x0  }
0xa4: {  	s25 =	simm.s32 $0x1B8E;
	s24 =	sld [smem:$0x3FFE];
	[sflag:s23] =	ssyncadd.s32 $0xFFFFFFFF  }
0xa5: {  	s26 =	simm.s32 $execute0_lowered;
	[smem:$0x3FD2] =	sst s25  }
0xa6: {  	s4 =	sshll.u32 s26, $0x1;
	_ =	strace $0x8000004F;
	[dreg:$0x1] =	wrdreg $0xFFFFFFFF  }
0xa7: {  	s28 =	simm.s32 $_size_execute0_lowered;
	s2 =	sadd.s32 s2, s4;
	[dreg:$0x0] =	wrdreg $0x0  }
0xa8: {  	s4 =	sshll.u32 s28, $0x1;
	[dreg:$0x2] =	wrdreg s2  }
0xa9: {  	[dreg:$0x3] =	wrdreg s4  }
0xaa: {  	[dreg:$0x4] =	wrdreg $0xC0  }
0xab: {  	_ =	task [dreg:s6], $0x5FFFF  }
0xac: {  	[dreg:$0x1] =	wrdreg $0xFFFFFFFF  }
0xad: {  	[dreg:$0x0] =	wrdreg $0x60  }
0xae: {  	[dreg:$0x2] =	wrdreg s24  }
0xaf: {  	[dreg:$0x3] =	wrdreg $0x9  }
0xb0: {  	_ =	task.clear_ibuf [dreg:s6], $0x4FFFF;
	_ =	strace $0x9000004F  }
0xb1: {  	s29 =	simm.s32 $0x9;
	_ =	strace $0x80000051  }
0xb2: {  	_ =	swait.ge [sflag:s29], $0x1  }
0xb3: {  	[sflag:s29] =	ssyncadd.s32 $0xFFFFFFFF  }
0xb4: {  	_ =	strace $0x90000051  }
0xb5: {  	_ =	sfence  }
0xb6: {  	s30 =	sld [smem:$0x0];
	_ =	sdelay $0x2  }
0xb7: {  	s31 =	sshll.u32 s1, $0xD;
	s1 =	sshrl.u32 s1, $0x2  }
0xb8: {  	s3 =	sand.u32 $0x4000, s31;
	s1 =	sadd.s32 s1, s30  }
0xb9: {  	s0 =	sor.u32 s3, s0;
	s1 =	sshll.u32 s1, $0x11  }
0xba: {  	s0 =	sor.u32 s1, s0  }
0xbb: {  	s0 =	sadd.s32 $0x8F2B, s0  }
0xbc: {  	[sflag:s0] =	ssyncadd.remote.s32 $0x1  }
0xbd: {  	_ =	sfence.sel $0xFFFF  }
0xbe: {  	[dreg:$0x0] =	wrdreg $0xFFFFFFFF;
	(pc) =	sbr.abs _section_cstart, $3  }
0xbf: {  	[dreg:$0x1] =	wrdreg $0xFFFFFFFF  }
0xc0: {  	_ =	task.clear_ibuf [dreg:s6], $0x2FFFF;
	_ =	strace $0x9FFFFFFF  }
0xc1: {  	(tm) =	ssettm $0x7FFFFFFF  }
tec
execute0_lowered:
.L_overlay_start_1:
0x0: {  	(tag) =	ssettag $0x1  }
0x1: {  	s4 =	rddreg [dreg:$0x0]  }
0x2: {  	s0 =	rddreg [dreg:$0x1];
	s3 =	srdreg.scid  }
0x3: {  	s2 =	simm.s32 $0x0;
	s1 =	stileid.u32;
	s9 =	simm.s32 $0x2  }
0x4: {  	s10 =	simm.s32 $0x100;
	s11 =	simm.s32 $0x200;
	s12 =	simm.s32 $0x1  }
0x5: {  	s13 =	simm.s32 $0x0;
	s5 =	sand.u32 $0x1, s3;
	[smem:$0x7FF] =	sst s2  }
0x6: {  	s6 =	sshll.u32 s1, $0xA;
	s3 =	sadd.s32 $0x86A00, s4;
	s29 =	sshll.u32 s1, $0xE  }
0x7: {  	s7 =	sshll.u32 s5, $0x9;
	_ =	strace $0x80000050;
	s8 =	ssub.s32 $0x2, s5  }
0x8: {  	s5 =	sshll.u32 s5, $0xD;
	s6 =	sor.u32 s7, s6;
	s30 =	sshrl.u32 s8, $0x1  }
0x9: {  	s7 =	sadd.s32 s29, s4;
	s6 =	sadd.s32 s6, s4;
	s8 =	ssub.s32 s8, s30  }
0xa: {  	s31 =	sadd.s32 s5, s7;
	s7 =	simm.s32 $0x80;
	s4 =	sadd.s32 $0xC6A00, s6  }
0xb: {  	s5 =	smax.u32 s8, $0x1;
	s6 =	sadd.s32 $0xD3A00, s31;
	s8 =	simm.s32 $0x400  }
.LBB2_1:
0xc: {  	s14 =	sand.u32 $0xC000, s2;
	s15 =	sand.u32 $0x70, s2  }
0xd: {  	s14 =	sor.u32 s15, s14  }
0xe: {  	s14 =	sadd.s32 s14, s4  }
0xf: {  	[tilespmem:s2], [sflag:$0x2] =	stream.strided.gather [hbm4b:s14+s7], $0x200, s8, s7, $0x38;
	[tilespmem:$0x8200] =	vst v63  }
0x10: {  	_ =	swait.ge [sflag:s9], $0x200  }
0x11: {  	[sflag:s9] =	ssyncset.done $0x0  }
0x12: {  	[sflag:s9] =	ssyncadd.s32 $0xFFFFFE00  }
0x13: {  	[tilespmem:s11], [sflag:$0x1] =	stream.indirect.gather [hbm4b:s3+s10], $0x80, s2, s10, $0xb8;
	[tilespmem:$0x8200] =	vst v63  }
0x14: {  	_ =	swait.ge [sflag:s12], $0x8000  }
0x15: {  	[sflag:s12] =	ssyncset.done $0x0  }
0x16: {  	s30 =	sadd.s32 $0xFFFFF000, s6;
	[sflag:s12] =	ssyncadd.s32 $0xFFFF8000  }
0x17: {  	[hbm4b:s30+s2] =	stream.linear.scatter [tilespmem:s11], [sflag:$0x2], $0x8000, $0x38;
	[tilespmem:$0x8200] =	vst v63  }
0x18: {  	_ =	swait.ge [sflag:s9], $0x8000  }
0x19: {  	[sflag:s9] =	ssyncset.done $0x0  }
0x1a: {  	[sflag:s9] =	ssyncadd.s32 $0xFFFF8000  }
0x1b: {  	[tilespmem:s11], [sflag:$0x1] =	stream.indirect.gather [hbm4b:s3+s10], $0x80, s10, s10, $0xb8;
	[tilespmem:$0x8200] =	vst v63  }
0x1c: {  	_ =	swait.ge [sflag:s12], $0x8000  }
0x1d: {  	s31 =	simm.s32 $0x800;
	[sflag:s12] =	ssyncset.done $0x0  }
0x1e: {  	s16 =	simm.s32 $0x1000;
	s15 =	simm.s32 $0x10;
	[sflag:s12] =	ssyncadd.s32 $0xFFFF8000  }
0x1f: {  	[hbm4b:s6+s2] =	stream.linear.scatter [tilespmem:s11], [sflag:$0x2], $0x8000, $0x38;
	[tilespmem:$0x8200] =	vst v63  }
0x20: {  	s17 =	sand.u32 $0x70, s15;
	s14 =	sand.u32 $0xC000, s31;
	_ =	swait.ge [sflag:s9], $0x8000  }
0x21: {  	s17 =	sor.u32 s17, s14;
	s14 =	sadd.s32 $0x40000, s6;
	[sflag:s9] =	ssyncset.done $0x0  }
.LBB2_2:
0x22: {  	s17 =	sadd.s32 s17, s4  }
0x23: {  	[sflag:s9] =	ssyncadd.s32 $0xFFFF8000;
	s18 =	smov.u32 s16;
	s19 =	sadd.s32 $0x800, s16  }
0x24: {  	[tilespmem:s2], [sflag:$0x2] =	stream.strided.gather [hbm4b:s17+s7], $0x200, s8, s7, $0x38;
	[tilespmem:$0x8200] =	vst v63  }
0x25: {  	p0 =	sne.s32 s16, $0x9800;
	_ =	swait.ge [sflag:s9], $0x200  }
0x26: {  	[sflag:s9] =	ssyncset.done $0x0  }
0x27: {  	[sflag:s9] =	ssyncadd.s32 $0xFFFFFE00  }
0x28: {  	[tilespmem:s11], [sflag:$0x1] =	stream.indirect.gather [hbm4b:s3+s10], $0x80, s2, s10, $0xb8;
	[tilespmem:$0x8200] =	vst v63  }
0x29: {  	_ =	swait.ge [sflag:s12], $0x8000  }
0x2a: {  	[sflag:s12] =	ssyncset.done $0x0  }
0x2b: {  	s16 =	sadd.s32 $0xFFFFF000, s14;
	[sflag:s12] =	ssyncadd.s32 $0xFFFF8000  }
0x2c: {  	[hbm4b:s16+s2] =	stream.linear.scatter [tilespmem:s11], [sflag:$0x2], $0x8000, $0x38;
	[tilespmem:$0x8200] =	vst v63  }
0x2d: {  	_ =	swait.ge [sflag:s9], $0x8000  }
0x2e: {  	[sflag:s9] =	ssyncset.done $0x0  }
0x2f: {  	[sflag:s9] =	ssyncadd.s32 $0xFFFF8000  }
0x30: {  	[tilespmem:s11], [sflag:$0x1] =	stream.indirect.gather [hbm4b:s3+s10], $0x80, s10, s10, $0xb8;
	[tilespmem:$0x8200] =	vst v63  }
0x31: {  	_ =	swait.ge [sflag:s12], $0x8000  }
.Ltmp0:
0x32: {  	s15 =	sadd.s32 $0x10, s15;
	[sflag:s12] =	ssyncset.done $0x0;
	(pc) =	sbr.rel @p0 .LBB2_2-.Ltmp0, $4  }
0x33: {  	s17 =	sand.u32 $0x70, s15;
	s16 =	sand.u32 $0xC000, s18;
	[sflag:s12] =	ssyncadd.s32 $0xFFFF8000  }
0x34: {  	[hbm4b:s14+s2] =	stream.linear.scatter [tilespmem:s11], [sflag:$0x2], $0x8000, $0x38;
	[tilespmem:$0x8200] =	vst v63  }
0x35: {  	s17 =	sor.u32 s17, s16;
	_ =	swait.ge [sflag:s9], $0x8000  }
0x36: {  	s16 =	smov.u32 s19;
	s14 =	sadd.s32 $0x40000, s14;
	[sflag:s9] =	ssyncset.done $0x0  }
0x37: {  	s15 =	sadd.s32 s17, s4;
	[sflag:s9] =	ssyncadd.s32 $0xFFFF8000  }
0x38: {  	[tilespmem:s2], [sflag:$0x2] =	stream.strided.gather [hbm4b:s15+s7], $0x200, s8, s7, $0x38;
	[tilespmem:$0x8200] =	vst v63  }
0x39: {  	_ =	swait.ge [sflag:s9], $0x200  }
0x3a: {  	[sflag:s9] =	ssyncset.done $0x0  }
0x3b: {  	[sflag:s9] =	ssyncadd.s32 $0xFFFFFE00  }
0x3c: {  	[tilespmem:s11], [sflag:$0x1] =	stream.indirect.gather [hbm4b:s3+s10], $0x80, s2, s10, $0xb8;
	[tilespmem:$0x8200] =	vst v63  }
0x3d: {  	_ =	swait.ge [sflag:s12], $0x8000  }
0x3e: {  	[sflag:s12] =	ssyncset.done $0x0  }
0x3f: {  	s31 =	sadd.s32 $0xFFFFF000, s14;
	[sflag:s12] =	ssyncadd.s32 $0xFFFF8000  }
0x40: {  	[hbm4b:s31+s2] =	stream.linear.scatter [tilespmem:s11], [sflag:$0x2], $0x8000, $0x38;
	[tilespmem:$0x8200] =	vst v63  }
0x41: {  	_ =	swait.ge [sflag:s9], $0x8000  }
0x42: {  	[sflag:s9] =	ssyncset.done $0x0  }
0x43: {  	[sflag:s9] =	ssyncadd.s32 $0xFFFF8000  }
0x44: {  	[tilespmem:s11], [sflag:$0x1] =	stream.indirect.gather [hbm4b:s3+s10], $0x80, s10, s10, $0xb8;
	[tilespmem:$0x8200] =	vst v63  }
0x45: {  	s13 =	sadd.s32 $0x1, s13;
	_ =	swait.ge [sflag:s12], $0x8000  }
0x46: {  	p0 =	sne.s32 s13, s5;
	[sflag:s12] =	ssyncset.done $0x0  }
.Ltmp1:
0x47: {  	[sflag:s12] =	ssyncadd.s32 $0xFFFF8000;
	(pc) =	sbr.rel @p0 .LBB2_1-.Ltmp1, $4  }
0x48: {  	[hbm4b:s14+s2] =	stream.linear.scatter [tilespmem:s11], [sflag:$0x2], $0x8000, $0x38;
	[tilespmem:$0x8200] =	vst v63  }
0x49: {  	_ =	swait.ge [sflag:s9], $0x8000  }
0x4a: {  	[sflag:s9] =	ssyncset.done $0x0  }
0x4b: {  	[sflag:s9] =	ssyncadd.s32 $0xFFFF8000  }
0x4c: {  	_ =	sfence.sel $0x180000  }
0x4d: {  	[bflag:$0x0] =	sbarrier.arrive $0xFFFF  }
0x4e: {  	p0 =	sne.s32 s1, $0x0;
	_ =	strace $0x90000050  }
0x4f: {  	s0 =	sadd.s32 @!p0 $0x100000, s0;
	[bflag:$0x2] =	sbarrier.arrive $0xFFFF  }
0x50: {  	[sflag:s0] =	ssyncadd.tile.s32 @!p0 $0x1;
	_ =	shalt  }
.Lfunc_end2:
_tile_overlayer_lowered:
.L_overlay_start_2:
0x51: {  	(tag) =	ssettag $0x2  }
0x52: {  	s0 =	rddreg [dreg:$0x0];
	s2 =	stileid.u32  }
0x53: {  	s1 =	rddreg [dreg:$0x1];
	p0 =	sne.s32 s2, $0x0  }
0x54: {  	s3 =	rddreg [dreg:$0x2];
	[bflag:$0x3] =	sbarrier.arrive $0xFFFF;
	s2 =	simm.s32 @!p0 $0x1C02  }
0x55: {  	[timem:s3], [sflag:s2] =	dma.local @!p0 [hbm:s0], s1  }
0x56: {  	s0 =	simm.s32 @!p0 $0x2  }
0x57: {  	_ =	swait.ge @!p0 [sflag:s0], s1  }
0x58: {  	s1 =	ssub.s32 @!p0 $0x0, s1;
	[sflag:s0] =	ssyncset.done @!p0 $0x0  }
0x59: {  	[sflag:s0] =	ssyncadd.s32 @!p0 s1  }
0x5a: {  	[bflag:$0x3] =	sbarrier.arrive $0xFFFF  }
0x5b: {  	_ =	shalt  }

</sc_bundles>
